<compile_context>
chip_gen: v7x
topology: tpu7x:2x2x1
jax: 0.10.2.dev20260603
libtpu: 0.0.44.dev20260713+nightly
codegen_flags: <defaults>
</compile_context>

<pallas_src>
import functools

import jax
import jax.numpy as jnp
from jax import lax
from jax.experimental import pallas as pl
from jax.experimental.pallas import tpu as pltpu
from jax.experimental.pallas import tpu_sc as plsc

N_NODES = 10000
N_NODES_P = 10240
N_GRAPHS = 64
D_HID = 64
NC, NS = 2, 16
NW = NC * NS
CHUNK = 128
CHUNKS = 80
N_EDGES_P = NW * CHUNKS * CHUNK
ROWS_PER_TILE = N_NODES_P // NS
DUMMY = N_NODES
NBLK = 5
BLK = 2048


@functools.lru_cache(maxsize=None)
def _get_deg_kernel():
    mesh = plsc.VectorSubcoreMesh(core_axis_name="c", subcore_axis_name="s",
                                  num_cores=NC)
    return functools.partial(
        pl.kernel,
        out_type=jax.ShapeDtypeStruct((NW, N_NODES_P), jnp.float32),
        mesh=mesh,
        compiler_params=pltpu.CompilerParams(needs_layout_passes=False),
        scratch_types=[
            pltpu.VMEM((CHUNKS, CHUNK), jnp.int32),
            pltpu.VMEM((N_NODES_P,), jnp.float32),
        ],
    )(_deg_body)


def _deg_body(dst_hbm, out_hbm, dst_v, deg_v):
    c = lax.axis_index("c")
    s = lax.axis_index("s")
    wid = s * NC + c
    pltpu.sync_copy(dst_hbm.at[pl.ds(wid * CHUNKS, CHUNKS)], dst_v)

    def zero_body(i, carry):
        deg_v[pl.ds(i * 16, 16)] = jnp.zeros((16,), jnp.float32)
        return carry

    lax.fori_loop(0, N_NODES_P // 16, zero_body, 0)
    ones = jnp.ones((16,), jnp.float32)

    def body(t, carry):
        j = t // 8
        k = t % 8
        idx = dst_v[j, pl.ds(k * 16, 16)]
        plsc.addupdate_scatter(deg_v, [idx], ones)
        return carry

    lax.fori_loop(0, CHUNKS * 8, body, 0)
    pltpu.sync_copy(deg_v, out_hbm.at[wid])


@functools.lru_cache(maxsize=None)
def _get_edge_kernel():
    mesh = plsc.VectorSubcoreMesh(core_axis_name="c", subcore_axis_name="s",
                                  num_cores=NC)
    return functools.partial(
        pl.kernel,
        out_type=jax.ShapeDtypeStruct((NC, N_NODES_P, D_HID), jnp.float32),
        mesh=mesh,
        compiler_params=pltpu.CompilerParams(needs_layout_passes=False,
                                             use_tc_tiling_on_sc=False),
        scratch_types=[
            pltpu.VMEM((CHUNKS, CHUNK), jnp.int32),
            pltpu.VMEM((CHUNKS, CHUNK), jnp.int32),
            pltpu.VMEM((8, CHUNK, D_HID), jnp.float32),
            pltpu.VMEM((16, D_HID), jnp.float32),
            pltpu.VMEM_SHARED((N_NODES_P, D_HID), jnp.float32),
            [pltpu.SemaphoreType.DMA] * 8,
            [pltpu.SemaphoreType.DMA] * 8,
        ],
    )(_edge_body)


def _edge_body(g_hbm, src_hbm, dst_hbm, out_hbm,
               src_v, dst_v, rows, zv, acc, gsem, ssem):
    c = lax.axis_index("c")
    s = lax.axis_index("s")
    wid = s * NC + c
    pltpu.sync_copy(src_hbm.at[pl.ds(wid * CHUNKS, CHUNKS)], src_v)
    pltpu.sync_copy(dst_hbm.at[pl.ds(wid * CHUNKS, CHUNKS)], dst_v)

    def zb(t, carry):
        zv[t // 4, pl.ds((t % 4) * 16, 16)] = jnp.zeros((16,), jnp.float32)
        return carry

    lax.fori_loop(0, 64, zb, 0)

    def zacc(r, carry):
        pltpu.sync_copy(zv, acc.at[pl.ds(s * ROWS_PER_TILE + r * 16, 16)])
        return carry

    lax.fori_loop(0, ROWS_PER_TILE // 16, zacc, 0)
    plsc.subcore_barrier()

    def fire_gather(j, b):
        pltpu.async_copy(g_hbm.at[src_v.at[j]], rows.at[b], gsem[b])

    def wait_gather(j, b):
        pltpu.make_async_copy(g_hbm.at[src_v.at[j]], rows.at[b], gsem[b]).wait()

    def fire_scatter(j, b):
        pltpu.async_copy(rows.at[b], acc.at[dst_v.at[j]], ssem[b], add=True)

    def wait_scatter(j, b):
        pltpu.make_async_copy(rows.at[b], acc.at[dst_v.at[j]], ssem[b]).wait()

    for j in range(4):
        fire_gather(j, j)
    for j in range(4):
        wait_gather(j, j)
        fire_scatter(j, j)
        fire_gather(j + 4, j + 4)

    def ring(i, carry):
        j0 = 4 + 8 * i
        for k in range(8):
            j = j0 + k
            b = (4 + k) % 8
            wait_gather(j, b)
            fire_scatter(j, b)
            bn = k % 8
            wait_scatter(j - 4, bn)
            fire_gather(j + 4, bn)
        return carry

    lax.fori_loop(0, (CHUNKS - 8) // 8, ring, 0)
    for j in range(CHUNKS - 4, CHUNKS):
        b = j % 8
        wait_gather(j, b)
        fire_scatter(j, b)
        wait_scatter(j - 4, (j - 4) % 8)
    for j in range(CHUNKS - 4, CHUNKS):
        wait_scatter(j, j % 8)

    plsc.subcore_barrier()
    pltpu.sync_copy(acc.at[pl.ds(s * ROWS_PER_TILE, ROWS_PER_TILE)],
                    out_hbm.at[c, pl.ds(s * ROWS_PER_TILE, ROWS_PER_TILE)])



def _dis_body(deg_ref, dis_ref):
    deg = jnp.sum(deg_ref[...], axis=0) + 1.0
    dis_ref[...] = lax.rsqrt(deg)


def _g1_body(x_ref, w_ref, dis_ref, g_ref):
    h = jnp.dot(x_ref[...], w_ref[...], preferred_element_type=jnp.float32)
    g_ref[...] = h * dis_ref[...]


def _layer_body(a_ref, g_ref, dis_ref, b_ref, w_ref, x1_ref, g2_ref):
    a = a_ref[0] + a_ref[1] + g_ref[...]
    x1 = jnp.maximum(a * dis_ref[...] + b_ref[...], 0.0)
    x1_ref[...] = x1
    g2_ref[...] = jnp.dot(x1, w_ref[...],
                          preferred_element_type=jnp.float32) * dis_ref[...]


def _final_body(a_ref, g_ref, dis_ref, b_ref, x1_ref, batch_ref,
                wl_ref, bl_ref, out_ref, s_acc, c_acc):
    i = pl.program_id(0)

    @pl.when(i == 0)
    def _():
        s_acc[...] = jnp.zeros_like(s_acc)
        c_acc[...] = jnp.zeros_like(c_acc)

    a = a_ref[0] + a_ref[1] + g_ref[...]
    x2 = jnp.maximum(a * dis_ref[...] + b_ref[...], 0.0)
    h = jnp.concatenate([x1_ref[...], x2], axis=1)
    gid = lax.broadcasted_iota(jnp.int32, (N_GRAPHS, BLK), 0)
    onehot = jnp.where(gid == batch_ref[0], 1.0, 0.0)
    s_acc[...] += jnp.dot(onehot, h, preferred_element_type=jnp.float32)
    c_acc[...] += jnp.sum(onehot, axis=1, keepdims=True)

    @pl.when(i == NBLK - 1)
    def _():
        pooled = s_acc[...] / jnp.maximum(c_acc[...], 1.0)
        out_ref[...] = jnp.dot(pooled, wl_ref[...],
                               preferred_element_type=jnp.float32) + bl_ref[...]


def _tc_dis(deg_parts):
    return pl.pallas_call(
        _dis_body,
        out_shape=jax.ShapeDtypeStruct((N_NODES_P // 128, 128), jnp.float32),
    )(deg_parts)


def _tc_g1(x_p, W1, dis_col):
    return pl.pallas_call(
        _g1_body,
        grid=(NBLK,),
        in_specs=[
            pl.BlockSpec((BLK, 128), lambda i: (i, 0)),
            pl.BlockSpec((128, D_HID), lambda i: (0, 0)),
            pl.BlockSpec((BLK, 1), lambda i: (i, 0)),
        ],
        out_specs=pl.BlockSpec((BLK, D_HID), lambda i: (i, 0)),
        out_shape=jax.ShapeDtypeStruct((N_NODES_P, D_HID), jnp.float32),
    )(x_p, W1, dis_col)


def _tc_layer(a1, g1, dis_col, b1, W2):
    return pl.pallas_call(
        _layer_body,
        grid=(NBLK,),
        in_specs=[
            pl.BlockSpec((NC, BLK, D_HID), lambda i: (0, i, 0)),
            pl.BlockSpec((BLK, D_HID), lambda i: (i, 0)),
            pl.BlockSpec((BLK, 1), lambda i: (i, 0)),
            pl.BlockSpec((1, D_HID), lambda i: (0, 0)),
            pl.BlockSpec((D_HID, D_HID), lambda i: (0, 0)),
        ],
        out_specs=[
            pl.BlockSpec((BLK, D_HID), lambda i: (i, 0)),
            pl.BlockSpec((BLK, D_HID), lambda i: (i, 0)),
        ],
        out_shape=[
            jax.ShapeDtypeStruct((N_NODES_P, D_HID), jnp.float32),
            jax.ShapeDtypeStruct((N_NODES_P, D_HID), jnp.float32),
        ],
    )(a1, g1, dis_col, b1, W2)


def _tc_final(a2, g2, dis_col, b2, x1, batch3d, Wl, bl):
    return pl.pallas_call(
        _final_body,
        grid=(NBLK,),
        in_specs=[
            pl.BlockSpec((NC, BLK, D_HID), lambda i: (0, i, 0)),
            pl.BlockSpec((BLK, D_HID), lambda i: (i, 0)),
            pl.BlockSpec((BLK, 1), lambda i: (i, 0)),
            pl.BlockSpec((1, D_HID), lambda i: (0, 0)),
            pl.BlockSpec((BLK, D_HID), lambda i: (i, 0)),
            pl.BlockSpec((1, 1, BLK), lambda i: (i, 0, 0)),
            pl.BlockSpec((2 * D_HID, 16), lambda i: (0, 0)),
            pl.BlockSpec((1, 16), lambda i: (0, 0)),
        ],
        out_specs=pl.BlockSpec((N_GRAPHS, 16), lambda i: (0, 0)),
        out_shape=jax.ShapeDtypeStruct((N_GRAPHS, 16), jnp.float32),
        scratch_shapes=[
            pltpu.VMEM((N_GRAPHS, 2 * D_HID), jnp.float32),
            pltpu.VMEM((N_GRAPHS, 1), jnp.float32),
        ],
    )(a2, g2, dis_col, b2, x1, batch3d, Wl, bl)



def kernel(x, edge_index, batch, W1, b1, W2, b2, Wl, bl):
    src = edge_index[0].astype(jnp.int32)
    dst = edge_index[1].astype(jnp.int32)
    batch32 = batch.astype(jnp.int32)
    n_edges = src.shape[0]
    n_nodes = x.shape[0]
    d_out = Wl.shape[1]

    pad_e = N_EDGES_P - n_edges
    src_p = jnp.concatenate(
        [src, jnp.zeros((pad_e,), jnp.int32)]).reshape(NW * CHUNKS, CHUNK)
    dst_p = jnp.concatenate(
        [dst, jnp.full((pad_e,), DUMMY, jnp.int32)]).reshape(NW * CHUNKS, CHUNK)
    x_p = jnp.pad(x, ((0, N_NODES_P - n_nodes), (0, 0)))
    batch3d = jnp.concatenate(
        [batch32, jnp.full((N_NODES_P - n_nodes,), N_GRAPHS, jnp.int32)]
    ).reshape(NBLK, 1, BLK)
    Wl_p = jnp.pad(Wl, ((0, 0), (0, 16 - d_out)))
    bl_p = jnp.pad(bl, ((0, 16 - d_out),)).reshape(1, 16)

    deg_parts = _get_deg_kernel()(dst_p).reshape(NW, N_NODES_P // 128, 128)

    dis_col = _tc_dis(deg_parts).reshape(N_NODES_P, 1)

    edge_kernel = _get_edge_kernel()
    g1 = _tc_g1(x_p, W1, dis_col)
    a1 = edge_kernel(g1, src_p, dst_p)
    x1, g2 = _tc_layer(a1, g1, dis_col, b1.reshape(1, D_HID), W2)
    a2 = edge_kernel(g2, src_p, dst_p)
    out = _tc_final(a2, g2, dis_col, b2.reshape(1, D_HID), x1, batch3d,
                    Wl_p, bl_p)
    return out[:, :d_out]

# --- scband reference (transcript-rebuilt; emitter-appended) ---
"""Pipeline reference for scband-gcnclassifier-51453708206833 (READ-ONLY COPY).

The authoritative reference and input builder live on the scoring server;
editing this copy changes nothing except your own understanding.
"""

import jax, jax.numpy as jnp
import numpy as np

N_NODES = 10000
N_EDGES = 320000
N_GRAPHS = 64
D_IN = 128
D_HID = 64
D_OUT = 10


def gcn_conv(x, edge_index, W, b, num_nodes):
    # x @ W first (PyG GCNConv applies the linear transform before propagation)
    h = x @ W
    src = edge_index[0]
    dst = edge_index[1]
    # add self loops
    loop = jnp.arange(num_nodes, dtype=src.dtype)
    src = jnp.concatenate([src, loop])
    dst = jnp.concatenate([dst, loop])
    # symmetric normalization D^{-1/2} (A+I) D^{-1/2}
    deg = jax.ops.segment_sum(jnp.ones_like(src, dtype=h.dtype), dst, num_segments=num_nodes)
    dis = jnp.where(deg > 0, deg ** -0.5, 0.0)
    norm = dis[src] * dis[dst]
    msg = h[src] * norm[:, None]
    out = jax.ops.segment_sum(msg, dst, num_segments=num_nodes)
    return out + b


def global_mean_pool(x, batch, num_graphs):
    sums = jax.ops.segment_sum(x, batch, num_segments=num_graphs)
    cnts = jax.ops.segment_sum(jnp.ones((x.shape[0],), dtype=x.dtype), batch, num_segments=num_graphs)
    return sums / jnp.clip(cnts, 1.0)[:, None]


def setup_inputs(seed: int = 0) -> dict:
    key = jax.random.key(seed)
    ks = jax.random.split(key, 10)
    x = jax.random.normal(ks[0], (N_NODES, D_IN), dtype=jnp.float32)
    edge_index = jax.random.randint(ks[1], (2, N_EDGES), 0, N_NODES, dtype=jnp.int64)
    batch = jnp.sort(jax.random.randint(ks[2], (N_NODES,), 0, N_GRAPHS, dtype=jnp.int64))
    W1 = jax.random.normal(ks[3], (D_IN, D_HID), dtype=jnp.float32) * (1.0 / np.sqrt(D_IN))
    b1 = jnp.zeros((D_HID,), dtype=jnp.float32)
    W2 = jax.random.normal(ks[4], (D_HID, D_HID), dtype=jnp.float32) * (1.0 / np.sqrt(D_HID))
    b2 = jnp.zeros((D_HID,), dtype=jnp.float32)
    Wl = jax.random.normal(ks[5], (2 * D_HID, D_OUT), dtype=jnp.float32) * (1.0 / np.sqrt(2 * D_HID))
    bl = jnp.zeros((D_OUT,), dtype=jnp.float32)
    return {"x": x, "edge_index": edge_index, "batch": batch,
            "W1": W1, "b1": b1, "W2": W2, "b2": b2, "Wl": Wl, "bl": bl}


def reference(x, edge_index, batch, W1, b1, W2, b2, Wl, bl):
    # dropout is identity in eval mode
    x1 = gcn_conv(x, edge_index, W1, b1, N_NODES)
    x1 = jax.nn.relu(x1)
    x2 = gcn_conv(x1, edge_index, W2, b2, N_NODES)
    x2 = jax.nn.relu(x2)
    # JumpingKnowledge 'cat'
    h = jnp.concatenate([x1, x2], axis=-1)
    pooled = global_mean_pool(h, batch, N_GRAPHS)
    return pooled @ Wl + bl

if __name__ == "__main__":
    import jax
    _d = setup_inputs()
    print(jax.jit(kernel)(*tuple(_d.values())))

</pallas_src>

<mosaic_0001>
#map = affine_map<(d0, d1) -> (0, 0)>
module attributes {stable_mosaic.version = 14 : i64} {
  func.func @_deg_body(%arg0: i32, %arg1: i32, %arg2: memref<2560x128xi32, #tpu.memory_space<hbm>>, %arg3: memref<32x10240xf32, #tpu.memory_space<hbm>>, %arg4: memref<80x128xi32, #tpu.memory_space<vmem>>, %arg5: memref<10240xf32, #tpu.memory_space<vmem>>) attributes {dimension_semantics = [#tpu.dimension_semantics<core_parallel>, #tpu.dimension_semantics<subcore_parallel>], iteration_bounds = array<i64: 2, 16>, scalar_prefetch = 0 : i64, scratch_operands = 2 : i64, tpu.core_type = #tpu.core_type<sc_vector_subcore>, window_params = [{transform_indices = #map}, {transform_indices = #map}]} {
    %mul3A = arith.constant 2 : i32
    %mul3A_0 = arith.muli %arg1, %mul3A : i32
    %add3A = arith.addi %mul3A_0, %arg0 : i32
    %mul3A_1 = arith.constant 80 : i32
    %mul3A_2 = arith.muli %add3A, %mul3A_1 : i32
    "tpu.region"() ({
      %run_scoped3A = tpu.sem_alloc : memref<!tpu.dma_semaphore, #tpu.memory_space<semaphore_mem>>
      %dma_start3A = arith.constant 0 : i32
      %dma_start3A_15 = tpu.memref_slice %arg2[%mul3A_2, %dma_start3A] : memref<2560x128xi32, #tpu.memory_space<hbm>> -> memref<80x128xi32, #tpu.memory_space<hbm>>
      %dma_start3A_16 = arith.constant 0 : i32
      %dma_start3A_17 = tpu.memref_slice %arg2[%mul3A_2, %dma_start3A_16] : memref<2560x128xi32, #tpu.memory_space<hbm>> -> memref<80x128xi32, #tpu.memory_space<hbm>>
      tpu.enqueue_dma source(%dma_start3A_17 : memref<80x128xi32, #tpu.memory_space<hbm>>) target(%arg4 : memref<80x128xi32, #tpu.memory_space<vmem>>) target_semaphore(%run_scoped3A : memref<!tpu.dma_semaphore, #tpu.memory_space<semaphore_mem>>)
      %dma_wait3A = arith.constant 0 : i32
      %dma_wait3A_18 = tpu.memref_slice %arg2[%mul3A_2, %dma_wait3A] : memref<2560x128xi32, #tpu.memory_space<hbm>> -> memref<80x128xi32, #tpu.memory_space<hbm>>
      %dma_wait3A_19 = arith.constant 0 : i32
      %dma_wait3A_20 = tpu.memref_slice %arg2[%mul3A_2, %dma_wait3A_19] : memref<2560x128xi32, #tpu.memory_space<hbm>> -> memref<80x128xi32, #tpu.memory_space<hbm>>
      tpu.wait_dma2 semaphore(%run_scoped3A : memref<!tpu.dma_semaphore, #tpu.memory_space<semaphore_mem>>) src(%dma_wait3A_20 : memref<80x128xi32, #tpu.memory_space<hbm>>) dst(%arg4 : memref<80x128xi32, #tpu.memory_space<vmem>>)
      tpu.yield
    }) : () -> ()
    %scan3A = arith.constant 0 : i32
    %scan3A_3 = arith.constant 0 : i32
    %scan3A_4 = arith.constant 640 : i32
    %scan3A_5 = arith.addi %scan3A_3, %scan3A_4 : i32
    %scan3A_6 = arith.constant 1 : i32
    scf.for %scan3A_15 = %scan3A_3 to %scan3A_5 step %scan3A_6  : i32 {
      %broadcast_in_dim3A_16 = arith.constant 0.000000e+00 : f32
      %broadcast_in_dim3A_17 = vector.broadcast %broadcast_in_dim3A_16 : f32 to vector<16xf32>
      %mul3A_18 = arith.constant 16 : i32
      %mul3A_19 = arith.muli %scan3A_15, %mul3A_18 : i32
      %swap3A = arith.index_cast %mul3A_19 : i32 to index
      %swap3A_20 = tpu.vector_load %arg5[%swap3A] {strides = array<i32>} : memref<10240xf32, #tpu.memory_space<vmem>>, vector<16xf32>,
      tpu.vector_store %arg5[%swap3A], %broadcast_in_dim3A_17 {strides = array<i32>} : memref<10240xf32, #tpu.memory_space<vmem>>, vector<16xf32>,
    }
    %scan3A_7 = arith.constant 640 : i32
    %broadcast_in_dim3A = arith.constant 1.000000e+00 : f32
    %broadcast_in_dim3A_8 = vector.broadcast %broadcast_in_dim3A : f32 to vector<16xf32>
    %scan3A_9 = arith.constant 0 : i32
    %scan3A_10 = arith.constant 0 : i32
    %scan3A_11 = arith.constant 640 : i32
    %scan3A_12 = arith.addi %scan3A_10, %scan3A_11 : i32
    %scan3A_13 = arith.constant 1 : i32
    scf.for %scan3A_15 = %scan3A_10 to %scan3A_12 step %scan3A_13  : i32 {
      %jit3A = arith.constant 8 : i32
      %div3A = arith.divsi %scan3A_15, %jit3A : i32
      %sign3A = arith.constant 0 : i32
      %sign3A_16 = arith.cmpi sgt, %scan3A_15, %sign3A : i32
      %sign3A_17 = arith.extui %sign3A_16 : i1 to i32
      %sign3A_18 = arith.constant 0 : i32
      %sign3A_19 = arith.cmpi slt, %scan3A_15, %sign3A_18 : i32
      %sign3A_20 = arith.extui %sign3A_19 : i1 to i32
      %sign3A_21 = arith.subi %sign3A_17, %sign3A_20 : i32
      %sign3A_22 = arith.constant 0 : i32
      %sign3A_23 = arith.cmpi sgt, %jit3A, %sign3A_22 : i32
      %sign3A_24 = arith.extui %sign3A_23 : i1 to i32
      %sign3A_25 = arith.constant 0 : i32
      %sign3A_26 = arith.cmpi slt, %jit3A, %sign3A_25 : i32
      %sign3A_27 = arith.extui %sign3A_26 : i1 to i32
      %sign3A_28 = arith.subi %sign3A_24, %sign3A_27 : i32
      %ne3A = arith.cmpi ne, %sign3A_21, %sign3A_28 : i32
      %rem3A = arith.remsi %scan3A_15, %jit3A : i32
      %ne3A_29 = arith.constant 0 : i32
      %ne3A_30 = arith.cmpi ne, %rem3A, %ne3A_29 : i32
      %and3A = arith.andi %ne3A, %ne3A_30 : i1
      %sub3A = arith.constant 1 : i32
      %sub3A_31 = arith.subi %div3A, %sub3A : i32
      %select_n3A = arith.select %and3A, %sub3A_31, %div3A : i32
      %jit3A_32 = arith.constant 8 : i32
      %eq3A = arith.constant 0 : i32
      %eq3A_33 = arith.cmpi eq, %jit3A_32, %eq3A : i32
      %jit3A_34 = arith.constant 1 : i32
      %select_n3A_35 = arith.select %eq3A_33, %jit3A_34, %jit3A_32 : i32
      %rem3A_36 = arith.remsi %scan3A_15, %select_n3A_35 : i32
      %ne3A_37 = arith.constant 0 : i32
      %ne3A_38 = arith.cmpi ne, %rem3A_36, %ne3A_37 : i32
      %lt3A = arith.constant 0 : i32
      %lt3A_39 = arith.cmpi slt, %rem3A_36, %lt3A : i32
      %lt3A_40 = arith.constant 0 : i32
      %lt3A_41 = arith.cmpi slt, %select_n3A_35, %lt3A_40 : i32
      %ne3A_42 = arith.xori %lt3A_39, %lt3A_41 : i1
      %and3A_43 = arith.andi %ne3A_42, %ne3A_38 : i1
      %add3A_44 = arith.addi %rem3A_36, %select_n3A_35 : i32
      %select_n3A_45 = arith.select %and3A_43, %add3A_44, %rem3A_36 : i32
      %mul3A_46 = arith.constant 16 : i32
      %mul3A_47 = arith.muli %select_n3A_45, %mul3A_46 : i32
      %get3A = arith.index_cast %select_n3A : i32 to index
      %get3A_48 = arith.index_cast %mul3A_47 : i32 to index
      %get3A_49 = tpu.vector_load %arg4[%get3A, %get3A_48] {strides = array<i32>} : memref<80x128xi32, #tpu.memory_space<vmem>>, vector<16xi32>,
      tpu.vector_store_idx %arg5[%get3A_49], %broadcast_in_dim3A_8 {add = true} : memref<10240xf32, #tpu.memory_space<vmem>>[vector<16xi32>], vector<16xf32>,
    }
    %scan3A_14 = arith.constant 640 : i32
    "tpu.region"() ({
      %run_scoped3A = tpu.sem_alloc : memref<!tpu.dma_semaphore, #tpu.memory_space<semaphore_mem>>
      %dma_start3A = arith.constant 0 : i32
      %dma_start3A_15 = tpu.memref_slice %arg3[%add3A, %dma_start3A] : memref<32x10240xf32, #tpu.memory_space<hbm>> -> memref<1x10240xf32, #tpu.memory_space<hbm>>
      %dma_start3A_16 = tpu.memref_squeeze %dma_start3A_15 : memref<1x10240xf32, #tpu.memory_space<hbm>> -> memref<10240xf32, #tpu.memory_space<hbm>>
      %dma_start3A_17 = arith.constant 0 : i32
      %dma_start3A_18 = tpu.memref_slice %arg3[%add3A, %dma_start3A_17] : memref<32x10240xf32, #tpu.memory_space<hbm>> -> memref<1x10240xf32, #tpu.memory_space<hbm>>
      %dma_start3A_19 = tpu.memref_squeeze %dma_start3A_18 : memref<1x10240xf32, #tpu.memory_space<hbm>> -> memref<10240xf32, #tpu.memory_space<hbm>>
      tpu.enqueue_dma source(%arg5 : memref<10240xf32, #tpu.memory_space<vmem>>) target(%dma_start3A_19 : memref<10240xf32, #tpu.memory_space<hbm>>) target_semaphore(%run_scoped3A : memref<!tpu.dma_semaphore, #tpu.memory_space<semaphore_mem>>)
      %dma_wait3A = arith.constant 0 : i32
      %dma_wait3A_20 = tpu.memref_slice %arg3[%add3A, %dma_wait3A] : memref<32x10240xf32, #tpu.memory_space<hbm>> -> memref<1x10240xf32, #tpu.memory_space<hbm>>
      %dma_wait3A_21 = tpu.memref_squeeze %dma_wait3A_20 : memref<1x10240xf32, #tpu.memory_space<hbm>> -> memref<10240xf32, #tpu.memory_space<hbm>>
      %dma_wait3A_22 = arith.constant 0 : i32
      %dma_wait3A_23 = tpu.memref_slice %arg3[%add3A, %dma_wait3A_22] : memref<32x10240xf32, #tpu.memory_space<hbm>> -> memref<1x10240xf32, #tpu.memory_space<hbm>>
      %dma_wait3A_24 = tpu.memref_squeeze %dma_wait3A_23 : memref<1x10240xf32, #tpu.memory_space<hbm>> -> memref<10240xf32, #tpu.memory_space<hbm>>
      tpu.wait_dma2 semaphore(%run_scoped3A : memref<!tpu.dma_semaphore, #tpu.memory_space<semaphore_mem>>) src(%arg5 : memref<10240xf32, #tpu.memory_space<vmem>>) dst(%dma_wait3A_24 : memref<10240xf32, #tpu.memory_space<hbm>>)
      tpu.yield
    }) : () -> ()
    return
  }
}

#map = affine_map<(d0, d1) -> (0, 0)>
#map1 = affine_map<(d0, d1) -> (0, 0, 0)>
module attributes {stable_mosaic.version = 14 : i64} {
  func.func @_edge_body(%arg0: i32, %arg1: i32, %arg2: memref<10240x64xf32, #tpu.memory_space<hbm>>, %arg3: memref<2560x128xi32, #tpu.memory_space<hbm>>, %arg4: memref<2560x128xi32, #tpu.memory_space<hbm>>, %arg5: memref<2x10240x64xf32, #tpu.memory_space<hbm>>, %arg6: memref<80x128xi32, #tpu.memory_space<vmem>>, %arg7: memref<80x128xi32, #tpu.memory_space<vmem>>, %arg8: memref<8x128x64xf32, #tpu.memory_space<vmem>>, %arg9: memref<16x64xf32, #tpu.memory_space<vmem>>, %arg10: memref<10240x64xf32, #tpu.memory_space<vmem_shared>>, %arg11: memref<!tpu.dma_semaphore, #tpu.memory_space<semaphore_mem>>, %arg12: memref<!tpu.dma_semaphore, #tpu.memory_space<semaphore_mem>>, %arg13: memref<!tpu.dma_semaphore, #tpu.memory_space<semaphore_mem>>, %arg14: memref<!tpu.dma_semaphore, #tpu.memory_space<semaphore_mem>>, %arg15: memref<!tpu.dma_semaphore, #tpu.memory_space<semaphore_mem>>, %arg16: memref<!tpu.dma_semaphore, #tpu.memory_space<semaphore_mem>>, %arg17: memref<!tpu.dma_semaphore, #tpu.memory_space<semaphore_mem>>, %arg18: memref<!tpu.dma_semaphore, #tpu.memory_space<semaphore_mem>>, %arg19: memref<!tpu.dma_semaphore, #tpu.memory_space<semaphore_mem>>, %arg20: memref<!tpu.dma_semaphore, #tpu.memory_space<semaphore_mem>>, %arg21: memref<!tpu.dma_semaphore, #tpu.memory_space<semaphore_mem>>, %arg22: memref<!tpu.dma_semaphore, #tpu.memory_space<semaphore_mem>>, %arg23: memref<!tpu.dma_semaphore, #tpu.memory_space<semaphore_mem>>, %arg24: memref<!tpu.dma_semaphore, #tpu.memory_space<semaphore_mem>>, %arg25: memref<!tpu.dma_semaphore, #tpu.memory_space<semaphore_mem>>, %arg26: memref<!tpu.dma_semaphore, #tpu.memory_space<semaphore_mem>>) attributes {dimension_semantics = [#tpu.dimension_semantics<core_parallel>, #tpu.dimension_semantics<subcore_parallel>], iteration_bounds = array<i64: 2, 16>, scalar_prefetch = 0 : i64, scratch_operands = 21 : i64, tpu.core_type = #tpu.core_type<sc_vector_subcore>, window_params = [{transform_indices = #map}, {transform_indices = #map}, {transform_indices = #map}, {transform_indices = #map1}]} {
    %mul3A = arith.constant 2 : i32
    %mul3A_0 = arith.muli %arg1, %mul3A : i32
    %add3A = arith.addi %mul3A_0, %arg0 : i32
    %mul3A_1 = arith.constant 80 : i32
    %mul3A_2 = arith.muli %add3A, %mul3A_1 : i32
    "tpu.region"() ({
      %run_scoped3A = tpu.sem_alloc : memref<!tpu.dma_semaphore, #tpu.memory_space<semaphore_mem>>
      %dma_start3A_409 = arith.constant 0 : i32
      %dma_start3A_410 = tpu.memref_slice %arg3[%mul3A_2, %dma_start3A_409] : memref<2560x128xi32, #tpu.memory_space<hbm>> -> memref<80x128xi32, #tpu.memory_space<hbm>>
      %dma_start3A_411 = arith.constant 0 : i32
      %dma_start3A_412 = tpu.memref_slice %arg3[%mul3A_2, %dma_start3A_411] : memref<2560x128xi32, #tpu.memory_space<hbm>> -> memref<80x128xi32, #tpu.memory_space<hbm>>
      tpu.enqueue_dma source(%dma_start3A_412 : memref<80x128xi32, #tpu.memory_space<hbm>>) target(%arg6 : memref<80x128xi32, #tpu.memory_space<vmem>>) target_semaphore(%run_scoped3A : memref<!tpu.dma_semaphore, #tpu.memory_space<semaphore_mem>>)
      %dma_wait3A_413 = arith.constant 0 : i32
      %dma_wait3A_414 = tpu.memref_slice %arg3[%mul3A_2, %dma_wait3A_413] : memref<2560x128xi32, #tpu.memory_space<hbm>> -> memref<80x128xi32, #tpu.memory_space<hbm>>
      %dma_wait3A_415 = arith.constant 0 : i32
      %dma_wait3A_416 = tpu.memref_slice %arg3[%mul3A_2, %dma_wait3A_415] : memref<2560x128xi32, #tpu.memory_space<hbm>> -> memref<80x128xi32, #tpu.memory_space<hbm>>
      tpu.wait_dma2 semaphore(%run_scoped3A : memref<!tpu.dma_semaphore, #tpu.memory_space<semaphore_mem>>) src(%dma_wait3A_416 : memref<80x128xi32, #tpu.memory_space<hbm>>) dst(%arg6 : memref<80x128xi32, #tpu.memory_space<vmem>>)
      tpu.yield
    }) : () -> ()
    %mul3A_3 = arith.constant 80 : i32
    %mul3A_4 = arith.muli %add3A, %mul3A_3 : i32
    "tpu.region"() ({
      %run_scoped3A = tpu.sem_alloc : memref<!tpu.dma_semaphore, #tpu.memory_space<semaphore_mem>>
      %dma_start3A_409 = arith.constant 0 : i32
      %dma_start3A_410 = tpu.memref_slice %arg4[%mul3A_4, %dma_start3A_409] : memref<2560x128xi32, #tpu.memory_space<hbm>> -> memref<80x128xi32, #tpu.memory_space<hbm>>
      %dma_start3A_411 = arith.constant 0 : i32
      %dma_start3A_412 = tpu.memref_slice %arg4[%mul3A_4, %dma_start3A_411] : memref<2560x128xi32, #tpu.memory_space<hbm>> -> memref<80x128xi32, #tpu.memory_space<hbm>>
      tpu.enqueue_dma source(%dma_start3A_412 : memref<80x128xi32, #tpu.memory_space<hbm>>) target(%arg7 : memref<80x128xi32, #tpu.memory_space<vmem>>) target_semaphore(%run_scoped3A : memref<!tpu.dma_semaphore, #tpu.memory_space<semaphore_mem>>)
      %dma_wait3A_413 = arith.constant 0 : i32
      %dma_wait3A_414 = tpu.memref_slice %arg4[%mul3A_4, %dma_wait3A_413] : memref<2560x128xi32, #tpu.memory_space<hbm>> -> memref<80x128xi32, #tpu.memory_space<hbm>>
      %dma_wait3A_415 = arith.constant 0 : i32
      %dma_wait3A_416 = tpu.memref_slice %arg4[%mul3A_4, %dma_wait3A_415] : memref<2560x128xi32, #tpu.memory_space<hbm>> -> memref<80x128xi32, #tpu.memory_space<hbm>>
      tpu.wait_dma2 semaphore(%run_scoped3A : memref<!tpu.dma_semaphore, #tpu.memory_space<semaphore_mem>>) src(%dma_wait3A_416 : memref<80x128xi32, #tpu.memory_space<hbm>>) dst(%arg7 : memref<80x128xi32, #tpu.memory_space<vmem>>)
      tpu.yield
    }) : () -> ()
    %scan3A = arith.constant 0 : i32
    %scan3A_5 = arith.constant 0 : i32
    %scan3A_6 = arith.constant 64 : i32
    %scan3A_7 = arith.addi %scan3A_5, %scan3A_6 : i32
    %scan3A_8 = arith.constant 1 : i32
    scf.for %scan3A_409 = %scan3A_5 to %scan3A_7 step %scan3A_8  : i32 {
      %broadcast_in_dim3A = arith.constant 0.000000e+00 : f32
      %broadcast_in_dim3A_410 = vector.broadcast %broadcast_in_dim3A : f32 to vector<16xf32>
      %jit3A = arith.constant 4 : i32
      %div3A = arith.divsi %scan3A_409, %jit3A : i32
      %sign3A = arith.constant 0 : i32
      %sign3A_411 = arith.cmpi sgt, %scan3A_409, %sign3A : i32
      %sign3A_412 = arith.extui %sign3A_411 : i1 to i32
      %sign3A_413 = arith.constant 0 : i32
      %sign3A_414 = arith.cmpi slt, %scan3A_409, %sign3A_413 : i32
      %sign3A_415 = arith.extui %sign3A_414 : i1 to i32
      %sign3A_416 = arith.subi %sign3A_412, %sign3A_415 : i32
      %sign3A_417 = arith.constant 0 : i32
      %sign3A_418 = arith.cmpi sgt, %jit3A, %sign3A_417 : i32
      %sign3A_419 = arith.extui %sign3A_418 : i1 to i32
      %sign3A_420 = arith.constant 0 : i32
      %sign3A_421 = arith.cmpi slt, %jit3A, %sign3A_420 : i32
      %sign3A_422 = arith.extui %sign3A_421 : i1 to i32
      %sign3A_423 = arith.subi %sign3A_419, %sign3A_422 : i32
      %ne3A = arith.cmpi ne, %sign3A_416, %sign3A_423 : i32
      %rem3A = arith.remsi %scan3A_409, %jit3A : i32
      %ne3A_424 = arith.constant 0 : i32
      %ne3A_425 = arith.cmpi ne, %rem3A, %ne3A_424 : i32
      %and3A = arith.andi %ne3A, %ne3A_425 : i1
      %sub3A = arith.constant 1 : i32
      %sub3A_426 = arith.subi %div3A, %sub3A : i32
      %select_n3A = arith.select %and3A, %sub3A_426, %div3A : i32
      %jit3A_427 = arith.constant 4 : i32
      %eq3A = arith.constant 0 : i32
      %eq3A_428 = arith.cmpi eq, %jit3A_427, %eq3A : i32
      %jit3A_429 = arith.constant 1 : i32
      %select_n3A_430 = arith.select %eq3A_428, %jit3A_429, %jit3A_427 : i32
      %rem3A_431 = arith.remsi %scan3A_409, %select_n3A_430 : i32
      %ne3A_432 = arith.constant 0 : i32
      %ne3A_433 = arith.cmpi ne, %rem3A_431, %ne3A_432 : i32
      %lt3A = arith.constant 0 : i32
      %lt3A_434 = arith.cmpi slt, %rem3A_431, %lt3A : i32
      %lt3A_435 = arith.constant 0 : i32
      %lt3A_436 = arith.cmpi slt, %select_n3A_430, %lt3A_435 : i32
      %ne3A_437 = arith.xori %lt3A_434, %lt3A_436 : i1
      %and3A_438 = arith.andi %ne3A_437, %ne3A_433 : i1
      %add3A_439 = arith.addi %rem3A_431, %select_n3A_430 : i32
      %select_n3A_440 = arith.select %and3A_438, %add3A_439, %rem3A_431 : i32
      %mul3A_441 = arith.constant 16 : i32
      %mul3A_442 = arith.muli %select_n3A_440, %mul3A_441 : i32
      %swap3A = arith.index_cast %select_n3A : i32 to index
      %swap3A_443 = arith.index_cast %mul3A_442 : i32 to index
      %swap3A_444 = tpu.vector_load %arg9[%swap3A, %swap3A_443] {strides = array<i32>} : memref<16x64xf32, #tpu.memory_space<vmem>>, vector<16xf32>,
      tpu.vector_store %arg9[%swap3A, %swap3A_443], %broadcast_in_dim3A_410 {strides = array<i32>} : memref<16x64xf32, #tpu.memory_space<vmem>>, vector<16xf32>,
    }
    %scan3A_9 = arith.constant 64 : i32
    %scan3A_10 = arith.constant 0 : i32
    %scan3A_11 = arith.constant 0 : i32
    %scan3A_12 = arith.constant 40 : i32
    %scan3A_13 = arith.addi %scan3A_11, %scan3A_12 : i32
    %scan3A_14 = arith.constant 1 : i32
    scf.for %scan3A_409 = %scan3A_11 to %scan3A_13 step %scan3A_14  : i32 {
      %mul3A_410 = arith.constant 640 : i32
      %mul3A_411 = arith.muli %arg1, %mul3A_410 : i32
      %mul3A_412 = arith.constant 16 : i32
      %mul3A_413 = arith.muli %scan3A_409, %mul3A_412 : i32
      %add3A_414 = arith.addi %mul3A_411, %mul3A_413 : i32
      "tpu.region"() ({
        %run_scoped3A = tpu.sem_alloc : memref<!tpu.dma_semaphore, #tpu.memory_space<semaphore_mem>>
        %dma_start3A_415 = arith.constant 0 : i32
        %dma_start3A_416 = tpu.memref_slice %arg10[%add3A_414, %dma_start3A_415] : memref<10240x64xf32, #tpu.memory_space<vmem_shared>> -> memref<16x64xf32, #tpu.memory_space<vmem_shared>>
        %dma_start3A_417 = arith.constant 0 : i32
        %dma_start3A_418 = tpu.memref_slice %arg10[%add3A_414, %dma_start3A_417] : memref<10240x64xf32, #tpu.memory_space<vmem_shared>> -> memref<16x64xf32, #tpu.memory_space<vmem_shared>>
        tpu.enqueue_dma source(%arg9 : memref<16x64xf32, #tpu.memory_space<vmem>>) target(%dma_start3A_418 : memref<16x64xf32, #tpu.memory_space<vmem_shared>>) target_semaphore(%run_scoped3A : memref<!tpu.dma_semaphore, #tpu.memory_space<semaphore_mem>>)
        %dma_wait3A_419 = arith.constant 0 : i32
        %dma_wait3A_420 = tpu.memref_slice %arg10[%add3A_414, %dma_wait3A_419] : memref<10240x64xf32, #tpu.memory_space<vmem_shared>> -> memref<16x64xf32, #tpu.memory_space<vmem_shared>>
        %dma_wait3A_421 = arith.constant 0 : i32
        %dma_wait3A_422 = tpu.memref_slice %arg10[%add3A_414, %dma_wait3A_421] : memref<10240x64xf32, #tpu.memory_space<vmem_shared>> -> memref<16x64xf32, #tpu.memory_space<vmem_shared>>
        tpu.wait_dma2 semaphore(%run_scoped3A : memref<!tpu.dma_semaphore, #tpu.memory_space<semaphore_mem>>) src(%arg9 : memref<16x64xf32, #tpu.memory_space<vmem>>) dst(%dma_wait3A_422 : memref<16x64xf32, #tpu.memory_space<vmem_shared>>)
        tpu.yield
      }) : () -> ()
    }
    %scan3A_15 = arith.constant 40 : i32
    %barrier3A = arith.constant 0 : index
    tpu.barrier barrier_id(%barrier3A)
    %dma_start3A = arith.constant 0 : i32
    %dma_start3A_16 = arith.constant 0 : i32
    %dma_start3A_17 = arith.constant 0 : i32
    %dma_start3A_18 = arith.constant 0 : i32
    %dma_start3A_19 = tpu.memref_slice %arg8[%dma_start3A_16, %dma_start3A_17, %dma_start3A_18] : memref<8x128x64xf32, #tpu.memory_space<vmem>> -> memref<1x128x64xf32, #tpu.memory_space<vmem>>
    %dma_start3A_20 = tpu.memref_squeeze %dma_start3A_19 : memref<1x128x64xf32, #tpu.memory_space<vmem>> -> memref<128x64xf32, #tpu.memory_space<vmem>>
    %dma_start3A_21 = arith.constant 0 : i32
    %dma_start3A_22 = tpu.memref_slice %arg6[%dma_start3A, %dma_start3A_21] : memref<80x128xi32, #tpu.memory_space<vmem>> -> memref<1x128xi32, #tpu.memory_space<vmem>>
    %dma_start3A_23 = tpu.memref_squeeze %dma_start3A_22 : memref<1x128xi32, #tpu.memory_space<vmem>> -> memref<128xi32, #tpu.memory_space<vmem>>
    %dma_start3A_24 = arith.constant 0 : i32
    %dma_start3A_25 = arith.constant 0 : i32
    %dma_start3A_26 = tpu.memref_slice %arg2[%dma_start3A_24, %dma_start3A_25] : memref<10240x64xf32, #tpu.memory_space<hbm>> -> memref<10240x64xf32, #tpu.memory_space<hbm>>
    tpu.enqueue_indirect_dma source(%dma_start3A_26 : memref<10240x64xf32, #tpu.memory_space<hbm>>) target(%dma_start3A_20 : memref<128x64xf32, #tpu.memory_space<vmem>>) offsets(%dma_start3A_23 : memref<128xi32, #tpu.memory_space<vmem>>) semaphore(%arg11 : memref<!tpu.dma_semaphore, #tpu.memory_space<semaphore_mem>>)
    %dma_start3A_27 = arith.constant 1 : i32
    %dma_start3A_28 = arith.constant 1 : i32
    %dma_start3A_29 = arith.constant 0 : i32
    %dma_start3A_30 = arith.constant 0 : i32
    %dma_start3A_31 = tpu.memref_slice %arg8[%dma_start3A_28, %dma_start3A_29, %dma_start3A_30] : memref<8x128x64xf32, #tpu.memory_space<vmem>> -> memref<1x128x64xf32, #tpu.memory_space<vmem>>
    %dma_start3A_32 = tpu.memref_squeeze %dma_start3A_31 : memref<1x128x64xf32, #tpu.memory_space<vmem>> -> memref<128x64xf32, #tpu.memory_space<vmem>>
    %dma_start3A_33 = arith.constant 0 : i32
    %dma_start3A_34 = tpu.memref_slice %arg6[%dma_start3A_27, %dma_start3A_33] : memref<80x128xi32, #tpu.memory_space<vmem>> -> memref<1x128xi32, #tpu.memory_space<vmem>>
    %dma_start3A_35 = tpu.memref_squeeze %dma_start3A_34 : memref<1x128xi32, #tpu.memory_space<vmem>> -> memref<128xi32, #tpu.memory_space<vmem>>
    %dma_start3A_36 = arith.constant 0 : i32
    %dma_start3A_37 = arith.constant 0 : i32
    %dma_start3A_38 = tpu.memref_slice %arg2[%dma_start3A_36, %dma_start3A_37] : memref<10240x64xf32, #tpu.memory_space<hbm>> -> memref<10240x64xf32, #tpu.memory_space<hbm>>
    tpu.enqueue_indirect_dma source(%dma_start3A_38 : memref<10240x64xf32, #tpu.memory_space<hbm>>) target(%dma_start3A_32 : memref<128x64xf32, #tpu.memory_space<vmem>>) offsets(%dma_start3A_35 : memref<128xi32, #tpu.memory_space<vmem>>) semaphore(%arg12 : memref<!tpu.dma_semaphore, #tpu.memory_space<semaphore_mem>>)
    %dma_start3A_39 = arith.constant 2 : i32
    %dma_start3A_40 = arith.constant 2 : i32
    %dma_start3A_41 = arith.constant 0 : i32
    %dma_start3A_42 = arith.constant 0 : i32
    %dma_start3A_43 = tpu.memref_slice %arg8[%dma_start3A_40, %dma_start3A_41, %dma_start3A_42] : memref<8x128x64xf32, #tpu.memory_space<vmem>> -> memref<1x128x64xf32, #tpu.memory_space<vmem>>
    %dma_start3A_44 = tpu.memref_squeeze %dma_start3A_43 : memref<1x128x64xf32, #tpu.memory_space<vmem>> -> memref<128x64xf32, #tpu.memory_space<vmem>>
    %dma_start3A_45 = arith.constant 0 : i32
    %dma_start3A_46 = tpu.memref_slice %arg6[%dma_start3A_39, %dma_start3A_45] : memref<80x128xi32, #tpu.memory_space<vmem>> -> memref<1x128xi32, #tpu.memory_space<vmem>>
    %dma_start3A_47 = tpu.memref_squeeze %dma_start3A_46 : memref<1x128xi32, #tpu.memory_space<vmem>> -> memref<128xi32, #tpu.memory_space<vmem>>
    %dma_start3A_48 = arith.constant 0 : i32
    %dma_start3A_49 = arith.constant 0 : i32
    %dma_start3A_50 = tpu.memref_slice %arg2[%dma_start3A_48, %dma_start3A_49] : memref<10240x64xf32, #tpu.memory_space<hbm>> -> memref<10240x64xf32, #tpu.memory_space<hbm>>
    tpu.enqueue_indirect_dma source(%dma_start3A_50 : memref<10240x64xf32, #tpu.memory_space<hbm>>) target(%dma_start3A_44 : memref<128x64xf32, #tpu.memory_space<vmem>>) offsets(%dma_start3A_47 : memref<128xi32, #tpu.memory_space<vmem>>) semaphore(%arg13 : memref<!tpu.dma_semaphore, #tpu.memory_space<semaphore_mem>>)
    %dma_start3A_51 = arith.constant 3 : i32
    %dma_start3A_52 = arith.constant 3 : i32
    %dma_start3A_53 = arith.constant 0 : i32
    %dma_start3A_54 = arith.constant 0 : i32
    %dma_start3A_55 = tpu.memref_slice %arg8[%dma_start3A_52, %dma_start3A_53, %dma_start3A_54] : memref<8x128x64xf32, #tpu.memory_space<vmem>> -> memref<1x128x64xf32, #tpu.memory_space<vmem>>
    %dma_start3A_56 = tpu.memref_squeeze %dma_start3A_55 : memref<1x128x64xf32, #tpu.memory_space<vmem>> -> memref<128x64xf32, #tpu.memory_space<vmem>>
    %dma_start3A_57 = arith.constant 0 : i32
    %dma_start3A_58 = tpu.memref_slice %arg6[%dma_start3A_51, %dma_start3A_57] : memref<80x128xi32, #tpu.memory_space<vmem>> -> memref<1x128xi32, #tpu.memory_space<vmem>>
    %dma_start3A_59 = tpu.memref_squeeze %dma_start3A_58 : memref<1x128xi32, #tpu.memory_space<vmem>> -> memref<128xi32, #tpu.memory_space<vmem>>
    %dma_start3A_60 = arith.constant 0 : i32
    %dma_start3A_61 = arith.constant 0 : i32
    %dma_start3A_62 = tpu.memref_slice %arg2[%dma_start3A_60, %dma_start3A_61] : memref<10240x64xf32, #tpu.memory_space<hbm>> -> memref<10240x64xf32, #tpu.memory_space<hbm>>
    tpu.enqueue_indirect_dma source(%dma_start3A_62 : memref<10240x64xf32, #tpu.memory_space<hbm>>) target(%dma_start3A_56 : memref<128x64xf32, #tpu.memory_space<vmem>>) offsets(%dma_start3A_59 : memref<128xi32, #tpu.memory_space<vmem>>) semaphore(%arg14 : memref<!tpu.dma_semaphore, #tpu.memory_space<semaphore_mem>>)
    %dma_wait3A = arith.constant 0 : i32
    %dma_wait3A_63 = arith.constant 0 : i32
    %dma_wait3A_64 = arith.constant 0 : i32
    %dma_wait3A_65 = arith.constant 0 : i32
    %dma_wait3A_66 = tpu.memref_slice %arg8[%dma_wait3A_63, %dma_wait3A_64, %dma_wait3A_65] : memref<8x128x64xf32, #tpu.memory_space<vmem>> -> memref<1x128x64xf32, #tpu.memory_space<vmem>>
    %dma_wait3A_67 = tpu.memref_squeeze %dma_wait3A_66 : memref<1x128x64xf32, #tpu.memory_space<vmem>> -> memref<128x64xf32, #tpu.memory_space<vmem>>
    %dma_wait3A_68 = arith.constant 0 : i32
    %dma_wait3A_69 = tpu.memref_slice %arg6[%dma_wait3A, %dma_wait3A_68] : memref<80x128xi32, #tpu.memory_space<vmem>> -> memref<1x128xi32, #tpu.memory_space<vmem>>
    %dma_wait3A_70 = tpu.memref_squeeze %dma_wait3A_69 : memref<1x128xi32, #tpu.memory_space<vmem>> -> memref<128xi32, #tpu.memory_space<vmem>>
    %dma_wait3A_71 = arith.constant 0 : i32
    %dma_wait3A_72 = arith.constant 0 : i32
    %dma_wait3A_73 = tpu.memref_slice %arg2[%dma_wait3A_71, %dma_wait3A_72] : memref<10240x64xf32, #tpu.memory_space<hbm>> -> memref<10240x64xf32, #tpu.memory_space<hbm>>
    tpu.wait_indirect_dma semaphore(%arg11 : memref<!tpu.dma_semaphore, #tpu.memory_space<semaphore_mem>>) src(%dma_wait3A_73 : memref<10240x64xf32, #tpu.memory_space<hbm>>) dst(%dma_wait3A_67 : memref<128x64xf32, #tpu.memory_space<vmem>>)
    %dma_start3A_74 = arith.constant 0 : i32
    %dma_start3A_75 = arith.constant 0 : i32
    %dma_start3A_76 = arith.constant 0 : i32
    %dma_start3A_77 = arith.constant 0 : i32
    %dma_start3A_78 = tpu.memref_slice %arg8[%dma_start3A_74, %dma_start3A_76, %dma_start3A_77] : memref<8x128x64xf32, #tpu.memory_space<vmem>> -> memref<1x128x64xf32, #tpu.memory_space<vmem>>
    %dma_start3A_79 = tpu.memref_squeeze %dma_start3A_78 : memref<1x128x64xf32, #tpu.memory_space<vmem>> -> memref<128x64xf32, #tpu.memory_space<vmem>>
    %dma_start3A_80 = arith.constant 0 : i32
    %dma_start3A_81 = tpu.memref_slice %arg7[%dma_start3A_75, %dma_start3A_80] : memref<80x128xi32, #tpu.memory_space<vmem>> -> memref<1x128xi32, #tpu.memory_space<vmem>>
    %dma_start3A_82 = tpu.memref_squeeze %dma_start3A_81 : memref<1x128xi32, #tpu.memory_space<vmem>> -> memref<128xi32, #tpu.memory_space<vmem>>
    %dma_start3A_83 = arith.constant 0 : i32
    %dma_start3A_84 = arith.constant 0 : i32
    %dma_start3A_85 = tpu.memref_slice %arg10[%dma_start3A_83, %dma_start3A_84] : memref<10240x64xf32, #tpu.memory_space<vmem_shared>> -> memref<10240x64xf32, #tpu.memory_space<vmem_shared>>
    tpu.enqueue_indirect_dma source(%dma_start3A_79 : memref<128x64xf32, #tpu.memory_space<vmem>>) target(%dma_start3A_85 : memref<10240x64xf32, #tpu.memory_space<vmem_shared>>) offsets(%dma_start3A_82 : memref<128xi32, #tpu.memory_space<vmem>>) semaphore(%arg19 : memref<!tpu.dma_semaphore, #tpu.memory_space<semaphore_mem>>) {add = true}
    %dma_start3A_86 = arith.constant 4 : i32
    %dma_start3A_87 = arith.constant 4 : i32
    %dma_start3A_88 = arith.constant 0 : i32
    %dma_start3A_89 = arith.constant 0 : i32
    %dma_start3A_90 = tpu.memref_slice %arg8[%dma_start3A_87, %dma_start3A_88, %dma_start3A_89] : memref<8x128x64xf32, #tpu.memory_space<vmem>> -> memref<1x128x64xf32, #tpu.memory_space<vmem>>
    %dma_start3A_91 = tpu.memref_squeeze %dma_start3A_90 : memref<1x128x64xf32, #tpu.memory_space<vmem>> -> memref<128x64xf32, #tpu.memory_space<vmem>>
    %dma_start3A_92 = arith.constant 0 : i32
    %dma_start3A_93 = tpu.memref_slice %arg6[%dma_start3A_86, %dma_start3A_92] : memref<80x128xi32, #tpu.memory_space<vmem>> -> memref<1x128xi32, #tpu.memory_space<vmem>>
    %dma_start3A_94 = tpu.memref_squeeze %dma_start3A_93 : memref<1x128xi32, #tpu.memory_space<vmem>> -> memref<128xi32, #tpu.memory_space<vmem>>
    %dma_start3A_95 = arith.constant 0 : i32
    %dma_start3A_96 = arith.constant 0 : i32
    %dma_start3A_97 = tpu.memref_slice %arg2[%dma_start3A_95, %dma_start3A_96] : memref<10240x64xf32, #tpu.memory_space<hbm>> -> memref<10240x64xf32, #tpu.memory_space<hbm>>
    tpu.enqueue_indirect_dma source(%dma_start3A_97 : memref<10240x64xf32, #tpu.memory_space<hbm>>) target(%dma_start3A_91 : memref<128x64xf32, #tpu.memory_space<vmem>>) offsets(%dma_start3A_94 : memref<128xi32, #tpu.memory_space<vmem>>) semaphore(%arg15 : memref<!tpu.dma_semaphore, #tpu.memory_space<semaphore_mem>>)
    %dma_wait3A_98 = arith.constant 1 : i32
    %dma_wait3A_99 = arith.constant 1 : i32
    %dma_wait3A_100 = arith.constant 0 : i32
    %dma_wait3A_101 = arith.constant 0 : i32
    %dma_wait3A_102 = tpu.memref_slice %arg8[%dma_wait3A_99, %dma_wait3A_100, %dma_wait3A_101] : memref<8x128x64xf32, #tpu.memory_space<vmem>> -> memref<1x128x64xf32, #tpu.memory_space<vmem>>
    %dma_wait3A_103 = tpu.memref_squeeze %dma_wait3A_102 : memref<1x128x64xf32, #tpu.memory_space<vmem>> -> memref<128x64xf32, #tpu.memory_space<vmem>>
    %dma_wait3A_104 = arith.constant 0 : i32
    %dma_wait3A_105 = tpu.memref_slice %arg6[%dma_wait3A_98, %dma_wait3A_104] : memref<80x128xi32, #tpu.memory_space<vmem>> -> memref<1x128xi32, #tpu.memory_space<vmem>>
    %dma_wait3A_106 = tpu.memref_squeeze %dma_wait3A_105 : memref<1x128xi32, #tpu.memory_space<vmem>> -> memref<128xi32, #tpu.memory_space<vmem>>
    %dma_wait3A_107 = arith.constant 0 : i32
    %dma_wait3A_108 = arith.constant 0 : i32
    %dma_wait3A_109 = tpu.memref_slice %arg2[%dma_wait3A_107, %dma_wait3A_108] : memref<10240x64xf32, #tpu.memory_space<hbm>> -> memref<10240x64xf32, #tpu.memory_space<hbm>>
    tpu.wait_indirect_dma semaphore(%arg12 : memref<!tpu.dma_semaphore, #tpu.memory_space<semaphore_mem>>) src(%dma_wait3A_109 : memref<10240x64xf32, #tpu.memory_space<hbm>>) dst(%dma_wait3A_103 : memref<128x64xf32, #tpu.memory_space<vmem>>)
    %dma_start3A_110 = arith.constant 1 : i32
    %dma_start3A_111 = arith.constant 1 : i32
    %dma_start3A_112 = arith.constant 0 : i32
    %dma_start3A_113 = arith.constant 0 : i32
    %dma_start3A_114 = tpu.memref_slice %arg8[%dma_start3A_110, %dma_start3A_112, %dma_start3A_113] : memref<8x128x64xf32, #tpu.memory_space<vmem>> -> memref<1x128x64xf32, #tpu.memory_space<vmem>>
    %dma_start3A_115 = tpu.memref_squeeze %dma_start3A_114 : memref<1x128x64xf32, #tpu.memory_space<vmem>> -> memref<128x64xf32, #tpu.memory_space<vmem>>
    %dma_start3A_116 = arith.constant 0 : i32
    %dma_start3A_117 = tpu.memref_slice %arg7[%dma_start3A_111, %dma_start3A_116] : memref<80x128xi32, #tpu.memory_space<vmem>> -> memref<1x128xi32, #tpu.memory_space<vmem>>
    %dma_start3A_118 = tpu.memref_squeeze %dma_start3A_117 : memref<1x128xi32, #tpu.memory_space<vmem>> -> memref<128xi32, #tpu.memory_space<vmem>>
    %dma_start3A_119 = arith.constant 0 : i32
    %dma_start3A_120 = arith.constant 0 : i32
    %dma_start3A_121 = tpu.memref_slice %arg10[%dma_start3A_119, %dma_start3A_120] : memref<10240x64xf32, #tpu.memory_space<vmem_shared>> -> memref<10240x64xf32, #tpu.memory_space<vmem_shared>>
    tpu.enqueue_indirect_dma source(%dma_start3A_115 : memref<128x64xf32, #tpu.memory_space<vmem>>) target(%dma_start3A_121 : memref<10240x64xf32, #tpu.memory_space<vmem_shared>>) offsets(%dma_start3A_118 : memref<128xi32, #tpu.memory_space<vmem>>) semaphore(%arg20 : memref<!tpu.dma_semaphore, #tpu.memory_space<semaphore_mem>>) {add = true}
    %dma_start3A_122 = arith.constant 5 : i32
    %dma_start3A_123 = arith.constant 5 : i32
    %dma_start3A_124 = arith.constant 0 : i32
    %dma_start3A_125 = arith.constant 0 : i32
    %dma_start3A_126 = tpu.memref_slice %arg8[%dma_start3A_123, %dma_start3A_124, %dma_start3A_125] : memref<8x128x64xf32, #tpu.memory_space<vmem>> -> memref<1x128x64xf32, #tpu.memory_space<vmem>>
    %dma_start3A_127 = tpu.memref_squeeze %dma_start3A_126 : memref<1x128x64xf32, #tpu.memory_space<vmem>> -> memref<128x64xf32, #tpu.memory_space<vmem>>
    %dma_start3A_128 = arith.constant 0 : i32
    %dma_start3A_129 = tpu.memref_slice %arg6[%dma_start3A_122, %dma_start3A_128] : memref<80x128xi32, #tpu.memory_space<vmem>> -> memref<1x128xi32, #tpu.memory_space<vmem>>
    %dma_start3A_130 = tpu.memref_squeeze %dma_start3A_129 : memref<1x128xi32, #tpu.memory_space<vmem>> -> memref<128xi32, #tpu.memory_space<vmem>>
    %dma_start3A_131 = arith.constant 0 : i32
    %dma_start3A_132 = arith.constant 0 : i32
    %dma_start3A_133 = tpu.memref_slice %arg2[%dma_start3A_131, %dma_start3A_132] : memref<10240x64xf32, #tpu.memory_space<hbm>> -> memref<10240x64xf32, #tpu.memory_space<hbm>>
    tpu.enqueue_indirect_dma source(%dma_start3A_133 : memref<10240x64xf32, #tpu.memory_space<hbm>>) target(%dma_start3A_127 : memref<128x64xf32, #tpu.memory_space<vmem>>) offsets(%dma_start3A_130 : memref<128xi32, #tpu.memory_space<vmem>>) semaphore(%arg16 : memref<!tpu.dma_semaphore, #tpu.memory_space<semaphore_mem>>)
    %dma_wait3A_134 = arith.constant 2 : i32
    %dma_wait3A_135 = arith.constant 2 : i32
    %dma_wait3A_136 = arith.constant 0 : i32
    %dma_wait3A_137 = arith.constant 0 : i32
    %dma_wait3A_138 = tpu.memref_slice %arg8[%dma_wait3A_135, %dma_wait3A_136, %dma_wait3A_137] : memref<8x128x64xf32, #tpu.memory_space<vmem>> -> memref<1x128x64xf32, #tpu.memory_space<vmem>>
    %dma_wait3A_139 = tpu.memref_squeeze %dma_wait3A_138 : memref<1x128x64xf32, #tpu.memory_space<vmem>> -> memref<128x64xf32, #tpu.memory_space<vmem>>
    %dma_wait3A_140 = arith.constant 0 : i32
    %dma_wait3A_141 = tpu.memref_slice %arg6[%dma_wait3A_134, %dma_wait3A_140] : memref<80x128xi32, #tpu.memory_space<vmem>> -> memref<1x128xi32, #tpu.memory_space<vmem>>
    %dma_wait3A_142 = tpu.memref_squeeze %dma_wait3A_141 : memref<1x128xi32, #tpu.memory_space<vmem>> -> memref<128xi32, #tpu.memory_space<vmem>>
    %dma_wait3A_143 = arith.constant 0 : i32
    %dma_wait3A_144 = arith.constant 0 : i32
    %dma_wait3A_145 = tpu.memref_slice %arg2[%dma_wait3A_143, %dma_wait3A_144] : memref<10240x64xf32, #tpu.memory_space<hbm>> -> memref<10240x64xf32, #tpu.memory_space<hbm>>
    tpu.wait_indirect_dma semaphore(%arg13 : memref<!tpu.dma_semaphore, #tpu.memory_space<semaphore_mem>>) src(%dma_wait3A_145 : memref<10240x64xf32, #tpu.memory_space<hbm>>) dst(%dma_wait3A_139 : memref<128x64xf32, #tpu.memory_space<vmem>>)
    %dma_start3A_146 = arith.constant 2 : i32
    %dma_start3A_147 = arith.constant 2 : i32
    %dma_start3A_148 = arith.constant 0 : i32
    %dma_start3A_149 = arith.constant 0 : i32
    %dma_start3A_150 = tpu.memref_slice %arg8[%dma_start3A_146, %dma_start3A_148, %dma_start3A_149] : memref<8x128x64xf32, #tpu.memory_space<vmem>> -> memref<1x128x64xf32, #tpu.memory_space<vmem>>
    %dma_start3A_151 = tpu.memref_squeeze %dma_start3A_150 : memref<1x128x64xf32, #tpu.memory_space<vmem>> -> memref<128x64xf32, #tpu.memory_space<vmem>>
    %dma_start3A_152 = arith.constant 0 : i32
    %dma_start3A_153 = tpu.memref_slice %arg7[%dma_start3A_147, %dma_start3A_152] : memref<80x128xi32, #tpu.memory_space<vmem>> -> memref<1x128xi32, #tpu.memory_space<vmem>>
    %dma_start3A_154 = tpu.memref_squeeze %dma_start3A_153 : memref<1x128xi32, #tpu.memory_space<vmem>> -> memref<128xi32, #tpu.memory_space<vmem>>
    %dma_start3A_155 = arith.constant 0 : i32
    %dma_start3A_156 = arith.constant 0 : i32
    %dma_start3A_157 = tpu.memref_slice %arg10[%dma_start3A_155, %dma_start3A_156] : memref<10240x64xf32, #tpu.memory_space<vmem_shared>> -> memref<10240x64xf32, #tpu.memory_space<vmem_shared>>
    tpu.enqueue_indirect_dma source(%dma_start3A_151 : memref<128x64xf32, #tpu.memory_space<vmem>>) target(%dma_start3A_157 : memref<10240x64xf32, #tpu.memory_space<vmem_shared>>) offsets(%dma_start3A_154 : memref<128xi32, #tpu.memory_space<vmem>>) semaphore(%arg21 : memref<!tpu.dma_semaphore, #tpu.memory_space<semaphore_mem>>) {add = true}
    %dma_start3A_158 = arith.constant 6 : i32
    %dma_start3A_159 = arith.constant 6 : i32
    %dma_start3A_160 = arith.constant 0 : i32
    %dma_start3A_161 = arith.constant 0 : i32
    %dma_start3A_162 = tpu.memref_slice %arg8[%dma_start3A_159, %dma_start3A_160, %dma_start3A_161] : memref<8x128x64xf32, #tpu.memory_space<vmem>> -> memref<1x128x64xf32, #tpu.memory_space<vmem>>
    %dma_start3A_163 = tpu.memref_squeeze %dma_start3A_162 : memref<1x128x64xf32, #tpu.memory_space<vmem>> -> memref<128x64xf32, #tpu.memory_space<vmem>>
    %dma_start3A_164 = arith.constant 0 : i32
    %dma_start3A_165 = tpu.memref_slice %arg6[%dma_start3A_158, %dma_start3A_164] : memref<80x128xi32, #tpu.memory_space<vmem>> -> memref<1x128xi32, #tpu.memory_space<vmem>>
    %dma_start3A_166 = tpu.memref_squeeze %dma_start3A_165 : memref<1x128xi32, #tpu.memory_space<vmem>> -> memref<128xi32, #tpu.memory_space<vmem>>
    %dma_start3A_167 = arith.constant 0 : i32
    %dma_start3A_168 = arith.constant 0 : i32
    %dma_start3A_169 = tpu.memref_slice %arg2[%dma_start3A_167, %dma_start3A_168] : memref<10240x64xf32, #tpu.memory_space<hbm>> -> memref<10240x64xf32, #tpu.memory_space<hbm>>
    tpu.enqueue_indirect_dma source(%dma_start3A_169 : memref<10240x64xf32, #tpu.memory_space<hbm>>) target(%dma_start3A_163 : memref<128x64xf32, #tpu.memory_space<vmem>>) offsets(%dma_start3A_166 : memref<128xi32, #tpu.memory_space<vmem>>) semaphore(%arg17 : memref<!tpu.dma_semaphore, #tpu.memory_space<semaphore_mem>>)
    %dma_wait3A_170 = arith.constant 3 : i32
    %dma_wait3A_171 = arith.constant 3 : i32
    %dma_wait3A_172 = arith.constant 0 : i32
    %dma_wait3A_173 = arith.constant 0 : i32
    %dma_wait3A_174 = tpu.memref_slice %arg8[%dma_wait3A_171, %dma_wait3A_172, %dma_wait3A_173] : memref<8x128x64xf32, #tpu.memory_space<vmem>> -> memref<1x128x64xf32, #tpu.memory_space<vmem>>
    %dma_wait3A_175 = tpu.memref_squeeze %dma_wait3A_174 : memref<1x128x64xf32, #tpu.memory_space<vmem>> -> memref<128x64xf32, #tpu.memory_space<vmem>>
    %dma_wait3A_176 = arith.constant 0 : i32
    %dma_wait3A_177 = tpu.memref_slice %arg6[%dma_wait3A_170, %dma_wait3A_176] : memref<80x128xi32, #tpu.memory_space<vmem>> -> memref<1x128xi32, #tpu.memory_space<vmem>>
    %dma_wait3A_178 = tpu.memref_squeeze %dma_wait3A_177 : memref<1x128xi32, #tpu.memory_space<vmem>> -> memref<128xi32, #tpu.memory_space<vmem>>
    %dma_wait3A_179 = arith.constant 0 : i32
    %dma_wait3A_180 = arith.constant 0 : i32
    %dma_wait3A_181 = tpu.memref_slice %arg2[%dma_wait3A_179, %dma_wait3A_180] : memref<10240x64xf32, #tpu.memory_space<hbm>> -> memref<10240x64xf32, #tpu.memory_space<hbm>>
    tpu.wait_indirect_dma semaphore(%arg14 : memref<!tpu.dma_semaphore, #tpu.memory_space<semaphore_mem>>) src(%dma_wait3A_181 : memref<10240x64xf32, #tpu.memory_space<hbm>>) dst(%dma_wait3A_175 : memref<128x64xf32, #tpu.memory_space<vmem>>)
    %dma_start3A_182 = arith.constant 3 : i32
    %dma_start3A_183 = arith.constant 3 : i32
    %dma_start3A_184 = arith.constant 0 : i32
    %dma_start3A_185 = arith.constant 0 : i32
    %dma_start3A_186 = tpu.memref_slice %arg8[%dma_start3A_182, %dma_start3A_184, %dma_start3A_185] : memref<8x128x64xf32, #tpu.memory_space<vmem>> -> memref<1x128x64xf32, #tpu.memory_space<vmem>>
    %dma_start3A_187 = tpu.memref_squeeze %dma_start3A_186 : memref<1x128x64xf32, #tpu.memory_space<vmem>> -> memref<128x64xf32, #tpu.memory_space<vmem>>
    %dma_start3A_188 = arith.constant 0 : i32
    %dma_start3A_189 = tpu.memref_slice %arg7[%dma_start3A_183, %dma_start3A_188] : memref<80x128xi32, #tpu.memory_space<vmem>> -> memref<1x128xi32, #tpu.memory_space<vmem>>
    %dma_start3A_190 = tpu.memref_squeeze %dma_start3A_189 : memref<1x128xi32, #tpu.memory_space<vmem>> -> memref<128xi32, #tpu.memory_space<vmem>>
    %dma_start3A_191 = arith.constant 0 : i32
    %dma_start3A_192 = arith.constant 0 : i32
    %dma_start3A_193 = tpu.memref_slice %arg10[%dma_start3A_191, %dma_start3A_192] : memref<10240x64xf32, #tpu.memory_space<vmem_shared>> -> memref<10240x64xf32, #tpu.memory_space<vmem_shared>>
    tpu.enqueue_indirect_dma source(%dma_start3A_187 : memref<128x64xf32, #tpu.memory_space<vmem>>) target(%dma_start3A_193 : memref<10240x64xf32, #tpu.memory_space<vmem_shared>>) offsets(%dma_start3A_190 : memref<128xi32, #tpu.memory_space<vmem>>) semaphore(%arg22 : memref<!tpu.dma_semaphore, #tpu.memory_space<semaphore_mem>>) {add = true}
    %dma_start3A_194 = arith.constant 7 : i32
    %dma_start3A_195 = arith.constant 7 : i32
    %dma_start3A_196 = arith.constant 0 : i32
    %dma_start3A_197 = arith.constant 0 : i32
    %dma_start3A_198 = tpu.memref_slice %arg8[%dma_start3A_195, %dma_start3A_196, %dma_start3A_197] : memref<8x128x64xf32, #tpu.memory_space<vmem>> -> memref<1x128x64xf32, #tpu.memory_space<vmem>>
    %dma_start3A_199 = tpu.memref_squeeze %dma_start3A_198 : memref<1x128x64xf32, #tpu.memory_space<vmem>> -> memref<128x64xf32, #tpu.memory_space<vmem>>
    %dma_start3A_200 = arith.constant 0 : i32
    %dma_start3A_201 = tpu.memref_slice %arg6[%dma_start3A_194, %dma_start3A_200] : memref<80x128xi32, #tpu.memory_space<vmem>> -> memref<1x128xi32, #tpu.memory_space<vmem>>
    %dma_start3A_202 = tpu.memref_squeeze %dma_start3A_201 : memref<1x128xi32, #tpu.memory_space<vmem>> -> memref<128xi32, #tpu.memory_space<vmem>>
    %dma_start3A_203 = arith.constant 0 : i32
    %dma_start3A_204 = arith.constant 0 : i32
    %dma_start3A_205 = tpu.memref_slice %arg2[%dma_start3A_203, %dma_start3A_204] : memref<10240x64xf32, #tpu.memory_space<hbm>> -> memref<10240x64xf32, #tpu.memory_space<hbm>>
    tpu.enqueue_indirect_dma source(%dma_start3A_205 : memref<10240x64xf32, #tpu.memory_space<hbm>>) target(%dma_start3A_199 : memref<128x64xf32, #tpu.memory_space<vmem>>) offsets(%dma_start3A_202 : memref<128xi32, #tpu.memory_space<vmem>>) semaphore(%arg18 : memref<!tpu.dma_semaphore, #tpu.memory_space<semaphore_mem>>)
    %scan3A_206 = arith.constant 0 : i32
    %scan3A_207 = arith.constant 0 : i32
    %scan3A_208 = arith.constant 9 : i32
    %scan3A_209 = arith.addi %scan3A_207, %scan3A_208 : i32
    %scan3A_210 = arith.constant 1 : i32
    scf.for %scan3A_409 = %scan3A_207 to %scan3A_209 step %scan3A_210  : i32 {
      %mul3A_410 = arith.constant 8 : i32
      %mul3A_411 = arith.muli %mul3A_410, %scan3A_409 : i32
      %add3A_412 = arith.constant 4 : i32
      %add3A_413 = arith.addi %add3A_412, %mul3A_411 : i32
      %add3A_414 = arith.constant 0 : i32
      %add3A_415 = arith.addi %add3A_413, %add3A_414 : i32
      %dma_wait3A_416 = arith.constant 4 : i32
      %dma_wait3A_417 = arith.constant 0 : i32
      %dma_wait3A_418 = arith.constant 0 : i32
      %dma_wait3A_419 = tpu.memref_slice %arg8[%dma_wait3A_416, %dma_wait3A_417, %dma_wait3A_418] : memref<8x128x64xf32, #tpu.memory_space<vmem>> -> memref<1x128x64xf32, #tpu.memory_space<vmem>>
      %dma_wait3A_420 = tpu.memref_squeeze %dma_wait3A_419 : memref<1x128x64xf32, #tpu.memory_space<vmem>> -> memref<128x64xf32, #tpu.memory_space<vmem>>
      %dma_wait3A_421 = arith.constant 0 : i32
      %dma_wait3A_422 = tpu.memref_slice %arg6[%add3A_415, %dma_wait3A_421] : memref<80x128xi32, #tpu.memory_space<vmem>> -> memref<1x128xi32, #tpu.memory_space<vmem>>
      %dma_wait3A_423 = tpu.memref_squeeze %dma_wait3A_422 : memref<1x128xi32, #tpu.memory_space<vmem>> -> memref<128xi32, #tpu.memory_space<vmem>>
      %dma_wait3A_424 = arith.constant 0 : i32
      %dma_wait3A_425 = arith.constant 0 : i32
      %dma_wait3A_426 = tpu.memref_slice %arg2[%dma_wait3A_424, %dma_wait3A_425] : memref<10240x64xf32, #tpu.memory_space<hbm>> -> memref<10240x64xf32, #tpu.memory_space<hbm>>
      tpu.wait_indirect_dma semaphore(%arg15 : memref<!tpu.dma_semaphore, #tpu.memory_space<semaphore_mem>>) src(%dma_wait3A_426 : memref<10240x64xf32, #tpu.memory_space<hbm>>) dst(%dma_wait3A_420 : memref<128x64xf32, #tpu.memory_space<vmem>>)
      %dma_start3A_427 = arith.constant 4 : i32
      %dma_start3A_428 = arith.constant 0 : i32
      %dma_start3A_429 = arith.constant 0 : i32
      %dma_start3A_430 = tpu.memref_slice %arg8[%dma_start3A_427, %dma_start3A_428, %dma_start3A_429] : memref<8x128x64xf32, #tpu.memory_space<vmem>> -> memref<1x128x64xf32, #tpu.memory_space<vmem>>
      %dma_start3A_431 = tpu.memref_squeeze %dma_start3A_430 : memref<1x128x64xf32, #tpu.memory_space<vmem>> -> memref<128x64xf32, #tpu.memory_space<vmem>>
      %dma_start3A_432 = arith.constant 0 : i32
      %dma_start3A_433 = tpu.memref_slice %arg7[%add3A_415, %dma_start3A_432] : memref<80x128xi32, #tpu.memory_space<vmem>> -> memref<1x128xi32, #tpu.memory_space<vmem>>
      %dma_start3A_434 = tpu.memref_squeeze %dma_start3A_433 : memref<1x128xi32, #tpu.memory_space<vmem>> -> memref<128xi32, #tpu.memory_space<vmem>>
      %dma_start3A_435 = arith.constant 0 : i32
      %dma_start3A_436 = arith.constant 0 : i32
      %dma_start3A_437 = tpu.memref_slice %arg10[%dma_start3A_435, %dma_start3A_436] : memref<10240x64xf32, #tpu.memory_space<vmem_shared>> -> memref<10240x64xf32, #tpu.memory_space<vmem_shared>>
      tpu.enqueue_indirect_dma source(%dma_start3A_431 : memref<128x64xf32, #tpu.memory_space<vmem>>) target(%dma_start3A_437 : memref<10240x64xf32, #tpu.memory_space<vmem_shared>>) offsets(%dma_start3A_434 : memref<128xi32, #tpu.memory_space<vmem>>) semaphore(%arg23 : memref<!tpu.dma_semaphore, #tpu.memory_space<semaphore_mem>>) {add = true}
      %sub3A = arith.constant 4 : i32
      %sub3A_438 = arith.subi %add3A_415, %sub3A : i32
      %dma_wait3A_439 = arith.constant 0 : i32
      %dma_wait3A_440 = arith.constant 0 : i32
      %dma_wait3A_441 = arith.constant 0 : i32
      %dma_wait3A_442 = tpu.memref_slice %arg8[%dma_wait3A_439, %dma_wait3A_440, %dma_wait3A_441] : memref<8x128x64xf32, #tpu.memory_space<vmem>> -> memref<1x128x64xf32, #tpu.memory_space<vmem>>
      %dma_wait3A_443 = tpu.memref_squeeze %dma_wait3A_442 : memref<1x128x64xf32, #tpu.memory_space<vmem>> -> memref<128x64xf32, #tpu.memory_space<vmem>>
      %dma_wait3A_444 = arith.constant 0 : i32
      %dma_wait3A_445 = tpu.memref_slice %arg7[%sub3A_438, %dma_wait3A_444] : memref<80x128xi32, #tpu.memory_space<vmem>> -> memref<1x128xi32, #tpu.memory_space<vmem>>
      %dma_wait3A_446 = tpu.memref_squeeze %dma_wait3A_445 : memref<1x128xi32, #tpu.memory_space<vmem>> -> memref<128xi32, #tpu.memory_space<vmem>>
      %dma_wait3A_447 = arith.constant 0 : i32
      %dma_wait3A_448 = arith.constant 0 : i32
      %dma_wait3A_449 = tpu.memref_slice %arg10[%dma_wait3A_447, %dma_wait3A_448] : memref<10240x64xf32, #tpu.memory_space<vmem_shared>> -> memref<10240x64xf32, #tpu.memory_space<vmem_shared>>
      tpu.wait_indirect_dma semaphore(%arg19 : memref<!tpu.dma_semaphore, #tpu.memory_space<semaphore_mem>>) src(%dma_wait3A_443 : memref<128x64xf32, #tpu.memory_space<vmem>>) dst(%dma_wait3A_449 : memref<10240x64xf32, #tpu.memory_space<vmem_shared>>)
      %add3A_450 = arith.constant 4 : i32
      %add3A_451 = arith.addi %add3A_415, %add3A_450 : i32
      %dma_start3A_452 = arith.constant 0 : i32
      %dma_start3A_453 = arith.constant 0 : i32
      %dma_start3A_454 = arith.constant 0 : i32
      %dma_start3A_455 = tpu.memref_slice %arg8[%dma_start3A_452, %dma_start3A_453, %dma_start3A_454] : memref<8x128x64xf32, #tpu.memory_space<vmem>> -> memref<1x128x64xf32, #tpu.memory_space<vmem>>
      %dma_start3A_456 = tpu.memref_squeeze %dma_start3A_455 : memref<1x128x64xf32, #tpu.memory_space<vmem>> -> memref<128x64xf32, #tpu.memory_space<vmem>>
      %dma_start3A_457 = arith.constant 0 : i32
      %dma_start3A_458 = tpu.memref_slice %arg6[%add3A_451, %dma_start3A_457] : memref<80x128xi32, #tpu.memory_space<vmem>> -> memref<1x128xi32, #tpu.memory_space<vmem>>
      %dma_start3A_459 = tpu.memref_squeeze %dma_start3A_458 : memref<1x128xi32, #tpu.memory_space<vmem>> -> memref<128xi32, #tpu.memory_space<vmem>>
      %dma_start3A_460 = arith.constant 0 : i32
      %dma_start3A_461 = arith.constant 0 : i32
      %dma_start3A_462 = tpu.memref_slice %arg2[%dma_start3A_460, %dma_start3A_461] : memref<10240x64xf32, #tpu.memory_space<hbm>> -> memref<10240x64xf32, #tpu.memory_space<hbm>>
      tpu.enqueue_indirect_dma source(%dma_start3A_462 : memref<10240x64xf32, #tpu.memory_space<hbm>>) target(%dma_start3A_456 : memref<128x64xf32, #tpu.memory_space<vmem>>) offsets(%dma_start3A_459 : memref<128xi32, #tpu.memory_space<vmem>>) semaphore(%arg11 : memref<!tpu.dma_semaphore, #tpu.memory_space<semaphore_mem>>)
      %add3A_463 = arith.constant 1 : i32
      %add3A_464 = arith.addi %add3A_413, %add3A_463 : i32
      %dma_wait3A_465 = arith.constant 5 : i32
      %dma_wait3A_466 = arith.constant 0 : i32
      %dma_wait3A_467 = arith.constant 0 : i32
      %dma_wait3A_468 = tpu.memref_slice %arg8[%dma_wait3A_465, %dma_wait3A_466, %dma_wait3A_467] : memref<8x128x64xf32, #tpu.memory_space<vmem>> -> memref<1x128x64xf32, #tpu.memory_space<vmem>>
      %dma_wait3A_469 = tpu.memref_squeeze %dma_wait3A_468 : memref<1x128x64xf32, #tpu.memory_space<vmem>> -> memref<128x64xf32, #tpu.memory_space<vmem>>
      %dma_wait3A_470 = arith.constant 0 : i32
      %dma_wait3A_471 = tpu.memref_slice %arg6[%add3A_464, %dma_wait3A_470] : memref<80x128xi32, #tpu.memory_space<vmem>> -> memref<1x128xi32, #tpu.memory_space<vmem>>
      %dma_wait3A_472 = tpu.memref_squeeze %dma_wait3A_471 : memref<1x128xi32, #tpu.memory_space<vmem>> -> memref<128xi32, #tpu.memory_space<vmem>>
      %dma_wait3A_473 = arith.constant 0 : i32
      %dma_wait3A_474 = arith.constant 0 : i32
      %dma_wait3A_475 = tpu.memref_slice %arg2[%dma_wait3A_473, %dma_wait3A_474] : memref<10240x64xf32, #tpu.memory_space<hbm>> -> memref<10240x64xf32, #tpu.memory_space<hbm>>
      tpu.wait_indirect_dma semaphore(%arg16 : memref<!tpu.dma_semaphore, #tpu.memory_space<semaphore_mem>>) src(%dma_wait3A_475 : memref<10240x64xf32, #tpu.memory_space<hbm>>) dst(%dma_wait3A_469 : memref<128x64xf32, #tpu.memory_space<vmem>>)
      %dma_start3A_476 = arith.constant 5 : i32
      %dma_start3A_477 = arith.constant 0 : i32
      %dma_start3A_478 = arith.constant 0 : i32
      %dma_start3A_479 = tpu.memref_slice %arg8[%dma_start3A_476, %dma_start3A_477, %dma_start3A_478] : memref<8x128x64xf32, #tpu.memory_space<vmem>> -> memref<1x128x64xf32, #tpu.memory_space<vmem>>
      %dma_start3A_480 = tpu.memref_squeeze %dma_start3A_479 : memref<1x128x64xf32, #tpu.memory_space<vmem>> -> memref<128x64xf32, #tpu.memory_space<vmem>>
      %dma_start3A_481 = arith.constant 0 : i32
      %dma_start3A_482 = tpu.memref_slice %arg7[%add3A_464, %dma_start3A_481] : memref<80x128xi32, #tpu.memory_space<vmem>> -> memref<1x128xi32, #tpu.memory_space<vmem>>
      %dma_start3A_483 = tpu.memref_squeeze %dma_start3A_482 : memref<1x128xi32, #tpu.memory_space<vmem>> -> memref<128xi32, #tpu.memory_space<vmem>>
      %dma_start3A_484 = arith.constant 0 : i32
      %dma_start3A_485 = arith.constant 0 : i32
      %dma_start3A_486 = tpu.memref_slice %arg10[%dma_start3A_484, %dma_start3A_485] : memref<10240x64xf32, #tpu.memory_space<vmem_shared>> -> memref<10240x64xf32, #tpu.memory_space<vmem_shared>>
      tpu.enqueue_indirect_dma source(%dma_start3A_480 : memref<128x64xf32, #tpu.memory_space<vmem>>) target(%dma_start3A_486 : memref<10240x64xf32, #tpu.memory_space<vmem_shared>>) offsets(%dma_start3A_483 : memref<128xi32, #tpu.memory_space<vmem>>) semaphore(%arg24 : memref<!tpu.dma_semaphore, #tpu.memory_space<semaphore_mem>>) {add = true}
      %sub3A_487 = arith.constant 4 : i32
      %sub3A_488 = arith.subi %add3A_464, %sub3A_487 : i32
      %dma_wait3A_489 = arith.constant 1 : i32
      %dma_wait3A_490 = arith.constant 0 : i32
      %dma_wait3A_491 = arith.constant 0 : i32
      %dma_wait3A_492 = tpu.memref_slice %arg8[%dma_wait3A_489, %dma_wait3A_490, %dma_wait3A_491] : memref<8x128x64xf32, #tpu.memory_space<vmem>> -> memref<1x128x64xf32, #tpu.memory_space<vmem>>
      %dma_wait3A_493 = tpu.memref_squeeze %dma_wait3A_492 : memref<1x128x64xf32, #tpu.memory_space<vmem>> -> memref<128x64xf32, #tpu.memory_space<vmem>>
      %dma_wait3A_494 = arith.constant 0 : i32
      %dma_wait3A_495 = tpu.memref_slice %arg7[%sub3A_488, %dma_wait3A_494] : memref<80x128xi32, #tpu.memory_space<vmem>> -> memref<1x128xi32, #tpu.memory_space<vmem>>
      %dma_wait3A_496 = tpu.memref_squeeze %dma_wait3A_495 : memref<1x128xi32, #tpu.memory_space<vmem>> -> memref<128xi32, #tpu.memory_space<vmem>>
      %dma_wait3A_497 = arith.constant 0 : i32
      %dma_wait3A_498 = arith.constant 0 : i32
      %dma_wait3A_499 = tpu.memref_slice %arg10[%dma_wait3A_497, %dma_wait3A_498] : memref<10240x64xf32, #tpu.memory_space<vmem_shared>> -> memref<10240x64xf32, #tpu.memory_space<vmem_shared>>
      tpu.wait_indirect_dma semaphore(%arg20 : memref<!tpu.dma_semaphore, #tpu.memory_space<semaphore_mem>>) src(%dma_wait3A_493 : memref<128x64xf32, #tpu.memory_space<vmem>>) dst(%dma_wait3A_499 : memref<10240x64xf32, #tpu.memory_space<vmem_shared>>)
      %add3A_500 = arith.constant 4 : i32
      %add3A_501 = arith.addi %add3A_464, %add3A_500 : i32
      %dma_start3A_502 = arith.constant 1 : i32
      %dma_start3A_503 = arith.constant 0 : i32
      %dma_start3A_504 = arith.constant 0 : i32
      %dma_start3A_505 = tpu.memref_slice %arg8[%dma_start3A_502, %dma_start3A_503, %dma_start3A_504] : memref<8x128x64xf32, #tpu.memory_space<vmem>> -> memref<1x128x64xf32, #tpu.memory_space<vmem>>
      %dma_start3A_506 = tpu.memref_squeeze %dma_start3A_505 : memref<1x128x64xf32, #tpu.memory_space<vmem>> -> memref<128x64xf32, #tpu.memory_space<vmem>>
      %dma_start3A_507 = arith.constant 0 : i32
      %dma_start3A_508 = tpu.memref_slice %arg6[%add3A_501, %dma_start3A_507] : memref<80x128xi32, #tpu.memory_space<vmem>> -> memref<1x128xi32, #tpu.memory_space<vmem>>
      %dma_start3A_509 = tpu.memref_squeeze %dma_start3A_508 : memref<1x128xi32, #tpu.memory_space<vmem>> -> memref<128xi32, #tpu.memory_space<vmem>>
      %dma_start3A_510 = arith.constant 0 : i32
      %dma_start3A_511 = arith.constant 0 : i32
      %dma_start3A_512 = tpu.memref_slice %arg2[%dma_start3A_510, %dma_start3A_511] : memref<10240x64xf32, #tpu.memory_space<hbm>> -> memref<10240x64xf32, #tpu.memory_space<hbm>>
      tpu.enqueue_indirect_dma source(%dma_start3A_512 : memref<10240x64xf32, #tpu.memory_space<hbm>>) target(%dma_start3A_506 : memref<128x64xf32, #tpu.memory_space<vmem>>) offsets(%dma_start3A_509 : memref<128xi32, #tpu.memory_space<vmem>>) semaphore(%arg12 : memref<!tpu.dma_semaphore, #tpu.memory_space<semaphore_mem>>)
      %add3A_513 = arith.constant 2 : i32
      %add3A_514 = arith.addi %add3A_413, %add3A_513 : i32
      %dma_wait3A_515 = arith.constant 6 : i32
      %dma_wait3A_516 = arith.constant 0 : i32
      %dma_wait3A_517 = arith.constant 0 : i32
      %dma_wait3A_518 = tpu.memref_slice %arg8[%dma_wait3A_515, %dma_wait3A_516, %dma_wait3A_517] : memref<8x128x64xf32, #tpu.memory_space<vmem>> -> memref<1x128x64xf32, #tpu.memory_space<vmem>>
      %dma_wait3A_519 = tpu.memref_squeeze %dma_wait3A_518 : memref<1x128x64xf32, #tpu.memory_space<vmem>> -> memref<128x64xf32, #tpu.memory_space<vmem>>
      %dma_wait3A_520 = arith.constant 0 : i32
      %dma_wait3A_521 = tpu.memref_slice %arg6[%add3A_514, %dma_wait3A_520] : memref<80x128xi32, #tpu.memory_space<vmem>> -> memref<1x128xi32, #tpu.memory_space<vmem>>
      %dma_wait3A_522 = tpu.memref_squeeze %dma_wait3A_521 : memref<1x128xi32, #tpu.memory_space<vmem>> -> memref<128xi32, #tpu.memory_space<vmem>>
      %dma_wait3A_523 = arith.constant 0 : i32
      %dma_wait3A_524 = arith.constant 0 : i32
      %dma_wait3A_525 = tpu.memref_slice %arg2[%dma_wait3A_523, %dma_wait3A_524] : memref<10240x64xf32, #tpu.memory_space<hbm>> -> memref<10240x64xf32, #tpu.memory_space<hbm>>
      tpu.wait_indirect_dma semaphore(%arg17 : memref<!tpu.dma_semaphore, #tpu.memory_space<semaphore_mem>>) src(%dma_wait3A_525 : memref<10240x64xf32, #tpu.memory_space<hbm>>) dst(%dma_wait3A_519 : memref<128x64xf32, #tpu.memory_space<vmem>>)
      %dma_start3A_526 = arith.constant 6 : i32
      %dma_start3A_527 = arith.constant 0 : i32
      %dma_start3A_528 = arith.constant 0 : i32
      %dma_start3A_529 = tpu.memref_slice %arg8[%dma_start3A_526, %dma_start3A_527, %dma_start3A_528] : memref<8x128x64xf32, #tpu.memory_space<vmem>> -> memref<1x128x64xf32, #tpu.memory_space<vmem>>
      %dma_start3A_530 = tpu.memref_squeeze %dma_start3A_529 : memref<1x128x64xf32, #tpu.memory_space<vmem>> -> memref<128x64xf32, #tpu.memory_space<vmem>>
      %dma_start3A_531 = arith.constant 0 : i32
      %dma_start3A_532 = tpu.memref_slice %arg7[%add3A_514, %dma_start3A_531] : memref<80x128xi32, #tpu.memory_space<vmem>> -> memref<1x128xi32, #tpu.memory_space<vmem>>
      %dma_start3A_533 = tpu.memref_squeeze %dma_start3A_532 : memref<1x128xi32, #tpu.memory_space<vmem>> -> memref<128xi32, #tpu.memory_space<vmem>>
      %dma_start3A_534 = arith.constant 0 : i32
      %dma_start3A_535 = arith.constant 0 : i32
      %dma_start3A_536 = tpu.memref_slice %arg10[%dma_start3A_534, %dma_start3A_535] : memref<10240x64xf32, #tpu.memory_space<vmem_shared>> -> memref<10240x64xf32, #tpu.memory_space<vmem_shared>>
      tpu.enqueue_indirect_dma source(%dma_start3A_530 : memref<128x64xf32, #tpu.memory_space<vmem>>) target(%dma_start3A_536 : memref<10240x64xf32, #tpu.memory_space<vmem_shared>>) offsets(%dma_start3A_533 : memref<128xi32, #tpu.memory_space<vmem>>) semaphore(%arg25 : memref<!tpu.dma_semaphore, #tpu.memory_space<semaphore_mem>>) {add = true}
      %sub3A_537 = arith.constant 4 : i32
      %sub3A_538 = arith.subi %add3A_514, %sub3A_537 : i32
      %dma_wait3A_539 = arith.constant 2 : i32
      %dma_wait3A_540 = arith.constant 0 : i32
      %dma_wait3A_541 = arith.constant 0 : i32
      %dma_wait3A_542 = tpu.memref_slice %arg8[%dma_wait3A_539, %dma_wait3A_540, %dma_wait3A_541] : memref<8x128x64xf32, #tpu.memory_space<vmem>> -> memref<1x128x64xf32, #tpu.memory_space<vmem>>
      %dma_wait3A_543 = tpu.memref_squeeze %dma_wait3A_542 : memref<1x128x64xf32, #tpu.memory_space<vmem>> -> memref<128x64xf32, #tpu.memory_space<vmem>>
      %dma_wait3A_544 = arith.constant 0 : i32
      %dma_wait3A_545 = tpu.memref_slice %arg7[%sub3A_538, %dma_wait3A_544] : memref<80x128xi32, #tpu.memory_space<vmem>> -> memref<1x128xi32, #tpu.memory_space<vmem>>
      %dma_wait3A_546 = tpu.memref_squeeze %dma_wait3A_545 : memref<1x128xi32, #tpu.memory_space<vmem>> -> memref<128xi32, #tpu.memory_space<vmem>>
      %dma_wait3A_547 = arith.constant 0 : i32
      %dma_wait3A_548 = arith.constant 0 : i32
      %dma_wait3A_549 = tpu.memref_slice %arg10[%dma_wait3A_547, %dma_wait3A_548] : memref<10240x64xf32, #tpu.memory_space<vmem_shared>> -> memref<10240x64xf32, #tpu.memory_space<vmem_shared>>
      tpu.wait_indirect_dma semaphore(%arg21 : memref<!tpu.dma_semaphore, #tpu.memory_space<semaphore_mem>>) src(%dma_wait3A_543 : memref<128x64xf32, #tpu.memory_space<vmem>>) dst(%dma_wait3A_549 : memref<10240x64xf32, #tpu.memory_space<vmem_shared>>)
      %add3A_550 = arith.constant 4 : i32
      %add3A_551 = arith.addi %add3A_514, %add3A_550 : i32
      %dma_start3A_552 = arith.constant 2 : i32
      %dma_start3A_553 = arith.constant 0 : i32
      %dma_start3A_554 = arith.constant 0 : i32
      %dma_start3A_555 = tpu.memref_slice %arg8[%dma_start3A_552, %dma_start3A_553, %dma_start3A_554] : memref<8x128x64xf32, #tpu.memory_space<vmem>> -> memref<1x128x64xf32, #tpu.memory_space<vmem>>
      %dma_start3A_556 = tpu.memref_squeeze %dma_start3A_555 : memref<1x128x64xf32, #tpu.memory_space<vmem>> -> memref<128x64xf32, #tpu.memory_space<vmem>>
      %dma_start3A_557 = arith.constant 0 : i32
      %dma_start3A_558 = tpu.memref_slice %arg6[%add3A_551, %dma_start3A_557] : memref<80x128xi32, #tpu.memory_space<vmem>> -> memref<1x128xi32, #tpu.memory_space<vmem>>
      %dma_start3A_559 = tpu.memref_squeeze %dma_start3A_558 : memref<1x128xi32, #tpu.memory_space<vmem>> -> memref<128xi32, #tpu.memory_space<vmem>>
      %dma_start3A_560 = arith.constant 0 : i32
      %dma_start3A_561 = arith.constant 0 : i32
      %dma_start3A_562 = tpu.memref_slice %arg2[%dma_start3A_560, %dma_start3A_561] : memref<10240x64xf32, #tpu.memory_space<hbm>> -> memref<10240x64xf32, #tpu.memory_space<hbm>>
      tpu.enqueue_indirect_dma source(%dma_start3A_562 : memref<10240x64xf32, #tpu.memory_space<hbm>>) target(%dma_start3A_556 : memref<128x64xf32, #tpu.memory_space<vmem>>) offsets(%dma_start3A_559 : memref<128xi32, #tpu.memory_space<vmem>>) semaphore(%arg13 : memref<!tpu.dma_semaphore, #tpu.memory_space<semaphore_mem>>)
      %add3A_563 = arith.constant 3 : i32
      %add3A_564 = arith.addi %add3A_413, %add3A_563 : i32
      %dma_wait3A_565 = arith.constant 7 : i32
      %dma_wait3A_566 = arith.constant 0 : i32
      %dma_wait3A_567 = arith.constant 0 : i32
      %dma_wait3A_568 = tpu.memref_slice %arg8[%dma_wait3A_565, %dma_wait3A_566, %dma_wait3A_567] : memref<8x128x64xf32, #tpu.memory_space<vmem>> -> memref<1x128x64xf32, #tpu.memory_space<vmem>>
      %dma_wait3A_569 = tpu.memref_squeeze %dma_wait3A_568 : memref<1x128x64xf32, #tpu.memory_space<vmem>> -> memref<128x64xf32, #tpu.memory_space<vmem>>
      %dma_wait3A_570 = arith.constant 0 : i32
      %dma_wait3A_571 = tpu.memref_slice %arg6[%add3A_564, %dma_wait3A_570] : memref<80x128xi32, #tpu.memory_space<vmem>> -> memref<1x128xi32, #tpu.memory_space<vmem>>
      %dma_wait3A_572 = tpu.memref_squeeze %dma_wait3A_571 : memref<1x128xi32, #tpu.memory_space<vmem>> -> memref<128xi32, #tpu.memory_space<vmem>>
      %dma_wait3A_573 = arith.constant 0 : i32
      %dma_wait3A_574 = arith.constant 0 : i32
      %dma_wait3A_575 = tpu.memref_slice %arg2[%dma_wait3A_573, %dma_wait3A_574] : memref<10240x64xf32, #tpu.memory_space<hbm>> -> memref<10240x64xf32, #tpu.memory_space<hbm>>
      tpu.wait_indirect_dma semaphore(%arg18 : memref<!tpu.dma_semaphore, #tpu.memory_space<semaphore_mem>>) src(%dma_wait3A_575 : memref<10240x64xf32, #tpu.memory_space<hbm>>) dst(%dma_wait3A_569 : memref<128x64xf32, #tpu.memory_space<vmem>>)
      %dma_start3A_576 = arith.constant 7 : i32
      %dma_start3A_577 = arith.constant 0 : i32
      %dma_start3A_578 = arith.constant 0 : i32
      %dma_start3A_579 = tpu.memref_slice %arg8[%dma_start3A_576, %dma_start3A_577, %dma_start3A_578] : memref<8x128x64xf32, #tpu.memory_space<vmem>> -> memref<1x128x64xf32, #tpu.memory_space<vmem>>
      %dma_start3A_580 = tpu.memref_squeeze %dma_start3A_579 : memref<1x128x64xf32, #tpu.memory_space<vmem>> -> memref<128x64xf32, #tpu.memory_space<vmem>>
      %dma_start3A_581 = arith.constant 0 : i32
      %dma_start3A_582 = tpu.memref_slice %arg7[%add3A_564, %dma_start3A_581] : memref<80x128xi32, #tpu.memory_space<vmem>> -> memref<1x128xi32, #tpu.memory_space<vmem>>
      %dma_start3A_583 = tpu.memref_squeeze %dma_start3A_582 : memref<1x128xi32, #tpu.memory_space<vmem>> -> memref<128xi32, #tpu.memory_space<vmem>>
      %dma_start3A_584 = arith.constant 0 : i32
      %dma_start3A_585 = arith.constant 0 : i32
      %dma_start3A_586 = tpu.memref_slice %arg10[%dma_start3A_584, %dma_start3A_585] : memref<10240x64xf32, #tpu.memory_space<vmem_shared>> -> memref<10240x64xf32, #tpu.memory_space<vmem_shared>>
      tpu.enqueue_indirect_dma source(%dma_start3A_580 : memref<128x64xf32, #tpu.memory_space<vmem>>) target(%dma_start3A_586 : memref<10240x64xf32, #tpu.memory_space<vmem_shared>>) offsets(%dma_start3A_583 : memref<128xi32, #tpu.memory_space<vmem>>) semaphore(%arg26 : memref<!tpu.dma_semaphore, #tpu.memory_space<semaphore_mem>>) {add = true}
      %sub3A_587 = arith.constant 4 : i32
      %sub3A_588 = arith.subi %add3A_564, %sub3A_587 : i32
      %dma_wait3A_589 = arith.constant 3 : i32
      %dma_wait3A_590 = arith.constant 0 : i32
      %dma_wait3A_591 = arith.constant 0 : i32
      %dma_wait3A_592 = tpu.memref_slice %arg8[%dma_wait3A_589, %dma_wait3A_590, %dma_wait3A_591] : memref<8x128x64xf32, #tpu.memory_space<vmem>> -> memref<1x128x64xf32, #tpu.memory_space<vmem>>
      %dma_wait3A_593 = tpu.memref_squeeze %dma_wait3A_592 : memref<1x128x64xf32, #tpu.memory_space<vmem>> -> memref<128x64xf32, #tpu.memory_space<vmem>>
      %dma_wait3A_594 = arith.constant 0 : i32
      %dma_wait3A_595 = tpu.memref_slice %arg7[%sub3A_588, %dma_wait3A_594] : memref<80x128xi32, #tpu.memory_space<vmem>> -> memref<1x128xi32, #tpu.memory_space<vmem>>
      %dma_wait3A_596 = tpu.memref_squeeze %dma_wait3A_595 : memref<1x128xi32, #tpu.memory_space<vmem>> -> memref<128xi32, #tpu.memory_space<vmem>>
      %dma_wait3A_597 = arith.constant 0 : i32
      %dma_wait3A_598 = arith.constant 0 : i32
      %dma_wait3A_599 = tpu.memref_slice %arg10[%dma_wait3A_597, %dma_wait3A_598] : memref<10240x64xf32, #tpu.memory_space<vmem_shared>> -> memref<10240x64xf32, #tpu.memory_space<vmem_shared>>
      tpu.wait_indirect_dma semaphore(%arg22 : memref<!tpu.dma_semaphore, #tpu.memory_space<semaphore_mem>>) src(%dma_wait3A_593 : memref<128x64xf32, #tpu.memory_space<vmem>>) dst(%dma_wait3A_599 : memref<10240x64xf32, #tpu.memory_space<vmem_shared>>)
      %add3A_600 = arith.constant 4 : i32
      %add3A_601 = arith.addi %add3A_564, %add3A_600 : i32
      %dma_start3A_602 = arith.constant 3 : i32
      %dma_start3A_603 = arith.constant 0 : i32
      %dma_start3A_604 = arith.constant 0 : i32
      %dma_start3A_605 = tpu.memref_slice %arg8[%dma_start3A_602, %dma_start3A_603, %dma_start3A_604] : memref<8x128x64xf32, #tpu.memory_space<vmem>> -> memref<1x128x64xf32, #tpu.memory_space<vmem>>
      %dma_start3A_606 = tpu.memref_squeeze %dma_start3A_605 : memref<1x128x64xf32, #tpu.memory_space<vmem>> -> memref<128x64xf32, #tpu.memory_space<vmem>>
      %dma_start3A_607 = arith.constant 0 : i32
      %dma_start3A_608 = tpu.memref_slice %arg6[%add3A_601, %dma_start3A_607] : memref<80x128xi32, #tpu.memory_space<vmem>> -> memref<1x128xi32, #tpu.memory_space<vmem>>
      %dma_start3A_609 = tpu.memref_squeeze %dma_start3A_608 : memref<1x128xi32, #tpu.memory_space<vmem>> -> memref<128xi32, #tpu.memory_space<vmem>>
      %dma_start3A_610 = arith.constant 0 : i32
      %dma_start3A_611 = arith.constant 0 : i32
      %dma_start3A_612 = tpu.memref_slice %arg2[%dma_start3A_610, %dma_start3A_611] : memref<10240x64xf32, #tpu.memory_space<hbm>> -> memref<10240x64xf32, #tpu.memory_space<hbm>>
      tpu.enqueue_indirect_dma source(%dma_start3A_612 : memref<10240x64xf32, #tpu.memory_space<hbm>>) target(%dma_start3A_606 : memref<128x64xf32, #tpu.memory_space<vmem>>) offsets(%dma_start3A_609 : memref<128xi32, #tpu.memory_space<vmem>>) semaphore(%arg14 : memref<!tpu.dma_semaphore, #tpu.memory_space<semaphore_mem>>)
      %add3A_613 = arith.constant 4 : i32
      %add3A_614 = arith.addi %add3A_413, %add3A_613 : i32
      %dma_wait3A_615 = arith.constant 0 : i32
      %dma_wait3A_616 = arith.constant 0 : i32
      %dma_wait3A_617 = arith.constant 0 : i32
      %dma_wait3A_618 = tpu.memref_slice %arg8[%dma_wait3A_615, %dma_wait3A_616, %dma_wait3A_617] : memref<8x128x64xf32, #tpu.memory_space<vmem>> -> memref<1x128x64xf32, #tpu.memory_space<vmem>>
      %dma_wait3A_619 = tpu.memref_squeeze %dma_wait3A_618 : memref<1x128x64xf32, #tpu.memory_space<vmem>> -> memref<128x64xf32, #tpu.memory_space<vmem>>
      %dma_wait3A_620 = arith.constant 0 : i32
      %dma_wait3A_621 = tpu.memref_slice %arg6[%add3A_614, %dma_wait3A_620] : memref<80x128xi32, #tpu.memory_space<vmem>> -> memref<1x128xi32, #tpu.memory_space<vmem>>
      %dma_wait3A_622 = tpu.memref_squeeze %dma_wait3A_621 : memref<1x128xi32, #tpu.memory_space<vmem>> -> memref<128xi32, #tpu.memory_space<vmem>>
      %dma_wait3A_623 = arith.constant 0 : i32
      %dma_wait3A_624 = arith.constant 0 : i32
      %dma_wait3A_625 = tpu.memref_slice %arg2[%dma_wait3A_623, %dma_wait3A_624] : memref<10240x64xf32, #tpu.memory_space<hbm>> -> memref<10240x64xf32, #tpu.memory_space<hbm>>
      tpu.wait_indirect_dma semaphore(%arg11 : memref<!tpu.dma_semaphore, #tpu.memory_space<semaphore_mem>>) src(%dma_wait3A_625 : memref<10240x64xf32, #tpu.memory_space<hbm>>) dst(%dma_wait3A_619 : memref<128x64xf32, #tpu.memory_space<vmem>>)
      %dma_start3A_626 = arith.constant 0 : i32
      %dma_start3A_627 = arith.constant 0 : i32
      %dma_start3A_628 = arith.constant 0 : i32
      %dma_start3A_629 = tpu.memref_slice %arg8[%dma_start3A_626, %dma_start3A_627, %dma_start3A_628] : memref<8x128x64xf32, #tpu.memory_space<vmem>> -> memref<1x128x64xf32, #tpu.memory_space<vmem>>
      %dma_start3A_630 = tpu.memref_squeeze %dma_start3A_629 : memref<1x128x64xf32, #tpu.memory_space<vmem>> -> memref<128x64xf32, #tpu.memory_space<vmem>>
      %dma_start3A_631 = arith.constant 0 : i32
      %dma_start3A_632 = tpu.memref_slice %arg7[%add3A_614, %dma_start3A_631] : memref<80x128xi32, #tpu.memory_space<vmem>> -> memref<1x128xi32, #tpu.memory_space<vmem>>
      %dma_start3A_633 = tpu.memref_squeeze %dma_start3A_632 : memref<1x128xi32, #tpu.memory_space<vmem>> -> memref<128xi32, #tpu.memory_space<vmem>>
      %dma_start3A_634 = arith.constant 0 : i32
      %dma_start3A_635 = arith.constant 0 : i32
      %dma_start3A_636 = tpu.memref_slice %arg10[%dma_start3A_634, %dma_start3A_635] : memref<10240x64xf32, #tpu.memory_space<vmem_shared>> -> memref<10240x64xf32, #tpu.memory_space<vmem_shared>>
      tpu.enqueue_indirect_dma source(%dma_start3A_630 : memref<128x64xf32, #tpu.memory_space<vmem>>) target(%dma_start3A_636 : memref<10240x64xf32, #tpu.memory_space<vmem_shared>>) offsets(%dma_start3A_633 : memref<128xi32, #tpu.memory_space<vmem>>) semaphore(%arg19 : memref<!tpu.dma_semaphore, #tpu.memory_space<semaphore_mem>>) {add = true}
      %sub3A_637 = arith.constant 4 : i32
      %sub3A_638 = arith.subi %add3A_614, %sub3A_637 : i32
      %dma_wait3A_639 = arith.constant 4 : i32
      %dma_wait3A_640 = arith.constant 0 : i32
      %dma_wait3A_641 = arith.constant 0 : i32
      %dma_wait3A_642 = tpu.memref_slice %arg8[%dma_wait3A_639, %dma_wait3A_640, %dma_wait3A_641] : memref<8x128x64xf32, #tpu.memory_space<vmem>> -> memref<1x128x64xf32, #tpu.memory_space<vmem>>
      %dma_wait3A_643 = tpu.memref_squeeze %dma_wait3A_642 : memref<1x128x64xf32, #tpu.memory_space<vmem>> -> memref<128x64xf32, #tpu.memory_space<vmem>>
      %dma_wait3A_644 = arith.constant 0 : i32
      %dma_wait3A_645 = tpu.memref_slice %arg7[%sub3A_638, %dma_wait3A_644] : memref<80x128xi32, #tpu.memory_space<vmem>> -> memref<1x128xi32, #tpu.memory_space<vmem>>
      %dma_wait3A_646 = tpu.memref_squeeze %dma_wait3A_645 : memref<1x128xi32, #tpu.memory_space<vmem>> -> memref<128xi32, #tpu.memory_space<vmem>>
      %dma_wait3A_647 = arith.constant 0 : i32
      %dma_wait3A_648 = arith.constant 0 : i32
      %dma_wait3A_649 = tpu.memref_slice %arg10[%dma_wait3A_647, %dma_wait3A_648] : memref<10240x64xf32, #tpu.memory_space<vmem_shared>> -> memref<10240x64xf32, #tpu.memory_space<vmem_shared>>
      tpu.wait_indirect_dma semaphore(%arg23 : memref<!tpu.dma_semaphore, #tpu.memory_space<semaphore_mem>>) src(%dma_wait3A_643 : memref<128x64xf32, #tpu.memory_space<vmem>>) dst(%dma_wait3A_649 : memref<10240x64xf32, #tpu.memory_space<vmem_shared>>)
      %add3A_650 = arith.constant 4 : i32
      %add3A_651 = arith.addi %add3A_614, %add3A_650 : i32
      %dma_start3A_652 = arith.constant 4 : i32
      %dma_start3A_653 = arith.constant 0 : i32
      %dma_start3A_654 = arith.constant 0 : i32
      %dma_start3A_655 = tpu.memref_slice %arg8[%dma_start3A_652, %dma_start3A_653, %dma_start3A_654] : memref<8x128x64xf32, #tpu.memory_space<vmem>> -> memref<1x128x64xf32, #tpu.memory_space<vmem>>
      %dma_start3A_656 = tpu.memref_squeeze %dma_start3A_655 : memref<1x128x64xf32, #tpu.memory_space<vmem>> -> memref<128x64xf32, #tpu.memory_space<vmem>>
      %dma_start3A_657 = arith.constant 0 : i32
      %dma_start3A_658 = tpu.memref_slice %arg6[%add3A_651, %dma_start3A_657] : memref<80x128xi32, #tpu.memory_space<vmem>> -> memref<1x128xi32, #tpu.memory_space<vmem>>
      %dma_start3A_659 = tpu.memref_squeeze %dma_start3A_658 : memref<1x128xi32, #tpu.memory_space<vmem>> -> memref<128xi32, #tpu.memory_space<vmem>>
      %dma_start3A_660 = arith.constant 0 : i32
      %dma_start3A_661 = arith.constant 0 : i32
      %dma_start3A_662 = tpu.memref_slice %arg2[%dma_start3A_660, %dma_start3A_661] : memref<10240x64xf32, #tpu.memory_space<hbm>> -> memref<10240x64xf32, #tpu.memory_space<hbm>>
      tpu.enqueue_indirect_dma source(%dma_start3A_662 : memref<10240x64xf32, #tpu.memory_space<hbm>>) target(%dma_start3A_656 : memref<128x64xf32, #tpu.memory_space<vmem>>) offsets(%dma_start3A_659 : memref<128xi32, #tpu.memory_space<vmem>>) semaphore(%arg15 : memref<!tpu.dma_semaphore, #tpu.memory_space<semaphore_mem>>)
      %add3A_663 = arith.constant 5 : i32
      %add3A_664 = arith.addi %add3A_413, %add3A_663 : i32
      %dma_wait3A_665 = arith.constant 1 : i32
      %dma_wait3A_666 = arith.constant 0 : i32
      %dma_wait3A_667 = arith.constant 0 : i32
      %dma_wait3A_668 = tpu.memref_slice %arg8[%dma_wait3A_665, %dma_wait3A_666, %dma_wait3A_667] : memref<8x128x64xf32, #tpu.memory_space<vmem>> -> memref<1x128x64xf32, #tpu.memory_space<vmem>>
      %dma_wait3A_669 = tpu.memref_squeeze %dma_wait3A_668 : memref<1x128x64xf32, #tpu.memory_space<vmem>> -> memref<128x64xf32, #tpu.memory_space<vmem>>
      %dma_wait3A_670 = arith.constant 0 : i32
      %dma_wait3A_671 = tpu.memref_slice %arg6[%add3A_664, %dma_wait3A_670] : memref<80x128xi32, #tpu.memory_space<vmem>> -> memref<1x128xi32, #tpu.memory_space<vmem>>
      %dma_wait3A_672 = tpu.memref_squeeze %dma_wait3A_671 : memref<1x128xi32, #tpu.memory_space<vmem>> -> memref<128xi32, #tpu.memory_space<vmem>>
      %dma_wait3A_673 = arith.constant 0 : i32
      %dma_wait3A_674 = arith.constant 0 : i32
      %dma_wait3A_675 = tpu.memref_slice %arg2[%dma_wait3A_673, %dma_wait3A_674] : memref<10240x64xf32, #tpu.memory_space<hbm>> -> memref<10240x64xf32, #tpu.memory_space<hbm>>
      tpu.wait_indirect_dma semaphore(%arg12 : memref<!tpu.dma_semaphore, #tpu.memory_space<semaphore_mem>>) src(%dma_wait3A_675 : memref<10240x64xf32, #tpu.memory_space<hbm>>) dst(%dma_wait3A_669 : memref<128x64xf32, #tpu.memory_space<vmem>>)
      %dma_start3A_676 = arith.constant 1 : i32
      %dma_start3A_677 = arith.constant 0 : i32
      %dma_start3A_678 = arith.constant 0 : i32
      %dma_start3A_679 = tpu.memref_slice %arg8[%dma_start3A_676, %dma_start3A_677, %dma_start3A_678] : memref<8x128x64xf32, #tpu.memory_space<vmem>> -> memref<1x128x64xf32, #tpu.memory_space<vmem>>
      %dma_start3A_680 = tpu.memref_squeeze %dma_start3A_679 : memref<1x128x64xf32, #tpu.memory_space<vmem>> -> memref<128x64xf32, #tpu.memory_space<vmem>>
      %dma_start3A_681 = arith.constant 0 : i32
      %dma_start3A_682 = tpu.memref_slice %arg7[%add3A_664, %dma_start3A_681] : memref<80x128xi32, #tpu.memory_space<vmem>> -> memref<1x128xi32, #tpu.memory_space<vmem>>
      %dma_start3A_683 = tpu.memref_squeeze %dma_start3A_682 : memref<1x128xi32, #tpu.memory_space<vmem>> -> memref<128xi32, #tpu.memory_space<vmem>>
      %dma_start3A_684 = arith.constant 0 : i32
      %dma_start3A_685 = arith.constant 0 : i32
      %dma_start3A_686 = tpu.memref_slice %arg10[%dma_start3A_684, %dma_start3A_685] : memref<10240x64xf32, #tpu.memory_space<vmem_shared>> -> memref<10240x64xf32, #tpu.memory_space<vmem_shared>>
      tpu.enqueue_indirect_dma source(%dma_start3A_680 : memref<128x64xf32, #tpu.memory_space<vmem>>) target(%dma_start3A_686 : memref<10240x64xf32, #tpu.memory_space<vmem_shared>>) offsets(%dma_start3A_683 : memref<128xi32, #tpu.memory_space<vmem>>) semaphore(%arg20 : memref<!tpu.dma_semaphore, #tpu.memory_space<semaphore_mem>>) {add = true}
      %sub3A_687 = arith.constant 4 : i32
      %sub3A_688 = arith.subi %add3A_664, %sub3A_687 : i32
      %dma_wait3A_689 = arith.constant 5 : i32
      %dma_wait3A_690 = arith.constant 0 : i32
      %dma_wait3A_691 = arith.constant 0 : i32
      %dma_wait3A_692 = tpu.memref_slice %arg8[%dma_wait3A_689, %dma_wait3A_690, %dma_wait3A_691] : memref<8x128x64xf32, #tpu.memory_space<vmem>> -> memref<1x128x64xf32, #tpu.memory_space<vmem>>
      %dma_wait3A_693 = tpu.memref_squeeze %dma_wait3A_692 : memref<1x128x64xf32, #tpu.memory_space<vmem>> -> memref<128x64xf32, #tpu.memory_space<vmem>>
      %dma_wait3A_694 = arith.constant 0 : i32
      %dma_wait3A_695 = tpu.memref_slice %arg7[%sub3A_688, %dma_wait3A_694] : memref<80x128xi32, #tpu.memory_space<vmem>> -> memref<1x128xi32, #tpu.memory_space<vmem>>
      %dma_wait3A_696 = tpu.memref_squeeze %dma_wait3A_695 : memref<1x128xi32, #tpu.memory_space<vmem>> -> memref<128xi32, #tpu.memory_space<vmem>>
      %dma_wait3A_697 = arith.constant 0 : i32
      %dma_wait3A_698 = arith.constant 0 : i32
      %dma_wait3A_699 = tpu.memref_slice %arg10[%dma_wait3A_697, %dma_wait3A_698] : memref<10240x64xf32, #tpu.memory_space<vmem_shared>> -> memref<10240x64xf32, #tpu.memory_space<vmem_shared>>
      tpu.wait_indirect_dma semaphore(%arg24 : memref<!tpu.dma_semaphore, #tpu.memory_space<semaphore_mem>>) src(%dma_wait3A_693 : memref<128x64xf32, #tpu.memory_space<vmem>>) dst(%dma_wait3A_699 : memref<10240x64xf32, #tpu.memory_space<vmem_shared>>)
      %add3A_700 = arith.constant 4 : i32
      %add3A_701 = arith.addi %add3A_664, %add3A_700 : i32
      %dma_start3A_702 = arith.constant 5 : i32
      %dma_start3A_703 = arith.constant 0 : i32
      %dma_start3A_704 = arith.constant 0 : i32
      %dma_start3A_705 = tpu.memref_slice %arg8[%dma_start3A_702, %dma_start3A_703, %dma_start3A_704] : memref<8x128x64xf32, #tpu.memory_space<vmem>> -> memref<1x128x64xf32, #tpu.memory_space<vmem>>
      %dma_start3A_706 = tpu.memref_squeeze %dma_start3A_705 : memref<1x128x64xf32, #tpu.memory_space<vmem>> -> memref<128x64xf32, #tpu.memory_space<vmem>>
      %dma_start3A_707 = arith.constant 0 : i32
      %dma_start3A_708 = tpu.memref_slice %arg6[%add3A_701, %dma_start3A_707] : memref<80x128xi32, #tpu.memory_space<vmem>> -> memref<1x128xi32, #tpu.memory_space<vmem>>
      %dma_start3A_709 = tpu.memref_squeeze %dma_start3A_708 : memref<1x128xi32, #tpu.memory_space<vmem>> -> memref<128xi32, #tpu.memory_space<vmem>>
      %dma_start3A_710 = arith.constant 0 : i32
      %dma_start3A_711 = arith.constant 0 : i32
      %dma_start3A_712 = tpu.memref_slice %arg2[%dma_start3A_710, %dma_start3A_711] : memref<10240x64xf32, #tpu.memory_space<hbm>> -> memref<10240x64xf32, #tpu.memory_space<hbm>>
      tpu.enqueue_indirect_dma source(%dma_start3A_712 : memref<10240x64xf32, #tpu.memory_space<hbm>>) target(%dma_start3A_706 : memref<128x64xf32, #tpu.memory_space<vmem>>) offsets(%dma_start3A_709 : memref<128xi32, #tpu.memory_space<vmem>>) semaphore(%arg16 : memref<!tpu.dma_semaphore, #tpu.memory_space<semaphore_mem>>)
      %add3A_713 = arith.constant 6 : i32
      %add3A_714 = arith.addi %add3A_413, %add3A_713 : i32
      %dma_wait3A_715 = arith.constant 2 : i32
      %dma_wait3A_716 = arith.constant 0 : i32
      %dma_wait3A_717 = arith.constant 0 : i32
      %dma_wait3A_718 = tpu.memref_slice %arg8[%dma_wait3A_715, %dma_wait3A_716, %dma_wait3A_717] : memref<8x128x64xf32, #tpu.memory_space<vmem>> -> memref<1x128x64xf32, #tpu.memory_space<vmem>>
      %dma_wait3A_719 = tpu.memref_squeeze %dma_wait3A_718 : memref<1x128x64xf32, #tpu.memory_space<vmem>> -> memref<128x64xf32, #tpu.memory_space<vmem>>
      %dma_wait3A_720 = arith.constant 0 : i32
      %dma_wait3A_721 = tpu.memref_slice %arg6[%add3A_714, %dma_wait3A_720] : memref<80x128xi32, #tpu.memory_space<vmem>> -> memref<1x128xi32, #tpu.memory_space<vmem>>
      %dma_wait3A_722 = tpu.memref_squeeze %dma_wait3A_721 : memref<1x128xi32, #tpu.memory_space<vmem>> -> memref<128xi32, #tpu.memory_space<vmem>>
      %dma_wait3A_723 = arith.constant 0 : i32
      %dma_wait3A_724 = arith.constant 0 : i32
      %dma_wait3A_725 = tpu.memref_slice %arg2[%dma_wait3A_723, %dma_wait3A_724] : memref<10240x64xf32, #tpu.memory_space<hbm>> -> memref<10240x64xf32, #tpu.memory_space<hbm>>
      tpu.wait_indirect_dma semaphore(%arg13 : memref<!tpu.dma_semaphore, #tpu.memory_space<semaphore_mem>>) src(%dma_wait3A_725 : memref<10240x64xf32, #tpu.memory_space<hbm>>) dst(%dma_wait3A_719 : memref<128x64xf32, #tpu.memory_space<vmem>>)
      %dma_start3A_726 = arith.constant 2 : i32
      %dma_start3A_727 = arith.constant 0 : i32
      %dma_start3A_728 = arith.constant 0 : i32
      %dma_start3A_729 = tpu.memref_slice %arg8[%dma_start3A_726, %dma_start3A_727, %dma_start3A_728] : memref<8x128x64xf32, #tpu.memory_space<vmem>> -> memref<1x128x64xf32, #tpu.memory_space<vmem>>
      %dma_start3A_730 = tpu.memref_squeeze %dma_start3A_729 : memref<1x128x64xf32, #tpu.memory_space<vmem>> -> memref<128x64xf32, #tpu.memory_space<vmem>>
      %dma_start3A_731 = arith.constant 0 : i32
      %dma_start3A_732 = tpu.memref_slice %arg7[%add3A_714, %dma_start3A_731] : memref<80x128xi32, #tpu.memory_space<vmem>> -> memref<1x128xi32, #tpu.memory_space<vmem>>
      %dma_start3A_733 = tpu.memref_squeeze %dma_start3A_732 : memref<1x128xi32, #tpu.memory_space<vmem>> -> memref<128xi32, #tpu.memory_space<vmem>>
      %dma_start3A_734 = arith.constant 0 : i32
      %dma_start3A_735 = arith.constant 0 : i32
      %dma_start3A_736 = tpu.memref_slice %arg10[%dma_start3A_734, %dma_start3A_735] : memref<10240x64xf32, #tpu.memory_space<vmem_shared>> -> memref<10240x64xf32, #tpu.memory_space<vmem_shared>>
      tpu.enqueue_indirect_dma source(%dma_start3A_730 : memref<128x64xf32, #tpu.memory_space<vmem>>) target(%dma_start3A_736 : memref<10240x64xf32, #tpu.memory_space<vmem_shared>>) offsets(%dma_start3A_733 : memref<128xi32, #tpu.memory_space<vmem>>) semaphore(%arg21 : memref<!tpu.dma_semaphore, #tpu.memory_space<semaphore_mem>>) {add = true}
      %sub3A_737 = arith.constant 4 : i32
      %sub3A_738 = arith.subi %add3A_714, %sub3A_737 : i32
      %dma_wait3A_739 = arith.constant 6 : i32
      %dma_wait3A_740 = arith.constant 0 : i32
      %dma_wait3A_741 = arith.constant 0 : i32
      %dma_wait3A_742 = tpu.memref_slice %arg8[%dma_wait3A_739, %dma_wait3A_740, %dma_wait3A_741] : memref<8x128x64xf32, #tpu.memory_space<vmem>> -> memref<1x128x64xf32, #tpu.memory_space<vmem>>
      %dma_wait3A_743 = tpu.memref_squeeze %dma_wait3A_742 : memref<1x128x64xf32, #tpu.memory_space<vmem>> -> memref<128x64xf32, #tpu.memory_space<vmem>>
      %dma_wait3A_744 = arith.constant 0 : i32
      %dma_wait3A_745 = tpu.memref_slice %arg7[%sub3A_738, %dma_wait3A_744] : memref<80x128xi32, #tpu.memory_space<vmem>> -> memref<1x128xi32, #tpu.memory_space<vmem>>
      %dma_wait3A_746 = tpu.memref_squeeze %dma_wait3A_745 : memref<1x128xi32, #tpu.memory_space<vmem>> -> memref<128xi32, #tpu.memory_space<vmem>>
      %dma_wait3A_747 = arith.constant 0 : i32
      %dma_wait3A_748 = arith.constant 0 : i32
      %dma_wait3A_749 = tpu.memref_slice %arg10[%dma_wait3A_747, %dma_wait3A_748] : memref<10240x64xf32, #tpu.memory_space<vmem_shared>> -> memref<10240x64xf32, #tpu.memory_space<vmem_shared>>
      tpu.wait_indirect_dma semaphore(%arg25 : memref<!tpu.dma_semaphore, #tpu.memory_space<semaphore_mem>>) src(%dma_wait3A_743 : memref<128x64xf32, #tpu.memory_space<vmem>>) dst(%dma_wait3A_749 : memref<10240x64xf32, #tpu.memory_space<vmem_shared>>)
      %add3A_750 = arith.constant 4 : i32
      %add3A_751 = arith.addi %add3A_714, %add3A_750 : i32
      %dma_start3A_752 = arith.constant 6 : i32
      %dma_start3A_753 = arith.constant 0 : i32
      %dma_start3A_754 = arith.constant 0 : i32
      %dma_start3A_755 = tpu.memref_slice %arg8[%dma_start3A_752, %dma_start3A_753, %dma_start3A_754] : memref<8x128x64xf32, #tpu.memory_space<vmem>> -> memref<1x128x64xf32, #tpu.memory_space<vmem>>
      %dma_start3A_756 = tpu.memref_squeeze %dma_start3A_755 : memref<1x128x64xf32, #tpu.memory_space<vmem>> -> memref<128x64xf32, #tpu.memory_space<vmem>>
      %dma_start3A_757 = arith.constant 0 : i32
      %dma_start3A_758 = tpu.memref_slice %arg6[%add3A_751, %dma_start3A_757] : memref<80x128xi32, #tpu.memory_space<vmem>> -> memref<1x128xi32, #tpu.memory_space<vmem>>
      %dma_start3A_759 = tpu.memref_squeeze %dma_start3A_758 : memref<1x128xi32, #tpu.memory_space<vmem>> -> memref<128xi32, #tpu.memory_space<vmem>>
      %dma_start3A_760 = arith.constant 0 : i32
      %dma_start3A_761 = arith.constant 0 : i32
      %dma_start3A_762 = tpu.memref_slice %arg2[%dma_start3A_760, %dma_start3A_761] : memref<10240x64xf32, #tpu.memory_space<hbm>> -> memref<10240x64xf32, #tpu.memory_space<hbm>>
      tpu.enqueue_indirect_dma source(%dma_start3A_762 : memref<10240x64xf32, #tpu.memory_space<hbm>>) target(%dma_start3A_756 : memref<128x64xf32, #tpu.memory_space<vmem>>) offsets(%dma_start3A_759 : memref<128xi32, #tpu.memory_space<vmem>>) semaphore(%arg17 : memref<!tpu.dma_semaphore, #tpu.memory_space<semaphore_mem>>)
      %add3A_763 = arith.constant 7 : i32
      %add3A_764 = arith.addi %add3A_413, %add3A_763 : i32
      %dma_wait3A_765 = arith.constant 3 : i32
      %dma_wait3A_766 = arith.constant 0 : i32
      %dma_wait3A_767 = arith.constant 0 : i32
      %dma_wait3A_768 = tpu.memref_slice %arg8[%dma_wait3A_765, %dma_wait3A_766, %dma_wait3A_767] : memref<8x128x64xf32, #tpu.memory_space<vmem>> -> memref<1x128x64xf32, #tpu.memory_space<vmem>>
      %dma_wait3A_769 = tpu.memref_squeeze %dma_wait3A_768 : memref<1x128x64xf32, #tpu.memory_space<vmem>> -> memref<128x64xf32, #tpu.memory_space<vmem>>
      %dma_wait3A_770 = arith.constant 0 : i32
      %dma_wait3A_771 = tpu.memref_slice %arg6[%add3A_764, %dma_wait3A_770] : memref<80x128xi32, #tpu.memory_space<vmem>> -> memref<1x128xi32, #tpu.memory_space<vmem>>
      %dma_wait3A_772 = tpu.memref_squeeze %dma_wait3A_771 : memref<1x128xi32, #tpu.memory_space<vmem>> -> memref<128xi32, #tpu.memory_space<vmem>>
      %dma_wait3A_773 = arith.constant 0 : i32
      %dma_wait3A_774 = arith.constant 0 : i32
      %dma_wait3A_775 = tpu.memref_slice %arg2[%dma_wait3A_773, %dma_wait3A_774] : memref<10240x64xf32, #tpu.memory_space<hbm>> -> memref<10240x64xf32, #tpu.memory_space<hbm>>
      tpu.wait_indirect_dma semaphore(%arg14 : memref<!tpu.dma_semaphore, #tpu.memory_space<semaphore_mem>>) src(%dma_wait3A_775 : memref<10240x64xf32, #tpu.memory_space<hbm>>) dst(%dma_wait3A_769 : memref<128x64xf32, #tpu.memory_space<vmem>>)
      %dma_start3A_776 = arith.constant 3 : i32
      %dma_start3A_777 = arith.constant 0 : i32
      %dma_start3A_778 = arith.constant 0 : i32
      %dma_start3A_779 = tpu.memref_slice %arg8[%dma_start3A_776, %dma_start3A_777, %dma_start3A_778] : memref<8x128x64xf32, #tpu.memory_space<vmem>> -> memref<1x128x64xf32, #tpu.memory_space<vmem>>
      %dma_start3A_780 = tpu.memref_squeeze %dma_start3A_779 : memref<1x128x64xf32, #tpu.memory_space<vmem>> -> memref<128x64xf32, #tpu.memory_space<vmem>>
      %dma_start3A_781 = arith.constant 0 : i32
      %dma_start3A_782 = tpu.memref_slice %arg7[%add3A_764, %dma_start3A_781] : memref<80x128xi32, #tpu.memory_space<vmem>> -> memref<1x128xi32, #tpu.memory_space<vmem>>
      %dma_start3A_783 = tpu.memref_squeeze %dma_start3A_782 : memref<1x128xi32, #tpu.memory_space<vmem>> -> memref<128xi32, #tpu.memory_space<vmem>>
      %dma_start3A_784 = arith.constant 0 : i32
      %dma_start3A_785 = arith.constant 0 : i32
      %dma_start3A_786 = tpu.memref_slice %arg10[%dma_start3A_784, %dma_start3A_785] : memref<10240x64xf32, #tpu.memory_space<vmem_shared>> -> memref<10240x64xf32, #tpu.memory_space<vmem_shared>>
      tpu.enqueue_indirect_dma source(%dma_start3A_780 : memref<128x64xf32, #tpu.memory_space<vmem>>) target(%dma_start3A_786 : memref<10240x64xf32, #tpu.memory_space<vmem_shared>>) offsets(%dma_start3A_783 : memref<128xi32, #tpu.memory_space<vmem>>) semaphore(%arg22 : memref<!tpu.dma_semaphore, #tpu.memory_space<semaphore_mem>>) {add = true}
      %sub3A_787 = arith.constant 4 : i32
      %sub3A_788 = arith.subi %add3A_764, %sub3A_787 : i32
      %dma_wait3A_789 = arith.constant 7 : i32
      %dma_wait3A_790 = arith.constant 0 : i32
      %dma_wait3A_791 = arith.constant 0 : i32
      %dma_wait3A_792 = tpu.memref_slice %arg8[%dma_wait3A_789, %dma_wait3A_790, %dma_wait3A_791] : memref<8x128x64xf32, #tpu.memory_space<vmem>> -> memref<1x128x64xf32, #tpu.memory_space<vmem>>
      %dma_wait3A_793 = tpu.memref_squeeze %dma_wait3A_792 : memref<1x128x64xf32, #tpu.memory_space<vmem>> -> memref<128x64xf32, #tpu.memory_space<vmem>>
      %dma_wait3A_794 = arith.constant 0 : i32
      %dma_wait3A_795 = tpu.memref_slice %arg7[%sub3A_788, %dma_wait3A_794] : memref<80x128xi32, #tpu.memory_space<vmem>> -> memref<1x128xi32, #tpu.memory_space<vmem>>
      %dma_wait3A_796 = tpu.memref_squeeze %dma_wait3A_795 : memref<1x128xi32, #tpu.memory_space<vmem>> -> memref<128xi32, #tpu.memory_space<vmem>>
      %dma_wait3A_797 = arith.constant 0 : i32
      %dma_wait3A_798 = arith.constant 0 : i32
      %dma_wait3A_799 = tpu.memref_slice %arg10[%dma_wait3A_797, %dma_wait3A_798] : memref<10240x64xf32, #tpu.memory_space<vmem_shared>> -> memref<10240x64xf32, #tpu.memory_space<vmem_shared>>
      tpu.wait_indirect_dma semaphore(%arg26 : memref<!tpu.dma_semaphore, #tpu.memory_space<semaphore_mem>>) src(%dma_wait3A_793 : memref<128x64xf32, #tpu.memory_space<vmem>>) dst(%dma_wait3A_799 : memref<10240x64xf32, #tpu.memory_space<vmem_shared>>)
      %add3A_800 = arith.constant 4 : i32
      %add3A_801 = arith.addi %add3A_764, %add3A_800 : i32
      %dma_start3A_802 = arith.constant 7 : i32
      %dma_start3A_803 = arith.constant 0 : i32
      %dma_start3A_804 = arith.constant 0 : i32
      %dma_start3A_805 = tpu.memref_slice %arg8[%dma_start3A_802, %dma_start3A_803, %dma_start3A_804] : memref<8x128x64xf32, #tpu.memory_space<vmem>> -> memref<1x128x64xf32, #tpu.memory_space<vmem>>
      %dma_start3A_806 = tpu.memref_squeeze %dma_start3A_805 : memref<1x128x64xf32, #tpu.memory_space<vmem>> -> memref<128x64xf32, #tpu.memory_space<vmem>>
      %dma_start3A_807 = arith.constant 0 : i32
      %dma_start3A_808 = tpu.memref_slice %arg6[%add3A_801, %dma_start3A_807] : memref<80x128xi32, #tpu.memory_space<vmem>> -> memref<1x128xi32, #tpu.memory_space<vmem>>
      %dma_start3A_809 = tpu.memref_squeeze %dma_start3A_808 : memref<1x128xi32, #tpu.memory_space<vmem>> -> memref<128xi32, #tpu.memory_space<vmem>>
      %dma_start3A_810 = arith.constant 0 : i32
      %dma_start3A_811 = arith.constant 0 : i32
      %dma_start3A_812 = tpu.memref_slice %arg2[%dma_start3A_810, %dma_start3A_811] : memref<10240x64xf32, #tpu.memory_space<hbm>> -> memref<10240x64xf32, #tpu.memory_space<hbm>>
      tpu.enqueue_indirect_dma source(%dma_start3A_812 : memref<10240x64xf32, #tpu.memory_space<hbm>>) target(%dma_start3A_806 : memref<128x64xf32, #tpu.memory_space<vmem>>) offsets(%dma_start3A_809 : memref<128xi32, #tpu.memory_space<vmem>>) semaphore(%arg18 : memref<!tpu.dma_semaphore, #tpu.memory_space<semaphore_mem>>)
    }
    %scan3A_211 = arith.constant 9 : i32
    %dma_wait3A_212 = arith.constant 76 : i32
    %dma_wait3A_213 = arith.constant 4 : i32
    %dma_wait3A_214 = arith.constant 0 : i32
    %dma_wait3A_215 = arith.constant 0 : i32
    %dma_wait3A_216 = tpu.memref_slice %arg8[%dma_wait3A_213, %dma_wait3A_214, %dma_wait3A_215] : memref<8x128x64xf32, #tpu.memory_space<vmem>> -> memref<1x128x64xf32, #tpu.memory_space<vmem>>
    %dma_wait3A_217 = tpu.memref_squeeze %dma_wait3A_216 : memref<1x128x64xf32, #tpu.memory_space<vmem>> -> memref<128x64xf32, #tpu.memory_space<vmem>>
    %dma_wait3A_218 = arith.constant 0 : i32
    %dma_wait3A_219 = tpu.memref_slice %arg6[%dma_wait3A_212, %dma_wait3A_218] : memref<80x128xi32, #tpu.memory_space<vmem>> -> memref<1x128xi32, #tpu.memory_space<vmem>>
    %dma_wait3A_220 = tpu.memref_squeeze %dma_wait3A_219 : memref<1x128xi32, #tpu.memory_space<vmem>> -> memref<128xi32, #tpu.memory_space<vmem>>
    %dma_wait3A_221 = arith.constant 0 : i32
    %dma_wait3A_222 = arith.constant 0 : i32
    %dma_wait3A_223 = tpu.memref_slice %arg2[%dma_wait3A_221, %dma_wait3A_222] : memref<10240x64xf32, #tpu.memory_space<hbm>> -> memref<10240x64xf32, #tpu.memory_space<hbm>>
    tpu.wait_indirect_dma semaphore(%arg15 : memref<!tpu.dma_semaphore, #tpu.memory_space<semaphore_mem>>) src(%dma_wait3A_223 : memref<10240x64xf32, #tpu.memory_space<hbm>>) dst(%dma_wait3A_217 : memref<128x64xf32, #tpu.memory_space<vmem>>)
    %dma_start3A_224 = arith.constant 4 : i32
    %dma_start3A_225 = arith.constant 76 : i32
    %dma_start3A_226 = arith.constant 0 : i32
    %dma_start3A_227 = arith.constant 0 : i32
    %dma_start3A_228 = tpu.memref_slice %arg8[%dma_start3A_224, %dma_start3A_226, %dma_start3A_227] : memref<8x128x64xf32, #tpu.memory_space<vmem>> -> memref<1x128x64xf32, #tpu.memory_space<vmem>>
    %dma_start3A_229 = tpu.memref_squeeze %dma_start3A_228 : memref<1x128x64xf32, #tpu.memory_space<vmem>> -> memref<128x64xf32, #tpu.memory_space<vmem>>
    %dma_start3A_230 = arith.constant 0 : i32
    %dma_start3A_231 = tpu.memref_slice %arg7[%dma_start3A_225, %dma_start3A_230] : memref<80x128xi32, #tpu.memory_space<vmem>> -> memref<1x128xi32, #tpu.memory_space<vmem>>
    %dma_start3A_232 = tpu.memref_squeeze %dma_start3A_231 : memref<1x128xi32, #tpu.memory_space<vmem>> -> memref<128xi32, #tpu.memory_space<vmem>>
    %dma_start3A_233 = arith.constant 0 : i32
    %dma_start3A_234 = arith.constant 0 : i32
    %dma_start3A_235 = tpu.memref_slice %arg10[%dma_start3A_233, %dma_start3A_234] : memref<10240x64xf32, #tpu.memory_space<vmem_shared>> -> memref<10240x64xf32, #tpu.memory_space<vmem_shared>>
    tpu.enqueue_indirect_dma source(%dma_start3A_229 : memref<128x64xf32, #tpu.memory_space<vmem>>) target(%dma_start3A_235 : memref<10240x64xf32, #tpu.memory_space<vmem_shared>>) offsets(%dma_start3A_232 : memref<128xi32, #tpu.memory_space<vmem>>) semaphore(%arg23 : memref<!tpu.dma_semaphore, #tpu.memory_space<semaphore_mem>>) {add = true}
    %dma_wait3A_236 = arith.constant 0 : i32
    %dma_wait3A_237 = arith.constant 72 : i32
    %dma_wait3A_238 = arith.constant 0 : i32
    %dma_wait3A_239 = arith.constant 0 : i32
    %dma_wait3A_240 = tpu.memref_slice %arg8[%dma_wait3A_236, %dma_wait3A_238, %dma_wait3A_239] : memref<8x128x64xf32, #tpu.memory_space<vmem>> -> memref<1x128x64xf32, #tpu.memory_space<vmem>>
    %dma_wait3A_241 = tpu.memref_squeeze %dma_wait3A_240 : memref<1x128x64xf32, #tpu.memory_space<vmem>> -> memref<128x64xf32, #tpu.memory_space<vmem>>
    %dma_wait3A_242 = arith.constant 0 : i32
    %dma_wait3A_243 = tpu.memref_slice %arg7[%dma_wait3A_237, %dma_wait3A_242] : memref<80x128xi32, #tpu.memory_space<vmem>> -> memref<1x128xi32, #tpu.memory_space<vmem>>
    %dma_wait3A_244 = tpu.memref_squeeze %dma_wait3A_243 : memref<1x128xi32, #tpu.memory_space<vmem>> -> memref<128xi32, #tpu.memory_space<vmem>>
    %dma_wait3A_245 = arith.constant 0 : i32
    %dma_wait3A_246 = arith.constant 0 : i32
    %dma_wait3A_247 = tpu.memref_slice %arg10[%dma_wait3A_245, %dma_wait3A_246] : memref<10240x64xf32, #tpu.memory_space<vmem_shared>> -> memref<10240x64xf32, #tpu.memory_space<vmem_shared>>
    tpu.wait_indirect_dma semaphore(%arg19 : memref<!tpu.dma_semaphore, #tpu.memory_space<semaphore_mem>>) src(%dma_wait3A_241 : memref<128x64xf32, #tpu.memory_space<vmem>>) dst(%dma_wait3A_247 : memref<10240x64xf32, #tpu.memory_space<vmem_shared>>)
    %dma_wait3A_248 = arith.constant 77 : i32
    %dma_wait3A_249 = arith.constant 5 : i32
    %dma_wait3A_250 = arith.constant 0 : i32
    %dma_wait3A_251 = arith.constant 0 : i32
    %dma_wait3A_252 = tpu.memref_slice %arg8[%dma_wait3A_249, %dma_wait3A_250, %dma_wait3A_251] : memref<8x128x64xf32, #tpu.memory_space<vmem>> -> memref<1x128x64xf32, #tpu.memory_space<vmem>>
    %dma_wait3A_253 = tpu.memref_squeeze %dma_wait3A_252 : memref<1x128x64xf32, #tpu.memory_space<vmem>> -> memref<128x64xf32, #tpu.memory_space<vmem>>
    %dma_wait3A_254 = arith.constant 0 : i32
    %dma_wait3A_255 = tpu.memref_slice %arg6[%dma_wait3A_248, %dma_wait3A_254] : memref<80x128xi32, #tpu.memory_space<vmem>> -> memref<1x128xi32, #tpu.memory_space<vmem>>
    %dma_wait3A_256 = tpu.memref_squeeze %dma_wait3A_255 : memref<1x128xi32, #tpu.memory_space<vmem>> -> memref<128xi32, #tpu.memory_space<vmem>>
    %dma_wait3A_257 = arith.constant 0 : i32
    %dma_wait3A_258 = arith.constant 0 : i32
    %dma_wait3A_259 = tpu.memref_slice %arg2[%dma_wait3A_257, %dma_wait3A_258] : memref<10240x64xf32, #tpu.memory_space<hbm>> -> memref<10240x64xf32, #tpu.memory_space<hbm>>
    tpu.wait_indirect_dma semaphore(%arg16 : memref<!tpu.dma_semaphore, #tpu.memory_space<semaphore_mem>>) src(%dma_wait3A_259 : memref<10240x64xf32, #tpu.memory_space<hbm>>) dst(%dma_wait3A_253 : memref<128x64xf32, #tpu.memory_space<vmem>>)
    %dma_start3A_260 = arith.constant 5 : i32
    %dma_start3A_261 = arith.constant 77 : i32
    %dma_start3A_262 = arith.constant 0 : i32
    %dma_start3A_263 = arith.constant 0 : i32
    %dma_start3A_264 = tpu.memref_slice %arg8[%dma_start3A_260, %dma_start3A_262, %dma_start3A_263] : memref<8x128x64xf32, #tpu.memory_space<vmem>> -> memref<1x128x64xf32, #tpu.memory_space<vmem>>
    %dma_start3A_265 = tpu.memref_squeeze %dma_start3A_264 : memref<1x128x64xf32, #tpu.memory_space<vmem>> -> memref<128x64xf32, #tpu.memory_space<vmem>>
    %dma_start3A_266 = arith.constant 0 : i32
    %dma_start3A_267 = tpu.memref_slice %arg7[%dma_start3A_261, %dma_start3A_266] : memref<80x128xi32, #tpu.memory_space<vmem>> -> memref<1x128xi32, #tpu.memory_space<vmem>>
    %dma_start3A_268 = tpu.memref_squeeze %dma_start3A_267 : memref<1x128xi32, #tpu.memory_space<vmem>> -> memref<128xi32, #tpu.memory_space<vmem>>
    %dma_start3A_269 = arith.constant 0 : i32
    %dma_start3A_270 = arith.constant 0 : i32
    %dma_start3A_271 = tpu.memref_slice %arg10[%dma_start3A_269, %dma_start3A_270] : memref<10240x64xf32, #tpu.memory_space<vmem_shared>> -> memref<10240x64xf32, #tpu.memory_space<vmem_shared>>
    tpu.enqueue_indirect_dma source(%dma_start3A_265 : memref<128x64xf32, #tpu.memory_space<vmem>>) target(%dma_start3A_271 : memref<10240x64xf32, #tpu.memory_space<vmem_shared>>) offsets(%dma_start3A_268 : memref<128xi32, #tpu.memory_space<vmem>>) semaphore(%arg24 : memref<!tpu.dma_semaphore, #tpu.memory_space<semaphore_mem>>) {add = true}
    %dma_wait3A_272 = arith.constant 1 : i32
    %dma_wait3A_273 = arith.constant 73 : i32
    %dma_wait3A_274 = arith.constant 0 : i32
    %dma_wait3A_275 = arith.constant 0 : i32
    %dma_wait3A_276 = tpu.memref_slice %arg8[%dma_wait3A_272, %dma_wait3A_274, %dma_wait3A_275] : memref<8x128x64xf32, #tpu.memory_space<vmem>> -> memref<1x128x64xf32, #tpu.memory_space<vmem>>
    %dma_wait3A_277 = tpu.memref_squeeze %dma_wait3A_276 : memref<1x128x64xf32, #tpu.memory_space<vmem>> -> memref<128x64xf32, #tpu.memory_space<vmem>>
    %dma_wait3A_278 = arith.constant 0 : i32
    %dma_wait3A_279 = tpu.memref_slice %arg7[%dma_wait3A_273, %dma_wait3A_278] : memref<80x128xi32, #tpu.memory_space<vmem>> -> memref<1x128xi32, #tpu.memory_space<vmem>>
    %dma_wait3A_280 = tpu.memref_squeeze %dma_wait3A_279 : memref<1x128xi32, #tpu.memory_space<vmem>> -> memref<128xi32, #tpu.memory_space<vmem>>
    %dma_wait3A_281 = arith.constant 0 : i32
    %dma_wait3A_282 = arith.constant 0 : i32
    %dma_wait3A_283 = tpu.memref_slice %arg10[%dma_wait3A_281, %dma_wait3A_282] : memref<10240x64xf32, #tpu.memory_space<vmem_shared>> -> memref<10240x64xf32, #tpu.memory_space<vmem_shared>>
    tpu.wait_indirect_dma semaphore(%arg20 : memref<!tpu.dma_semaphore, #tpu.memory_space<semaphore_mem>>) src(%dma_wait3A_277 : memref<128x64xf32, #tpu.memory_space<vmem>>) dst(%dma_wait3A_283 : memref<10240x64xf32, #tpu.memory_space<vmem_shared>>)
    %dma_wait3A_284 = arith.constant 78 : i32
    %dma_wait3A_285 = arith.constant 6 : i32
    %dma_wait3A_286 = arith.constant 0 : i32
    %dma_wait3A_287 = arith.constant 0 : i32
    %dma_wait3A_288 = tpu.memref_slice %arg8[%dma_wait3A_285, %dma_wait3A_286, %dma_wait3A_287] : memref<8x128x64xf32, #tpu.memory_space<vmem>> -> memref<1x128x64xf32, #tpu.memory_space<vmem>>
    %dma_wait3A_289 = tpu.memref_squeeze %dma_wait3A_288 : memref<1x128x64xf32, #tpu.memory_space<vmem>> -> memref<128x64xf32, #tpu.memory_space<vmem>>
    %dma_wait3A_290 = arith.constant 0 : i32
    %dma_wait3A_291 = tpu.memref_slice %arg6[%dma_wait3A_284, %dma_wait3A_290] : memref<80x128xi32, #tpu.memory_space<vmem>> -> memref<1x128xi32, #tpu.memory_space<vmem>>
    %dma_wait3A_292 = tpu.memref_squeeze %dma_wait3A_291 : memref<1x128xi32, #tpu.memory_space<vmem>> -> memref<128xi32, #tpu.memory_space<vmem>>
    %dma_wait3A_293 = arith.constant 0 : i32
    %dma_wait3A_294 = arith.constant 0 : i32
    %dma_wait3A_295 = tpu.memref_slice %arg2[%dma_wait3A_293, %dma_wait3A_294] : memref<10240x64xf32, #tpu.memory_space<hbm>> -> memref<10240x64xf32, #tpu.memory_space<hbm>>
    tpu.wait_indirect_dma semaphore(%arg17 : memref<!tpu.dma_semaphore, #tpu.memory_space<semaphore_mem>>) src(%dma_wait3A_295 : memref<10240x64xf32, #tpu.memory_space<hbm>>) dst(%dma_wait3A_289 : memref<128x64xf32, #tpu.memory_space<vmem>>)
    %dma_start3A_296 = arith.constant 6 : i32
    %dma_start3A_297 = arith.constant 78 : i32
    %dma_start3A_298 = arith.constant 0 : i32
    %dma_start3A_299 = arith.constant 0 : i32
    %dma_start3A_300 = tpu.memref_slice %arg8[%dma_start3A_296, %dma_start3A_298, %dma_start3A_299] : memref<8x128x64xf32, #tpu.memory_space<vmem>> -> memref<1x128x64xf32, #tpu.memory_space<vmem>>
    %dma_start3A_301 = tpu.memref_squeeze %dma_start3A_300 : memref<1x128x64xf32, #tpu.memory_space<vmem>> -> memref<128x64xf32, #tpu.memory_space<vmem>>
    %dma_start3A_302 = arith.constant 0 : i32
    %dma_start3A_303 = tpu.memref_slice %arg7[%dma_start3A_297, %dma_start3A_302] : memref<80x128xi32, #tpu.memory_space<vmem>> -> memref<1x128xi32, #tpu.memory_space<vmem>>
    %dma_start3A_304 = tpu.memref_squeeze %dma_start3A_303 : memref<1x128xi32, #tpu.memory_space<vmem>> -> memref<128xi32, #tpu.memory_space<vmem>>
    %dma_start3A_305 = arith.constant 0 : i32
    %dma_start3A_306 = arith.constant 0 : i32
    %dma_start3A_307 = tpu.memref_slice %arg10[%dma_start3A_305, %dma_start3A_306] : memref<10240x64xf32, #tpu.memory_space<vmem_shared>> -> memref<10240x64xf32, #tpu.memory_space<vmem_shared>>
    tpu.enqueue_indirect_dma source(%dma_start3A_301 : memref<128x64xf32, #tpu.memory_space<vmem>>) target(%dma_start3A_307 : memref<10240x64xf32, #tpu.memory_space<vmem_shared>>) offsets(%dma_start3A_304 : memref<128xi32, #tpu.memory_space<vmem>>) semaphore(%arg25 : memref<!tpu.dma_semaphore, #tpu.memory_space<semaphore_mem>>) {add = true}
    %dma_wait3A_308 = arith.constant 2 : i32
    %dma_wait3A_309 = arith.constant 74 : i32
    %dma_wait3A_310 = arith.constant 0 : i32
    %dma_wait3A_311 = arith.constant 0 : i32
    %dma_wait3A_312 = tpu.memref_slice %arg8[%dma_wait3A_308, %dma_wait3A_310, %dma_wait3A_311] : memref<8x128x64xf32, #tpu.memory_space<vmem>> -> memref<1x128x64xf32, #tpu.memory_space<vmem>>
    %dma_wait3A_313 = tpu.memref_squeeze %dma_wait3A_312 : memref<1x128x64xf32, #tpu.memory_space<vmem>> -> memref<128x64xf32, #tpu.memory_space<vmem>>
    %dma_wait3A_314 = arith.constant 0 : i32
    %dma_wait3A_315 = tpu.memref_slice %arg7[%dma_wait3A_309, %dma_wait3A_314] : memref<80x128xi32, #tpu.memory_space<vmem>> -> memref<1x128xi32, #tpu.memory_space<vmem>>
    %dma_wait3A_316 = tpu.memref_squeeze %dma_wait3A_315 : memref<1x128xi32, #tpu.memory_space<vmem>> -> memref<128xi32, #tpu.memory_space<vmem>>
    %dma_wait3A_317 = arith.constant 0 : i32
    %dma_wait3A_318 = arith.constant 0 : i32
    %dma_wait3A_319 = tpu.memref_slice %arg10[%dma_wait3A_317, %dma_wait3A_318] : memref<10240x64xf32, #tpu.memory_space<vmem_shared>> -> memref<10240x64xf32, #tpu.memory_space<vmem_shared>>
    tpu.wait_indirect_dma semaphore(%arg21 : memref<!tpu.dma_semaphore, #tpu.memory_space<semaphore_mem>>) src(%dma_wait3A_313 : memref<128x64xf32, #tpu.memory_space<vmem>>) dst(%dma_wait3A_319 : memref<10240x64xf32, #tpu.memory_space<vmem_shared>>)
    %dma_wait3A_320 = arith.constant 79 : i32
    %dma_wait3A_321 = arith.constant 7 : i32
    %dma_wait3A_322 = arith.constant 0 : i32
    %dma_wait3A_323 = arith.constant 0 : i32
    %dma_wait3A_324 = tpu.memref_slice %arg8[%dma_wait3A_321, %dma_wait3A_322, %dma_wait3A_323] : memref<8x128x64xf32, #tpu.memory_space<vmem>> -> memref<1x128x64xf32, #tpu.memory_space<vmem>>
    %dma_wait3A_325 = tpu.memref_squeeze %dma_wait3A_324 : memref<1x128x64xf32, #tpu.memory_space<vmem>> -> memref<128x64xf32, #tpu.memory_space<vmem>>
    %dma_wait3A_326 = arith.constant 0 : i32
    %dma_wait3A_327 = tpu.memref_slice %arg6[%dma_wait3A_320, %dma_wait3A_326] : memref<80x128xi32, #tpu.memory_space<vmem>> -> memref<1x128xi32, #tpu.memory_space<vmem>>
    %dma_wait3A_328 = tpu.memref_squeeze %dma_wait3A_327 : memref<1x128xi32, #tpu.memory_space<vmem>> -> memref<128xi32, #tpu.memory_space<vmem>>
    %dma_wait3A_329 = arith.constant 0 : i32
    %dma_wait3A_330 = arith.constant 0 : i32
    %dma_wait3A_331 = tpu.memref_slice %arg2[%dma_wait3A_329, %dma_wait3A_330] : memref<10240x64xf32, #tpu.memory_space<hbm>> -> memref<10240x64xf32, #tpu.memory_space<hbm>>
    tpu.wait_indirect_dma semaphore(%arg18 : memref<!tpu.dma_semaphore, #tpu.memory_space<semaphore_mem>>) src(%dma_wait3A_331 : memref<10240x64xf32, #tpu.memory_space<hbm>>) dst(%dma_wait3A_325 : memref<128x64xf32, #tpu.memory_space<vmem>>)
    %dma_start3A_332 = arith.constant 7 : i32
    %dma_start3A_333 = arith.constant 79 : i32
    %dma_start3A_334 = arith.constant 0 : i32
    %dma_start3A_335 = arith.constant 0 : i32
    %dma_start3A_336 = tpu.memref_slice %arg8[%dma_start3A_332, %dma_start3A_334, %dma_start3A_335] : memref<8x128x64xf32, #tpu.memory_space<vmem>> -> memref<1x128x64xf32, #tpu.memory_space<vmem>>
    %dma_start3A_337 = tpu.memref_squeeze %dma_start3A_336 : memref<1x128x64xf32, #tpu.memory_space<vmem>> -> memref<128x64xf32, #tpu.memory_space<vmem>>
    %dma_start3A_338 = arith.constant 0 : i32
    %dma_start3A_339 = tpu.memref_slice %arg7[%dma_start3A_333, %dma_start3A_338] : memref<80x128xi32, #tpu.memory_space<vmem>> -> memref<1x128xi32, #tpu.memory_space<vmem>>
    %dma_start3A_340 = tpu.memref_squeeze %dma_start3A_339 : memref<1x128xi32, #tpu.memory_space<vmem>> -> memref<128xi32, #tpu.memory_space<vmem>>
    %dma_start3A_341 = arith.constant 0 : i32
    %dma_start3A_342 = arith.constant 0 : i32
    %dma_start3A_343 = tpu.memref_slice %arg10[%dma_start3A_341, %dma_start3A_342] : memref<10240x64xf32, #tpu.memory_space<vmem_shared>> -> memref<10240x64xf32, #tpu.memory_space<vmem_shared>>
    tpu.enqueue_indirect_dma source(%dma_start3A_337 : memref<128x64xf32, #tpu.memory_space<vmem>>) target(%dma_start3A_343 : memref<10240x64xf32, #tpu.memory_space<vmem_shared>>) offsets(%dma_start3A_340 : memref<128xi32, #tpu.memory_space<vmem>>) semaphore(%arg26 : memref<!tpu.dma_semaphore, #tpu.memory_space<semaphore_mem>>) {add = true}
    %dma_wait3A_344 = arith.constant 3 : i32
    %dma_wait3A_345 = arith.constant 75 : i32
    %dma_wait3A_346 = arith.constant 0 : i32
    %dma_wait3A_347 = arith.constant 0 : i32
    %dma_wait3A_348 = tpu.memref_slice %arg8[%dma_wait3A_344, %dma_wait3A_346, %dma_wait3A_347] : memref<8x128x64xf32, #tpu.memory_space<vmem>> -> memref<1x128x64xf32, #tpu.memory_space<vmem>>
    %dma_wait3A_349 = tpu.memref_squeeze %dma_wait3A_348 : memref<1x128x64xf32, #tpu.memory_space<vmem>> -> memref<128x64xf32, #tpu.memory_space<vmem>>
    %dma_wait3A_350 = arith.constant 0 : i32
    %dma_wait3A_351 = tpu.memref_slice %arg7[%dma_wait3A_345, %dma_wait3A_350] : memref<80x128xi32, #tpu.memory_space<vmem>> -> memref<1x128xi32, #tpu.memory_space<vmem>>
    %dma_wait3A_352 = tpu.memref_squeeze %dma_wait3A_351 : memref<1x128xi32, #tpu.memory_space<vmem>> -> memref<128xi32, #tpu.memory_space<vmem>>
    %dma_wait3A_353 = arith.constant 0 : i32
    %dma_wait3A_354 = arith.constant 0 : i32
    %dma_wait3A_355 = tpu.memref_slice %arg10[%dma_wait3A_353, %dma_wait3A_354] : memref<10240x64xf32, #tpu.memory_space<vmem_shared>> -> memref<10240x64xf32, #tpu.memory_space<vmem_shared>>
    tpu.wait_indirect_dma semaphore(%arg22 : memref<!tpu.dma_semaphore, #tpu.memory_space<semaphore_mem>>) src(%dma_wait3A_349 : memref<128x64xf32, #tpu.memory_space<vmem>>) dst(%dma_wait3A_355 : memref<10240x64xf32, #tpu.memory_space<vmem_shared>>)
    %dma_wait3A_356 = arith.constant 4 : i32
    %dma_wait3A_357 = arith.constant 76 : i32
    %dma_wait3A_358 = arith.constant 0 : i32
    %dma_wait3A_359 = arith.constant 0 : i32
    %dma_wait3A_360 = tpu.memref_slice %arg8[%dma_wait3A_356, %dma_wait3A_358, %dma_wait3A_359] : memref<8x128x64xf32, #tpu.memory_space<vmem>> -> memref<1x128x64xf32, #tpu.memory_space<vmem>>
    %dma_wait3A_361 = tpu.memref_squeeze %dma_wait3A_360 : memref<1x128x64xf32, #tpu.memory_space<vmem>> -> memref<128x64xf32, #tpu.memory_space<vmem>>
    %dma_wait3A_362 = arith.constant 0 : i32
    %dma_wait3A_363 = tpu.memref_slice %arg7[%dma_wait3A_357, %dma_wait3A_362] : memref<80x128xi32, #tpu.memory_space<vmem>> -> memref<1x128xi32, #tpu.memory_space<vmem>>
    %dma_wait3A_364 = tpu.memref_squeeze %dma_wait3A_363 : memref<1x128xi32, #tpu.memory_space<vmem>> -> memref<128xi32, #tpu.memory_space<vmem>>
    %dma_wait3A_365 = arith.constant 0 : i32
    %dma_wait3A_366 = arith.constant 0 : i32
    %dma_wait3A_367 = tpu.memref_slice %arg10[%dma_wait3A_365, %dma_wait3A_366] : memref<10240x64xf32, #tpu.memory_space<vmem_shared>> -> memref<10240x64xf32, #tpu.memory_space<vmem_shared>>
    tpu.wait_indirect_dma semaphore(%arg23 : memref<!tpu.dma_semaphore, #tpu.memory_space<semaphore_mem>>) src(%dma_wait3A_361 : memref<128x64xf32, #tpu.memory_space<vmem>>) dst(%dma_wait3A_367 : memref<10240x64xf32, #tpu.memory_space<vmem_shared>>)
    %dma_wait3A_368 = arith.constant 5 : i32
    %dma_wait3A_369 = arith.constant 77 : i32
    %dma_wait3A_370 = arith.constant 0 : i32
    %dma_wait3A_371 = arith.constant 0 : i32
    %dma_wait3A_372 = tpu.memref_slice %arg8[%dma_wait3A_368, %dma_wait3A_370, %dma_wait3A_371] : memref<8x128x64xf32, #tpu.memory_space<vmem>> -> memref<1x128x64xf32, #tpu.memory_space<vmem>>
    %dma_wait3A_373 = tpu.memref_squeeze %dma_wait3A_372 : memref<1x128x64xf32, #tpu.memory_space<vmem>> -> memref<128x64xf32, #tpu.memory_space<vmem>>
    %dma_wait3A_374 = arith.constant 0 : i32
    %dma_wait3A_375 = tpu.memref_slice %arg7[%dma_wait3A_369, %dma_wait3A_374] : memref<80x128xi32, #tpu.memory_space<vmem>> -> memref<1x128xi32, #tpu.memory_space<vmem>>
    %dma_wait3A_376 = tpu.memref_squeeze %dma_wait3A_375 : memref<1x128xi32, #tpu.memory_space<vmem>> -> memref<128xi32, #tpu.memory_space<vmem>>
    %dma_wait3A_377 = arith.constant 0 : i32
    %dma_wait3A_378 = arith.constant 0 : i32
    %dma_wait3A_379 = tpu.memref_slice %arg10[%dma_wait3A_377, %dma_wait3A_378] : memref<10240x64xf32, #tpu.memory_space<vmem_shared>> -> memref<10240x64xf32, #tpu.memory_space<vmem_shared>>
    tpu.wait_indirect_dma semaphore(%arg24 : memref<!tpu.dma_semaphore, #tpu.memory_space<semaphore_mem>>) src(%dma_wait3A_373 : memref<128x64xf32, #tpu.memory_space<vmem>>) dst(%dma_wait3A_379 : memref<10240x64xf32, #tpu.memory_space<vmem_shared>>)
    %dma_wait3A_380 = arith.constant 6 : i32
    %dma_wait3A_381 = arith.constant 78 : i32
    %dma_wait3A_382 = arith.constant 0 : i32
    %dma_wait3A_383 = arith.constant 0 : i32
    %dma_wait3A_384 = tpu.memref_slice %arg8[%dma_wait3A_380, %dma_wait3A_382, %dma_wait3A_383] : memref<8x128x64xf32, #tpu.memory_space<vmem>> -> memref<1x128x64xf32, #tpu.memory_space<vmem>>
    %dma_wait3A_385 = tpu.memref_squeeze %dma_wait3A_384 : memref<1x128x64xf32, #tpu.memory_space<vmem>> -> memref<128x64xf32, #tpu.memory_space<vmem>>
    %dma_wait3A_386 = arith.constant 0 : i32
    %dma_wait3A_387 = tpu.memref_slice %arg7[%dma_wait3A_381, %dma_wait3A_386] : memref<80x128xi32, #tpu.memory_space<vmem>> -> memref<1x128xi32, #tpu.memory_space<vmem>>
    %dma_wait3A_388 = tpu.memref_squeeze %dma_wait3A_387 : memref<1x128xi32, #tpu.memory_space<vmem>> -> memref<128xi32, #tpu.memory_space<vmem>>
    %dma_wait3A_389 = arith.constant 0 : i32
    %dma_wait3A_390 = arith.constant 0 : i32
    %dma_wait3A_391 = tpu.memref_slice %arg10[%dma_wait3A_389, %dma_wait3A_390] : memref<10240x64xf32, #tpu.memory_space<vmem_shared>> -> memref<10240x64xf32, #tpu.memory_space<vmem_shared>>
    tpu.wait_indirect_dma semaphore(%arg25 : memref<!tpu.dma_semaphore, #tpu.memory_space<semaphore_mem>>) src(%dma_wait3A_385 : memref<128x64xf32, #tpu.memory_space<vmem>>) dst(%dma_wait3A_391 : memref<10240x64xf32, #tpu.memory_space<vmem_shared>>)
    %dma_wait3A_392 = arith.constant 7 : i32
    %dma_wait3A_393 = arith.constant 79 : i32
    %dma_wait3A_394 = arith.constant 0 : i32
    %dma_wait3A_395 = arith.constant 0 : i32
    %dma_wait3A_396 = tpu.memref_slice %arg8[%dma_wait3A_392, %dma_wait3A_394, %dma_wait3A_395] : memref<8x128x64xf32, #tpu.memory_space<vmem>> -> memref<1x128x64xf32, #tpu.memory_space<vmem>>
    %dma_wait3A_397 = tpu.memref_squeeze %dma_wait3A_396 : memref<1x128x64xf32, #tpu.memory_space<vmem>> -> memref<128x64xf32, #tpu.memory_space<vmem>>
    %dma_wait3A_398 = arith.constant 0 : i32
    %dma_wait3A_399 = tpu.memref_slice %arg7[%dma_wait3A_393, %dma_wait3A_398] : memref<80x128xi32, #tpu.memory_space<vmem>> -> memref<1x128xi32, #tpu.memory_space<vmem>>
    %dma_wait3A_400 = tpu.memref_squeeze %dma_wait3A_399 : memref<1x128xi32, #tpu.memory_space<vmem>> -> memref<128xi32, #tpu.memory_space<vmem>>
    %dma_wait3A_401 = arith.constant 0 : i32
    %dma_wait3A_402 = arith.constant 0 : i32
    %dma_wait3A_403 = tpu.memref_slice %arg10[%dma_wait3A_401, %dma_wait3A_402] : memref<10240x64xf32, #tpu.memory_space<vmem_shared>> -> memref<10240x64xf32, #tpu.memory_space<vmem_shared>>
    tpu.wait_indirect_dma semaphore(%arg26 : memref<!tpu.dma_semaphore, #tpu.memory_space<semaphore_mem>>) src(%dma_wait3A_397 : memref<128x64xf32, #tpu.memory_space<vmem>>) dst(%dma_wait3A_403 : memref<10240x64xf32, #tpu.memory_space<vmem_shared>>)
    %barrier3A_404 = arith.constant 0 : index
    tpu.barrier barrier_id(%barrier3A_404)
    %mul3A_405 = arith.constant 640 : i32
    %mul3A_406 = arith.muli %arg1, %mul3A_405 : i32
    %mul3A_407 = arith.constant 640 : i32
    %mul3A_408 = arith.muli %arg1, %mul3A_407 : i32
    "tpu.region"() ({
      %run_scoped3A = tpu.sem_alloc : memref<!tpu.dma_semaphore, #tpu.memory_space<semaphore_mem>>
      %dma_start3A_409 = arith.constant 0 : i32
      %dma_start3A_410 = tpu.memref_slice %arg5[%arg0, %mul3A_408, %dma_start3A_409] : memref<2x10240x64xf32, #tpu.memory_space<hbm>> -> memref<1x640x64xf32, #tpu.memory_space<hbm>>
      %dma_start3A_411 = tpu.memref_squeeze %dma_start3A_410 : memref<1x640x64xf32, #tpu.memory_space<hbm>> -> memref<640x64xf32, #tpu.memory_space<hbm>>
      %dma_start3A_412 = arith.constant 0 : i32
      %dma_start3A_413 = tpu.memref_slice %arg10[%mul3A_406, %dma_start3A_412] : memref<10240x64xf32, #tpu.memory_space<vmem_shared>> -> memref<640x64xf32, #tpu.memory_space<vmem_shared>>
      tpu.enqueue_dma source(%dma_start3A_413 : memref<640x64xf32, #tpu.memory_space<vmem_shared>>) target(%dma_start3A_411 : memref<640x64xf32, #tpu.memory_space<hbm>>) target_semaphore(%run_scoped3A : memref<!tpu.dma_semaphore, #tpu.memory_space<semaphore_mem>>)
      %dma_wait3A_414 = arith.constant 0 : i32
      %dma_wait3A_415 = tpu.memref_slice %arg5[%arg0, %mul3A_408, %dma_wait3A_414] : memref<2x10240x64xf32, #tpu.memory_space<hbm>> -> memref<1x640x64xf32, #tpu.memory_space<hbm>>
      %dma_wait3A_416 = tpu.memref_squeeze %dma_wait3A_415 : memref<1x640x64xf32, #tpu.memory_space<hbm>> -> memref<640x64xf32, #tpu.memory_space<hbm>>
      %dma_wait3A_417 = arith.constant 0 : i32
      %dma_wait3A_418 = tpu.memref_slice %arg10[%mul3A_406, %dma_wait3A_417] : memref<10240x64xf32, #tpu.memory_space<vmem_shared>> -> memref<640x64xf32, #tpu.memory_space<vmem_shared>>
      tpu.wait_dma2 semaphore(%run_scoped3A : memref<!tpu.dma_semaphore, #tpu.memory_space<semaphore_mem>>) src(%dma_wait3A_418 : memref<640x64xf32, #tpu.memory_space<vmem_shared>>) dst(%dma_wait3A_416 : memref<640x64xf32, #tpu.memory_space<hbm>>)
      tpu.yield
    }) : () -> ()
    return
  }
}

#map = affine_map<(d0, d1) -> (0, 0)>
#map1 = affine_map<(d0, d1) -> (0, 0, 0)>
module attributes {stable_mosaic.version = 14 : i64} {
  func.func @_edge_body(%arg0: i32, %arg1: i32, %arg2: memref<10240x64xf32, #tpu.memory_space<hbm>>, %arg3: memref<2560x128xi32, #tpu.memory_space<hbm>>, %arg4: memref<2560x128xi32, #tpu.memory_space<hbm>>, %arg5: memref<2x10240x64xf32, #tpu.memory_space<hbm>>, %arg6: memref<80x128xi32, #tpu.memory_space<vmem>>, %arg7: memref<80x128xi32, #tpu.memory_space<vmem>>, %arg8: memref<8x128x64xf32, #tpu.memory_space<vmem>>, %arg9: memref<16x64xf32, #tpu.memory_space<vmem>>, %arg10: memref<10240x64xf32, #tpu.memory_space<vmem_shared>>, %arg11: memref<!tpu.dma_semaphore, #tpu.memory_space<semaphore_mem>>, %arg12: memref<!tpu.dma_semaphore, #tpu.memory_space<semaphore_mem>>, %arg13: memref<!tpu.dma_semaphore, #tpu.memory_space<semaphore_mem>>, %arg14: memref<!tpu.dma_semaphore, #tpu.memory_space<semaphore_mem>>, %arg15: memref<!tpu.dma_semaphore, #tpu.memory_space<semaphore_mem>>, %arg16: memref<!tpu.dma_semaphore, #tpu.memory_space<semaphore_mem>>, %arg17: memref<!tpu.dma_semaphore, #tpu.memory_space<semaphore_mem>>, %arg18: memref<!tpu.dma_semaphore, #tpu.memory_space<semaphore_mem>>, %arg19: memref<!tpu.dma_semaphore, #tpu.memory_space<semaphore_mem>>, %arg20: memref<!tpu.dma_semaphore, #tpu.memory_space<semaphore_mem>>, %arg21: memref<!tpu.dma_semaphore, #tpu.memory_space<semaphore_mem>>, %arg22: memref<!tpu.dma_semaphore, #tpu.memory_space<semaphore_mem>>, %arg23: memref<!tpu.dma_semaphore, #tpu.memory_space<semaphore_mem>>, %arg24: memref<!tpu.dma_semaphore, #tpu.memory_space<semaphore_mem>>, %arg25: memref<!tpu.dma_semaphore, #tpu.memory_space<semaphore_mem>>, %arg26: memref<!tpu.dma_semaphore, #tpu.memory_space<semaphore_mem>>) attributes {dimension_semantics = [#tpu.dimension_semantics<core_parallel>, #tpu.dimension_semantics<subcore_parallel>], iteration_bounds = array<i64: 2, 16>, scalar_prefetch = 0 : i64, scratch_operands = 21 : i64, tpu.core_type = #tpu.core_type<sc_vector_subcore>, window_params = [{transform_indices = #map}, {transform_indices = #map}, {transform_indices = #map}, {transform_indices = #map1}]} {
    %mul3A = arith.constant 2 : i32
    %mul3A_0 = arith.muli %arg1, %mul3A : i32
    %add3A = arith.addi %mul3A_0, %arg0 : i32
    %mul3A_1 = arith.constant 80 : i32
    %mul3A_2 = arith.muli %add3A, %mul3A_1 : i32
    "tpu.region"() ({
      %run_scoped3A = tpu.sem_alloc : memref<!tpu.dma_semaphore, #tpu.memory_space<semaphore_mem>>
      %dma_start3A_409 = arith.constant 0 : i32
      %dma_start3A_410 = tpu.memref_slice %arg3[%mul3A_2, %dma_start3A_409] : memref<2560x128xi32, #tpu.memory_space<hbm>> -> memref<80x128xi32, #tpu.memory_space<hbm>>
      %dma_start3A_411 = arith.constant 0 : i32
      %dma_start3A_412 = tpu.memref_slice %arg3[%mul3A_2, %dma_start3A_411] : memref<2560x128xi32, #tpu.memory_space<hbm>> -> memref<80x128xi32, #tpu.memory_space<hbm>>
      tpu.enqueue_dma source(%dma_start3A_412 : memref<80x128xi32, #tpu.memory_space<hbm>>) target(%arg6 : memref<80x128xi32, #tpu.memory_space<vmem>>) target_semaphore(%run_scoped3A : memref<!tpu.dma_semaphore, #tpu.memory_space<semaphore_mem>>)
      %dma_wait3A_413 = arith.constant 0 : i32
      %dma_wait3A_414 = tpu.memref_slice %arg3[%mul3A_2, %dma_wait3A_413] : memref<2560x128xi32, #tpu.memory_space<hbm>> -> memref<80x128xi32, #tpu.memory_space<hbm>>
      %dma_wait3A_415 = arith.constant 0 : i32
      %dma_wait3A_416 = tpu.memref_slice %arg3[%mul3A_2, %dma_wait3A_415] : memref<2560x128xi32, #tpu.memory_space<hbm>> -> memref<80x128xi32, #tpu.memory_space<hbm>>
      tpu.wait_dma2 semaphore(%run_scoped3A : memref<!tpu.dma_semaphore, #tpu.memory_space<semaphore_mem>>) src(%dma_wait3A_416 : memref<80x128xi32, #tpu.memory_space<hbm>>) dst(%arg6 : memref<80x128xi32, #tpu.memory_space<vmem>>)
      tpu.yield
    }) : () -> ()
    %mul3A_3 = arith.constant 80 : i32
    %mul3A_4 = arith.muli %add3A, %mul3A_3 : i32
    "tpu.region"() ({
      %run_scoped3A = tpu.sem_alloc : memref<!tpu.dma_semaphore, #tpu.memory_space<semaphore_mem>>
      %dma_start3A_409 = arith.constant 0 : i32
      %dma_start3A_410 = tpu.memref_slice %arg4[%mul3A_4, %dma_start3A_409] : memref<2560x128xi32, #tpu.memory_space<hbm>> -> memref<80x128xi32, #tpu.memory_space<hbm>>
      %dma_start3A_411 = arith.constant 0 : i32
      %dma_start3A_412 = tpu.memref_slice %arg4[%mul3A_4, %dma_start3A_411] : memref<2560x128xi32, #tpu.memory_space<hbm>> -> memref<80x128xi32, #tpu.memory_space<hbm>>
      tpu.enqueue_dma source(%dma_start3A_412 : memref<80x128xi32, #tpu.memory_space<hbm>>) target(%arg7 : memref<80x128xi32, #tpu.memory_space<vmem>>) target_semaphore(%run_scoped3A : memref<!tpu.dma_semaphore, #tpu.memory_space<semaphore_mem>>)
      %dma_wait3A_413 = arith.constant 0 : i32
      %dma_wait3A_414 = tpu.memref_slice %arg4[%mul3A_4, %dma_wait3A_413] : memref<2560x128xi32, #tpu.memory_space<hbm>> -> memref<80x128xi32, #tpu.memory_space<hbm>>
      %dma_wait3A_415 = arith.constant 0 : i32
      %dma_wait3A_416 = tpu.memref_slice %arg4[%mul3A_4, %dma_wait3A_415] : memref<2560x128xi32, #tpu.memory_space<hbm>> -> memref<80x128xi32, #tpu.memory_space<hbm>>
      tpu.wait_dma2 semaphore(%run_scoped3A : memref<!tpu.dma_semaphore, #tpu.memory_space<semaphore_mem>>) src(%dma_wait3A_416 : memref<80x128xi32, #tpu.memory_space<hbm>>) dst(%arg7 : memref<80x128xi32, #tpu.memory_space<vmem>>)
      tpu.yield
    }) : () -> ()
    %scan3A = arith.constant 0 : i32
    %scan3A_5 = arith.constant 0 : i32
    %scan3A_6 = arith.constant 64 : i32
    %scan3A_7 = arith.addi %scan3A_5, %scan3A_6 : i32
    %scan3A_8 = arith.constant 1 : i32
    scf.for %scan3A_409 = %scan3A_5 to %scan3A_7 step %scan3A_8  : i32 {
      %broadcast_in_dim3A = arith.constant 0.000000e+00 : f32
      %broadcast_in_dim3A_410 = vector.broadcast %broadcast_in_dim3A : f32 to vector<16xf32>
      %jit3A = arith.constant 4 : i32
      %div3A = arith.divsi %scan3A_409, %jit3A : i32
      %sign3A = arith.constant 0 : i32
      %sign3A_411 = arith.cmpi sgt, %scan3A_409, %sign3A : i32
      %sign3A_412 = arith.extui %sign3A_411 : i1 to i32
      %sign3A_413 = arith.constant 0 : i32
      %sign3A_414 = arith.cmpi slt, %scan3A_409, %sign3A_413 : i32
      %sign3A_415 = arith.extui %sign3A_414 : i1 to i32
      %sign3A_416 = arith.subi %sign3A_412, %sign3A_415 : i32
      %sign3A_417 = arith.constant 0 : i32
      %sign3A_418 = arith.cmpi sgt, %jit3A, %sign3A_417 : i32
      %sign3A_419 = arith.extui %sign3A_418 : i1 to i32
      %sign3A_420 = arith.constant 0 : i32
      %sign3A_421 = arith.cmpi slt, %jit3A, %sign3A_420 : i32
      %sign3A_422 = arith.extui %sign3A_421 : i1 to i32
      %sign3A_423 = arith.subi %sign3A_419, %sign3A_422 : i32
      %ne3A = arith.cmpi ne, %sign3A_416, %sign3A_423 : i32
      %rem3A = arith.remsi %scan3A_409, %jit3A : i32
      %ne3A_424 = arith.constant 0 : i32
      %ne3A_425 = arith.cmpi ne, %rem3A, %ne3A_424 : i32
      %and3A = arith.andi %ne3A, %ne3A_425 : i1
      %sub3A = arith.constant 1 : i32
      %sub3A_426 = arith.subi %div3A, %sub3A : i32
      %select_n3A = arith.select %and3A, %sub3A_426, %div3A : i32
      %jit3A_427 = arith.constant 4 : i32
      %eq3A = arith.constant 0 : i32
      %eq3A_428 = arith.cmpi eq, %jit3A_427, %eq3A : i32
      %jit3A_429 = arith.constant 1 : i32
      %select_n3A_430 = arith.select %eq3A_428, %jit3A_429, %jit3A_427 : i32
      %rem3A_431 = arith.remsi %scan3A_409, %select_n3A_430 : i32
      %ne3A_432 = arith.constant 0 : i32
      %ne3A_433 = arith.cmpi ne, %rem3A_431, %ne3A_432 : i32
      %lt3A = arith.constant 0 : i32
      %lt3A_434 = arith.cmpi slt, %rem3A_431, %lt3A : i32
      %lt3A_435 = arith.constant 0 : i32
      %lt3A_436 = arith.cmpi slt, %select_n3A_430, %lt3A_435 : i32
      %ne3A_437 = arith.xori %lt3A_434, %lt3A_436 : i1
      %and3A_438 = arith.andi %ne3A_437, %ne3A_433 : i1
      %add3A_439 = arith.addi %rem3A_431, %select_n3A_430 : i32
      %select_n3A_440 = arith.select %and3A_438, %add3A_439, %rem3A_431 : i32
      %mul3A_441 = arith.constant 16 : i32
      %mul3A_442 = arith.muli %select_n3A_440, %mul3A_441 : i32
      %swap3A = arith.index_cast %select_n3A : i32 to index
      %swap3A_443 = arith.index_cast %mul3A_442 : i32 to index
      %swap3A_444 = tpu.vector_load %arg9[%swap3A, %swap3A_443] {strides = array<i32>} : memref<16x64xf32, #tpu.memory_space<vmem>>, vector<16xf32>,
      tpu.vector_store %arg9[%swap3A, %swap3A_443], %broadcast_in_dim3A_410 {strides = array<i32>} : memref<16x64xf32, #tpu.memory_space<vmem>>, vector<16xf32>,
    }
    %scan3A_9 = arith.constant 64 : i32
    %scan3A_10 = arith.constant 0 : i32
    %scan3A_11 = arith.constant 0 : i32
    %scan3A_12 = arith.constant 40 : i32
    %scan3A_13 = arith.addi %scan3A_11, %scan3A_12 : i32
    %scan3A_14 = arith.constant 1 : i32
    scf.for %scan3A_409 = %scan3A_11 to %scan3A_13 step %scan3A_14  : i32 {
      %mul3A_410 = arith.constant 640 : i32
      %mul3A_411 = arith.muli %arg1, %mul3A_410 : i32
      %mul3A_412 = arith.constant 16 : i32
      %mul3A_413 = arith.muli %scan3A_409, %mul3A_412 : i32
      %add3A_414 = arith.addi %mul3A_411, %mul3A_413 : i32
      "tpu.region"() ({
        %run_scoped3A = tpu.sem_alloc : memref<!tpu.dma_semaphore, #tpu.memory_space<semaphore_mem>>
        %dma_start3A_415 = arith.constant 0 : i32
        %dma_start3A_416 = tpu.memref_slice %arg10[%add3A_414, %dma_start3A_415] : memref<10240x64xf32, #tpu.memory_space<vmem_shared>> -> memref<16x64xf32, #tpu.memory_space<vmem_shared>>
        %dma_start3A_417 = arith.constant 0 : i32
        %dma_start3A_418 = tpu.memref_slice %arg10[%add3A_414, %dma_start3A_417] : memref<10240x64xf32, #tpu.memory_space<vmem_shared>> -> memref<16x64xf32, #tpu.memory_space<vmem_shared>>
        tpu.enqueue_dma source(%arg9 : memref<16x64xf32, #tpu.memory_space<vmem>>) target(%dma_start3A_418 : memref<16x64xf32, #tpu.memory_space<vmem_shared>>) target_semaphore(%run_scoped3A : memref<!tpu.dma_semaphore, #tpu.memory_space<semaphore_mem>>)
        %dma_wait3A_419 = arith.constant 0 : i32
        %dma_wait3A_420 = tpu.memref_slice %arg10[%add3A_414, %dma_wait3A_419] : memref<10240x64xf32, #tpu.memory_space<vmem_shared>> -> memref<16x64xf32, #tpu.memory_space<vmem_shared>>
        %dma_wait3A_421 = arith.constant 0 : i32
        %dma_wait3A_422 = tpu.memref_slice %arg10[%add3A_414, %dma_wait3A_421] : memref<10240x64xf32, #tpu.memory_space<vmem_shared>> -> memref<16x64xf32, #tpu.memory_space<vmem_shared>>
        tpu.wait_dma2 semaphore(%run_scoped3A : memref<!tpu.dma_semaphore, #tpu.memory_space<semaphore_mem>>) src(%arg9 : memref<16x64xf32, #tpu.memory_space<vmem>>) dst(%dma_wait3A_422 : memref<16x64xf32, #tpu.memory_space<vmem_shared>>)
        tpu.yield
      }) : () -> ()
    }
    %scan3A_15 = arith.constant 40 : i32
    %barrier3A = arith.constant 0 : index
    tpu.barrier barrier_id(%barrier3A)
    %dma_start3A = arith.constant 0 : i32
    %dma_start3A_16 = arith.constant 0 : i32
    %dma_start3A_17 = arith.constant 0 : i32
    %dma_start3A_18 = arith.constant 0 : i32
    %dma_start3A_19 = tpu.memref_slice %arg8[%dma_start3A_16, %dma_start3A_17, %dma_start3A_18] : memref<8x128x64xf32, #tpu.memory_space<vmem>> -> memref<1x128x64xf32, #tpu.memory_space<vmem>>
    %dma_start3A_20 = tpu.memref_squeeze %dma_start3A_19 : memref<1x128x64xf32, #tpu.memory_space<vmem>> -> memref<128x64xf32, #tpu.memory_space<vmem>>
    %dma_start3A_21 = arith.constant 0 : i32
    %dma_start3A_22 = tpu.memref_slice %arg6[%dma_start3A, %dma_start3A_21] : memref<80x128xi32, #tpu.memory_space<vmem>> -> memref<1x128xi32, #tpu.memory_space<vmem>>
    %dma_start3A_23 = tpu.memref_squeeze %dma_start3A_22 : memref<1x128xi32, #tpu.memory_space<vmem>> -> memref<128xi32, #tpu.memory_space<vmem>>
    %dma_start3A_24 = arith.constant 0 : i32
    %dma_start3A_25 = arith.constant 0 : i32
    %dma_start3A_26 = tpu.memref_slice %arg2[%dma_start3A_24, %dma_start3A_25] : memref<10240x64xf32, #tpu.memory_space<hbm>> -> memref<10240x64xf32, #tpu.memory_space<hbm>>
    tpu.enqueue_indirect_dma source(%dma_start3A_26 : memref<10240x64xf32, #tpu.memory_space<hbm>>) target(%dma_start3A_20 : memref<128x64xf32, #tpu.memory_space<vmem>>) offsets(%dma_start3A_23 : memref<128xi32, #tpu.memory_space<vmem>>) semaphore(%arg11 : memref<!tpu.dma_semaphore, #tpu.memory_space<semaphore_mem>>)
    %dma_start3A_27 = arith.constant 1 : i32
    %dma_start3A_28 = arith.constant 1 : i32
    %dma_start3A_29 = arith.constant 0 : i32
    %dma_start3A_30 = arith.constant 0 : i32
    %dma_start3A_31 = tpu.memref_slice %arg8[%dma_start3A_28, %dma_start3A_29, %dma_start3A_30] : memref<8x128x64xf32, #tpu.memory_space<vmem>> -> memref<1x128x64xf32, #tpu.memory_space<vmem>>
    %dma_start3A_32 = tpu.memref_squeeze %dma_start3A_31 : memref<1x128x64xf32, #tpu.memory_space<vmem>> -> memref<128x64xf32, #tpu.memory_space<vmem>>
    %dma_start3A_33 = arith.constant 0 : i32
    %dma_start3A_34 = tpu.memref_slice %arg6[%dma_start3A_27, %dma_start3A_33] : memref<80x128xi32, #tpu.memory_space<vmem>> -> memref<1x128xi32, #tpu.memory_space<vmem>>
    %dma_start3A_35 = tpu.memref_squeeze %dma_start3A_34 : memref<1x128xi32, #tpu.memory_space<vmem>> -> memref<128xi32, #tpu.memory_space<vmem>>
    %dma_start3A_36 = arith.constant 0 : i32
    %dma_start3A_37 = arith.constant 0 : i32
    %dma_start3A_38 = tpu.memref_slice %arg2[%dma_start3A_36, %dma_start3A_37] : memref<10240x64xf32, #tpu.memory_space<hbm>> -> memref<10240x64xf32, #tpu.memory_space<hbm>>
    tpu.enqueue_indirect_dma source(%dma_start3A_38 : memref<10240x64xf32, #tpu.memory_space<hbm>>) target(%dma_start3A_32 : memref<128x64xf32, #tpu.memory_space<vmem>>) offsets(%dma_start3A_35 : memref<128xi32, #tpu.memory_space<vmem>>) semaphore(%arg12 : memref<!tpu.dma_semaphore, #tpu.memory_space<semaphore_mem>>)
    %dma_start3A_39 = arith.constant 2 : i32
    %dma_start3A_40 = arith.constant 2 : i32
    %dma_start3A_41 = arith.constant 0 : i32
    %dma_start3A_42 = arith.constant 0 : i32
    %dma_start3A_43 = tpu.memref_slice %arg8[%dma_start3A_40, %dma_start3A_41, %dma_start3A_42] : memref<8x128x64xf32, #tpu.memory_space<vmem>> -> memref<1x128x64xf32, #tpu.memory_space<vmem>>
    %dma_start3A_44 = tpu.memref_squeeze %dma_start3A_43 : memref<1x128x64xf32, #tpu.memory_space<vmem>> -> memref<128x64xf32, #tpu.memory_space<vmem>>
    %dma_start3A_45 = arith.constant 0 : i32
    %dma_start3A_46 = tpu.memref_slice %arg6[%dma_start3A_39, %dma_start3A_45] : memref<80x128xi32, #tpu.memory_space<vmem>> -> memref<1x128xi32, #tpu.memory_space<vmem>>
    %dma_start3A_47 = tpu.memref_squeeze %dma_start3A_46 : memref<1x128xi32, #tpu.memory_space<vmem>> -> memref<128xi32, #tpu.memory_space<vmem>>
    %dma_start3A_48 = arith.constant 0 : i32
    %dma_start3A_49 = arith.constant 0 : i32
    %dma_start3A_50 = tpu.memref_slice %arg2[%dma_start3A_48, %dma_start3A_49] : memref<10240x64xf32, #tpu.memory_space<hbm>> -> memref<10240x64xf32, #tpu.memory_space<hbm>>
    tpu.enqueue_indirect_dma source(%dma_start3A_50 : memref<10240x64xf32, #tpu.memory_space<hbm>>) target(%dma_start3A_44 : memref<128x64xf32, #tpu.memory_space<vmem>>) offsets(%dma_start3A_47 : memref<128xi32, #tpu.memory_space<vmem>>) semaphore(%arg13 : memref<!tpu.dma_semaphore, #tpu.memory_space<semaphore_mem>>)
    %dma_start3A_51 = arith.constant 3 : i32
    %dma_start3A_52 = arith.constant 3 : i32
    %dma_start3A_53 = arith.constant 0 : i32
    %dma_start3A_54 = arith.constant 0 : i32
    %dma_start3A_55 = tpu.memref_slice %arg8[%dma_start3A_52, %dma_start3A_53, %dma_start3A_54] : memref<8x128x64xf32, #tpu.memory_space<vmem>> -> memref<1x128x64xf32, #tpu.memory_space<vmem>>
    %dma_start3A_56 = tpu.memref_squeeze %dma_start3A_55 : memref<1x128x64xf32, #tpu.memory_space<vmem>> -> memref<128x64xf32, #tpu.memory_space<vmem>>
    %dma_start3A_57 = arith.constant 0 : i32
    %dma_start3A_58 = tpu.memref_slice %arg6[%dma_start3A_51, %dma_start3A_57] : memref<80x128xi32, #tpu.memory_space<vmem>> -> memref<1x128xi32, #tpu.memory_space<vmem>>
    %dma_start3A_59 = tpu.memref_squeeze %dma_start3A_58 : memref<1x128xi32, #tpu.memory_space<vmem>> -> memref<128xi32, #tpu.memory_space<vmem>>
    %dma_start3A_60 = arith.constant 0 : i32
    %dma_start3A_61 = arith.constant 0 : i32
    %dma_start3A_62 = tpu.memref_slice %arg2[%dma_start3A_60, %dma_start3A_61] : memref<10240x64xf32, #tpu.memory_space<hbm>> -> memref<10240x64xf32, #tpu.memory_space<hbm>>
    tpu.enqueue_indirect_dma source(%dma_start3A_62 : memref<10240x64xf32, #tpu.memory_space<hbm>>) target(%dma_start3A_56 : memref<128x64xf32, #tpu.memory_space<vmem>>) offsets(%dma_start3A_59 : memref<128xi32, #tpu.memory_space<vmem>>) semaphore(%arg14 : memref<!tpu.dma_semaphore, #tpu.memory_space<semaphore_mem>>)
    %dma_wait3A = arith.constant 0 : i32
    %dma_wait3A_63 = arith.constant 0 : i32
    %dma_wait3A_64 = arith.constant 0 : i32
    %dma_wait3A_65 = arith.constant 0 : i32
    %dma_wait3A_66 = tpu.memref_slice %arg8[%dma_wait3A_63, %dma_wait3A_64, %dma_wait3A_65] : memref<8x128x64xf32, #tpu.memory_space<vmem>> -> memref<1x128x64xf32, #tpu.memory_space<vmem>>
    %dma_wait3A_67 = tpu.memref_squeeze %dma_wait3A_66 : memref<1x128x64xf32, #tpu.memory_space<vmem>> -> memref<128x64xf32, #tpu.memory_space<vmem>>
    %dma_wait3A_68 = arith.constant 0 : i32
    %dma_wait3A_69 = tpu.memref_slice %arg6[%dma_wait3A, %dma_wait3A_68] : memref<80x128xi32, #tpu.memory_space<vmem>> -> memref<1x128xi32, #tpu.memory_space<vmem>>
    %dma_wait3A_70 = tpu.memref_squeeze %dma_wait3A_69 : memref<1x128xi32, #tpu.memory_space<vmem>> -> memref<128xi32, #tpu.memory_space<vmem>>
    %dma_wait3A_71 = arith.constant 0 : i32
    %dma_wait3A_72 = arith.constant 0 : i32
    %dma_wait3A_73 = tpu.memref_slice %arg2[%dma_wait3A_71, %dma_wait3A_72] : memref<10240x64xf32, #tpu.memory_space<hbm>> -> memref<10240x64xf32, #tpu.memory_space<hbm>>
    tpu.wait_indirect_dma semaphore(%arg11 : memref<!tpu.dma_semaphore, #tpu.memory_space<semaphore_mem>>) src(%dma_wait3A_73 : memref<10240x64xf32, #tpu.memory_space<hbm>>) dst(%dma_wait3A_67 : memref<128x64xf32, #tpu.memory_space<vmem>>)
    %dma_start3A_74 = arith.constant 0 : i32
    %dma_start3A_75 = arith.constant 0 : i32
    %dma_start3A_76 = arith.constant 0 : i32
    %dma_start3A_77 = arith.constant 0 : i32
    %dma_start3A_78 = tpu.memref_slice %arg8[%dma_start3A_74, %dma_start3A_76, %dma_start3A_77] : memref<8x128x64xf32, #tpu.memory_space<vmem>> -> memref<1x128x64xf32, #tpu.memory_space<vmem>>
    %dma_start3A_79 = tpu.memref_squeeze %dma_start3A_78 : memref<1x128x64xf32, #tpu.memory_space<vmem>> -> memref<128x64xf32, #tpu.memory_space<vmem>>
    %dma_start3A_80 = arith.constant 0 : i32
    %dma_start3A_81 = tpu.memref_slice %arg7[%dma_start3A_75, %dma_start3A_80] : memref<80x128xi32, #tpu.memory_space<vmem>> -> memref<1x128xi32, #tpu.memory_space<vmem>>
    %dma_start3A_82 = tpu.memref_squeeze %dma_start3A_81 : memref<1x128xi32, #tpu.memory_space<vmem>> -> memref<128xi32, #tpu.memory_space<vmem>>
    %dma_start3A_83 = arith.constant 0 : i32
    %dma_start3A_84 = arith.constant 0 : i32
    %dma_start3A_85 = tpu.memref_slice %arg10[%dma_start3A_83, %dma_start3A_84] : memref<10240x64xf32, #tpu.memory_space<vmem_shared>> -> memref<10240x64xf32, #tpu.memory_space<vmem_shared>>
    tpu.enqueue_indirect_dma source(%dma_start3A_79 : memref<128x64xf32, #tpu.memory_space<vmem>>) target(%dma_start3A_85 : memref<10240x64xf32, #tpu.memory_space<vmem_shared>>) offsets(%dma_start3A_82 : memref<128xi32, #tpu.memory_space<vmem>>) semaphore(%arg19 : memref<!tpu.dma_semaphore, #tpu.memory_space<semaphore_mem>>) {add = true}
    %dma_start3A_86 = arith.constant 4 : i32
    %dma_start3A_87 = arith.constant 4 : i32
    %dma_start3A_88 = arith.constant 0 : i32
    %dma_start3A_89 = arith.constant 0 : i32
    %dma_start3A_90 = tpu.memref_slice %arg8[%dma_start3A_87, %dma_start3A_88, %dma_start3A_89] : memref<8x128x64xf32, #tpu.memory_space<vmem>> -> memref<1x128x64xf32, #tpu.memory_space<vmem>>
    %dma_start3A_91 = tpu.memref_squeeze %dma_start3A_90 : memref<1x128x64xf32, #tpu.memory_space<vmem>> -> memref<128x64xf32, #tpu.memory_space<vmem>>
    %dma_start3A_92 = arith.constant 0 : i32
    %dma_start3A_93 = tpu.memref_slice %arg6[%dma_start3A_86, %dma_start3A_92] : memref<80x128xi32, #tpu.memory_space<vmem>> -> memref<1x128xi32, #tpu.memory_space<vmem>>
    %dma_start3A_94 = tpu.memref_squeeze %dma_start3A_93 : memref<1x128xi32, #tpu.memory_space<vmem>> -> memref<128xi32, #tpu.memory_space<vmem>>
    %dma_start3A_95 = arith.constant 0 : i32
    %dma_start3A_96 = arith.constant 0 : i32
    %dma_start3A_97 = tpu.memref_slice %arg2[%dma_start3A_95, %dma_start3A_96] : memref<10240x64xf32, #tpu.memory_space<hbm>> -> memref<10240x64xf32, #tpu.memory_space<hbm>>
    tpu.enqueue_indirect_dma source(%dma_start3A_97 : memref<10240x64xf32, #tpu.memory_space<hbm>>) target(%dma_start3A_91 : memref<128x64xf32, #tpu.memory_space<vmem>>) offsets(%dma_start3A_94 : memref<128xi32, #tpu.memory_space<vmem>>) semaphore(%arg15 : memref<!tpu.dma_semaphore, #tpu.memory_space<semaphore_mem>>)
    %dma_wait3A_98 = arith.constant 1 : i32
    %dma_wait3A_99 = arith.constant 1 : i32
    %dma_wait3A_100 = arith.constant 0 : i32
    %dma_wait3A_101 = arith.constant 0 : i32
    %dma_wait3A_102 = tpu.memref_slice %arg8[%dma_wait3A_99, %dma_wait3A_100, %dma_wait3A_101] : memref<8x128x64xf32, #tpu.memory_space<vmem>> -> memref<1x128x64xf32, #tpu.memory_space<vmem>>
    %dma_wait3A_103 = tpu.memref_squeeze %dma_wait3A_102 : memref<1x128x64xf32, #tpu.memory_space<vmem>> -> memref<128x64xf32, #tpu.memory_space<vmem>>
    %dma_wait3A_104 = arith.constant 0 : i32
    %dma_wait3A_105 = tpu.memref_slice %arg6[%dma_wait3A_98, %dma_wait3A_104] : memref<80x128xi32, #tpu.memory_space<vmem>> -> memref<1x128xi32, #tpu.memory_space<vmem>>
    %dma_wait3A_106 = tpu.memref_squeeze %dma_wait3A_105 : memref<1x128xi32, #tpu.memory_space<vmem>> -> memref<128xi32, #tpu.memory_space<vmem>>
    %dma_wait3A_107 = arith.constant 0 : i32
    %dma_wait3A_108 = arith.constant 0 : i32
    %dma_wait3A_109 = tpu.memref_slice %arg2[%dma_wait3A_107, %dma_wait3A_108] : memref<10240x64xf32, #tpu.memory_space<hbm>> -> memref<10240x64xf32, #tpu.memory_space<hbm>>
    tpu.wait_indirect_dma semaphore(%arg12 : memref<!tpu.dma_semaphore, #tpu.memory_space<semaphore_mem>>) src(%dma_wait3A_109 : memref<10240x64xf32, #tpu.memory_space<hbm>>) dst(%dma_wait3A_103 : memref<128x64xf32, #tpu.memory_space<vmem>>)
    %dma_start3A_110 = arith.constant 1 : i32
    %dma_start3A_111 = arith.constant 1 : i32
    %dma_start3A_112 = arith.constant 0 : i32
    %dma_start3A_113 = arith.constant 0 : i32
    %dma_start3A_114 = tpu.memref_slice %arg8[%dma_start3A_110, %dma_start3A_112, %dma_start3A_113] : memref<8x128x64xf32, #tpu.memory_space<vmem>> -> memref<1x128x64xf32, #tpu.memory_space<vmem>>
    %dma_start3A_115 = tpu.memref_squeeze %dma_start3A_114 : memref<1x128x64xf32, #tpu.memory_space<vmem>> -> memref<128x64xf32, #tpu.memory_space<vmem>>
    %dma_start3A_116 = arith.constant 0 : i32
    %dma_start3A_117 = tpu.memref_slice %arg7[%dma_start3A_111, %dma_start3A_116] : memref<80x128xi32, #tpu.memory_space<vmem>> -> memref<1x128xi32, #tpu.memory_space<vmem>>
    %dma_start3A_118 = tpu.memref_squeeze %dma_start3A_117 : memref<1x128xi32, #tpu.memory_space<vmem>> -> memref<128xi32, #tpu.memory_space<vmem>>
    %dma_start3A_119 = arith.constant 0 : i32
    %dma_start3A_120 = arith.constant 0 : i32
    %dma_start3A_121 = tpu.memref_slice %arg10[%dma_start3A_119, %dma_start3A_120] : memref<10240x64xf32, #tpu.memory_space<vmem_shared>> -> memref<10240x64xf32, #tpu.memory_space<vmem_shared>>
    tpu.enqueue_indirect_dma source(%dma_start3A_115 : memref<128x64xf32, #tpu.memory_space<vmem>>) target(%dma_start3A_121 : memref<10240x64xf32, #tpu.memory_space<vmem_shared>>) offsets(%dma_start3A_118 : memref<128xi32, #tpu.memory_space<vmem>>) semaphore(%arg20 : memref<!tpu.dma_semaphore, #tpu.memory_space<semaphore_mem>>) {add = true}
    %dma_start3A_122 = arith.constant 5 : i32
    %dma_start3A_123 = arith.constant 5 : i32
    %dma_start3A_124 = arith.constant 0 : i32
    %dma_start3A_125 = arith.constant 0 : i32
    %dma_start3A_126 = tpu.memref_slice %arg8[%dma_start3A_123, %dma_start3A_124, %dma_start3A_125] : memref<8x128x64xf32, #tpu.memory_space<vmem>> -> memref<1x128x64xf32, #tpu.memory_space<vmem>>
    %dma_start3A_127 = tpu.memref_squeeze %dma_start3A_126 : memref<1x128x64xf32, #tpu.memory_space<vmem>> -> memref<128x64xf32, #tpu.memory_space<vmem>>
    %dma_start3A_128 = arith.constant 0 : i32
    %dma_start3A_129 = tpu.memref_slice %arg6[%dma_start3A_122, %dma_start3A_128] : memref<80x128xi32, #tpu.memory_space<vmem>> -> memref<1x128xi32, #tpu.memory_space<vmem>>
    %dma_start3A_130 = tpu.memref_squeeze %dma_start3A_129 : memref<1x128xi32, #tpu.memory_space<vmem>> -> memref<128xi32, #tpu.memory_space<vmem>>
    %dma_start3A_131 = arith.constant 0 : i32
    %dma_start3A_132 = arith.constant 0 : i32
    %dma_start3A_133 = tpu.memref_slice %arg2[%dma_start3A_131, %dma_start3A_132] : memref<10240x64xf32, #tpu.memory_space<hbm>> -> memref<10240x64xf32, #tpu.memory_space<hbm>>
    tpu.enqueue_indirect_dma source(%dma_start3A_133 : memref<10240x64xf32, #tpu.memory_space<hbm>>) target(%dma_start3A_127 : memref<128x64xf32, #tpu.memory_space<vmem>>) offsets(%dma_start3A_130 : memref<128xi32, #tpu.memory_space<vmem>>) semaphore(%arg16 : memref<!tpu.dma_semaphore, #tpu.memory_space<semaphore_mem>>)
    %dma_wait3A_134 = arith.constant 2 : i32
    %dma_wait3A_135 = arith.constant 2 : i32
    %dma_wait3A_136 = arith.constant 0 : i32
    %dma_wait3A_137 = arith.constant 0 : i32
    %dma_wait3A_138 = tpu.memref_slice %arg8[%dma_wait3A_135, %dma_wait3A_136, %dma_wait3A_137] : memref<8x128x64xf32, #tpu.memory_space<vmem>> -> memref<1x128x64xf32, #tpu.memory_space<vmem>>
    %dma_wait3A_139 = tpu.memref_squeeze %dma_wait3A_138 : memref<1x128x64xf32, #tpu.memory_space<vmem>> -> memref<128x64xf32, #tpu.memory_space<vmem>>
    %dma_wait3A_140 = arith.constant 0 : i32
    %dma_wait3A_141 = tpu.memref_slice %arg6[%dma_wait3A_134, %dma_wait3A_140] : memref<80x128xi32, #tpu.memory_space<vmem>> -> memref<1x128xi32, #tpu.memory_space<vmem>>
    %dma_wait3A_142 = tpu.memref_squeeze %dma_wait3A_141 : memref<1x128xi32, #tpu.memory_space<vmem>> -> memref<128xi32, #tpu.memory_space<vmem>>
    %dma_wait3A_143 = arith.constant 0 : i32
    %dma_wait3A_144 = arith.constant 0 : i32
    %dma_wait3A_145 = tpu.memref_slice %arg2[%dma_wait3A_143, %dma_wait3A_144] : memref<10240x64xf32, #tpu.memory_space<hbm>> -> memref<10240x64xf32, #tpu.memory_space<hbm>>
    tpu.wait_indirect_dma semaphore(%arg13 : memref<!tpu.dma_semaphore, #tpu.memory_space<semaphore_mem>>) src(%dma_wait3A_145 : memref<10240x64xf32, #tpu.memory_space<hbm>>) dst(%dma_wait3A_139 : memref<128x64xf32, #tpu.memory_space<vmem>>)
    %dma_start3A_146 = arith.constant 2 : i32
    %dma_start3A_147 = arith.constant 2 : i32
    %dma_start3A_148 = arith.constant 0 : i32
    %dma_start3A_149 = arith.constant 0 : i32
    %dma_start3A_150 = tpu.memref_slice %arg8[%dma_start3A_146, %dma_start3A_148, %dma_start3A_149] : memref<8x128x64xf32, #tpu.memory_space<vmem>> -> memref<1x128x64xf32, #tpu.memory_space<vmem>>
    %dma_start3A_151 = tpu.memref_squeeze %dma_start3A_150 : memref<1x128x64xf32, #tpu.memory_space<vmem>> -> memref<128x64xf32, #tpu.memory_space<vmem>>
    %dma_start3A_152 = arith.constant 0 : i32
    %dma_start3A_153 = tpu.memref_slice %arg7[%dma_start3A_147, %dma_start3A_152] : memref<80x128xi32, #tpu.memory_space<vmem>> -> memref<1x128xi32, #tpu.memory_space<vmem>>
    %dma_start3A_154 = tpu.memref_squeeze %dma_start3A_153 : memref<1x128xi32, #tpu.memory_space<vmem>> -> memref<128xi32, #tpu.memory_space<vmem>>
    %dma_start3A_155 = arith.constant 0 : i32
    %dma_start3A_156 = arith.constant 0 : i32
    %dma_start3A_157 = tpu.memref_slice %arg10[%dma_start3A_155, %dma_start3A_156] : memref<10240x64xf32, #tpu.memory_space<vmem_shared>> -> memref<10240x64xf32, #tpu.memory_space<vmem_shared>>
    tpu.enqueue_indirect_dma source(%dma_start3A_151 : memref<128x64xf32, #tpu.memory_space<vmem>>) target(%dma_start3A_157 : memref<10240x64xf32, #tpu.memory_space<vmem_shared>>) offsets(%dma_start3A_154 : memref<128xi32, #tpu.memory_space<vmem>>) semaphore(%arg21 : memref<!tpu.dma_semaphore, #tpu.memory_space<semaphore_mem>>) {add = true}
    %dma_start3A_158 = arith.constant 6 : i32
    %dma_start3A_159 = arith.constant 6 : i32
    %dma_start3A_160 = arith.constant 0 : i32
    %dma_start3A_161 = arith.constant 0 : i32
    %dma_start3A_162 = tpu.memref_slice %arg8[%dma_start3A_159, %dma_start3A_160, %dma_start3A_161] : memref<8x128x64xf32, #tpu.memory_space<vmem>> -> memref<1x128x64xf32, #tpu.memory_space<vmem>>
    %dma_start3A_163 = tpu.memref_squeeze %dma_start3A_162 : memref<1x128x64xf32, #tpu.memory_space<vmem>> -> memref<128x64xf32, #tpu.memory_space<vmem>>
    %dma_start3A_164 = arith.constant 0 : i32
    %dma_start3A_165 = tpu.memref_slice %arg6[%dma_start3A_158, %dma_start3A_164] : memref<80x128xi32, #tpu.memory_space<vmem>> -> memref<1x128xi32, #tpu.memory_space<vmem>>
    %dma_start3A_166 = tpu.memref_squeeze %dma_start3A_165 : memref<1x128xi32, #tpu.memory_space<vmem>> -> memref<128xi32, #tpu.memory_space<vmem>>
    %dma_start3A_167 = arith.constant 0 : i32
    %dma_start3A_168 = arith.constant 0 : i32
    %dma_start3A_169 = tpu.memref_slice %arg2[%dma_start3A_167, %dma_start3A_168] : memref<10240x64xf32, #tpu.memory_space<hbm>> -> memref<10240x64xf32, #tpu.memory_space<hbm>>
    tpu.enqueue_indirect_dma source(%dma_start3A_169 : memref<10240x64xf32, #tpu.memory_space<hbm>>) target(%dma_start3A_163 : memref<128x64xf32, #tpu.memory_space<vmem>>) offsets(%dma_start3A_166 : memref<128xi32, #tpu.memory_space<vmem>>) semaphore(%arg17 : memref<!tpu.dma_semaphore, #tpu.memory_space<semaphore_mem>>)
    %dma_wait3A_170 = arith.constant 3 : i32
    %dma_wait3A_171 = arith.constant 3 : i32
    %dma_wait3A_172 = arith.constant 0 : i32
    %dma_wait3A_173 = arith.constant 0 : i32
    %dma_wait3A_174 = tpu.memref_slice %arg8[%dma_wait3A_171, %dma_wait3A_172, %dma_wait3A_173] : memref<8x128x64xf32, #tpu.memory_space<vmem>> -> memref<1x128x64xf32, #tpu.memory_space<vmem>>
    %dma_wait3A_175 = tpu.memref_squeeze %dma_wait3A_174 : memref<1x128x64xf32, #tpu.memory_space<vmem>> -> memref<128x64xf32, #tpu.memory_space<vmem>>
    %dma_wait3A_176 = arith.constant 0 : i32
    %dma_wait3A_177 = tpu.memref_slice %arg6[%dma_wait3A_170, %dma_wait3A_176] : memref<80x128xi32, #tpu.memory_space<vmem>> -> memref<1x128xi32, #tpu.memory_space<vmem>>
    %dma_wait3A_178 = tpu.memref_squeeze %dma_wait3A_177 : memref<1x128xi32, #tpu.memory_space<vmem>> -> memref<128xi32, #tpu.memory_space<vmem>>
    %dma_wait3A_179 = arith.constant 0 : i32
    %dma_wait3A_180 = arith.constant 0 : i32
    %dma_wait3A_181 = tpu.memref_slice %arg2[%dma_wait3A_179, %dma_wait3A_180] : memref<10240x64xf32, #tpu.memory_space<hbm>> -> memref<10240x64xf32, #tpu.memory_space<hbm>>
    tpu.wait_indirect_dma semaphore(%arg14 : memref<!tpu.dma_semaphore, #tpu.memory_space<semaphore_mem>>) src(%dma_wait3A_181 : memref<10240x64xf32, #tpu.memory_space<hbm>>) dst(%dma_wait3A_175 : memref<128x64xf32, #tpu.memory_space<vmem>>)
    %dma_start3A_182 = arith.constant 3 : i32
    %dma_start3A_183 = arith.constant 3 : i32
    %dma_start3A_184 = arith.constant 0 : i32
    %dma_start3A_185 = arith.constant 0 : i32
    %dma_start3A_186 = tpu.memref_slice %arg8[%dma_start3A_182, %dma_start3A_184, %dma_start3A_185] : memref<8x128x64xf32, #tpu.memory_space<vmem>> -> memref<1x128x64xf32, #tpu.memory_space<vmem>>
    %dma_start3A_187 = tpu.memref_squeeze %dma_start3A_186 : memref<1x128x64xf32, #tpu.memory_space<vmem>> -> memref<128x64xf32, #tpu.memory_space<vmem>>
    %dma_start3A_188 = arith.constant 0 : i32
    %dma_start3A_189 = tpu.memref_slice %arg7[%dma_start3A_183, %dma_start3A_188] : memref<80x128xi32, #tpu.memory_space<vmem>> -> memref<1x128xi32, #tpu.memory_space<vmem>>
    %dma_start3A_190 = tpu.memref_squeeze %dma_start3A_189 : memref<1x128xi32, #tpu.memory_space<vmem>> -> memref<128xi32, #tpu.memory_space<vmem>>
    %dma_start3A_191 = arith.constant 0 : i32
    %dma_start3A_192 = arith.constant 0 : i32
    %dma_start3A_193 = tpu.memref_slice %arg10[%dma_start3A_191, %dma_start3A_192] : memref<10240x64xf32, #tpu.memory_space<vmem_shared>> -> memref<10240x64xf32, #tpu.memory_space<vmem_shared>>
    tpu.enqueue_indirect_dma source(%dma_start3A_187 : memref<128x64xf32, #tpu.memory_space<vmem>>) target(%dma_start3A_193 : memref<10240x64xf32, #tpu.memory_space<vmem_shared>>) offsets(%dma_start3A_190 : memref<128xi32, #tpu.memory_space<vmem>>) semaphore(%arg22 : memref<!tpu.dma_semaphore, #tpu.memory_space<semaphore_mem>>) {add = true}
    %dma_start3A_194 = arith.constant 7 : i32
    %dma_start3A_195 = arith.constant 7 : i32
    %dma_start3A_196 = arith.constant 0 : i32
    %dma_start3A_197 = arith.constant 0 : i32
    %dma_start3A_198 = tpu.memref_slice %arg8[%dma_start3A_195, %dma_start3A_196, %dma_start3A_197] : memref<8x128x64xf32, #tpu.memory_space<vmem>> -> memref<1x128x64xf32, #tpu.memory_space<vmem>>
    %dma_start3A_199 = tpu.memref_squeeze %dma_start3A_198 : memref<1x128x64xf32, #tpu.memory_space<vmem>> -> memref<128x64xf32, #tpu.memory_space<vmem>>
    %dma_start3A_200 = arith.constant 0 : i32
    %dma_start3A_201 = tpu.memref_slice %arg6[%dma_start3A_194, %dma_start3A_200] : memref<80x128xi32, #tpu.memory_space<vmem>> -> memref<1x128xi32, #tpu.memory_space<vmem>>
    %dma_start3A_202 = tpu.memref_squeeze %dma_start3A_201 : memref<1x128xi32, #tpu.memory_space<vmem>> -> memref<128xi32, #tpu.memory_space<vmem>>
    %dma_start3A_203 = arith.constant 0 : i32
    %dma_start3A_204 = arith.constant 0 : i32
    %dma_start3A_205 = tpu.memref_slice %arg2[%dma_start3A_203, %dma_start3A_204] : memref<10240x64xf32, #tpu.memory_space<hbm>> -> memref<10240x64xf32, #tpu.memory_space<hbm>>
    tpu.enqueue_indirect_dma source(%dma_start3A_205 : memref<10240x64xf32, #tpu.memory_space<hbm>>) target(%dma_start3A_199 : memref<128x64xf32, #tpu.memory_space<vmem>>) offsets(%dma_start3A_202 : memref<128xi32, #tpu.memory_space<vmem>>) semaphore(%arg18 : memref<!tpu.dma_semaphore, #tpu.memory_space<semaphore_mem>>)
    %scan3A_206 = arith.constant 0 : i32
    %scan3A_207 = arith.constant 0 : i32
    %scan3A_208 = arith.constant 9 : i32
    %scan3A_209 = arith.addi %scan3A_207, %scan3A_208 : i32
    %scan3A_210 = arith.constant 1 : i32
    scf.for %scan3A_409 = %scan3A_207 to %scan3A_209 step %scan3A_210  : i32 {
      %mul3A_410 = arith.constant 8 : i32
      %mul3A_411 = arith.muli %mul3A_410, %scan3A_409 : i32
      %add3A_412 = arith.constant 4 : i32
      %add3A_413 = arith.addi %add3A_412, %mul3A_411 : i32
      %add3A_414 = arith.constant 0 : i32
      %add3A_415 = arith.addi %add3A_413, %add3A_414 : i32
      %dma_wait3A_416 = arith.constant 4 : i32
      %dma_wait3A_417 = arith.constant 0 : i32
      %dma_wait3A_418 = arith.constant 0 : i32
      %dma_wait3A_419 = tpu.memref_slice %arg8[%dma_wait3A_416, %dma_wait3A_417, %dma_wait3A_418] : memref<8x128x64xf32, #tpu.memory_space<vmem>> -> memref<1x128x64xf32, #tpu.memory_space<vmem>>
      %dma_wait3A_420 = tpu.memref_squeeze %dma_wait3A_419 : memref<1x128x64xf32, #tpu.memory_space<vmem>> -> memref<128x64xf32, #tpu.memory_space<vmem>>
      %dma_wait3A_421 = arith.constant 0 : i32
      %dma_wait3A_422 = tpu.memref_slice %arg6[%add3A_415, %dma_wait3A_421] : memref<80x128xi32, #tpu.memory_space<vmem>> -> memref<1x128xi32, #tpu.memory_space<vmem>>
      %dma_wait3A_423 = tpu.memref_squeeze %dma_wait3A_422 : memref<1x128xi32, #tpu.memory_space<vmem>> -> memref<128xi32, #tpu.memory_space<vmem>>
      %dma_wait3A_424 = arith.constant 0 : i32
      %dma_wait3A_425 = arith.constant 0 : i32
      %dma_wait3A_426 = tpu.memref_slice %arg2[%dma_wait3A_424, %dma_wait3A_425] : memref<10240x64xf32, #tpu.memory_space<hbm>> -> memref<10240x64xf32, #tpu.memory_space<hbm>>
      tpu.wait_indirect_dma semaphore(%arg15 : memref<!tpu.dma_semaphore, #tpu.memory_space<semaphore_mem>>) src(%dma_wait3A_426 : memref<10240x64xf32, #tpu.memory_space<hbm>>) dst(%dma_wait3A_420 : memref<128x64xf32, #tpu.memory_space<vmem>>)
      %dma_start3A_427 = arith.constant 4 : i32
      %dma_start3A_428 = arith.constant 0 : i32
      %dma_start3A_429 = arith.constant 0 : i32
      %dma_start3A_430 = tpu.memref_slice %arg8[%dma_start3A_427, %dma_start3A_428, %dma_start3A_429] : memref<8x128x64xf32, #tpu.memory_space<vmem>> -> memref<1x128x64xf32, #tpu.memory_space<vmem>>
      %dma_start3A_431 = tpu.memref_squeeze %dma_start3A_430 : memref<1x128x64xf32, #tpu.memory_space<vmem>> -> memref<128x64xf32, #tpu.memory_space<vmem>>
      %dma_start3A_432 = arith.constant 0 : i32
      %dma_start3A_433 = tpu.memref_slice %arg7[%add3A_415, %dma_start3A_432] : memref<80x128xi32, #tpu.memory_space<vmem>> -> memref<1x128xi32, #tpu.memory_space<vmem>>
      %dma_start3A_434 = tpu.memref_squeeze %dma_start3A_433 : memref<1x128xi32, #tpu.memory_space<vmem>> -> memref<128xi32, #tpu.memory_space<vmem>>
      %dma_start3A_435 = arith.constant 0 : i32
      %dma_start3A_436 = arith.constant 0 : i32
      %dma_start3A_437 = tpu.memref_slice %arg10[%dma_start3A_435, %dma_start3A_436] : memref<10240x64xf32, #tpu.memory_space<vmem_shared>> -> memref<10240x64xf32, #tpu.memory_space<vmem_shared>>
      tpu.enqueue_indirect_dma source(%dma_start3A_431 : memref<128x64xf32, #tpu.memory_space<vmem>>) target(%dma_start3A_437 : memref<10240x64xf32, #tpu.memory_space<vmem_shared>>) offsets(%dma_start3A_434 : memref<128xi32, #tpu.memory_space<vmem>>) semaphore(%arg23 : memref<!tpu.dma_semaphore, #tpu.memory_space<semaphore_mem>>) {add = true}
      %sub3A = arith.constant 4 : i32
      %sub3A_438 = arith.subi %add3A_415, %sub3A : i32
      %dma_wait3A_439 = arith.constant 0 : i32
      %dma_wait3A_440 = arith.constant 0 : i32
      %dma_wait3A_441 = arith.constant 0 : i32
      %dma_wait3A_442 = tpu.memref_slice %arg8[%dma_wait3A_439, %dma_wait3A_440, %dma_wait3A_441] : memref<8x128x64xf32, #tpu.memory_space<vmem>> -> memref<1x128x64xf32, #tpu.memory_space<vmem>>
      %dma_wait3A_443 = tpu.memref_squeeze %dma_wait3A_442 : memref<1x128x64xf32, #tpu.memory_space<vmem>> -> memref<128x64xf32, #tpu.memory_space<vmem>>
      %dma_wait3A_444 = arith.constant 0 : i32
      %dma_wait3A_445 = tpu.memref_slice %arg7[%sub3A_438, %dma_wait3A_444] : memref<80x128xi32, #tpu.memory_space<vmem>> -> memref<1x128xi32, #tpu.memory_space<vmem>>
      %dma_wait3A_446 = tpu.memref_squeeze %dma_wait3A_445 : memref<1x128xi32, #tpu.memory_space<vmem>> -> memref<128xi32, #tpu.memory_space<vmem>>
      %dma_wait3A_447 = arith.constant 0 : i32
      %dma_wait3A_448 = arith.constant 0 : i32
      %dma_wait3A_449 = tpu.memref_slice %arg10[%dma_wait3A_447, %dma_wait3A_448] : memref<10240x64xf32, #tpu.memory_space<vmem_shared>> -> memref<10240x64xf32, #tpu.memory_space<vmem_shared>>
      tpu.wait_indirect_dma semaphore(%arg19 : memref<!tpu.dma_semaphore, #tpu.memory_space<semaphore_mem>>) src(%dma_wait3A_443 : memref<128x64xf32, #tpu.memory_space<vmem>>) dst(%dma_wait3A_449 : memref<10240x64xf32, #tpu.memory_space<vmem_shared>>)
      %add3A_450 = arith.constant 4 : i32
      %add3A_451 = arith.addi %add3A_415, %add3A_450 : i32
      %dma_start3A_452 = arith.constant 0 : i32
      %dma_start3A_453 = arith.constant 0 : i32
      %dma_start3A_454 = arith.constant 0 : i32
      %dma_start3A_455 = tpu.memref_slice %arg8[%dma_start3A_452, %dma_start3A_453, %dma_start3A_454] : memref<8x128x64xf32, #tpu.memory_space<vmem>> -> memref<1x128x64xf32, #tpu.memory_space<vmem>>
      %dma_start3A_456 = tpu.memref_squeeze %dma_start3A_455 : memref<1x128x64xf32, #tpu.memory_space<vmem>> -> memref<128x64xf32, #tpu.memory_space<vmem>>
      %dma_start3A_457 = arith.constant 0 : i32
      %dma_start3A_458 = tpu.memref_slice %arg6[%add3A_451, %dma_start3A_457] : memref<80x128xi32, #tpu.memory_space<vmem>> -> memref<1x128xi32, #tpu.memory_space<vmem>>
      %dma_start3A_459 = tpu.memref_squeeze %dma_start3A_458 : memref<1x128xi32, #tpu.memory_space<vmem>> -> memref<128xi32, #tpu.memory_space<vmem>>
      %dma_start3A_460 = arith.constant 0 : i32
      %dma_start3A_461 = arith.constant 0 : i32
      %dma_start3A_462 = tpu.memref_slice %arg2[%dma_start3A_460, %dma_start3A_461] : memref<10240x64xf32, #tpu.memory_space<hbm>> -> memref<10240x64xf32, #tpu.memory_space<hbm>>
      tpu.enqueue_indirect_dma source(%dma_start3A_462 : memref<10240x64xf32, #tpu.memory_space<hbm>>) target(%dma_start3A_456 : memref<128x64xf32, #tpu.memory_space<vmem>>) offsets(%dma_start3A_459 : memref<128xi32, #tpu.memory_space<vmem>>) semaphore(%arg11 : memref<!tpu.dma_semaphore, #tpu.memory_space<semaphore_mem>>)
      %add3A_463 = arith.constant 1 : i32
      %add3A_464 = arith.addi %add3A_413, %add3A_463 : i32
      %dma_wait3A_465 = arith.constant 5 : i32
      %dma_wait3A_466 = arith.constant 0 : i32
      %dma_wait3A_467 = arith.constant 0 : i32
      %dma_wait3A_468 = tpu.memref_slice %arg8[%dma_wait3A_465, %dma_wait3A_466, %dma_wait3A_467] : memref<8x128x64xf32, #tpu.memory_space<vmem>> -> memref<1x128x64xf32, #tpu.memory_space<vmem>>
      %dma_wait3A_469 = tpu.memref_squeeze %dma_wait3A_468 : memref<1x128x64xf32, #tpu.memory_space<vmem>> -> memref<128x64xf32, #tpu.memory_space<vmem>>
      %dma_wait3A_470 = arith.constant 0 : i32
      %dma_wait3A_471 = tpu.memref_slice %arg6[%add3A_464, %dma_wait3A_470] : memref<80x128xi32, #tpu.memory_space<vmem>> -> memref<1x128xi32, #tpu.memory_space<vmem>>
      %dma_wait3A_472 = tpu.memref_squeeze %dma_wait3A_471 : memref<1x128xi32, #tpu.memory_space<vmem>> -> memref<128xi32, #tpu.memory_space<vmem>>
      %dma_wait3A_473 = arith.constant 0 : i32
      %dma_wait3A_474 = arith.constant 0 : i32
      %dma_wait3A_475 = tpu.memref_slice %arg2[%dma_wait3A_473, %dma_wait3A_474] : memref<10240x64xf32, #tpu.memory_space<hbm>> -> memref<10240x64xf32, #tpu.memory_space<hbm>>
      tpu.wait_indirect_dma semaphore(%arg16 : memref<!tpu.dma_semaphore, #tpu.memory_space<semaphore_mem>>) src(%dma_wait3A_475 : memref<10240x64xf32, #tpu.memory_space<hbm>>) dst(%dma_wait3A_469 : memref<128x64xf32, #tpu.memory_space<vmem>>)
      %dma_start3A_476 = arith.constant 5 : i32
      %dma_start3A_477 = arith.constant 0 : i32
      %dma_start3A_478 = arith.constant 0 : i32
      %dma_start3A_479 = tpu.memref_slice %arg8[%dma_start3A_476, %dma_start3A_477, %dma_start3A_478] : memref<8x128x64xf32, #tpu.memory_space<vmem>> -> memref<1x128x64xf32, #tpu.memory_space<vmem>>
      %dma_start3A_480 = tpu.memref_squeeze %dma_start3A_479 : memref<1x128x64xf32, #tpu.memory_space<vmem>> -> memref<128x64xf32, #tpu.memory_space<vmem>>
      %dma_start3A_481 = arith.constant 0 : i32
      %dma_start3A_482 = tpu.memref_slice %arg7[%add3A_464, %dma_start3A_481] : memref<80x128xi32, #tpu.memory_space<vmem>> -> memref<1x128xi32, #tpu.memory_space<vmem>>
      %dma_start3A_483 = tpu.memref_squeeze %dma_start3A_482 : memref<1x128xi32, #tpu.memory_space<vmem>> -> memref<128xi32, #tpu.memory_space<vmem>>
      %dma_start3A_484 = arith.constant 0 : i32
      %dma_start3A_485 = arith.constant 0 : i32
      %dma_start3A_486 = tpu.memref_slice %arg10[%dma_start3A_484, %dma_start3A_485] : memref<10240x64xf32, #tpu.memory_space<vmem_shared>> -> memref<10240x64xf32, #tpu.memory_space<vmem_shared>>
      tpu.enqueue_indirect_dma source(%dma_start3A_480 : memref<128x64xf32, #tpu.memory_space<vmem>>) target(%dma_start3A_486 : memref<10240x64xf32, #tpu.memory_space<vmem_shared>>) offsets(%dma_start3A_483 : memref<128xi32, #tpu.memory_space<vmem>>) semaphore(%arg24 : memref<!tpu.dma_semaphore, #tpu.memory_space<semaphore_mem>>) {add = true}
      %sub3A_487 = arith.constant 4 : i32
      %sub3A_488 = arith.subi %add3A_464, %sub3A_487 : i32
      %dma_wait3A_489 = arith.constant 1 : i32
      %dma_wait3A_490 = arith.constant 0 : i32
      %dma_wait3A_491 = arith.constant 0 : i32
      %dma_wait3A_492 = tpu.memref_slice %arg8[%dma_wait3A_489, %dma_wait3A_490, %dma_wait3A_491] : memref<8x128x64xf32, #tpu.memory_space<vmem>> -> memref<1x128x64xf32, #tpu.memory_space<vmem>>
      %dma_wait3A_493 = tpu.memref_squeeze %dma_wait3A_492 : memref<1x128x64xf32, #tpu.memory_space<vmem>> -> memref<128x64xf32, #tpu.memory_space<vmem>>
      %dma_wait3A_494 = arith.constant 0 : i32
      %dma_wait3A_495 = tpu.memref_slice %arg7[%sub3A_488, %dma_wait3A_494] : memref<80x128xi32, #tpu.memory_space<vmem>> -> memref<1x128xi32, #tpu.memory_space<vmem>>
      %dma_wait3A_496 = tpu.memref_squeeze %dma_wait3A_495 : memref<1x128xi32, #tpu.memory_space<vmem>> -> memref<128xi32, #tpu.memory_space<vmem>>
      %dma_wait3A_497 = arith.constant 0 : i32
      %dma_wait3A_498 = arith.constant 0 : i32
      %dma_wait3A_499 = tpu.memref_slice %arg10[%dma_wait3A_497, %dma_wait3A_498] : memref<10240x64xf32, #tpu.memory_space<vmem_shared>> -> memref<10240x64xf32, #tpu.memory_space<vmem_shared>>
      tpu.wait_indirect_dma semaphore(%arg20 : memref<!tpu.dma_semaphore, #tpu.memory_space<semaphore_mem>>) src(%dma_wait3A_493 : memref<128x64xf32, #tpu.memory_space<vmem>>) dst(%dma_wait3A_499 : memref<10240x64xf32, #tpu.memory_space<vmem_shared>>)
      %add3A_500 = arith.constant 4 : i32
      %add3A_501 = arith.addi %add3A_464, %add3A_500 : i32
      %dma_start3A_502 = arith.constant 1 : i32
      %dma_start3A_503 = arith.constant 0 : i32
      %dma_start3A_504 = arith.constant 0 : i32
      %dma_start3A_505 = tpu.memref_slice %arg8[%dma_start3A_502, %dma_start3A_503, %dma_start3A_504] : memref<8x128x64xf32, #tpu.memory_space<vmem>> -> memref<1x128x64xf32, #tpu.memory_space<vmem>>
      %dma_start3A_506 = tpu.memref_squeeze %dma_start3A_505 : memref<1x128x64xf32, #tpu.memory_space<vmem>> -> memref<128x64xf32, #tpu.memory_space<vmem>>
      %dma_start3A_507 = arith.constant 0 : i32
      %dma_start3A_508 = tpu.memref_slice %arg6[%add3A_501, %dma_start3A_507] : memref<80x128xi32, #tpu.memory_space<vmem>> -> memref<1x128xi32, #tpu.memory_space<vmem>>
      %dma_start3A_509 = tpu.memref_squeeze %dma_start3A_508 : memref<1x128xi32, #tpu.memory_space<vmem>> -> memref<128xi32, #tpu.memory_space<vmem>>
      %dma_start3A_510 = arith.constant 0 : i32
      %dma_start3A_511 = arith.constant 0 : i32
      %dma_start3A_512 = tpu.memref_slice %arg2[%dma_start3A_510, %dma_start3A_511] : memref<10240x64xf32, #tpu.memory_space<hbm>> -> memref<10240x64xf32, #tpu.memory_space<hbm>>
      tpu.enqueue_indirect_dma source(%dma_start3A_512 : memref<10240x64xf32, #tpu.memory_space<hbm>>) target(%dma_start3A_506 : memref<128x64xf32, #tpu.memory_space<vmem>>) offsets(%dma_start3A_509 : memref<128xi32, #tpu.memory_space<vmem>>) semaphore(%arg12 : memref<!tpu.dma_semaphore, #tpu.memory_space<semaphore_mem>>)
      %add3A_513 = arith.constant 2 : i32
      %add3A_514 = arith.addi %add3A_413, %add3A_513 : i32
      %dma_wait3A_515 = arith.constant 6 : i32
      %dma_wait3A_516 = arith.constant 0 : i32
      %dma_wait3A_517 = arith.constant 0 : i32
      %dma_wait3A_518 = tpu.memref_slice %arg8[%dma_wait3A_515, %dma_wait3A_516, %dma_wait3A_517] : memref<8x128x64xf32, #tpu.memory_space<vmem>> -> memref<1x128x64xf32, #tpu.memory_space<vmem>>
      %dma_wait3A_519 = tpu.memref_squeeze %dma_wait3A_518 : memref<1x128x64xf32, #tpu.memory_space<vmem>> -> memref<128x64xf32, #tpu.memory_space<vmem>>
      %dma_wait3A_520 = arith.constant 0 : i32
      %dma_wait3A_521 = tpu.memref_slice %arg6[%add3A_514, %dma_wait3A_520] : memref<80x128xi32, #tpu.memory_space<vmem>> -> memref<1x128xi32, #tpu.memory_space<vmem>>
      %dma_wait3A_522 = tpu.memref_squeeze %dma_wait3A_521 : memref<1x128xi32, #tpu.memory_space<vmem>> -> memref<128xi32, #tpu.memory_space<vmem>>
      %dma_wait3A_523 = arith.constant 0 : i32
      %dma_wait3A_524 = arith.constant 0 : i32
      %dma_wait3A_525 = tpu.memref_slice %arg2[%dma_wait3A_523, %dma_wait3A_524] : memref<10240x64xf32, #tpu.memory_space<hbm>> -> memref<10240x64xf32, #tpu.memory_space<hbm>>
      tpu.wait_indirect_dma semaphore(%arg17 : memref<!tpu.dma_semaphore, #tpu.memory_space<semaphore_mem>>) src(%dma_wait3A_525 : memref<10240x64xf32, #tpu.memory_space<hbm>>) dst(%dma_wait3A_519 : memref<128x64xf32, #tpu.memory_space<vmem>>)
      %dma_start3A_526 = arith.constant 6 : i32
      %dma_start3A_527 = arith.constant 0 : i32
      %dma_start3A_528 = arith.constant 0 : i32
      %dma_start3A_529 = tpu.memref_slice %arg8[%dma_start3A_526, %dma_start3A_527, %dma_start3A_528] : memref<8x128x64xf32, #tpu.memory_space<vmem>> -> memref<1x128x64xf32, #tpu.memory_space<vmem>>
      %dma_start3A_530 = tpu.memref_squeeze %dma_start3A_529 : memref<1x128x64xf32, #tpu.memory_space<vmem>> -> memref<128x64xf32, #tpu.memory_space<vmem>>
      %dma_start3A_531 = arith.constant 0 : i32
      %dma_start3A_532 = tpu.memref_slice %arg7[%add3A_514, %dma_start3A_531] : memref<80x128xi32, #tpu.memory_space<vmem>> -> memref<1x128xi32, #tpu.memory_space<vmem>>
      %dma_start3A_533 = tpu.memref_squeeze %dma_start3A_532 : memref<1x128xi32, #tpu.memory_space<vmem>> -> memref<128xi32, #tpu.memory_space<vmem>>
      %dma_start3A_534 = arith.constant 0 : i32
      %dma_start3A_535 = arith.constant 0 : i32
      %dma_start3A_536 = tpu.memref_slice %arg10[%dma_start3A_534, %dma_start3A_535] : memref<10240x64xf32, #tpu.memory_space<vmem_shared>> -> memref<10240x64xf32, #tpu.memory_space<vmem_shared>>
      tpu.enqueue_indirect_dma source(%dma_start3A_530 : memref<128x64xf32, #tpu.memory_space<vmem>>) target(%dma_start3A_536 : memref<10240x64xf32, #tpu.memory_space<vmem_shared>>) offsets(%dma_start3A_533 : memref<128xi32, #tpu.memory_space<vmem>>) semaphore(%arg25 : memref<!tpu.dma_semaphore, #tpu.memory_space<semaphore_mem>>) {add = true}
      %sub3A_537 = arith.constant 4 : i32
      %sub3A_538 = arith.subi %add3A_514, %sub3A_537 : i32
      %dma_wait3A_539 = arith.constant 2 : i32
      %dma_wait3A_540 = arith.constant 0 : i32
      %dma_wait3A_541 = arith.constant 0 : i32
      %dma_wait3A_542 = tpu.memref_slice %arg8[%dma_wait3A_539, %dma_wait3A_540, %dma_wait3A_541] : memref<8x128x64xf32, #tpu.memory_space<vmem>> -> memref<1x128x64xf32, #tpu.memory_space<vmem>>
      %dma_wait3A_543 = tpu.memref_squeeze %dma_wait3A_542 : memref<1x128x64xf32, #tpu.memory_space<vmem>> -> memref<128x64xf32, #tpu.memory_space<vmem>>
      %dma_wait3A_544 = arith.constant 0 : i32
      %dma_wait3A_545 = tpu.memref_slice %arg7[%sub3A_538, %dma_wait3A_544] : memref<80x128xi32, #tpu.memory_space<vmem>> -> memref<1x128xi32, #tpu.memory_space<vmem>>
      %dma_wait3A_546 = tpu.memref_squeeze %dma_wait3A_545 : memref<1x128xi32, #tpu.memory_space<vmem>> -> memref<128xi32, #tpu.memory_space<vmem>>
      %dma_wait3A_547 = arith.constant 0 : i32
      %dma_wait3A_548 = arith.constant 0 : i32
      %dma_wait3A_549 = tpu.memref_slice %arg10[%dma_wait3A_547, %dma_wait3A_548] : memref<10240x64xf32, #tpu.memory_space<vmem_shared>> -> memref<10240x64xf32, #tpu.memory_space<vmem_shared>>
      tpu.wait_indirect_dma semaphore(%arg21 : memref<!tpu.dma_semaphore, #tpu.memory_space<semaphore_mem>>) src(%dma_wait3A_543 : memref<128x64xf32, #tpu.memory_space<vmem>>) dst(%dma_wait3A_549 : memref<10240x64xf32, #tpu.memory_space<vmem_shared>>)
      %add3A_550 = arith.constant 4 : i32
      %add3A_551 = arith.addi %add3A_514, %add3A_550 : i32
      %dma_start3A_552 = arith.constant 2 : i32
      %dma_start3A_553 = arith.constant 0 : i32
      %dma_start3A_554 = arith.constant 0 : i32
      %dma_start3A_555 = tpu.memref_slice %arg8[%dma_start3A_552, %dma_start3A_553, %dma_start3A_554] : memref<8x128x64xf32, #tpu.memory_space<vmem>> -> memref<1x128x64xf32, #tpu.memory_space<vmem>>
      %dma_start3A_556 = tpu.memref_squeeze %dma_start3A_555 : memref<1x128x64xf32, #tpu.memory_space<vmem>> -> memref<128x64xf32, #tpu.memory_space<vmem>>
      %dma_start3A_557 = arith.constant 0 : i32
      %dma_start3A_558 = tpu.memref_slice %arg6[%add3A_551, %dma_start3A_557] : memref<80x128xi32, #tpu.memory_space<vmem>> -> memref<1x128xi32, #tpu.memory_space<vmem>>
      %dma_start3A_559 = tpu.memref_squeeze %dma_start3A_558 : memref<1x128xi32, #tpu.memory_space<vmem>> -> memref<128xi32, #tpu.memory_space<vmem>>
      %dma_start3A_560 = arith.constant 0 : i32
      %dma_start3A_561 = arith.constant 0 : i32
      %dma_start3A_562 = tpu.memref_slice %arg2[%dma_start3A_560, %dma_start3A_561] : memref<10240x64xf32, #tpu.memory_space<hbm>> -> memref<10240x64xf32, #tpu.memory_space<hbm>>
      tpu.enqueue_indirect_dma source(%dma_start3A_562 : memref<10240x64xf32, #tpu.memory_space<hbm>>) target(%dma_start3A_556 : memref<128x64xf32, #tpu.memory_space<vmem>>) offsets(%dma_start3A_559 : memref<128xi32, #tpu.memory_space<vmem>>) semaphore(%arg13 : memref<!tpu.dma_semaphore, #tpu.memory_space<semaphore_mem>>)
      %add3A_563 = arith.constant 3 : i32
      %add3A_564 = arith.addi %add3A_413, %add3A_563 : i32
      %dma_wait3A_565 = arith.constant 7 : i32
      %dma_wait3A_566 = arith.constant 0 : i32
      %dma_wait3A_567 = arith.constant 0 : i32
      %dma_wait3A_568 = tpu.memref_slice %arg8[%dma_wait3A_565, %dma_wait3A_566, %dma_wait3A_567] : memref<8x128x64xf32, #tpu.memory_space<vmem>> -> memref<1x128x64xf32, #tpu.memory_space<vmem>>
      %dma_wait3A_569 = tpu.memref_squeeze %dma_wait3A_568 : memref<1x128x64xf32, #tpu.memory_space<vmem>> -> memref<128x64xf32, #tpu.memory_space<vmem>>
      %dma_wait3A_570 = arith.constant 0 : i32
      %dma_wait3A_571 = tpu.memref_slice %arg6[%add3A_564, %dma_wait3A_570] : memref<80x128xi32, #tpu.memory_space<vmem>> -> memref<1x128xi32, #tpu.memory_space<vmem>>
      %dma_wait3A_572 = tpu.memref_squeeze %dma_wait3A_571 : memref<1x128xi32, #tpu.memory_space<vmem>> -> memref<128xi32, #tpu.memory_space<vmem>>
      %dma_wait3A_573 = arith.constant 0 : i32
      %dma_wait3A_574 = arith.constant 0 : i32
      %dma_wait3A_575 = tpu.memref_slice %arg2[%dma_wait3A_573, %dma_wait3A_574] : memref<10240x64xf32, #tpu.memory_space<hbm>> -> memref<10240x64xf32, #tpu.memory_space<hbm>>
      tpu.wait_indirect_dma semaphore(%arg18 : memref<!tpu.dma_semaphore, #tpu.memory_space<semaphore_mem>>) src(%dma_wait3A_575 : memref<10240x64xf32, #tpu.memory_space<hbm>>) dst(%dma_wait3A_569 : memref<128x64xf32, #tpu.memory_space<vmem>>)
      %dma_start3A_576 = arith.constant 7 : i32
      %dma_start3A_577 = arith.constant 0 : i32
      %dma_start3A_578 = arith.constant 0 : i32
      %dma_start3A_579 = tpu.memref_slice %arg8[%dma_start3A_576, %dma_start3A_577, %dma_start3A_578] : memref<8x128x64xf32, #tpu.memory_space<vmem>> -> memref<1x128x64xf32, #tpu.memory_space<vmem>>
      %dma_start3A_580 = tpu.memref_squeeze %dma_start3A_579 : memref<1x128x64xf32, #tpu.memory_space<vmem>> -> memref<128x64xf32, #tpu.memory_space<vmem>>
      %dma_start3A_581 = arith.constant 0 : i32
      %dma_start3A_582 = tpu.memref_slice %arg7[%add3A_564, %dma_start3A_581] : memref<80x128xi32, #tpu.memory_space<vmem>> -> memref<1x128xi32, #tpu.memory_space<vmem>>
      %dma_start3A_583 = tpu.memref_squeeze %dma_start3A_582 : memref<1x128xi32, #tpu.memory_space<vmem>> -> memref<128xi32, #tpu.memory_space<vmem>>
      %dma_start3A_584 = arith.constant 0 : i32
      %dma_start3A_585 = arith.constant 0 : i32
      %dma_start3A_586 = tpu.memref_slice %arg10[%dma_start3A_584, %dma_start3A_585] : memref<10240x64xf32, #tpu.memory_space<vmem_shared>> -> memref<10240x64xf32, #tpu.memory_space<vmem_shared>>
      tpu.enqueue_indirect_dma source(%dma_start3A_580 : memref<128x64xf32, #tpu.memory_space<vmem>>) target(%dma_start3A_586 : memref<10240x64xf32, #tpu.memory_space<vmem_shared>>) offsets(%dma_start3A_583 : memref<128xi32, #tpu.memory_space<vmem>>) semaphore(%arg26 : memref<!tpu.dma_semaphore, #tpu.memory_space<semaphore_mem>>) {add = true}
      %sub3A_587 = arith.constant 4 : i32
      %sub3A_588 = arith.subi %add3A_564, %sub3A_587 : i32
      %dma_wait3A_589 = arith.constant 3 : i32
      %dma_wait3A_590 = arith.constant 0 : i32
      %dma_wait3A_591 = arith.constant 0 : i32
      %dma_wait3A_592 = tpu.memref_slice %arg8[%dma_wait3A_589, %dma_wait3A_590, %dma_wait3A_591] : memref<8x128x64xf32, #tpu.memory_space<vmem>> -> memref<1x128x64xf32, #tpu.memory_space<vmem>>
      %dma_wait3A_593 = tpu.memref_squeeze %dma_wait3A_592 : memref<1x128x64xf32, #tpu.memory_space<vmem>> -> memref<128x64xf32, #tpu.memory_space<vmem>>
      %dma_wait3A_594 = arith.constant 0 : i32
      %dma_wait3A_595 = tpu.memref_slice %arg7[%sub3A_588, %dma_wait3A_594] : memref<80x128xi32, #tpu.memory_space<vmem>> -> memref<1x128xi32, #tpu.memory_space<vmem>>
      %dma_wait3A_596 = tpu.memref_squeeze %dma_wait3A_595 : memref<1x128xi32, #tpu.memory_space<vmem>> -> memref<128xi32, #tpu.memory_space<vmem>>
      %dma_wait3A_597 = arith.constant 0 : i32
      %dma_wait3A_598 = arith.constant 0 : i32
      %dma_wait3A_599 = tpu.memref_slice %arg10[%dma_wait3A_597, %dma_wait3A_598] : memref<10240x64xf32, #tpu.memory_space<vmem_shared>> -> memref<10240x64xf32, #tpu.memory_space<vmem_shared>>
      tpu.wait_indirect_dma semaphore(%arg22 : memref<!tpu.dma_semaphore, #tpu.memory_space<semaphore_mem>>) src(%dma_wait3A_593 : memref<128x64xf32, #tpu.memory_space<vmem>>) dst(%dma_wait3A_599 : memref<10240x64xf32, #tpu.memory_space<vmem_shared>>)
      %add3A_600 = arith.constant 4 : i32
      %add3A_601 = arith.addi %add3A_564, %add3A_600 : i32
      %dma_start3A_602 = arith.constant 3 : i32
      %dma_start3A_603 = arith.constant 0 : i32
      %dma_start3A_604 = arith.constant 0 : i32
      %dma_start3A_605 = tpu.memref_slice %arg8[%dma_start3A_602, %dma_start3A_603, %dma_start3A_604] : memref<8x128x64xf32, #tpu.memory_space<vmem>> -> memref<1x128x64xf32, #tpu.memory_space<vmem>>
      %dma_start3A_606 = tpu.memref_squeeze %dma_start3A_605 : memref<1x128x64xf32, #tpu.memory_space<vmem>> -> memref<128x64xf32, #tpu.memory_space<vmem>>
      %dma_start3A_607 = arith.constant 0 : i32
      %dma_start3A_608 = tpu.memref_slice %arg6[%add3A_601, %dma_start3A_607] : memref<80x128xi32, #tpu.memory_space<vmem>> -> memref<1x128xi32, #tpu.memory_space<vmem>>
      %dma_start3A_609 = tpu.memref_squeeze %dma_start3A_608 : memref<1x128xi32, #tpu.memory_space<vmem>> -> memref<128xi32, #tpu.memory_space<vmem>>
      %dma_start3A_610 = arith.constant 0 : i32
      %dma_start3A_611 = arith.constant 0 : i32
      %dma_start3A_612 = tpu.memref_slice %arg2[%dma_start3A_610, %dma_start3A_611] : memref<10240x64xf32, #tpu.memory_space<hbm>> -> memref<10240x64xf32, #tpu.memory_space<hbm>>
      tpu.enqueue_indirect_dma source(%dma_start3A_612 : memref<10240x64xf32, #tpu.memory_space<hbm>>) target(%dma_start3A_606 : memref<128x64xf32, #tpu.memory_space<vmem>>) offsets(%dma_start3A_609 : memref<128xi32, #tpu.memory_space<vmem>>) semaphore(%arg14 : memref<!tpu.dma_semaphore, #tpu.memory_space<semaphore_mem>>)
      %add3A_613 = arith.constant 4 : i32
      %add3A_614 = arith.addi %add3A_413, %add3A_613 : i32
      %dma_wait3A_615 = arith.constant 0 : i32
      %dma_wait3A_616 = arith.constant 0 : i32
      %dma_wait3A_617 = arith.constant 0 : i32
      %dma_wait3A_618 = tpu.memref_slice %arg8[%dma_wait3A_615, %dma_wait3A_616, %dma_wait3A_617] : memref<8x128x64xf32, #tpu.memory_space<vmem>> -> memref<1x128x64xf32, #tpu.memory_space<vmem>>
      %dma_wait3A_619 = tpu.memref_squeeze %dma_wait3A_618 : memref<1x128x64xf32, #tpu.memory_space<vmem>> -> memref<128x64xf32, #tpu.memory_space<vmem>>
      %dma_wait3A_620 = arith.constant 0 : i32
      %dma_wait3A_621 = tpu.memref_slice %arg6[%add3A_614, %dma_wait3A_620] : memref<80x128xi32, #tpu.memory_space<vmem>> -> memref<1x128xi32, #tpu.memory_space<vmem>>
      %dma_wait3A_622 = tpu.memref_squeeze %dma_wait3A_621 : memref<1x128xi32, #tpu.memory_space<vmem>> -> memref<128xi32, #tpu.memory_space<vmem>>
      %dma_wait3A_623 = arith.constant 0 : i32
      %dma_wait3A_624 = arith.constant 0 : i32
      %dma_wait3A_625 = tpu.memref_slice %arg2[%dma_wait3A_623, %dma_wait3A_624] : memref<10240x64xf32, #tpu.memory_space<hbm>> -> memref<10240x64xf32, #tpu.memory_space<hbm>>
      tpu.wait_indirect_dma semaphore(%arg11 : memref<!tpu.dma_semaphore, #tpu.memory_space<semaphore_mem>>) src(%dma_wait3A_625 : memref<10240x64xf32, #tpu.memory_space<hbm>>) dst(%dma_wait3A_619 : memref<128x64xf32, #tpu.memory_space<vmem>>)
      %dma_start3A_626 = arith.constant 0 : i32
      %dma_start3A_627 = arith.constant 0 : i32
      %dma_start3A_628 = arith.constant 0 : i32
      %dma_start3A_629 = tpu.memref_slice %arg8[%dma_start3A_626, %dma_start3A_627, %dma_start3A_628] : memref<8x128x64xf32, #tpu.memory_space<vmem>> -> memref<1x128x64xf32, #tpu.memory_space<vmem>>
      %dma_start3A_630 = tpu.memref_squeeze %dma_start3A_629 : memref<1x128x64xf32, #tpu.memory_space<vmem>> -> memref<128x64xf32, #tpu.memory_space<vmem>>
      %dma_start3A_631 = arith.constant 0 : i32
      %dma_start3A_632 = tpu.memref_slice %arg7[%add3A_614, %dma_start3A_631] : memref<80x128xi32, #tpu.memory_space<vmem>> -> memref<1x128xi32, #tpu.memory_space<vmem>>
      %dma_start3A_633 = tpu.memref_squeeze %dma_start3A_632 : memref<1x128xi32, #tpu.memory_space<vmem>> -> memref<128xi32, #tpu.memory_space<vmem>>
      %dma_start3A_634 = arith.constant 0 : i32
      %dma_start3A_635 = arith.constant 0 : i32
      %dma_start3A_636 = tpu.memref_slice %arg10[%dma_start3A_634, %dma_start3A_635] : memref<10240x64xf32, #tpu.memory_space<vmem_shared>> -> memref<10240x64xf32, #tpu.memory_space<vmem_shared>>
      tpu.enqueue_indirect_dma source(%dma_start3A_630 : memref<128x64xf32, #tpu.memory_space<vmem>>) target(%dma_start3A_636 : memref<10240x64xf32, #tpu.memory_space<vmem_shared>>) offsets(%dma_start3A_633 : memref<128xi32, #tpu.memory_space<vmem>>) semaphore(%arg19 : memref<!tpu.dma_semaphore, #tpu.memory_space<semaphore_mem>>) {add = true}
      %sub3A_637 = arith.constant 4 : i32
      %sub3A_638 = arith.subi %add3A_614, %sub3A_637 : i32
      %dma_wait3A_639 = arith.constant 4 : i32
      %dma_wait3A_640 = arith.constant 0 : i32
      %dma_wait3A_641 = arith.constant 0 : i32
      %dma_wait3A_642 = tpu.memref_slice %arg8[%dma_wait3A_639, %dma_wait3A_640, %dma_wait3A_641] : memref<8x128x64xf32, #tpu.memory_space<vmem>> -> memref<1x128x64xf32, #tpu.memory_space<vmem>>
      %dma_wait3A_643 = tpu.memref_squeeze %dma_wait3A_642 : memref<1x128x64xf32, #tpu.memory_space<vmem>> -> memref<128x64xf32, #tpu.memory_space<vmem>>
      %dma_wait3A_644 = arith.constant 0 : i32
      %dma_wait3A_645 = tpu.memref_slice %arg7[%sub3A_638, %dma_wait3A_644] : memref<80x128xi32, #tpu.memory_space<vmem>> -> memref<1x128xi32, #tpu.memory_space<vmem>>
      %dma_wait3A_646 = tpu.memref_squeeze %dma_wait3A_645 : memref<1x128xi32, #tpu.memory_space<vmem>> -> memref<128xi32, #tpu.memory_space<vmem>>
      %dma_wait3A_647 = arith.constant 0 : i32
      %dma_wait3A_648 = arith.constant 0 : i32
      %dma_wait3A_649 = tpu.memref_slice %arg10[%dma_wait3A_647, %dma_wait3A_648] : memref<10240x64xf32, #tpu.memory_space<vmem_shared>> -> memref<10240x64xf32, #tpu.memory_space<vmem_shared>>
      tpu.wait_indirect_dma semaphore(%arg23 : memref<!tpu.dma_semaphore, #tpu.memory_space<semaphore_mem>>) src(%dma_wait3A_643 : memref<128x64xf32, #tpu.memory_space<vmem>>) dst(%dma_wait3A_649 : memref<10240x64xf32, #tpu.memory_space<vmem_shared>>)
      %add3A_650 = arith.constant 4 : i32
      %add3A_651 = arith.addi %add3A_614, %add3A_650 : i32
      %dma_start3A_652 = arith.constant 4 : i32
      %dma_start3A_653 = arith.constant 0 : i32
      %dma_start3A_654 = arith.constant 0 : i32
      %dma_start3A_655 = tpu.memref_slice %arg8[%dma_start3A_652, %dma_start3A_653, %dma_start3A_654] : memref<8x128x64xf32, #tpu.memory_space<vmem>> -> memref<1x128x64xf32, #tpu.memory_space<vmem>>
      %dma_start3A_656 = tpu.memref_squeeze %dma_start3A_655 : memref<1x128x64xf32, #tpu.memory_space<vmem>> -> memref<128x64xf32, #tpu.memory_space<vmem>>
      %dma_start3A_657 = arith.constant 0 : i32
      %dma_start3A_658 = tpu.memref_slice %arg6[%add3A_651, %dma_start3A_657] : memref<80x128xi32, #tpu.memory_space<vmem>> -> memref<1x128xi32, #tpu.memory_space<vmem>>
      %dma_start3A_659 = tpu.memref_squeeze %dma_start3A_658 : memref<1x128xi32, #tpu.memory_space<vmem>> -> memref<128xi32, #tpu.memory_space<vmem>>
      %dma_start3A_660 = arith.constant 0 : i32
      %dma_start3A_661 = arith.constant 0 : i32
      %dma_start3A_662 = tpu.memref_slice %arg2[%dma_start3A_660, %dma_start3A_661] : memref<10240x64xf32, #tpu.memory_space<hbm>> -> memref<10240x64xf32, #tpu.memory_space<hbm>>
      tpu.enqueue_indirect_dma source(%dma_start3A_662 : memref<10240x64xf32, #tpu.memory_space<hbm>>) target(%dma_start3A_656 : memref<128x64xf32, #tpu.memory_space<vmem>>) offsets(%dma_start3A_659 : memref<128xi32, #tpu.memory_space<vmem>>) semaphore(%arg15 : memref<!tpu.dma_semaphore, #tpu.memory_space<semaphore_mem>>)
      %add3A_663 = arith.constant 5 : i32
      %add3A_664 = arith.addi %add3A_413, %add3A_663 : i32
      %dma_wait3A_665 = arith.constant 1 : i32
      %dma_wait3A_666 = arith.constant 0 : i32
      %dma_wait3A_667 = arith.constant 0 : i32
      %dma_wait3A_668 = tpu.memref_slice %arg8[%dma_wait3A_665, %dma_wait3A_666, %dma_wait3A_667] : memref<8x128x64xf32, #tpu.memory_space<vmem>> -> memref<1x128x64xf32, #tpu.memory_space<vmem>>
      %dma_wait3A_669 = tpu.memref_squeeze %dma_wait3A_668 : memref<1x128x64xf32, #tpu.memory_space<vmem>> -> memref<128x64xf32, #tpu.memory_space<vmem>>
      %dma_wait3A_670 = arith.constant 0 : i32
      %dma_wait3A_671 = tpu.memref_slice %arg6[%add3A_664, %dma_wait3A_670] : memref<80x128xi32, #tpu.memory_space<vmem>> -> memref<1x128xi32, #tpu.memory_space<vmem>>
      %dma_wait3A_672 = tpu.memref_squeeze %dma_wait3A_671 : memref<1x128xi32, #tpu.memory_space<vmem>> -> memref<128xi32, #tpu.memory_space<vmem>>
      %dma_wait3A_673 = arith.constant 0 : i32
      %dma_wait3A_674 = arith.constant 0 : i32
      %dma_wait3A_675 = tpu.memref_slice %arg2[%dma_wait3A_673, %dma_wait3A_674] : memref<10240x64xf32, #tpu.memory_space<hbm>> -> memref<10240x64xf32, #tpu.memory_space<hbm>>
      tpu.wait_indirect_dma semaphore(%arg12 : memref<!tpu.dma_semaphore, #tpu.memory_space<semaphore_mem>>) src(%dma_wait3A_675 : memref<10240x64xf32, #tpu.memory_space<hbm>>) dst(%dma_wait3A_669 : memref<128x64xf32, #tpu.memory_space<vmem>>)
      %dma_start3A_676 = arith.constant 1 : i32
      %dma_start3A_677 = arith.constant 0 : i32
      %dma_start3A_678 = arith.constant 0 : i32
      %dma_start3A_679 = tpu.memref_slice %arg8[%dma_start3A_676, %dma_start3A_677, %dma_start3A_678] : memref<8x128x64xf32, #tpu.memory_space<vmem>> -> memref<1x128x64xf32, #tpu.memory_space<vmem>>
      %dma_start3A_680 = tpu.memref_squeeze %dma_start3A_679 : memref<1x128x64xf32, #tpu.memory_space<vmem>> -> memref<128x64xf32, #tpu.memory_space<vmem>>
      %dma_start3A_681 = arith.constant 0 : i32
      %dma_start3A_682 = tpu.memref_slice %arg7[%add3A_664, %dma_start3A_681] : memref<80x128xi32, #tpu.memory_space<vmem>> -> memref<1x128xi32, #tpu.memory_space<vmem>>
      %dma_start3A_683 = tpu.memref_squeeze %dma_start3A_682 : memref<1x128xi32, #tpu.memory_space<vmem>> -> memref<128xi32, #tpu.memory_space<vmem>>
      %dma_start3A_684 = arith.constant 0 : i32
      %dma_start3A_685 = arith.constant 0 : i32
      %dma_start3A_686 = tpu.memref_slice %arg10[%dma_start3A_684, %dma_start3A_685] : memref<10240x64xf32, #tpu.memory_space<vmem_shared>> -> memref<10240x64xf32, #tpu.memory_space<vmem_shared>>
      tpu.enqueue_indirect_dma source(%dma_start3A_680 : memref<128x64xf32, #tpu.memory_space<vmem>>) target(%dma_start3A_686 : memref<10240x64xf32, #tpu.memory_space<vmem_shared>>) offsets(%dma_start3A_683 : memref<128xi32, #tpu.memory_space<vmem>>) semaphore(%arg20 : memref<!tpu.dma_semaphore, #tpu.memory_space<semaphore_mem>>) {add = true}
      %sub3A_687 = arith.constant 4 : i32
      %sub3A_688 = arith.subi %add3A_664, %sub3A_687 : i32
      %dma_wait3A_689 = arith.constant 5 : i32
      %dma_wait3A_690 = arith.constant 0 : i32
      %dma_wait3A_691 = arith.constant 0 : i32
      %dma_wait3A_692 = tpu.memref_slice %arg8[%dma_wait3A_689, %dma_wait3A_690, %dma_wait3A_691] : memref<8x128x64xf32, #tpu.memory_space<vmem>> -> memref<1x128x64xf32, #tpu.memory_space<vmem>>
      %dma_wait3A_693 = tpu.memref_squeeze %dma_wait3A_692 : memref<1x128x64xf32, #tpu.memory_space<vmem>> -> memref<128x64xf32, #tpu.memory_space<vmem>>
      %dma_wait3A_694 = arith.constant 0 : i32
      %dma_wait3A_695 = tpu.memref_slice %arg7[%sub3A_688, %dma_wait3A_694] : memref<80x128xi32, #tpu.memory_space<vmem>> -> memref<1x128xi32, #tpu.memory_space<vmem>>
      %dma_wait3A_696 = tpu.memref_squeeze %dma_wait3A_695 : memref<1x128xi32, #tpu.memory_space<vmem>> -> memref<128xi32, #tpu.memory_space<vmem>>
      %dma_wait3A_697 = arith.constant 0 : i32
      %dma_wait3A_698 = arith.constant 0 : i32
      %dma_wait3A_699 = tpu.memref_slice %arg10[%dma_wait3A_697, %dma_wait3A_698] : memref<10240x64xf32, #tpu.memory_space<vmem_shared>> -> memref<10240x64xf32, #tpu.memory_space<vmem_shared>>
      tpu.wait_indirect_dma semaphore(%arg24 : memref<!tpu.dma_semaphore, #tpu.memory_space<semaphore_mem>>) src(%dma_wait3A_693 : memref<128x64xf32, #tpu.memory_space<vmem>>) dst(%dma_wait3A_699 : memref<10240x64xf32, #tpu.memory_space<vmem_shared>>)
      %add3A_700 = arith.constant 4 : i32
      %add3A_701 = arith.addi %add3A_664, %add3A_700 : i32
      %dma_start3A_702 = arith.constant 5 : i32
      %dma_start3A_703 = arith.constant 0 : i32
      %dma_start3A_704 = arith.constant 0 : i32
      %dma_start3A_705 = tpu.memref_slice %arg8[%dma_start3A_702, %dma_start3A_703, %dma_start3A_704] : memref<8x128x64xf32, #tpu.memory_space<vmem>> -> memref<1x128x64xf32, #tpu.memory_space<vmem>>
      %dma_start3A_706 = tpu.memref_squeeze %dma_start3A_705 : memref<1x128x64xf32, #tpu.memory_space<vmem>> -> memref<128x64xf32, #tpu.memory_space<vmem>>
      %dma_start3A_707 = arith.constant 0 : i32
      %dma_start3A_708 = tpu.memref_slice %arg6[%add3A_701, %dma_start3A_707] : memref<80x128xi32, #tpu.memory_space<vmem>> -> memref<1x128xi32, #tpu.memory_space<vmem>>
      %dma_start3A_709 = tpu.memref_squeeze %dma_start3A_708 : memref<1x128xi32, #tpu.memory_space<vmem>> -> memref<128xi32, #tpu.memory_space<vmem>>
      %dma_start3A_710 = arith.constant 0 : i32
      %dma_start3A_711 = arith.constant 0 : i32
      %dma_start3A_712 = tpu.memref_slice %arg2[%dma_start3A_710, %dma_start3A_711] : memref<10240x64xf32, #tpu.memory_space<hbm>> -> memref<10240x64xf32, #tpu.memory_space<hbm>>
      tpu.enqueue_indirect_dma source(%dma_start3A_712 : memref<10240x64xf32, #tpu.memory_space<hbm>>) target(%dma_start3A_706 : memref<128x64xf32, #tpu.memory_space<vmem>>) offsets(%dma_start3A_709 : memref<128xi32, #tpu.memory_space<vmem>>) semaphore(%arg16 : memref<!tpu.dma_semaphore, #tpu.memory_space<semaphore_mem>>)
      %add3A_713 = arith.constant 6 : i32
      %add3A_714 = arith.addi %add3A_413, %add3A_713 : i32
      %dma_wait3A_715 = arith.constant 2 : i32
      %dma_wait3A_716 = arith.constant 0 : i32
      %dma_wait3A_717 = arith.constant 0 : i32
      %dma_wait3A_718 = tpu.memref_slice %arg8[%dma_wait3A_715, %dma_wait3A_716, %dma_wait3A_717] : memref<8x128x64xf32, #tpu.memory_space<vmem>> -> memref<1x128x64xf32, #tpu.memory_space<vmem>>
      %dma_wait3A_719 = tpu.memref_squeeze %dma_wait3A_718 : memref<1x128x64xf32, #tpu.memory_space<vmem>> -> memref<128x64xf32, #tpu.memory_space<vmem>>
      %dma_wait3A_720 = arith.constant 0 : i32
      %dma_wait3A_721 = tpu.memref_slice %arg6[%add3A_714, %dma_wait3A_720] : memref<80x128xi32, #tpu.memory_space<vmem>> -> memref<1x128xi32, #tpu.memory_space<vmem>>
      %dma_wait3A_722 = tpu.memref_squeeze %dma_wait3A_721 : memref<1x128xi32, #tpu.memory_space<vmem>> -> memref<128xi32, #tpu.memory_space<vmem>>
      %dma_wait3A_723 = arith.constant 0 : i32
      %dma_wait3A_724 = arith.constant 0 : i32
      %dma_wait3A_725 = tpu.memref_slice %arg2[%dma_wait3A_723, %dma_wait3A_724] : memref<10240x64xf32, #tpu.memory_space<hbm>> -> memref<10240x64xf32, #tpu.memory_space<hbm>>
      tpu.wait_indirect_dma semaphore(%arg13 : memref<!tpu.dma_semaphore, #tpu.memory_space<semaphore_mem>>) src(%dma_wait3A_725 : memref<10240x64xf32, #tpu.memory_space<hbm>>) dst(%dma_wait3A_719 : memref<128x64xf32, #tpu.memory_space<vmem>>)
      %dma_start3A_726 = arith.constant 2 : i32
      %dma_start3A_727 = arith.constant 0 : i32
      %dma_start3A_728 = arith.constant 0 : i32
      %dma_start3A_729 = tpu.memref_slice %arg8[%dma_start3A_726, %dma_start3A_727, %dma_start3A_728] : memref<8x128x64xf32, #tpu.memory_space<vmem>> -> memref<1x128x64xf32, #tpu.memory_space<vmem>>
      %dma_start3A_730 = tpu.memref_squeeze %dma_start3A_729 : memref<1x128x64xf32, #tpu.memory_space<vmem>> -> memref<128x64xf32, #tpu.memory_space<vmem>>
      %dma_start3A_731 = arith.constant 0 : i32
      %dma_start3A_732 = tpu.memref_slice %arg7[%add3A_714, %dma_start3A_731] : memref<80x128xi32, #tpu.memory_space<vmem>> -> memref<1x128xi32, #tpu.memory_space<vmem>>
      %dma_start3A_733 = tpu.memref_squeeze %dma_start3A_732 : memref<1x128xi32, #tpu.memory_space<vmem>> -> memref<128xi32, #tpu.memory_space<vmem>>
      %dma_start3A_734 = arith.constant 0 : i32
      %dma_start3A_735 = arith.constant 0 : i32
      %dma_start3A_736 = tpu.memref_slice %arg10[%dma_start3A_734, %dma_start3A_735] : memref<10240x64xf32, #tpu.memory_space<vmem_shared>> -> memref<10240x64xf32, #tpu.memory_space<vmem_shared>>
      tpu.enqueue_indirect_dma source(%dma_start3A_730 : memref<128x64xf32, #tpu.memory_space<vmem>>) target(%dma_start3A_736 : memref<10240x64xf32, #tpu.memory_space<vmem_shared>>) offsets(%dma_start3A_733 : memref<128xi32, #tpu.memory_space<vmem>>) semaphore(%arg21 : memref<!tpu.dma_semaphore, #tpu.memory_space<semaphore_mem>>) {add = true}
      %sub3A_737 = arith.constant 4 : i32
      %sub3A_738 = arith.subi %add3A_714, %sub3A_737 : i32
      %dma_wait3A_739 = arith.constant 6 : i32
      %dma_wait3A_740 = arith.constant 0 : i32
      %dma_wait3A_741 = arith.constant 0 : i32
      %dma_wait3A_742 = tpu.memref_slice %arg8[%dma_wait3A_739, %dma_wait3A_740, %dma_wait3A_741] : memref<8x128x64xf32, #tpu.memory_space<vmem>> -> memref<1x128x64xf32, #tpu.memory_space<vmem>>
      %dma_wait3A_743 = tpu.memref_squeeze %dma_wait3A_742 : memref<1x128x64xf32, #tpu.memory_space<vmem>> -> memref<128x64xf32, #tpu.memory_space<vmem>>
      %dma_wait3A_744 = arith.constant 0 : i32
      %dma_wait3A_745 = tpu.memref_slice %arg7[%sub3A_738, %dma_wait3A_744] : memref<80x128xi32, #tpu.memory_space<vmem>> -> memref<1x128xi32, #tpu.memory_space<vmem>>
      %dma_wait3A_746 = tpu.memref_squeeze %dma_wait3A_745 : memref<1x128xi32, #tpu.memory_space<vmem>> -> memref<128xi32, #tpu.memory_space<vmem>>
      %dma_wait3A_747 = arith.constant 0 : i32
      %dma_wait3A_748 = arith.constant 0 : i32
      %dma_wait3A_749 = tpu.memref_slice %arg10[%dma_wait3A_747, %dma_wait3A_748] : memref<10240x64xf32, #tpu.memory_space<vmem_shared>> -> memref<10240x64xf32, #tpu.memory_space<vmem_shared>>
      tpu.wait_indirect_dma semaphore(%arg25 : memref<!tpu.dma_semaphore, #tpu.memory_space<semaphore_mem>>) src(%dma_wait3A_743 : memref<128x64xf32, #tpu.memory_space<vmem>>) dst(%dma_wait3A_749 : memref<10240x64xf32, #tpu.memory_space<vmem_shared>>)
      %add3A_750 = arith.constant 4 : i32
      %add3A_751 = arith.addi %add3A_714, %add3A_750 : i32
      %dma_start3A_752 = arith.constant 6 : i32
      %dma_start3A_753 = arith.constant 0 : i32
      %dma_start3A_754 = arith.constant 0 : i32
      %dma_start3A_755 = tpu.memref_slice %arg8[%dma_start3A_752, %dma_start3A_753, %dma_start3A_754] : memref<8x128x64xf32, #tpu.memory_space<vmem>> -> memref<1x128x64xf32, #tpu.memory_space<vmem>>
      %dma_start3A_756 = tpu.memref_squeeze %dma_start3A_755 : memref<1x128x64xf32, #tpu.memory_space<vmem>> -> memref<128x64xf32, #tpu.memory_space<vmem>>
      %dma_start3A_757 = arith.constant 0 : i32
      %dma_start3A_758 = tpu.memref_slice %arg6[%add3A_751, %dma_start3A_757] : memref<80x128xi32, #tpu.memory_space<vmem>> -> memref<1x128xi32, #tpu.memory_space<vmem>>
      %dma_start3A_759 = tpu.memref_squeeze %dma_start3A_758 : memref<1x128xi32, #tpu.memory_space<vmem>> -> memref<128xi32, #tpu.memory_space<vmem>>
      %dma_start3A_760 = arith.constant 0 : i32
      %dma_start3A_761 = arith.constant 0 : i32
      %dma_start3A_762 = tpu.memref_slice %arg2[%dma_start3A_760, %dma_start3A_761] : memref<10240x64xf32, #tpu.memory_space<hbm>> -> memref<10240x64xf32, #tpu.memory_space<hbm>>
      tpu.enqueue_indirect_dma source(%dma_start3A_762 : memref<10240x64xf32, #tpu.memory_space<hbm>>) target(%dma_start3A_756 : memref<128x64xf32, #tpu.memory_space<vmem>>) offsets(%dma_start3A_759 : memref<128xi32, #tpu.memory_space<vmem>>) semaphore(%arg17 : memref<!tpu.dma_semaphore, #tpu.memory_space<semaphore_mem>>)
      %add3A_763 = arith.constant 7 : i32
      %add3A_764 = arith.addi %add3A_413, %add3A_763 : i32
      %dma_wait3A_765 = arith.constant 3 : i32
      %dma_wait3A_766 = arith.constant 0 : i32
      %dma_wait3A_767 = arith.constant 0 : i32
      %dma_wait3A_768 = tpu.memref_slice %arg8[%dma_wait3A_765, %dma_wait3A_766, %dma_wait3A_767] : memref<8x128x64xf32, #tpu.memory_space<vmem>> -> memref<1x128x64xf32, #tpu.memory_space<vmem>>
      %dma_wait3A_769 = tpu.memref_squeeze %dma_wait3A_768 : memref<1x128x64xf32, #tpu.memory_space<vmem>> -> memref<128x64xf32, #tpu.memory_space<vmem>>
      %dma_wait3A_770 = arith.constant 0 : i32
      %dma_wait3A_771 = tpu.memref_slice %arg6[%add3A_764, %dma_wait3A_770] : memref<80x128xi32, #tpu.memory_space<vmem>> -> memref<1x128xi32, #tpu.memory_space<vmem>>
      %dma_wait3A_772 = tpu.memref_squeeze %dma_wait3A_771 : memref<1x128xi32, #tpu.memory_space<vmem>> -> memref<128xi32, #tpu.memory_space<vmem>>
      %dma_wait3A_773 = arith.constant 0 : i32
      %dma_wait3A_774 = arith.constant 0 : i32
      %dma_wait3A_775 = tpu.memref_slice %arg2[%dma_wait3A_773, %dma_wait3A_774] : memref<10240x64xf32, #tpu.memory_space<hbm>> -> memref<10240x64xf32, #tpu.memory_space<hbm>>
      tpu.wait_indirect_dma semaphore(%arg14 : memref<!tpu.dma_semaphore, #tpu.memory_space<semaphore_mem>>) src(%dma_wait3A_775 : memref<10240x64xf32, #tpu.memory_space<hbm>>) dst(%dma_wait3A_769 : memref<128x64xf32, #tpu.memory_space<vmem>>)
      %dma_start3A_776 = arith.constant 3 : i32
      %dma_start3A_777 = arith.constant 0 : i32
      %dma_start3A_778 = arith.constant 0 : i32
      %dma_start3A_779 = tpu.memref_slice %arg8[%dma_start3A_776, %dma_start3A_777, %dma_start3A_778] : memref<8x128x64xf32, #tpu.memory_space<vmem>> -> memref<1x128x64xf32, #tpu.memory_space<vmem>>
      %dma_start3A_780 = tpu.memref_squeeze %dma_start3A_779 : memref<1x128x64xf32, #tpu.memory_space<vmem>> -> memref<128x64xf32, #tpu.memory_space<vmem>>
      %dma_start3A_781 = arith.constant 0 : i32
      %dma_start3A_782 = tpu.memref_slice %arg7[%add3A_764, %dma_start3A_781] : memref<80x128xi32, #tpu.memory_space<vmem>> -> memref<1x128xi32, #tpu.memory_space<vmem>>
      %dma_start3A_783 = tpu.memref_squeeze %dma_start3A_782 : memref<1x128xi32, #tpu.memory_space<vmem>> -> memref<128xi32, #tpu.memory_space<vmem>>
      %dma_start3A_784 = arith.constant 0 : i32
      %dma_start3A_785 = arith.constant 0 : i32
      %dma_start3A_786 = tpu.memref_slice %arg10[%dma_start3A_784, %dma_start3A_785] : memref<10240x64xf32, #tpu.memory_space<vmem_shared>> -> memref<10240x64xf32, #tpu.memory_space<vmem_shared>>
      tpu.enqueue_indirect_dma source(%dma_start3A_780 : memref<128x64xf32, #tpu.memory_space<vmem>>) target(%dma_start3A_786 : memref<10240x64xf32, #tpu.memory_space<vmem_shared>>) offsets(%dma_start3A_783 : memref<128xi32, #tpu.memory_space<vmem>>) semaphore(%arg22 : memref<!tpu.dma_semaphore, #tpu.memory_space<semaphore_mem>>) {add = true}
      %sub3A_787 = arith.constant 4 : i32
      %sub3A_788 = arith.subi %add3A_764, %sub3A_787 : i32
      %dma_wait3A_789 = arith.constant 7 : i32
      %dma_wait3A_790 = arith.constant 0 : i32
      %dma_wait3A_791 = arith.constant 0 : i32
      %dma_wait3A_792 = tpu.memref_slice %arg8[%dma_wait3A_789, %dma_wait3A_790, %dma_wait3A_791] : memref<8x128x64xf32, #tpu.memory_space<vmem>> -> memref<1x128x64xf32, #tpu.memory_space<vmem>>
      %dma_wait3A_793 = tpu.memref_squeeze %dma_wait3A_792 : memref<1x128x64xf32, #tpu.memory_space<vmem>> -> memref<128x64xf32, #tpu.memory_space<vmem>>
      %dma_wait3A_794 = arith.constant 0 : i32
      %dma_wait3A_795 = tpu.memref_slice %arg7[%sub3A_788, %dma_wait3A_794] : memref<80x128xi32, #tpu.memory_space<vmem>> -> memref<1x128xi32, #tpu.memory_space<vmem>>
      %dma_wait3A_796 = tpu.memref_squeeze %dma_wait3A_795 : memref<1x128xi32, #tpu.memory_space<vmem>> -> memref<128xi32, #tpu.memory_space<vmem>>
      %dma_wait3A_797 = arith.constant 0 : i32
      %dma_wait3A_798 = arith.constant 0 : i32
      %dma_wait3A_799 = tpu.memref_slice %arg10[%dma_wait3A_797, %dma_wait3A_798] : memref<10240x64xf32, #tpu.memory_space<vmem_shared>> -> memref<10240x64xf32, #tpu.memory_space<vmem_shared>>
      tpu.wait_indirect_dma semaphore(%arg26 : memref<!tpu.dma_semaphore, #tpu.memory_space<semaphore_mem>>) src(%dma_wait3A_793 : memref<128x64xf32, #tpu.memory_space<vmem>>) dst(%dma_wait3A_799 : memref<10240x64xf32, #tpu.memory_space<vmem_shared>>)
      %add3A_800 = arith.constant 4 : i32
      %add3A_801 = arith.addi %add3A_764, %add3A_800 : i32
      %dma_start3A_802 = arith.constant 7 : i32
      %dma_start3A_803 = arith.constant 0 : i32
      %dma_start3A_804 = arith.constant 0 : i32
      %dma_start3A_805 = tpu.memref_slice %arg8[%dma_start3A_802, %dma_start3A_803, %dma_start3A_804] : memref<8x128x64xf32, #tpu.memory_space<vmem>> -> memref<1x128x64xf32, #tpu.memory_space<vmem>>
      %dma_start3A_806 = tpu.memref_squeeze %dma_start3A_805 : memref<1x128x64xf32, #tpu.memory_space<vmem>> -> memref<128x64xf32, #tpu.memory_space<vmem>>
      %dma_start3A_807 = arith.constant 0 : i32
      %dma_start3A_808 = tpu.memref_slice %arg6[%add3A_801, %dma_start3A_807] : memref<80x128xi32, #tpu.memory_space<vmem>> -> memref<1x128xi32, #tpu.memory_space<vmem>>
      %dma_start3A_809 = tpu.memref_squeeze %dma_start3A_808 : memref<1x128xi32, #tpu.memory_space<vmem>> -> memref<128xi32, #tpu.memory_space<vmem>>
      %dma_start3A_810 = arith.constant 0 : i32
      %dma_start3A_811 = arith.constant 0 : i32
      %dma_start3A_812 = tpu.memref_slice %arg2[%dma_start3A_810, %dma_start3A_811] : memref<10240x64xf32, #tpu.memory_space<hbm>> -> memref<10240x64xf32, #tpu.memory_space<hbm>>
      tpu.enqueue_indirect_dma source(%dma_start3A_812 : memref<10240x64xf32, #tpu.memory_space<hbm>>) target(%dma_start3A_806 : memref<128x64xf32, #tpu.memory_space<vmem>>) offsets(%dma_start3A_809 : memref<128xi32, #tpu.memory_space<vmem>>) semaphore(%arg18 : memref<!tpu.dma_semaphore, #tpu.memory_space<semaphore_mem>>)
    }
    %scan3A_211 = arith.constant 9 : i32
    %dma_wait3A_212 = arith.constant 76 : i32
    %dma_wait3A_213 = arith.constant 4 : i32
    %dma_wait3A_214 = arith.constant 0 : i32
    %dma_wait3A_215 = arith.constant 0 : i32
    %dma_wait3A_216 = tpu.memref_slice %arg8[%dma_wait3A_213, %dma_wait3A_214, %dma_wait3A_215] : memref<8x128x64xf32, #tpu.memory_space<vmem>> -> memref<1x128x64xf32, #tpu.memory_space<vmem>>
    %dma_wait3A_217 = tpu.memref_squeeze %dma_wait3A_216 : memref<1x128x64xf32, #tpu.memory_space<vmem>> -> memref<128x64xf32, #tpu.memory_space<vmem>>
    %dma_wait3A_218 = arith.constant 0 : i32
    %dma_wait3A_219 = tpu.memref_slice %arg6[%dma_wait3A_212, %dma_wait3A_218] : memref<80x128xi32, #tpu.memory_space<vmem>> -> memref<1x128xi32, #tpu.memory_space<vmem>>
    %dma_wait3A_220 = tpu.memref_squeeze %dma_wait3A_219 : memref<1x128xi32, #tpu.memory_space<vmem>> -> memref<128xi32, #tpu.memory_space<vmem>>
    %dma_wait3A_221 = arith.constant 0 : i32
    %dma_wait3A_222 = arith.constant 0 : i32
    %dma_wait3A_223 = tpu.memref_slice %arg2[%dma_wait3A_221, %dma_wait3A_222] : memref<10240x64xf32, #tpu.memory_space<hbm>> -> memref<10240x64xf32, #tpu.memory_space<hbm>>
    tpu.wait_indirect_dma semaphore(%arg15 : memref<!tpu.dma_semaphore, #tpu.memory_space<semaphore_mem>>) src(%dma_wait3A_223 : memref<10240x64xf32, #tpu.memory_space<hbm>>) dst(%dma_wait3A_217 : memref<128x64xf32, #tpu.memory_space<vmem>>)
    %dma_start3A_224 = arith.constant 4 : i32
    %dma_start3A_225 = arith.constant 76 : i32
    %dma_start3A_226 = arith.constant 0 : i32
    %dma_start3A_227 = arith.constant 0 : i32
    %dma_start3A_228 = tpu.memref_slice %arg8[%dma_start3A_224, %dma_start3A_226, %dma_start3A_227] : memref<8x128x64xf32, #tpu.memory_space<vmem>> -> memref<1x128x64xf32, #tpu.memory_space<vmem>>
    %dma_start3A_229 = tpu.memref_squeeze %dma_start3A_228 : memref<1x128x64xf32, #tpu.memory_space<vmem>> -> memref<128x64xf32, #tpu.memory_space<vmem>>
    %dma_start3A_230 = arith.constant 0 : i32
    %dma_start3A_231 = tpu.memref_slice %arg7[%dma_start3A_225, %dma_start3A_230] : memref<80x128xi32, #tpu.memory_space<vmem>> -> memref<1x128xi32, #tpu.memory_space<vmem>>
    %dma_start3A_232 = tpu.memref_squeeze %dma_start3A_231 : memref<1x128xi32, #tpu.memory_space<vmem>> -> memref<128xi32, #tpu.memory_space<vmem>>
    %dma_start3A_233 = arith.constant 0 : i32
    %dma_start3A_234 = arith.constant 0 : i32
    %dma_start3A_235 = tpu.memref_slice %arg10[%dma_start3A_233, %dma_start3A_234] : memref<10240x64xf32, #tpu.memory_space<vmem_shared>> -> memref<10240x64xf32, #tpu.memory_space<vmem_shared>>
    tpu.enqueue_indirect_dma source(%dma_start3A_229 : memref<128x64xf32, #tpu.memory_space<vmem>>) target(%dma_start3A_235 : memref<10240x64xf32, #tpu.memory_space<vmem_shared>>) offsets(%dma_start3A_232 : memref<128xi32, #tpu.memory_space<vmem>>) semaphore(%arg23 : memref<!tpu.dma_semaphore, #tpu.memory_space<semaphore_mem>>) {add = true}
    %dma_wait3A_236 = arith.constant 0 : i32
    %dma_wait3A_237 = arith.constant 72 : i32
    %dma_wait3A_238 = arith.constant 0 : i32
    %dma_wait3A_239 = arith.constant 0 : i32
    %dma_wait3A_240 = tpu.memref_slice %arg8[%dma_wait3A_236, %dma_wait3A_238, %dma_wait3A_239] : memref<8x128x64xf32, #tpu.memory_space<vmem>> -> memref<1x128x64xf32, #tpu.memory_space<vmem>>
    %dma_wait3A_241 = tpu.memref_squeeze %dma_wait3A_240 : memref<1x128x64xf32, #tpu.memory_space<vmem>> -> memref<128x64xf32, #tpu.memory_space<vmem>>
    %dma_wait3A_242 = arith.constant 0 : i32
    %dma_wait3A_243 = tpu.memref_slice %arg7[%dma_wait3A_237, %dma_wait3A_242] : memref<80x128xi32, #tpu.memory_space<vmem>> -> memref<1x128xi32, #tpu.memory_space<vmem>>
    %dma_wait3A_244 = tpu.memref_squeeze %dma_wait3A_243 : memref<1x128xi32, #tpu.memory_space<vmem>> -> memref<128xi32, #tpu.memory_space<vmem>>
    %dma_wait3A_245 = arith.constant 0 : i32
    %dma_wait3A_246 = arith.constant 0 : i32
    %dma_wait3A_247 = tpu.memref_slice %arg10[%dma_wait3A_245, %dma_wait3A_246] : memref<10240x64xf32, #tpu.memory_space<vmem_shared>> -> memref<10240x64xf32, #tpu.memory_space<vmem_shared>>
    tpu.wait_indirect_dma semaphore(%arg19 : memref<!tpu.dma_semaphore, #tpu.memory_space<semaphore_mem>>) src(%dma_wait3A_241 : memref<128x64xf32, #tpu.memory_space<vmem>>) dst(%dma_wait3A_247 : memref<10240x64xf32, #tpu.memory_space<vmem_shared>>)
    %dma_wait3A_248 = arith.constant 77 : i32
    %dma_wait3A_249 = arith.constant 5 : i32
    %dma_wait3A_250 = arith.constant 0 : i32
    %dma_wait3A_251 = arith.constant 0 : i32
    %dma_wait3A_252 = tpu.memref_slice %arg8[%dma_wait3A_249, %dma_wait3A_250, %dma_wait3A_251] : memref<8x128x64xf32, #tpu.memory_space<vmem>> -> memref<1x128x64xf32, #tpu.memory_space<vmem>>
    %dma_wait3A_253 = tpu.memref_squeeze %dma_wait3A_252 : memref<1x128x64xf32, #tpu.memory_space<vmem>> -> memref<128x64xf32, #tpu.memory_space<vmem>>
    %dma_wait3A_254 = arith.constant 0 : i32
    %dma_wait3A_255 = tpu.memref_slice %arg6[%dma_wait3A_248, %dma_wait3A_254] : memref<80x128xi32, #tpu.memory_space<vmem>> -> memref<1x128xi32, #tpu.memory_space<vmem>>
    %dma_wait3A_256 = tpu.memref_squeeze %dma_wait3A_255 : memref<1x128xi32, #tpu.memory_space<vmem>> -> memref<128xi32, #tpu.memory_space<vmem>>
    %dma_wait3A_257 = arith.constant 0 : i32
    %dma_wait3A_258 = arith.constant 0 : i32
    %dma_wait3A_259 = tpu.memref_slice %arg2[%dma_wait3A_257, %dma_wait3A_258] : memref<10240x64xf32, #tpu.memory_space<hbm>> -> memref<10240x64xf32, #tpu.memory_space<hbm>>
    tpu.wait_indirect_dma semaphore(%arg16 : memref<!tpu.dma_semaphore, #tpu.memory_space<semaphore_mem>>) src(%dma_wait3A_259 : memref<10240x64xf32, #tpu.memory_space<hbm>>) dst(%dma_wait3A_253 : memref<128x64xf32, #tpu.memory_space<vmem>>)
    %dma_start3A_260 = arith.constant 5 : i32
    %dma_start3A_261 = arith.constant 77 : i32
    %dma_start3A_262 = arith.constant 0 : i32
    %dma_start3A_263 = arith.constant 0 : i32
    %dma_start3A_264 = tpu.memref_slice %arg8[%dma_start3A_260, %dma_start3A_262, %dma_start3A_263] : memref<8x128x64xf32, #tpu.memory_space<vmem>> -> memref<1x128x64xf32, #tpu.memory_space<vmem>>
    %dma_start3A_265 = tpu.memref_squeeze %dma_start3A_264 : memref<1x128x64xf32, #tpu.memory_space<vmem>> -> memref<128x64xf32, #tpu.memory_space<vmem>>
    %dma_start3A_266 = arith.constant 0 : i32
    %dma_start3A_267 = tpu.memref_slice %arg7[%dma_start3A_261, %dma_start3A_266] : memref<80x128xi32, #tpu.memory_space<vmem>> -> memref<1x128xi32, #tpu.memory_space<vmem>>
    %dma_start3A_268 = tpu.memref_squeeze %dma_start3A_267 : memref<1x128xi32, #tpu.memory_space<vmem>> -> memref<128xi32, #tpu.memory_space<vmem>>
    %dma_start3A_269 = arith.constant 0 : i32
    %dma_start3A_270 = arith.constant 0 : i32
    %dma_start3A_271 = tpu.memref_slice %arg10[%dma_start3A_269, %dma_start3A_270] : memref<10240x64xf32, #tpu.memory_space<vmem_shared>> -> memref<10240x64xf32, #tpu.memory_space<vmem_shared>>
    tpu.enqueue_indirect_dma source(%dma_start3A_265 : memref<128x64xf32, #tpu.memory_space<vmem>>) target(%dma_start3A_271 : memref<10240x64xf32, #tpu.memory_space<vmem_shared>>) offsets(%dma_start3A_268 : memref<128xi32, #tpu.memory_space<vmem>>) semaphore(%arg24 : memref<!tpu.dma_semaphore, #tpu.memory_space<semaphore_mem>>) {add = true}
    %dma_wait3A_272 = arith.constant 1 : i32
    %dma_wait3A_273 = arith.constant 73 : i32
    %dma_wait3A_274 = arith.constant 0 : i32
    %dma_wait3A_275 = arith.constant 0 : i32
    %dma_wait3A_276 = tpu.memref_slice %arg8[%dma_wait3A_272, %dma_wait3A_274, %dma_wait3A_275] : memref<8x128x64xf32, #tpu.memory_space<vmem>> -> memref<1x128x64xf32, #tpu.memory_space<vmem>>
    %dma_wait3A_277 = tpu.memref_squeeze %dma_wait3A_276 : memref<1x128x64xf32, #tpu.memory_space<vmem>> -> memref<128x64xf32, #tpu.memory_space<vmem>>
    %dma_wait3A_278 = arith.constant 0 : i32
    %dma_wait3A_279 = tpu.memref_slice %arg7[%dma_wait3A_273, %dma_wait3A_278] : memref<80x128xi32, #tpu.memory_space<vmem>> -> memref<1x128xi32, #tpu.memory_space<vmem>>
    %dma_wait3A_280 = tpu.memref_squeeze %dma_wait3A_279 : memref<1x128xi32, #tpu.memory_space<vmem>> -> memref<128xi32, #tpu.memory_space<vmem>>
    %dma_wait3A_281 = arith.constant 0 : i32
    %dma_wait3A_282 = arith.constant 0 : i32
    %dma_wait3A_283 = tpu.memref_slice %arg10[%dma_wait3A_281, %dma_wait3A_282] : memref<10240x64xf32, #tpu.memory_space<vmem_shared>> -> memref<10240x64xf32, #tpu.memory_space<vmem_shared>>
    tpu.wait_indirect_dma semaphore(%arg20 : memref<!tpu.dma_semaphore, #tpu.memory_space<semaphore_mem>>) src(%dma_wait3A_277 : memref<128x64xf32, #tpu.memory_space<vmem>>) dst(%dma_wait3A_283 : memref<10240x64xf32, #tpu.memory_space<vmem_shared>>)
    %dma_wait3A_284 = arith.constant 78 : i32
    %dma_wait3A_285 = arith.constant 6 : i32
    %dma_wait3A_286 = arith.constant 0 : i32
    %dma_wait3A_287 = arith.constant 0 : i32
    %dma_wait3A_288 = tpu.memref_slice %arg8[%dma_wait3A_285, %dma_wait3A_286, %dma_wait3A_287] : memref<8x128x64xf32, #tpu.memory_space<vmem>> -> memref<1x128x64xf32, #tpu.memory_space<vmem>>
    %dma_wait3A_289 = tpu.memref_squeeze %dma_wait3A_288 : memref<1x128x64xf32, #tpu.memory_space<vmem>> -> memref<128x64xf32, #tpu.memory_space<vmem>>
    %dma_wait3A_290 = arith.constant 0 : i32
    %dma_wait3A_291 = tpu.memref_slice %arg6[%dma_wait3A_284, %dma_wait3A_290] : memref<80x128xi32, #tpu.memory_space<vmem>> -> memref<1x128xi32, #tpu.memory_space<vmem>>
    %dma_wait3A_292 = tpu.memref_squeeze %dma_wait3A_291 : memref<1x128xi32, #tpu.memory_space<vmem>> -> memref<128xi32, #tpu.memory_space<vmem>>
    %dma_wait3A_293 = arith.constant 0 : i32
    %dma_wait3A_294 = arith.constant 0 : i32
    %dma_wait3A_295 = tpu.memref_slice %arg2[%dma_wait3A_293, %dma_wait3A_294] : memref<10240x64xf32, #tpu.memory_space<hbm>> -> memref<10240x64xf32, #tpu.memory_space<hbm>>
    tpu.wait_indirect_dma semaphore(%arg17 : memref<!tpu.dma_semaphore, #tpu.memory_space<semaphore_mem>>) src(%dma_wait3A_295 : memref<10240x64xf32, #tpu.memory_space<hbm>>) dst(%dma_wait3A_289 : memref<128x64xf32, #tpu.memory_space<vmem>>)
    %dma_start3A_296 = arith.constant 6 : i32
    %dma_start3A_297 = arith.constant 78 : i32
    %dma_start3A_298 = arith.constant 0 : i32
    %dma_start3A_299 = arith.constant 0 : i32
    %dma_start3A_300 = tpu.memref_slice %arg8[%dma_start3A_296, %dma_start3A_298, %dma_start3A_299] : memref<8x128x64xf32, #tpu.memory_space<vmem>> -> memref<1x128x64xf32, #tpu.memory_space<vmem>>
    %dma_start3A_301 = tpu.memref_squeeze %dma_start3A_300 : memref<1x128x64xf32, #tpu.memory_space<vmem>> -> memref<128x64xf32, #tpu.memory_space<vmem>>
    %dma_start3A_302 = arith.constant 0 : i32
    %dma_start3A_303 = tpu.memref_slice %arg7[%dma_start3A_297, %dma_start3A_302] : memref<80x128xi32, #tpu.memory_space<vmem>> -> memref<1x128xi32, #tpu.memory_space<vmem>>
    %dma_start3A_304 = tpu.memref_squeeze %dma_start3A_303 : memref<1x128xi32, #tpu.memory_space<vmem>> -> memref<128xi32, #tpu.memory_space<vmem>>
    %dma_start3A_305 = arith.constant 0 : i32
    %dma_start3A_306 = arith.constant 0 : i32
    %dma_start3A_307 = tpu.memref_slice %arg10[%dma_start3A_305, %dma_start3A_306] : memref<10240x64xf32, #tpu.memory_space<vmem_shared>> -> memref<10240x64xf32, #tpu.memory_space<vmem_shared>>
    tpu.enqueue_indirect_dma source(%dma_start3A_301 : memref<128x64xf32, #tpu.memory_space<vmem>>) target(%dma_start3A_307 : memref<10240x64xf32, #tpu.memory_space<vmem_shared>>) offsets(%dma_start3A_304 : memref<128xi32, #tpu.memory_space<vmem>>) semaphore(%arg25 : memref<!tpu.dma_semaphore, #tpu.memory_space<semaphore_mem>>) {add = true}
    %dma_wait3A_308 = arith.constant 2 : i32
    %dma_wait3A_309 = arith.constant 74 : i32
    %dma_wait3A_310 = arith.constant 0 : i32
    %dma_wait3A_311 = arith.constant 0 : i32
    %dma_wait3A_312 = tpu.memref_slice %arg8[%dma_wait3A_308, %dma_wait3A_310, %dma_wait3A_311] : memref<8x128x64xf32, #tpu.memory_space<vmem>> -> memref<1x128x64xf32, #tpu.memory_space<vmem>>
    %dma_wait3A_313 = tpu.memref_squeeze %dma_wait3A_312 : memref<1x128x64xf32, #tpu.memory_space<vmem>> -> memref<128x64xf32, #tpu.memory_space<vmem>>
    %dma_wait3A_314 = arith.constant 0 : i32
    %dma_wait3A_315 = tpu.memref_slice %arg7[%dma_wait3A_309, %dma_wait3A_314] : memref<80x128xi32, #tpu.memory_space<vmem>> -> memref<1x128xi32, #tpu.memory_space<vmem>>
    %dma_wait3A_316 = tpu.memref_squeeze %dma_wait3A_315 : memref<1x128xi32, #tpu.memory_space<vmem>> -> memref<128xi32, #tpu.memory_space<vmem>>
    %dma_wait3A_317 = arith.constant 0 : i32
    %dma_wait3A_318 = arith.constant 0 : i32
    %dma_wait3A_319 = tpu.memref_slice %arg10[%dma_wait3A_317, %dma_wait3A_318] : memref<10240x64xf32, #tpu.memory_space<vmem_shared>> -> memref<10240x64xf32, #tpu.memory_space<vmem_shared>>
    tpu.wait_indirect_dma semaphore(%arg21 : memref<!tpu.dma_semaphore, #tpu.memory_space<semaphore_mem>>) src(%dma_wait3A_313 : memref<128x64xf32, #tpu.memory_space<vmem>>) dst(%dma_wait3A_319 : memref<10240x64xf32, #tpu.memory_space<vmem_shared>>)
    %dma_wait3A_320 = arith.constant 79 : i32
    %dma_wait3A_321 = arith.constant 7 : i32
    %dma_wait3A_322 = arith.constant 0 : i32
    %dma_wait3A_323 = arith.constant 0 : i32
    %dma_wait3A_324 = tpu.memref_slice %arg8[%dma_wait3A_321, %dma_wait3A_322, %dma_wait3A_323] : memref<8x128x64xf32, #tpu.memory_space<vmem>> -> memref<1x128x64xf32, #tpu.memory_space<vmem>>
    %dma_wait3A_325 = tpu.memref_squeeze %dma_wait3A_324 : memref<1x128x64xf32, #tpu.memory_space<vmem>> -> memref<128x64xf32, #tpu.memory_space<vmem>>
    %dma_wait3A_326 = arith.constant 0 : i32
    %dma_wait3A_327 = tpu.memref_slice %arg6[%dma_wait3A_320, %dma_wait3A_326] : memref<80x128xi32, #tpu.memory_space<vmem>> -> memref<1x128xi32, #tpu.memory_space<vmem>>
    %dma_wait3A_328 = tpu.memref_squeeze %dma_wait3A_327 : memref<1x128xi32, #tpu.memory_space<vmem>> -> memref<128xi32, #tpu.memory_space<vmem>>
    %dma_wait3A_329 = arith.constant 0 : i32
    %dma_wait3A_330 = arith.constant 0 : i32
    %dma_wait3A_331 = tpu.memref_slice %arg2[%dma_wait3A_329, %dma_wait3A_330] : memref<10240x64xf32, #tpu.memory_space<hbm>> -> memref<10240x64xf32, #tpu.memory_space<hbm>>
    tpu.wait_indirect_dma semaphore(%arg18 : memref<!tpu.dma_semaphore, #tpu.memory_space<semaphore_mem>>) src(%dma_wait3A_331 : memref<10240x64xf32, #tpu.memory_space<hbm>>) dst(%dma_wait3A_325 : memref<128x64xf32, #tpu.memory_space<vmem>>)
    %dma_start3A_332 = arith.constant 7 : i32
    %dma_start3A_333 = arith.constant 79 : i32
    %dma_start3A_334 = arith.constant 0 : i32
    %dma_start3A_335 = arith.constant 0 : i32
    %dma_start3A_336 = tpu.memref_slice %arg8[%dma_start3A_332, %dma_start3A_334, %dma_start3A_335] : memref<8x128x64xf32, #tpu.memory_space<vmem>> -> memref<1x128x64xf32, #tpu.memory_space<vmem>>
    %dma_start3A_337 = tpu.memref_squeeze %dma_start3A_336 : memref<1x128x64xf32, #tpu.memory_space<vmem>> -> memref<128x64xf32, #tpu.memory_space<vmem>>
    %dma_start3A_338 = arith.constant 0 : i32
    %dma_start3A_339 = tpu.memref_slice %arg7[%dma_start3A_333, %dma_start3A_338] : memref<80x128xi32, #tpu.memory_space<vmem>> -> memref<1x128xi32, #tpu.memory_space<vmem>>
    %dma_start3A_340 = tpu.memref_squeeze %dma_start3A_339 : memref<1x128xi32, #tpu.memory_space<vmem>> -> memref<128xi32, #tpu.memory_space<vmem>>
    %dma_start3A_341 = arith.constant 0 : i32
    %dma_start3A_342 = arith.constant 0 : i32
    %dma_start3A_343 = tpu.memref_slice %arg10[%dma_start3A_341, %dma_start3A_342] : memref<10240x64xf32, #tpu.memory_space<vmem_shared>> -> memref<10240x64xf32, #tpu.memory_space<vmem_shared>>
    tpu.enqueue_indirect_dma source(%dma_start3A_337 : memref<128x64xf32, #tpu.memory_space<vmem>>) target(%dma_start3A_343 : memref<10240x64xf32, #tpu.memory_space<vmem_shared>>) offsets(%dma_start3A_340 : memref<128xi32, #tpu.memory_space<vmem>>) semaphore(%arg26 : memref<!tpu.dma_semaphore, #tpu.memory_space<semaphore_mem>>) {add = true}
    %dma_wait3A_344 = arith.constant 3 : i32
    %dma_wait3A_345 = arith.constant 75 : i32
    %dma_wait3A_346 = arith.constant 0 : i32
    %dma_wait3A_347 = arith.constant 0 : i32
    %dma_wait3A_348 = tpu.memref_slice %arg8[%dma_wait3A_344, %dma_wait3A_346, %dma_wait3A_347] : memref<8x128x64xf32, #tpu.memory_space<vmem>> -> memref<1x128x64xf32, #tpu.memory_space<vmem>>
    %dma_wait3A_349 = tpu.memref_squeeze %dma_wait3A_348 : memref<1x128x64xf32, #tpu.memory_space<vmem>> -> memref<128x64xf32, #tpu.memory_space<vmem>>
    %dma_wait3A_350 = arith.constant 0 : i32
    %dma_wait3A_351 = tpu.memref_slice %arg7[%dma_wait3A_345, %dma_wait3A_350] : memref<80x128xi32, #tpu.memory_space<vmem>> -> memref<1x128xi32, #tpu.memory_space<vmem>>
    %dma_wait3A_352 = tpu.memref_squeeze %dma_wait3A_351 : memref<1x128xi32, #tpu.memory_space<vmem>> -> memref<128xi32, #tpu.memory_space<vmem>>
    %dma_wait3A_353 = arith.constant 0 : i32
    %dma_wait3A_354 = arith.constant 0 : i32
    %dma_wait3A_355 = tpu.memref_slice %arg10[%dma_wait3A_353, %dma_wait3A_354] : memref<10240x64xf32, #tpu.memory_space<vmem_shared>> -> memref<10240x64xf32, #tpu.memory_space<vmem_shared>>
    tpu.wait_indirect_dma semaphore(%arg22 : memref<!tpu.dma_semaphore, #tpu.memory_space<semaphore_mem>>) src(%dma_wait3A_349 : memref<128x64xf32, #tpu.memory_space<vmem>>) dst(%dma_wait3A_355 : memref<10240x64xf32, #tpu.memory_space<vmem_shared>>)
    %dma_wait3A_356 = arith.constant 4 : i32
    %dma_wait3A_357 = arith.constant 76 : i32
    %dma_wait3A_358 = arith.constant 0 : i32
    %dma_wait3A_359 = arith.constant 0 : i32
    %dma_wait3A_360 = tpu.memref_slice %arg8[%dma_wait3A_356, %dma_wait3A_358, %dma_wait3A_359] : memref<8x128x64xf32, #tpu.memory_space<vmem>> -> memref<1x128x64xf32, #tpu.memory_space<vmem>>
    %dma_wait3A_361 = tpu.memref_squeeze %dma_wait3A_360 : memref<1x128x64xf32, #tpu.memory_space<vmem>> -> memref<128x64xf32, #tpu.memory_space<vmem>>
    %dma_wait3A_362 = arith.constant 0 : i32
    %dma_wait3A_363 = tpu.memref_slice %arg7[%dma_wait3A_357, %dma_wait3A_362] : memref<80x128xi32, #tpu.memory_space<vmem>> -> memref<1x128xi32, #tpu.memory_space<vmem>>
    %dma_wait3A_364 = tpu.memref_squeeze %dma_wait3A_363 : memref<1x128xi32, #tpu.memory_space<vmem>> -> memref<128xi32, #tpu.memory_space<vmem>>
    %dma_wait3A_365 = arith.constant 0 : i32
    %dma_wait3A_366 = arith.constant 0 : i32
    %dma_wait3A_367 = tpu.memref_slice %arg10[%dma_wait3A_365, %dma_wait3A_366] : memref<10240x64xf32, #tpu.memory_space<vmem_shared>> -> memref<10240x64xf32, #tpu.memory_space<vmem_shared>>
    tpu.wait_indirect_dma semaphore(%arg23 : memref<!tpu.dma_semaphore, #tpu.memory_space<semaphore_mem>>) src(%dma_wait3A_361 : memref<128x64xf32, #tpu.memory_space<vmem>>) dst(%dma_wait3A_367 : memref<10240x64xf32, #tpu.memory_space<vmem_shared>>)
    %dma_wait3A_368 = arith.constant 5 : i32
    %dma_wait3A_369 = arith.constant 77 : i32
    %dma_wait3A_370 = arith.constant 0 : i32
    %dma_wait3A_371 = arith.constant 0 : i32
    %dma_wait3A_372 = tpu.memref_slice %arg8[%dma_wait3A_368, %dma_wait3A_370, %dma_wait3A_371] : memref<8x128x64xf32, #tpu.memory_space<vmem>> -> memref<1x128x64xf32, #tpu.memory_space<vmem>>
    %dma_wait3A_373 = tpu.memref_squeeze %dma_wait3A_372 : memref<1x128x64xf32, #tpu.memory_space<vmem>> -> memref<128x64xf32, #tpu.memory_space<vmem>>
    %dma_wait3A_374 = arith.constant 0 : i32
    %dma_wait3A_375 = tpu.memref_slice %arg7[%dma_wait3A_369, %dma_wait3A_374] : memref<80x128xi32, #tpu.memory_space<vmem>> -> memref<1x128xi32, #tpu.memory_space<vmem>>
    %dma_wait3A_376 = tpu.memref_squeeze %dma_wait3A_375 : memref<1x128xi32, #tpu.memory_space<vmem>> -> memref<128xi32, #tpu.memory_space<vmem>>
    %dma_wait3A_377 = arith.constant 0 : i32
    %dma_wait3A_378 = arith.constant 0 : i32
    %dma_wait3A_379 = tpu.memref_slice %arg10[%dma_wait3A_377, %dma_wait3A_378] : memref<10240x64xf32, #tpu.memory_space<vmem_shared>> -> memref<10240x64xf32, #tpu.memory_space<vmem_shared>>
    tpu.wait_indirect_dma semaphore(%arg24 : memref<!tpu.dma_semaphore, #tpu.memory_space<semaphore_mem>>) src(%dma_wait3A_373 : memref<128x64xf32, #tpu.memory_space<vmem>>) dst(%dma_wait3A_379 : memref<10240x64xf32, #tpu.memory_space<vmem_shared>>)
    %dma_wait3A_380 = arith.constant 6 : i32
    %dma_wait3A_381 = arith.constant 78 : i32
    %dma_wait3A_382 = arith.constant 0 : i32
    %dma_wait3A_383 = arith.constant 0 : i32
    %dma_wait3A_384 = tpu.memref_slice %arg8[%dma_wait3A_380, %dma_wait3A_382, %dma_wait3A_383] : memref<8x128x64xf32, #tpu.memory_space<vmem>> -> memref<1x128x64xf32, #tpu.memory_space<vmem>>
    %dma_wait3A_385 = tpu.memref_squeeze %dma_wait3A_384 : memref<1x128x64xf32, #tpu.memory_space<vmem>> -> memref<128x64xf32, #tpu.memory_space<vmem>>
    %dma_wait3A_386 = arith.constant 0 : i32
    %dma_wait3A_387 = tpu.memref_slice %arg7[%dma_wait3A_381, %dma_wait3A_386] : memref<80x128xi32, #tpu.memory_space<vmem>> -> memref<1x128xi32, #tpu.memory_space<vmem>>
    %dma_wait3A_388 = tpu.memref_squeeze %dma_wait3A_387 : memref<1x128xi32, #tpu.memory_space<vmem>> -> memref<128xi32, #tpu.memory_space<vmem>>
    %dma_wait3A_389 = arith.constant 0 : i32
    %dma_wait3A_390 = arith.constant 0 : i32
    %dma_wait3A_391 = tpu.memref_slice %arg10[%dma_wait3A_389, %dma_wait3A_390] : memref<10240x64xf32, #tpu.memory_space<vmem_shared>> -> memref<10240x64xf32, #tpu.memory_space<vmem_shared>>
    tpu.wait_indirect_dma semaphore(%arg25 : memref<!tpu.dma_semaphore, #tpu.memory_space<semaphore_mem>>) src(%dma_wait3A_385 : memref<128x64xf32, #tpu.memory_space<vmem>>) dst(%dma_wait3A_391 : memref<10240x64xf32, #tpu.memory_space<vmem_shared>>)
    %dma_wait3A_392 = arith.constant 7 : i32
    %dma_wait3A_393 = arith.constant 79 : i32
    %dma_wait3A_394 = arith.constant 0 : i32
    %dma_wait3A_395 = arith.constant 0 : i32
    %dma_wait3A_396 = tpu.memref_slice %arg8[%dma_wait3A_392, %dma_wait3A_394, %dma_wait3A_395] : memref<8x128x64xf32, #tpu.memory_space<vmem>> -> memref<1x128x64xf32, #tpu.memory_space<vmem>>
    %dma_wait3A_397 = tpu.memref_squeeze %dma_wait3A_396 : memref<1x128x64xf32, #tpu.memory_space<vmem>> -> memref<128x64xf32, #tpu.memory_space<vmem>>
    %dma_wait3A_398 = arith.constant 0 : i32
    %dma_wait3A_399 = tpu.memref_slice %arg7[%dma_wait3A_393, %dma_wait3A_398] : memref<80x128xi32, #tpu.memory_space<vmem>> -> memref<1x128xi32, #tpu.memory_space<vmem>>
    %dma_wait3A_400 = tpu.memref_squeeze %dma_wait3A_399 : memref<1x128xi32, #tpu.memory_space<vmem>> -> memref<128xi32, #tpu.memory_space<vmem>>
    %dma_wait3A_401 = arith.constant 0 : i32
    %dma_wait3A_402 = arith.constant 0 : i32
    %dma_wait3A_403 = tpu.memref_slice %arg10[%dma_wait3A_401, %dma_wait3A_402] : memref<10240x64xf32, #tpu.memory_space<vmem_shared>> -> memref<10240x64xf32, #tpu.memory_space<vmem_shared>>
    tpu.wait_indirect_dma semaphore(%arg26 : memref<!tpu.dma_semaphore, #tpu.memory_space<semaphore_mem>>) src(%dma_wait3A_397 : memref<128x64xf32, #tpu.memory_space<vmem>>) dst(%dma_wait3A_403 : memref<10240x64xf32, #tpu.memory_space<vmem_shared>>)
    %barrier3A_404 = arith.constant 0 : index
    tpu.barrier barrier_id(%barrier3A_404)
    %mul3A_405 = arith.constant 640 : i32
    %mul3A_406 = arith.muli %arg1, %mul3A_405 : i32
    %mul3A_407 = arith.constant 640 : i32
    %mul3A_408 = arith.muli %arg1, %mul3A_407 : i32
    "tpu.region"() ({
      %run_scoped3A = tpu.sem_alloc : memref<!tpu.dma_semaphore, #tpu.memory_space<semaphore_mem>>
      %dma_start3A_409 = arith.constant 0 : i32
      %dma_start3A_410 = tpu.memref_slice %arg5[%arg0, %mul3A_408, %dma_start3A_409] : memref<2x10240x64xf32, #tpu.memory_space<hbm>> -> memref<1x640x64xf32, #tpu.memory_space<hbm>>
      %dma_start3A_411 = tpu.memref_squeeze %dma_start3A_410 : memref<1x640x64xf32, #tpu.memory_space<hbm>> -> memref<640x64xf32, #tpu.memory_space<hbm>>
      %dma_start3A_412 = arith.constant 0 : i32
      %dma_start3A_413 = tpu.memref_slice %arg10[%mul3A_406, %dma_start3A_412] : memref<10240x64xf32, #tpu.memory_space<vmem_shared>> -> memref<640x64xf32, #tpu.memory_space<vmem_shared>>
      tpu.enqueue_dma source(%dma_start3A_413 : memref<640x64xf32, #tpu.memory_space<vmem_shared>>) target(%dma_start3A_411 : memref<640x64xf32, #tpu.memory_space<hbm>>) target_semaphore(%run_scoped3A : memref<!tpu.dma_semaphore, #tpu.memory_space<semaphore_mem>>)
      %dma_wait3A_414 = arith.constant 0 : i32
      %dma_wait3A_415 = tpu.memref_slice %arg5[%arg0, %mul3A_408, %dma_wait3A_414] : memref<2x10240x64xf32, #tpu.memory_space<hbm>> -> memref<1x640x64xf32, #tpu.memory_space<hbm>>
      %dma_wait3A_416 = tpu.memref_squeeze %dma_wait3A_415 : memref<1x640x64xf32, #tpu.memory_space<hbm>> -> memref<640x64xf32, #tpu.memory_space<hbm>>
      %dma_wait3A_417 = arith.constant 0 : i32
      %dma_wait3A_418 = tpu.memref_slice %arg10[%mul3A_406, %dma_wait3A_417] : memref<10240x64xf32, #tpu.memory_space<vmem_shared>> -> memref<640x64xf32, #tpu.memory_space<vmem_shared>>
      tpu.wait_dma2 semaphore(%run_scoped3A : memref<!tpu.dma_semaphore, #tpu.memory_space<semaphore_mem>>) src(%dma_wait3A_418 : memref<640x64xf32, #tpu.memory_space<vmem_shared>>) dst(%dma_wait3A_416 : memref<640x64xf32, #tpu.memory_space<hbm>>)
      tpu.yield
    }) : () -> ()
    return
  }
}

module attributes {stable_mosaic.version = 14 : i64} {
  func.func @_dis_body(%arg0: memref<32x80x128xf32, #tpu.memory_space<vmem>>, %arg1: memref<80x128xf32, #tpu.memory_space<vmem>>) attributes {dimension_semantics = [], scalar_prefetch = 0 : i64, scratch_operands = 0 : i64, tpu.core_type = #tpu.core_type<tc>} {
    %get3A = arith.constant 0 : index
    %get3A_0 = arith.constant 0 : index
    %get3A_1 = arith.constant 0 : index
    %get3A_2 = vector.load %arg0[%get3A, %get3A_0, %get3A_1] : memref<32x80x128xf32, #tpu.memory_space<vmem>>, vector<32x80x128xf32>
    %reduce_sum3A = arith.constant dense<0.000000e+00> : vector<80x128xf32>
    %reduce_sum3A_3 = vector.multi_reduction <add>, %get3A_2, %reduce_sum3A [0] : vector<32x80x128xf32> to vector<80x128xf32>
    %add3A = arith.constant 1.000000e+00 : f32
    %add3A_4 = vector.broadcast %add3A : f32 to vector<80x128xf32>
    %add3A_5 = arith.addf %reduce_sum3A_3, %add3A_4 : vector<80x128xf32>
    %rsqrt3A = math.rsqrt %add3A_5 : vector<80x128xf32>
    %swap3A = arith.constant 0 : index
    %swap3A_6 = arith.constant 0 : index
    %swap3A_7 = vector.load %arg1[%swap3A, %swap3A_6] : memref<80x128xf32, #tpu.memory_space<vmem>>, vector<80x128xf32>
    tpu.vector_store %arg1[%swap3A, %swap3A_6], %rsqrt3A {strides = array<i32>} : memref<80x128xf32, #tpu.memory_space<vmem>>, vector<80x128xf32>,
    return
  }
}

module attributes {stable_mosaic.version = 14 : i64} {
  func.func @_g1_body(%arg0: i32, %arg1: memref<2048x128xf32, #tpu.memory_space<vmem>>, %arg2: memref<128x64xf32, #tpu.memory_space<vmem>>, %arg3: memref<2048x1xf32, #tpu.memory_space<vmem>>, %arg4: memref<2048x64xf32, #tpu.memory_space<vmem>>) attributes {dimension_semantics = [#tpu.dimension_semantics<arbitrary>], iteration_bounds = array<i64: 5>, scalar_prefetch = 0 : i64, scratch_operands = 0 : i64, tpu.core_type = #tpu.core_type<tc>, window_params = [{transform_indices = @transform_0, window_bounds = array<i64: 2048, 128>}, {pipeline_mode = #tpu.pipeline_mode<synchronous>, transform_indices = @transform_1, window_bounds = array<i64: 128, 64>}, {transform_indices = @transform_2, window_bounds = array<i64: 2048, 1>}, {transform_indices = @transform_3, window_bounds = array<i64: 2048, 64>}]} {
    %get3A = arith.constant 0 : index
    %get3A_0 = arith.constant 0 : index
    %get3A_1 = vector.load %arg1[%get3A, %get3A_0] : memref<2048x128xf32, #tpu.memory_space<vmem>>, vector<2048x128xf32>
    %get3A_2 = arith.constant 0 : index
    %get3A_3 = arith.constant 0 : index
    %get3A_4 = vector.load %arg2[%get3A_2, %get3A_3] : memref<128x64xf32, #tpu.memory_space<vmem>>, vector<128x64xf32>
    %dot_general3A = arith.constant dense<0.000000e+00> : vector<2048x64xf32>
    %dot_general3A_5 = tpu.matmul %get3A_1, %get3A_4, %dot_general3A {dimension_numbers = #tpu.dot_dimension_numbers<[1], [0], [0], [1], [0, 0, 1, 1], [], []>, transpose_lhs_hint = false} : vector<2048x128xf32>, vector<128x64xf32>, vector<2048x64xf32> -> vector<2048x64xf32>
    %get3A_6 = arith.constant 0 : index
    %get3A_7 = arith.constant 0 : index
    %get3A_8 = vector.load %arg3[%get3A_6, %get3A_7] : memref<2048x1xf32, #tpu.memory_space<vmem>>, vector<2048x1xf32>
    %mul3A = vector.broadcast %get3A_8 : vector<2048x1xf32> to vector<2048x64xf32>
    %mul3A_9 = arith.mulf %dot_general3A_5, %mul3A : vector<2048x64xf32>
    %swap3A = arith.constant 0 : index
    %swap3A_10 = arith.constant 0 : index
    %swap3A_11 = vector.load %arg4[%swap3A, %swap3A_10] : memref<2048x64xf32, #tpu.memory_space<vmem>>, vector<2048x64xf32>
    tpu.vector_store %arg4[%swap3A, %swap3A_10], %mul3A_9 {strides = array<i32>} : memref<2048x64xf32, #tpu.memory_space<vmem>>, vector<2048x64xf32>,
    return
  }
  func.func @transform_0(%arg0: i32) -> (i32, i32) {
    %c0_i32 = arith.constant 0 : i32
    %c0_i32_0 = arith.constant 0 : i32
    return %arg0, %c0_i32 : i32, i32
  }
  func.func @transform_1(%arg0: i32) -> (i32, i32) {
    %c0_i32 = arith.constant 0 : i32
    %c0_i32_0 = arith.constant 0 : i32
    %c0_i32_1 = arith.constant 0 : i32
    return %c0_i32, %c0_i32_0 : i32, i32
  }
  func.func @transform_2(%arg0: i32) -> (i32, i32) {
    %c0_i32 = arith.constant 0 : i32
    %c0_i32_0 = arith.constant 0 : i32
    return %arg0, %c0_i32 : i32, i32
  }
  func.func @transform_3(%arg0: i32) -> (i32, i32) {
    %c0_i32 = arith.constant 0 : i32
    %c0_i32_0 = arith.constant 0 : i32
    return %arg0, %c0_i32 : i32, i32
  }
}

module attributes {stable_mosaic.version = 14 : i64} {
  func.func @_layer_body(%arg0: i32, %arg1: memref<2x2048x64xf32, #tpu.memory_space<vmem>>, %arg2: memref<2048x64xf32, #tpu.memory_space<vmem>>, %arg3: memref<2048x1xf32, #tpu.memory_space<vmem>>, %arg4: memref<1x64xf32, #tpu.memory_space<vmem>>, %arg5: memref<64x64xf32, #tpu.memory_space<vmem>>, %arg6: memref<2048x64xf32, #tpu.memory_space<vmem>>, %arg7: memref<2048x64xf32, #tpu.memory_space<vmem>>) attributes {dimension_semantics = [#tpu.dimension_semantics<arbitrary>], iteration_bounds = array<i64: 5>, scalar_prefetch = 0 : i64, scratch_operands = 0 : i64, tpu.core_type = #tpu.core_type<tc>, window_params = [{transform_indices = @transform_0, window_bounds = array<i64: 2, 2048, 64>}, {transform_indices = @transform_1, window_bounds = array<i64: 2048, 64>}, {transform_indices = @transform_2, window_bounds = array<i64: 2048, 1>}, {pipeline_mode = #tpu.pipeline_mode<synchronous>, transform_indices = @transform_3, window_bounds = array<i64: 1, 64>}, {pipeline_mode = #tpu.pipeline_mode<synchronous>, transform_indices = @transform_4, window_bounds = array<i64: 64, 64>}, {transform_indices = @transform_5, window_bounds = array<i64: 2048, 64>}, {transform_indices = @transform_6, window_bounds = array<i64: 2048, 64>}]} {
    %get3A = arith.constant 0 : index
    %get3A_0 = arith.constant 0 : index
    %get3A_1 = arith.constant 0 : index
    %get3A_2 = vector.load %arg1[%get3A, %get3A_0, %get3A_1] : memref<2x2048x64xf32, #tpu.memory_space<vmem>>, vector<1x2048x64xf32>
    %get3A_3 = vector.shape_cast %get3A_2 : vector<1x2048x64xf32> to vector<2048x64xf32>
    %get3A_4 = arith.constant 1 : index
    %get3A_5 = arith.constant 0 : index
    %get3A_6 = arith.constant 0 : index
    %get3A_7 = vector.load %arg1[%get3A_4, %get3A_5, %get3A_6] : memref<2x2048x64xf32, #tpu.memory_space<vmem>>, vector<1x2048x64xf32>
    %get3A_8 = vector.shape_cast %get3A_7 : vector<1x2048x64xf32> to vector<2048x64xf32>
    %add3A = arith.addf %get3A_3, %get3A_8 : vector<2048x64xf32>
    %get3A_9 = arith.constant 0 : index
    %get3A_10 = arith.constant 0 : index
    %get3A_11 = vector.load %arg2[%get3A_9, %get3A_10] : memref<2048x64xf32, #tpu.memory_space<vmem>>, vector<2048x64xf32>
    %add3A_12 = arith.addf %add3A, %get3A_11 : vector<2048x64xf32>
    %get3A_13 = arith.constant 0 : index
    %get3A_14 = arith.constant 0 : index
    %get3A_15 = vector.load %arg3[%get3A_13, %get3A_14] : memref<2048x1xf32, #tpu.memory_space<vmem>>, vector<2048x1xf32>
    %mul3A = vector.broadcast %get3A_15 : vector<2048x1xf32> to vector<2048x64xf32>
    %mul3A_16 = arith.mulf %add3A_12, %mul3A : vector<2048x64xf32>
    %get3A_17 = arith.constant 0 : index
    %get3A_18 = arith.constant 0 : index
    %get3A_19 = vector.load %arg4[%get3A_17, %get3A_18] : memref<1x64xf32, #tpu.memory_space<vmem>>, vector<1x64xf32>
    %add3A_20 = vector.broadcast %get3A_19 : vector<1x64xf32> to vector<2048x64xf32>
    %add3A_21 = arith.addf %mul3A_16, %add3A_20 : vector<2048x64xf32>
    %max3A = arith.constant 0.000000e+00 : f32
    %max3A_22 = vector.broadcast %max3A : f32 to vector<2048x64xf32>
    %max3A_23 = arith.maximumf %add3A_21, %max3A_22 : vector<2048x64xf32>
    %swap3A = arith.constant 0 : index
    %swap3A_24 = arith.constant 0 : index
    %swap3A_25 = vector.load %arg6[%swap3A, %swap3A_24] : memref<2048x64xf32, #tpu.memory_space<vmem>>, vector<2048x64xf32>
    tpu.vector_store %arg6[%swap3A, %swap3A_24], %max3A_23 {strides = array<i32>} : memref<2048x64xf32, #tpu.memory_space<vmem>>, vector<2048x64xf32>,
    %get3A_26 = arith.constant 0 : index
    %get3A_27 = arith.constant 0 : index
    %get3A_28 = vector.load %arg5[%get3A_26, %get3A_27] : memref<64x64xf32, #tpu.memory_space<vmem>>, vector<64x64xf32>
    %dot_general3A = arith.constant dense<0.000000e+00> : vector<2048x64xf32>
    %dot_general3A_29 = tpu.matmul %max3A_23, %get3A_28, %dot_general3A {dimension_numbers = #tpu.dot_dimension_numbers<[1], [0], [0], [1], [0, 0, 1, 1], [], []>, transpose_lhs_hint = false} : vector<2048x64xf32>, vector<64x64xf32>, vector<2048x64xf32> -> vector<2048x64xf32>
    %get3A_30 = arith.constant 0 : index
    %get3A_31 = arith.constant 0 : index
    %get3A_32 = vector.load %arg3[%get3A_30, %get3A_31] : memref<2048x1xf32, #tpu.memory_space<vmem>>, vector<2048x1xf32>
    %mul3A_33 = vector.broadcast %get3A_32 : vector<2048x1xf32> to vector<2048x64xf32>
    %mul3A_34 = arith.mulf %dot_general3A_29, %mul3A_33 : vector<2048x64xf32>
    %swap3A_35 = arith.constant 0 : index
    %swap3A_36 = arith.constant 0 : index
    %swap3A_37 = vector.load %arg7[%swap3A_35, %swap3A_36] : memref<2048x64xf32, #tpu.memory_space<vmem>>, vector<2048x64xf32>
    tpu.vector_store %arg7[%swap3A_35, %swap3A_36], %mul3A_34 {strides = array<i32>} : memref<2048x64xf32, #tpu.memory_space<vmem>>, vector<2048x64xf32>,
    return
  }
  func.func @transform_0(%arg0: i32) -> (i32, i32, i32) {
    %c0_i32 = arith.constant 0 : i32
    %c0_i32_0 = arith.constant 0 : i32
    %c0_i32_1 = arith.constant 0 : i32
    return %c0_i32, %arg0, %c0_i32_0 : i32, i32, i32
  }
  func.func @transform_1(%arg0: i32) -> (i32, i32) {
    %c0_i32 = arith.constant 0 : i32
    %c0_i32_0 = arith.constant 0 : i32
    return %arg0, %c0_i32 : i32, i32
  }
  func.func @transform_2(%arg0: i32) -> (i32, i32) {
    %c0_i32 = arith.constant 0 : i32
    %c0_i32_0 = arith.constant 0 : i32
    return %arg0, %c0_i32 : i32, i32
  }
  func.func @transform_3(%arg0: i32) -> (i32, i32) {
    %c0_i32 = arith.constant 0 : i32
    %c0_i32_0 = arith.constant 0 : i32
    %c0_i32_1 = arith.constant 0 : i32
    return %c0_i32, %c0_i32_0 : i32, i32
  }
  func.func @transform_4(%arg0: i32) -> (i32, i32) {
    %c0_i32 = arith.constant 0 : i32
    %c0_i32_0 = arith.constant 0 : i32
    %c0_i32_1 = arith.constant 0 : i32
    return %c0_i32, %c0_i32_0 : i32, i32
  }
  func.func @transform_5(%arg0: i32) -> (i32, i32) {
    %c0_i32 = arith.constant 0 : i32
    %c0_i32_0 = arith.constant 0 : i32
    return %arg0, %c0_i32 : i32, i32
  }
  func.func @transform_6(%arg0: i32) -> (i32, i32) {
    %c0_i32 = arith.constant 0 : i32
    %c0_i32_0 = arith.constant 0 : i32
    return %arg0, %c0_i32 : i32, i32
  }
}

module attributes {stable_mosaic.version = 14 : i64} {
  func.func @_final_body(%arg0: i32, %arg1: memref<2x2048x64xf32, #tpu.memory_space<vmem>>, %arg2: memref<2048x64xf32, #tpu.memory_space<vmem>>, %arg3: memref<2048x1xf32, #tpu.memory_space<vmem>>, %arg4: memref<1x64xf32, #tpu.memory_space<vmem>>, %arg5: memref<2048x64xf32, #tpu.memory_space<vmem>>, %arg6: memref<1x1x2048xi32, #tpu.memory_space<vmem>>, %arg7: memref<128x16xf32, #tpu.memory_space<vmem>>, %arg8: memref<1x16xf32, #tpu.memory_space<vmem>>, %arg9: memref<64x16xf32, #tpu.memory_space<vmem>>, %arg10: memref<64x128xf32, #tpu.memory_space<vmem>>, %arg11: memref<64x1xf32, #tpu.memory_space<vmem>>) attributes {dimension_semantics = [#tpu.dimension_semantics<arbitrary>], iteration_bounds = array<i64: 5>, scalar_prefetch = 0 : i64, scratch_operands = 2 : i64, tpu.core_type = #tpu.core_type<tc>, window_params = [{transform_indices = @transform_0, window_bounds = array<i64: 2, 2048, 64>}, {transform_indices = @transform_1, window_bounds = array<i64: 2048, 64>}, {transform_indices = @transform_2, window_bounds = array<i64: 2048, 1>}, {pipeline_mode = #tpu.pipeline_mode<synchronous>, transform_indices = @transform_3, window_bounds = array<i64: 1, 64>}, {transform_indices = @transform_4, window_bounds = array<i64: 2048, 64>}, {transform_indices = @transform_5, window_bounds = array<i64: 1, 1, 2048>}, {pipeline_mode = #tpu.pipeline_mode<synchronous>, transform_indices = @transform_6, window_bounds = array<i64: 128, 16>}, {pipeline_mode = #tpu.pipeline_mode<synchronous>, transform_indices = @transform_7, window_bounds = array<i64: 1, 16>}, {pipeline_mode = #tpu.pipeline_mode<synchronous>, transform_indices = @transform_8, window_bounds = array<i64: 64, 16>}]} {
    %eq3A = arith.constant 0 : i32
    %eq3A_0 = arith.cmpi eq, %arg0, %eq3A : i32
    %convert_element_type3A = arith.extui %eq3A_0 : i1 to i32
    %cond3A = arith.constant 0 : i32
    %cond3A_1 = arith.cmpi ne, %convert_element_type3A, %cond3A : i32
    scf.if %cond3A_1 {
      %broadcast_in_dim3A_59 = arith.constant 0.000000e+00 : f32
      %broadcast_in_dim3A_60 = vector.broadcast %broadcast_in_dim3A_59 : f32 to vector<64x128xf32>
      %swap3A_61 = arith.constant 0 : index
      %swap3A_62 = arith.constant 0 : index
      %swap3A_63 = vector.load %arg10[%swap3A_61, %swap3A_62] : memref<64x128xf32, #tpu.memory_space<vmem>>, vector<64x128xf32>
      tpu.vector_store %arg10[%swap3A_61, %swap3A_62], %broadcast_in_dim3A_60 {strides = array<i32>} : memref<64x128xf32, #tpu.memory_space<vmem>>, vector<64x128xf32>,
      %broadcast_in_dim3A_64 = arith.constant 0.000000e+00 : f32
      %broadcast_in_dim3A_65 = vector.broadcast %broadcast_in_dim3A_64 : f32 to vector<64x1xf32>
      %swap3A_66 = arith.constant 0 : index
      %swap3A_67 = arith.constant 0 : index
      %swap3A_68 = vector.load %arg11[%swap3A_66, %swap3A_67] : memref<64x1xf32, #tpu.memory_space<vmem>>, vector<64x1xf32>
      tpu.vector_store %arg11[%swap3A_66, %swap3A_67], %broadcast_in_dim3A_65 {strides = array<i32>} : memref<64x1xf32, #tpu.memory_space<vmem>>, vector<64x1xf32>,
    } else {
    }
    %get3A = arith.constant 0 : index
    %get3A_2 = arith.constant 0 : index
    %get3A_3 = arith.constant 0 : index
    %get3A_4 = vector.load %arg1[%get3A, %get3A_2, %get3A_3] : memref<2x2048x64xf32, #tpu.memory_space<vmem>>, vector<1x2048x64xf32>
    %get3A_5 = vector.shape_cast %get3A_4 : vector<1x2048x64xf32> to vector<2048x64xf32>
    %get3A_6 = arith.constant 1 : index
    %get3A_7 = arith.constant 0 : index
    %get3A_8 = arith.constant 0 : index
    %get3A_9 = vector.load %arg1[%get3A_6, %get3A_7, %get3A_8] : memref<2x2048x64xf32, #tpu.memory_space<vmem>>, vector<1x2048x64xf32>
    %get3A_10 = vector.shape_cast %get3A_9 : vector<1x2048x64xf32> to vector<2048x64xf32>
    %add3A = arith.addf %get3A_5, %get3A_10 : vector<2048x64xf32>
    %get3A_11 = arith.constant 0 : index
    %get3A_12 = arith.constant 0 : index
    %get3A_13 = vector.load %arg2[%get3A_11, %get3A_12] : memref<2048x64xf32, #tpu.memory_space<vmem>>, vector<2048x64xf32>
    %add3A_14 = arith.addf %add3A, %get3A_13 : vector<2048x64xf32>
    %get3A_15 = arith.constant 0 : index
    %get3A_16 = arith.constant 0 : index
    %get3A_17 = vector.load %arg3[%get3A_15, %get3A_16] : memref<2048x1xf32, #tpu.memory_space<vmem>>, vector<2048x1xf32>
    %mul3A = vector.broadcast %get3A_17 : vector<2048x1xf32> to vector<2048x64xf32>
    %mul3A_18 = arith.mulf %add3A_14, %mul3A : vector<2048x64xf32>
    %get3A_19 = arith.constant 0 : index
    %get3A_20 = arith.constant 0 : index
    %get3A_21 = vector.load %arg4[%get3A_19, %get3A_20] : memref<1x64xf32, #tpu.memory_space<vmem>>, vector<1x64xf32>
    %add3A_22 = vector.broadcast %get3A_21 : vector<1x64xf32> to vector<2048x64xf32>
    %add3A_23 = arith.addf %mul3A_18, %add3A_22 : vector<2048x64xf32>
    %max3A = arith.constant 0.000000e+00 : f32
    %max3A_24 = vector.broadcast %max3A : f32 to vector<2048x64xf32>
    %max3A_25 = arith.maximumf %add3A_23, %max3A_24 : vector<2048x64xf32>
    %get3A_26 = arith.constant 0 : index
    %get3A_27 = arith.constant 0 : index
    %get3A_28 = vector.load %arg5[%get3A_26, %get3A_27] : memref<2048x64xf32, #tpu.memory_space<vmem>>, vector<2048x64xf32>
    %concatenate3A = tpu.concatenate %get3A_28, %max3A_25 in 1 : vector<2048x64xf32>, vector<2048x64xf32> -> vector<2048x128xf32>
    %iota3A = tpu.iota {dimensions = array<i32: 0>} : vector<64x2048xi32>
    %get3A_29 = arith.constant 0 : index
    %get3A_30 = arith.constant 0 : index
    %get3A_31 = arith.constant 0 : index
    %get3A_32 = vector.load %arg6[%get3A_29, %get3A_30, %get3A_31] : memref<1x1x2048xi32, #tpu.memory_space<vmem>>, vector<1x1x2048xi32>
    %get3A_33 = vector.shape_cast %get3A_32 : vector<1x1x2048xi32> to vector<1x2048xi32>
    %eq3A_34 = vector.broadcast %get3A_33 : vector<1x2048xi32> to vector<64x2048xi32>
    %eq3A_35 = arith.cmpi eq, %iota3A, %eq3A_34 : vector<64x2048xi32>
    %jit3A = arith.constant 1.000000e+00 : f32
    %jit3A_36 = arith.constant 0.000000e+00 : f32
    %broadcast_in_dim3A = vector.broadcast %jit3A : f32 to vector<64x2048xf32>
    %broadcast_in_dim3A_37 = vector.broadcast %jit3A_36 : f32 to vector<64x2048xf32>
    %select_n3A = arith.select %eq3A_35, %broadcast_in_dim3A, %broadcast_in_dim3A_37 : vector<64x2048xi1>, vector<64x2048xf32>
    %get3A_38 = arith.constant 0 : index
    %get3A_39 = arith.constant 0 : index
    %get3A_40 = vector.load %arg10[%get3A_38, %get3A_39] : memref<64x128xf32, #tpu.memory_space<vmem>>, vector<64x128xf32>
    %dot_general3A = arith.constant dense<0.000000e+00> : vector<64x128xf32>
    %dot_general3A_41 = tpu.matmul %select_n3A, %concatenate3A, %dot_general3A {dimension_numbers = #tpu.dot_dimension_numbers<[1], [0], [0], [1], [0, 0, 1, 1], [], []>, transpose_lhs_hint = false} : vector<64x2048xf32>, vector<2048x128xf32>, vector<64x128xf32> -> vector<64x128xf32>
    %add3A_42 = arith.addf %get3A_40, %dot_general3A_41 : vector<64x128xf32>
    %swap3A = arith.constant 0 : index
    %swap3A_43 = arith.constant 0 : index
    %swap3A_44 = vector.load %arg10[%swap3A, %swap3A_43] : memref<64x128xf32, #tpu.memory_space<vmem>>, vector<64x128xf32>
    tpu.vector_store %arg10[%swap3A, %swap3A_43], %add3A_42 {strides = array<i32>} : memref<64x128xf32, #tpu.memory_space<vmem>>, vector<64x128xf32>,
    %get3A_45 = arith.constant 0 : index
    %get3A_46 = arith.constant 0 : index
    %get3A_47 = vector.load %arg11[%get3A_45, %get3A_46] : memref<64x1xf32, #tpu.memory_space<vmem>>, vector<64x1xf32>
    %reduce_sum3A = arith.constant dense<0.000000e+00> : vector<64xf32>
    %reduce_sum3A_48 = vector.multi_reduction <add>, %select_n3A, %reduce_sum3A [1] : vector<64x2048xf32> to vector<64xf32>
    %broadcast_in_dim3A_49 = vector.shape_cast %reduce_sum3A_48 : vector<64xf32> to vector<64x1xf32>
    %add3A_50 = arith.addf %get3A_47, %broadcast_in_dim3A_49 : vector<64x1xf32>
    %swap3A_51 = arith.constant 0 : index
    %swap3A_52 = arith.constant 0 : index
    %swap3A_53 = vector.load %arg11[%swap3A_51, %swap3A_52] : memref<64x1xf32, #tpu.memory_space<vmem>>, vector<64x1xf32>
    tpu.vector_store %arg11[%swap3A_51, %swap3A_52], %add3A_50 {strides = array<i32>} : memref<64x1xf32, #tpu.memory_space<vmem>>, vector<64x1xf32>,
    %eq3A_54 = arith.constant 4 : i32
    %eq3A_55 = arith.cmpi eq, %arg0, %eq3A_54 : i32
    %convert_element_type3A_56 = arith.extui %eq3A_55 : i1 to i32
    %cond3A_57 = arith.constant 0 : i32
    %cond3A_58 = arith.cmpi ne, %convert_element_type3A_56, %cond3A_57 : i32
    scf.if %cond3A_58 {
      %get3A_59 = arith.constant 0 : index
      %get3A_60 = arith.constant 0 : index
      %get3A_61 = vector.load %arg10[%get3A_59, %get3A_60] : memref<64x128xf32, #tpu.memory_space<vmem>>, vector<64x128xf32>
      %get3A_62 = arith.constant 0 : index
      %get3A_63 = arith.constant 0 : index
      %get3A_64 = vector.load %arg11[%get3A_62, %get3A_63] : memref<64x1xf32, #tpu.memory_space<vmem>>, vector<64x1xf32>
      %max3A_65 = arith.constant 1.000000e+00 : f32
      %max3A_66 = vector.broadcast %max3A_65 : f32 to vector<64x1xf32>
      %max3A_67 = arith.maximumf %get3A_64, %max3A_66 : vector<64x1xf32>
      %div3A = vector.broadcast %max3A_67 : vector<64x1xf32> to vector<64x128xf32>
      %div3A_68 = arith.divf %get3A_61, %div3A : vector<64x128xf32>
      %get3A_69 = arith.constant 0 : index
      %get3A_70 = arith.constant 0 : index
      %get3A_71 = vector.load %arg7[%get3A_69, %get3A_70] : memref<128x16xf32, #tpu.memory_space<vmem>>, vector<128x16xf32>
      %dot_general3A_72 = arith.constant dense<0.000000e+00> : vector<64x16xf32>
      %dot_general3A_73 = tpu.matmul %div3A_68, %get3A_71, %dot_general3A_72 {dimension_numbers = #tpu.dot_dimension_numbers<[1], [0], [0], [1], [0, 0, 1, 1], [], []>, transpose_lhs_hint = false} : vector<64x128xf32>, vector<128x16xf32>, vector<64x16xf32> -> vector<64x16xf32>
      %get3A_74 = arith.constant 0 : index
      %get3A_75 = arith.constant 0 : index
      %get3A_76 = vector.load %arg8[%get3A_74, %get3A_75] : memref<1x16xf32, #tpu.memory_space<vmem>>, vector<1x16xf32>
      %add3A_77 = vector.broadcast %get3A_76 : vector<1x16xf32> to vector<64x16xf32>
      %add3A_78 = arith.addf %dot_general3A_73, %add3A_77 : vector<64x16xf32>
      %swap3A_79 = arith.constant 0 : index
      %swap3A_80 = arith.constant 0 : index
      %swap3A_81 = vector.load %arg9[%swap3A_79, %swap3A_80] : memref<64x16xf32, #tpu.memory_space<vmem>>, vector<64x16xf32>
      tpu.vector_store %arg9[%swap3A_79, %swap3A_80], %add3A_78 {strides = array<i32>} : memref<64x16xf32, #tpu.memory_space<vmem>>, vector<64x16xf32>,
    } else {
    }
    return
  }
  func.func @transform_0(%arg0: i32) -> (i32, i32, i32) {
    %c0_i32 = arith.constant 0 : i32
    %c0_i32_0 = arith.constant 0 : i32
    %c0_i32_1 = arith.constant 0 : i32
    return %c0_i32, %arg0, %c0_i32_0 : i32, i32, i32
  }
  func.func @transform_1(%arg0: i32) -> (i32, i32) {
    %c0_i32 = arith.constant 0 : i32
    %c0_i32_0 = arith.constant 0 : i32
    return %arg0, %c0_i32 : i32, i32
  }
  func.func @transform_2(%arg0: i32) -> (i32, i32) {
    %c0_i32 = arith.constant 0 : i32
    %c0_i32_0 = arith.constant 0 : i32
    return %arg0, %c0_i32 : i32, i32
  }
  func.func @transform_3(%arg0: i32) -> (i32, i32) {
    %c0_i32 = arith.constant 0 : i32
    %c0_i32_0 = arith.constant 0 : i32
    %c0_i32_1 = arith.constant 0 : i32
    return %c0_i32, %c0_i32_0 : i32, i32
  }
  func.func @transform_4(%arg0: i32) -> (i32, i32) {
    %c0_i32 = arith.constant 0 : i32
    %c0_i32_0 = arith.constant 0 : i32
    return %arg0, %c0_i32 : i32, i32
  }
  func.func @transform_5(%arg0: i32) -> (i32, i32, i32) {
    %c0_i32 = arith.constant 0 : i32
    %c0_i32_0 = arith.constant 0 : i32
    %c0_i32_1 = arith.constant 0 : i32
    return %arg0, %c0_i32, %c0_i32_0 : i32, i32, i32
  }
  func.func @transform_6(%arg0: i32) -> (i32, i32) {
    %c0_i32 = arith.constant 0 : i32
    %c0_i32_0 = arith.constant 0 : i32
    %c0_i32_1 = arith.constant 0 : i32
    return %c0_i32, %c0_i32_0 : i32, i32
  }
  func.func @transform_7(%arg0: i32) -> (i32, i32) {
    %c0_i32 = arith.constant 0 : i32
    %c0_i32_0 = arith.constant 0 : i32
    %c0_i32_1 = arith.constant 0 : i32
    return %c0_i32, %c0_i32_0 : i32, i32
  }
  func.func @transform_8(%arg0: i32) -> (i32, i32) {
    %c0_i32 = arith.constant 0 : i32
    %c0_i32_0 = arith.constant 0 : i32
    %c0_i32_1 = arith.constant 0 : i32
    return %c0_i32, %c0_i32_0 : i32, i32
  }
}

</mosaic_0001>

<sc_bundles>
// kernel: kernel.12.cloned.1.call-start
scs
__scs_entry_jumppad:
0x0: {  	(pc) =	sbr.rel $0x88, $3  }
0x1: {  	(tag) =	ssettag $0x0;
	lr =	simm.s32 $0x1  }
0x2: {  	[smem:$0x3F98] =	sst lr;
	_ =	strace $0xD0000000  }
0x3: {  	_ = 	snop  }
0x4: {  	_ = 	snop  }
0x5: {  	_ = 	snop  }
0x6: {  	_ = 	snop  }
0x7: {  	_ = 	snop  }
__scs_overlays_trampoline_lowered:
0x8: {  	[smem:$0x3FA7] =	sst s0  }
0x9: {  	[smem:$0x3FA8] =	sst s1  }
0xa: {  	[smem:$0x3FA9] =	sst s2  }
0xb: {  	[smem:$0x3FAA] =	sst s3  }
0xc: {  	[smem:$0x3FAB] =	sst s4  }
0xd: {  	[smem:$0x3FAC] =	sst s5  }
0xe: {  	[smem:$0x3FAD] =	sst s6  }
0xf: {  	[smem:$0x3FAE] =	sst s7  }
0x10: {  	[smem:$0x3FAF] =	sst s8  }
0x11: {  	[smem:$0x3FB0] =	sst s9;
	s0 =	simm.s32 @!p0 $0x0  }
0x12: {  	s1 =	sld [smem:$0x3F96];
	s0 =	simm.s32 @p0 $0x1  }
0x13: {  	[smem:$0x3FB1] =	sst s0;
	s0 =	simm.s32 @!p1 $0x0  }
0x14: {  	s2 =	sld [smem:$0x3F95];
	s0 =	simm.s32 @p1 $0x1  }
0x15: {  	[smem:$0x3FB2] =	sst s0;
	s0 =	simm.s32 @!p2 $0x0  }
0x16: {  	s3 =	sld [smem:$0x3FDB];
	s0 =	simm.s32 @p2 $0x1  }
0x17: {  	s4 =	simm.s32 $0x1BF5;
	[smem:$0x3FB4] =	sst s0  }
0x18: {  	s0 =	sld [smem:$0x3F97];
	_ =	swait.ge [sflag:s4], $0x0  }
0x19: {  	s7 =	sld [smem:$0x3F98]  }
0x1a: {  	s8 =	sadd.s32 $0xFFFFE003, lr  }
0x1b: {  	s9 =	sadd.s32 $0xFFFFFEF7, lr;
	s5 =	simm.s32 $0xFFFFFFFF;
	p2 =	slt.u32 s8, $0xFFFFF086  }
0x1c: {  	p1 =	slt.u32 s9, $0xF7A;
	s5 =	simm.s32 @!p2 $0x0  }
0x1d: {  	s5 =	simm.s32 @p1 $0x1;
	p0 =	seq.s32 s7, s2  }
0x1e: {  	s7 =	smul.u32 @!p0 $0xF7A, s2;
	p2 =	seq.s32 @!p0 s5, $0x0  }
0x1f: {  	s9 =	smul.u32 $0xF7A, s1;
	s8 =	simm.s32 @!p0 $0x1BF5;
	p2 =	por !p2, p0  }
0x20: {  	[sflag:s8] =	ssyncset.s32 @!p0 $0xFFFFF086;
	s6 =	sadd.s32 @!p0 s3, s7;
	s7 =	simm.s32 @!p0 $0x108  }
0x21: {  	s3 =	sadd.s32 s3, s9;
	s6 =	sadd.s32 @!p0 $0x88, s6;
	s7 =	simm.s32 @p2 $0x1082  }
0x22: {  	[simem:s7], [sflag:s8] =	dma.local @!p0 [hbm:s6], $0xF7A  }
0x23: {  	s9 =	sor.u32 $0xD0000000, s2;
	s6 =	simm.s32 $0x108;
	_ =	swait.ge @!p0 [sflag:s8], $0x0  }
0x24: {  	s3 =	sadd.s32 $0x88, s3;
	s6 =	simm.s32 @!p1 $0x1082;
	[sflag:s4] =	ssyncset.s32 $0xFFFFF086  }
0x25: {  	[simem:s6], [sflag:s4] =	dma.local [hbm:s3], $0xF7A  }
0x26: {  	[smem:$0x3F98] =	sst s1;
	(tag) =	ssettag s2;
	_ =	strace s9  }
0x27: {  	s1 =	sld [smem:$0x3FA8]  }
0x28: {  	s2 =	sld [smem:$0x3FA9]  }
0x29: {  	s4 =	sld [smem:$0x3FAB]  }
0x2a: {  	p0 =	seq.s32 s5, $0x0;
	s5 =	sld [smem:$0x3FAC]  }
0x2b: {  	s6 =	sld [smem:$0x3FAD]  }
0x2c: {  	s7 =	sld [smem:$0x3FAE]  }
0x2d: {  	s3 =	simm.s32 $0x108;
	s8 =	sld [smem:$0x3FAF]  }
0x2e: {  	s3 =	simm.s32 @!p0 $0x1082;
	s9 =	sld [smem:$0x3FB0]  }
0x2f: {  	lr =	sadd.s32 s0, s3;
	s0 =	sld [smem:$0x3FA7]  }
0x30: {  	s3 =	sld [smem:$0x3FAA]  }
0x31: {  	[smem:$0x3FB3] =	sst s10  }
0x32: {  	s10 =	sld [smem:$0x3FB1];
	_ =	sdelay $0x3  }
0x33: {  	p0 =	seq.s32 s10, $0x1;
	s10 =	sld [smem:$0x3FB3];
	_ =	sdelay $0x3  }
0x34: {  	[smem:$0x3FB3] =	sst s10  }
0x35: {  	s10 =	sld [smem:$0x3FB2];
	_ =	sdelay $0x3  }
0x36: {  	p1 =	seq.s32 s10, $0x1;
	s10 =	sld [smem:$0x3FB3];
	_ =	sdelay $0x3  }
0x37: {  	[smem:$0x3FB3] =	sst s10  }
0x38: {  	s10 =	sld [smem:$0x3FB4]  }
0x39: {  	_ = 	snop;
	(pc) =	sbr.ind lr, $3  }
0x3a: {  	_ = 	snop  }
0x3b: {  	_ = 	snop  }
0x3c: {  	p2 =	seq.s32 s10, $0x1;
	s10 =	sld [smem:$0x3FB3]  }
0x3d: {  	_ =	shalt  }
0x3e: {  	_ =	shalt  }
0x3f: {  	_ =	shalt  }
0x40: {  	_ =	shalt  }
0x41: {  	_ =	shalt  }
0x42: {  	_ =	shalt  }
0x43: {  	_ =	shalt  }
0x44: {  	_ =	shalt  }
0x45: {  	_ =	shalt  }
0x46: {  	_ =	shalt  }
0x47: {  	_ =	shalt  }
0x48: {  	_ =	shalt  }
0x49: {  	_ =	shalt  }
0x4a: {  	_ =	shalt  }
0x4b: {  	_ =	shalt  }
0x4c: {  	_ =	shalt  }
0x4d: {  	_ =	shalt  }
0x4e: {  	_ =	shalt  }
0x4f: {  	_ =	shalt  }
0x50: {  	_ =	shalt  }
0x51: {  	_ =	shalt  }
0x52: {  	_ =	shalt  }
0x53: {  	_ =	shalt  }
0x54: {  	_ =	shalt  }
0x55: {  	_ =	shalt  }
0x56: {  	_ =	shalt  }
0x57: {  	_ =	shalt  }
0x58: {  	_ =	shalt  }
0x59: {  	_ =	shalt  }
0x5a: {  	_ =	shalt  }
0x5b: {  	_ =	shalt  }
0x5c: {  	_ =	shalt  }
0x5d: {  	_ =	shalt  }
0x5e: {  	_ =	shalt  }
0x5f: {  	_ =	shalt  }
0x60: {  	_ =	shalt  }
0x61: {  	_ =	shalt  }
0x62: {  	_ =	shalt  }
0x63: {  	_ =	shalt  }
0x64: {  	_ =	shalt  }
0x65: {  	_ =	shalt  }
0x66: {  	_ =	shalt  }
0x67: {  	_ =	shalt  }
0x68: {  	_ =	shalt  }
0x69: {  	_ =	shalt  }
0x6a: {  	_ =	shalt  }
0x6b: {  	_ =	shalt  }
0x6c: {  	_ =	shalt  }
0x6d: {  	_ =	shalt  }
0x6e: {  	_ =	shalt  }
0x6f: {  	_ =	shalt  }
0x70: {  	_ =	shalt  }
0x71: {  	_ =	shalt  }
0x72: {  	_ =	shalt  }
0x73: {  	_ =	shalt  }
0x74: {  	_ =	shalt  }
0x75: {  	_ =	shalt  }
0x76: {  	_ =	shalt  }
0x77: {  	_ =	shalt  }
0x78: {  	_ =	shalt  }
0x79: {  	_ =	shalt  }
0x7a: {  	_ =	shalt  }
0x7b: {  	_ =	shalt  }
0x7c: {  	_ =	shalt  }
0x7d: {  	_ =	shalt  }
0x7e: {  	_ =	shalt  }
0x7f: {  	_ =	shalt  }
0x80: {  	_ =	shalt  }
0x81: {  	_ =	shalt  }
0x82: {  	_ =	shalt  }
0x83: {  	_ =	shalt  }
0x84: {  	_ =	shalt  }
0x85: {  	_ =	shalt  }
0x86: {  	_ =	shalt  }
0x87: {  	_ =	shalt  }
.Lfunc_end0:
.L_simem_size_0:
called_computation.1_lowered:
.L_overlay_start_0:
0x88: {  	s2 =	sld [smem:$0x3FD9]  }
0x89: {  	s3 =	sld [smem:$0x3FFE];
	_ =	sdelay $0x1  }
0x8a: {  	s1 =	srdreg.scid  }
0x8b: {  	s0 =	sand.u32 $0x1, s1  }
0x8c: {  	s16 =	sshll.u32 s0, $0xA;
	s2 =	sadd.s32 s3, s2  }
0x8d: {  	s2 =	sadd.s32 s2, s16  }
0x8e: {  	[smem:$0x3FBF] =	sst s2  }
0x8f: {  	_ = 	snop  }
0x90: {  	(tm) =	ssettm $0x1  }
0x91: {  	s17 =	sld [smem:$0x3FFB];
	_ =	sdelay $0x3  }
0x92: {  	_ =	strace s17  }
0x93: {  	s2 =	sld [smem:$0x3FFC];
	_ =	sdelay $0x3  }
0x94: {  	_ =	strace s2  }
0x95: {  	s2 =	sld [smem:$0x3FFD];
	_ =	sdelay $0x3  }
0x96: {  	_ =	strace s2  }
0x97: {  	_ =	strace $0x8FFFFFFF  }
0x98: {  	s18 =	sld [smem:$0x3FDB];
	_ =	sdelay $0x1  }
0x99: {  	s19 =	simm.s32 $_scs_section_size  }
0x9a: {  	s4 =	simm.s32 $_size__tile_overlayer_lowered;
	s5 =	simm.s32 $_tile_overlayer_lowered  }
0x9b: {  	s22 =	simm.s32 $0x1BFF;
	s21 =	sshll.u32 s5, $0x1;
	s2 =	sadd.s32 s19, s18  }
0x9c: {  	s6 =	simm.s32 $0x0;
	s20 =	sshll.u32 s4, $0x1;
	s4 =	sadd.s32 s21, s2  }
0x9d: {  	[timem:s6], [sflag:s22] =	dma.local [hbm:s4], s20  }
0x9e: {  	_ =	swait.ge [sflag:s22], s20  }
0x9f: {  	s3 =	ssub.s32 $0x0, s20;
	[sflag:s22] =	ssyncset.done $0x0  }
0xa0: {  	[sflag:s22] =	ssyncadd.s32 s3;
	_ =	sdelay $0x1  }
0xa1: {  	s23 =	simm.s32 $0x1B8B  }
0xa2: {  	_ =	swait.ge [sflag:s23], $0x1  }
0xa3: {  	[sflag:s23] =	ssyncset.done $0x0  }
0xa4: {  	s25 =	simm.s32 $0x1B8E;
	s24 =	sld [smem:$0x3FFE];
	[sflag:s23] =	ssyncadd.s32 $0xFFFFFFFF  }
0xa5: {  	s26 =	simm.s32 $execute0_lowered;
	[smem:$0x3FD2] =	sst s25  }
0xa6: {  	s4 =	sshll.u32 s26, $0x1;
	_ =	strace $0x80000049;
	[dreg:$0x1] =	wrdreg $0xFFFFFFFF  }
0xa7: {  	s28 =	simm.s32 $_size_execute0_lowered;
	s2 =	sadd.s32 s2, s4;
	[dreg:$0x0] =	wrdreg $0x0  }
0xa8: {  	s4 =	sshll.u32 s28, $0x1;
	[dreg:$0x2] =	wrdreg s2  }
0xa9: {  	[dreg:$0x3] =	wrdreg s4  }
0xaa: {  	[dreg:$0x4] =	wrdreg $0xC0  }
0xab: {  	_ =	task [dreg:s6], $0x5FFFF  }
0xac: {  	[dreg:$0x1] =	wrdreg $0xFFFFFFFF  }
0xad: {  	[dreg:$0x0] =	wrdreg $0x60  }
0xae: {  	[dreg:$0x2] =	wrdreg s24  }
0xaf: {  	[dreg:$0x3] =	wrdreg $0x154000  }
0xb0: {  	[dreg:$0x4] =	wrdreg $0x9  }
0xb1: {  	_ =	task.clear_ibuf [dreg:s6], $0x5FFFF;
	_ =	strace $0x90000049  }
0xb2: {  	s29 =	simm.s32 $0x9;
	_ =	strace $0x8000004B  }
0xb3: {  	_ =	swait.ge [sflag:s29], $0x1  }
0xb4: {  	[sflag:s29] =	ssyncadd.s32 $0xFFFFFFFF  }
0xb5: {  	_ =	strace $0x9000004B  }
0xb6: {  	_ =	sfence  }
0xb7: {  	s30 =	sld [smem:$0x0];
	_ =	sdelay $0x2  }
0xb8: {  	s31 =	sshll.u32 s1, $0xD;
	s1 =	sshrl.u32 s1, $0x2  }
0xb9: {  	s3 =	sand.u32 $0x4000, s31;
	s1 =	sadd.s32 s1, s30  }
0xba: {  	s0 =	sor.u32 s3, s0;
	s1 =	sshll.u32 s1, $0x11  }
0xbb: {  	s0 =	sor.u32 s1, s0  }
0xbc: {  	s0 =	sadd.s32 $0x8F2B, s0  }
0xbd: {  	[sflag:s0] =	ssyncadd.remote.s32 $0x1  }
0xbe: {  	_ =	sfence.sel $0xFFFF  }
0xbf: {  	[dreg:$0x0] =	wrdreg $0xFFFFFFFF;
	(pc) =	sbr.abs _section_cstart, $3  }
0xc0: {  	[dreg:$0x1] =	wrdreg $0xFFFFFFFF  }
0xc1: {  	_ =	task.clear_ibuf [dreg:s6], $0x2FFFF;
	_ =	strace $0x9FFFFFFF  }
0xc2: {  	(tm) =	ssettm $0x7FFFFFFF  }
0xc3: {  	_ =	shalt  }
tec
execute0_lowered:
.L_overlay_start_1:
0x0: {  	(tag) =	ssettag $0x1  }
0x1: {  	s0 =	rddreg [dreg:$0x0]  }
0x2: {  	s1 =	rddreg [dreg:$0x1]  }
0x3: {  	s2 =	srdreg.scid;
	s4 =	simm.s32 $0x0;
	s7 =	stileid.u32  }
0x4: {  	s10 =	simm.s32 $0x11;
	s13 =	simm.s32 $0x80;
	s15 =	simm.s32 $0x7000  }
0x5: {  	s17 =	simm.s32 $0x9000;
	s19 =	simm.s32 $0xB000;
	s20 =	simm.s32 $0x1  }
0x6: {  	s28 =	simm.s32 $0xF000;
	s29 =	simm.s32 $0x3;
	s16 =	simm.s32 $0x4  }
0x7: {  	s30 =	simm.s32 $0x9;
	s31 =	simm.s32 $0x6;
	s18 =	simm.s32 $0x7  }
0x8: {  	s21 =	simm.s32 $0xB;
	s11 =	simm.s32 $0xD;
	s8 =	simm.s32 $0xF  }
0x9: {  	s9 =	simm.s32 $0x10;
	s12 =	simm.s32 $0x0;
	s5 =	smul.u32 $0xA000, s7  }
0xa: {  	s2 =	sand.u32 $0x1, s2;
	s22 =	sshll.u32 s7, $0x1;
	s7 =	smul.u32 $0x28000, s7  }
0xb: {  	[smem:$0x7FF] =	sst s4;
	s4 =	sadd.s32 $0x29E00, s0;
	s3 =	smul.u32 $0xA0000, s2  }
0xc: {  	_ =	strace $0x8000004A;
	s6 =	sor.u32 s2, s22;
	s2 =	ssub.s32 $0x2, s2  }
0xd: {  	s22 =	simm.s32 $0xD000;
	s6 =	smul.u32 $0x500, s6;
	s23 =	sshrl.u32 s2, $0x1  }
0xe: {  	s25 =	sshrl.u32 s7, $0x2;
	s26 =	sadd.s32 s5, s1;
	s2 =	ssub.s32 s2, s23  }
0xf: {  	s3 =	sadd.s32 s5, s3;
	s6 =	sadd.s32 s6, s0;
	s2 =	smax.u32 s2, $0x1  }
0x10: {  	s23 =	simm.s32 $0x2;
	s24 =	sadd.s32 $0x1FE00, s6;
	[dreg:$0x7] =	wrdreg s2  }
0x11: {  	s3 =	sshrl.u32 s3, $0x3;
	s6 =	sadd.s32 $0xBE00, s6;
	[dreg:$0x3] =	wrdreg s24  }
0x12: {  	s0 =	sadd.s32 s3, s0;
	s3 =	sadd.s32 s25, s1;
	[dreg:$0x4] =	wrdreg s6  }
0x13: {  	s5 =	simm.s32 $0xC;
	s2 =	simm.s32 $0xA;
	[dreg:$0x5] =	wrdreg s3  }
0x14: {  	s0 =	sadd.s32 $0x3DE00, s0;
	s24 =	simm.s32 $0x13000;
	s3 =	simm.s32 $0x8  }
0x15: {  	s6 =	simm.s32 $0xE;
	[dreg:$0x6] =	wrdreg s0;
	s0 =	sshrl.u32 s26, $0x3  }
0x16: {  	v0 =	vimm.f32 $0.0e+00;
	s26 =	simm.s32 $0x5;
	[dreg:$0x8] =	wrdreg s0;
	s0 =	simm.s32 $0x11000  }
.LBB2_1:
0x17: {  	[dreg:$0x9] =	wrdreg s12  }
0x18: {  	s7 =	simm.s32 $0x0;
	s25 =	rddreg [dreg:$0x3]  }
0x19: {  	[tilespmem:s7], [sflag:$0x11] =	stream.linear.gather [hbm4b:s25+s7], $0x2800, $0x38;
	[tilespmem:$0x1F400] =	vst v63  }
0x1a: {  	_ =	swait.ge [sflag:s10], $0x2800  }
0x1b: {  	[sflag:s10] =	ssyncset.done $0x0  }
0x1c: {  	s25 =	simm.s32 $0x2800;
	s14 =	rddreg [dreg:$0x4];
	[sflag:s10] =	ssyncadd.s32 $0xFFFFD800  }
0x1d: {  	[tilespmem:s25], [sflag:$0x11] =	stream.linear.gather [hbm4b:s14+s7], $0x2800, $0x38;
	[tilespmem:$0x1F400] =	vst v63  }
0x1e: {  	_ =	swait.ge [sflag:s10], $0x2800  }
0x1f: {  	[sflag:s10] =	ssyncset.done $0x0  }
0x20: {  	s12 =	simm.s32 $0x0;
	s25 =	simm.s32 $0x0;
	[sflag:s10] =	ssyncadd.s32 $0xFFFFD800  }
.LBB2_2:
0x21: {  	p0 =	sne.s32 s25, $0xFC0  }
.Ltmp0:
0x22: {  	_ = 	snop;
	(pc) =	sbr.rel @p0 .LBB2_2-.Ltmp0, $4  }
0x23: {  	s7 =	sand.u32 $0xF00, s25  }
0x24: {  	s14 =	sand.u32 $0x30, s12;
	s7 =	sshrl.u32 s7, $0x2  }
0x25: {  	s7 =	sor.u32 s14, s7  }
0x26: {  	s12 =	sadd.s32 $0x10, s12;
	s25 =	sadd.s32 $0x40, s25;
	[tilespmem:s7+$0x15000] =	vst v0  }
0x27: {  	s25 =	rddreg [dreg:$0x5]  }
0x28: {  	s14 =	simm.s32 $0x15000;
	s7 =	sadd.s32 $0x0, s25  }
0x29: {  	[spmem:s7] =	stream.linear.scatter [tilespmem:s14], [sflag:$0x11], $0x400, $0x38;
	[tilespmem:$0x1F400] =	vst v63  }
0x2a: {  	s12 =	simm.s32 $0x1000;
	_ =	swait.ge [sflag:s10], $0x400  }
.LBB2_4:
0x2b: {  	s7 =	sshra.s32 s12, $0x2;
	[sflag:s10] =	ssyncset.done $0x0;
	p0 =	sne.s32 s12, $0x27000  }
.Ltmp1:
0x2c: {  	s7 =	sadd.s32 s7, s25;
	[sflag:s10] =	ssyncadd.s32 $0xFFFFFC00;
	(pc) =	sbr.rel @p0 .LBB2_4-.Ltmp1, $3  }
0x2d: {  	[spmem:s7] =	stream.linear.scatter [tilespmem:s14], [sflag:$0x11], $0x400, $0x38;
	[tilespmem:$0x1F400] =	vst v63  }
0x2e: {  	s12 =	sadd.s32 $0x1000, s12;
	_ =	sdelay $0x1  }
0x2f: {  	_ =	swait.ge [sflag:s10], $0x400  }
0x30: {  	[sflag:s10] =	ssyncset.done $0x0  }
0x31: {  	[sflag:s10] =	ssyncadd.s32 $0xFFFFFC00  }
0x32: {  	s7 =	simm.s32 $0x0;
	s14 =	simm.s32 $0x5000;
	[bflag:$0x0] =	sbarrier.arrive $0xFFFF  }
0x33: {  	[tilespmem:s14], [sflag:$0x1] =	stream.indirect.gather [hbm4b:s4+s13], $0x40, s7, s13, $0xb8;
	[tilespmem:$0x1F400] =	vst v63  }
0x34: {  	_ = 	snop  }
0x35: {  	[tilespmem:s15], [sflag:$0x2] =	stream.indirect.gather [hbm4b:s4+s13], $0x40, s13, s13, $0xb8;
	[tilespmem:$0x1F400] =	vst v63  }
0x36: {  	s25 =	simm.s32 $0x100  }
0x37: {  	[tilespmem:s17], [sflag:$0x3] =	stream.indirect.gather [hbm4b:s4+s13], $0x40, s25, s13, $0xb8;
	[tilespmem:$0x1F400] =	vst v63  }
0x38: {  	s12 =	simm.s32 $0x180  }
0x39: {  	[tilespmem:s19], [sflag:$0x4] =	stream.indirect.gather [hbm4b:s4+s13], $0x40, s12, s13, $0xb8;
	[tilespmem:$0x1F400] =	vst v63  }
0x3a: {  	_ =	swait.ge [sflag:s20], $0x2000  }
0x3b: {  	[sflag:s20] =	ssyncset.done $0x0  }
0x3c: {  	s25 =	simm.s32 $0x2800;
	[sflag:s20] =	ssyncadd.s32 $0xFFFFE000  }
0x3d: {  	[spmem:s1] =	stream.indirect.scatter.add.f32 [tilespmem:s14], [sflag:$0x9], $0x40, s25, s13, $0xb8;
	[tilespmem:$0x1F400] =	vst v63  }
0x3e: {  	s12 =	simm.s32 $0x200  }
0x3f: {  	[tilespmem:s22], [sflag:$0x5] =	stream.indirect.gather [hbm4b:s4+s13], $0x40, s12, s13, $0xb8;
	[tilespmem:$0x1F400] =	vst v63  }
0x40: {  	_ =	swait.ge [sflag:s23], $0x2000  }
0x41: {  	[sflag:s23] =	ssyncset.done $0x0  }
0x42: {  	s25 =	simm.s32 $0x2880;
	[sflag:s23] =	ssyncadd.s32 $0xFFFFE000  }
0x43: {  	[spmem:s1] =	stream.indirect.scatter.add.f32 [tilespmem:s15], [sflag:$0xA], $0x40, s25, s13, $0xb8;
	[tilespmem:$0x1F400] =	vst v63  }
0x44: {  	s12 =	simm.s32 $0x280  }
0x45: {  	[tilespmem:s28], [sflag:$0x6] =	stream.indirect.gather [hbm4b:s4+s13], $0x40, s12, s13, $0xb8;
	[tilespmem:$0x1F400] =	vst v63  }
0x46: {  	_ =	swait.ge [sflag:s29], $0x2000  }
0x47: {  	[sflag:s29] =	ssyncset.done $0x0  }
0x48: {  	s25 =	simm.s32 $0x2900;
	[sflag:s29] =	ssyncadd.s32 $0xFFFFE000  }
0x49: {  	[spmem:s1] =	stream.indirect.scatter.add.f32 [tilespmem:s17], [sflag:$0xB], $0x40, s25, s13, $0xb8;
	[tilespmem:$0x1F400] =	vst v63  }
0x4a: {  	s12 =	simm.s32 $0x300  }
0x4b: {  	[tilespmem:s0], [sflag:$0x7] =	stream.indirect.gather [hbm4b:s4+s13], $0x40, s12, s13, $0xb8;
	[tilespmem:$0x1F400] =	vst v63  }
0x4c: {  	_ =	swait.ge [sflag:s16], $0x2000  }
0x4d: {  	[sflag:s16] =	ssyncset.done $0x0  }
0x4e: {  	s25 =	simm.s32 $0x2980;
	[sflag:s16] =	ssyncadd.s32 $0xFFFFE000  }
0x4f: {  	[spmem:s1] =	stream.indirect.scatter.add.f32 [tilespmem:s19], [sflag:$0xC], $0x40, s25, s13, $0xb8;
	[tilespmem:$0x1F400] =	vst v63  }
0x50: {  	s12 =	simm.s32 $0x380  }
0x51: {  	[tilespmem:s24], [sflag:$0x8] =	stream.indirect.gather [hbm4b:s4+s13], $0x40, s12, s13, $0xb8;
	[tilespmem:$0x1F400] =	vst v63  }
0x52: {  	_ =	swait.ge [sflag:s26], $0x2000  }
0x53: {  	[sflag:s26] =	ssyncset.done $0x0  }
0x54: {  	s25 =	simm.s32 $0x2A00;
	[sflag:s26] =	ssyncadd.s32 $0xFFFFE000  }
0x55: {  	[spmem:s1] =	stream.indirect.scatter.add.f32 [tilespmem:s22], [sflag:$0xD], $0x40, s25, s13, $0xb8;
	[tilespmem:$0x1F400] =	vst v63  }
0x56: {  	_ =	swait.ge [sflag:s30], $0x2000  }
0x57: {  	[sflag:s30] =	ssyncset.done $0x0  }
0x58: {  	s12 =	simm.s32 $0x400;
	[sflag:s30] =	ssyncadd.s32 $0xFFFFE000  }
0x59: {  	[tilespmem:s14], [sflag:$0x1] =	stream.indirect.gather [hbm4b:s4+s13], $0x40, s12, s13, $0xb8;
	[tilespmem:$0x1F400] =	vst v63  }
0x5a: {  	_ =	swait.ge [sflag:s31], $0x2000  }
0x5b: {  	[sflag:s31] =	ssyncset.done $0x0  }
0x5c: {  	s25 =	simm.s32 $0x2A80;
	[sflag:s31] =	ssyncadd.s32 $0xFFFFE000  }
0x5d: {  	[spmem:s1] =	stream.indirect.scatter.add.f32 [tilespmem:s28], [sflag:$0xE], $0x40, s25, s13, $0xb8;
	[tilespmem:$0x1F400] =	vst v63  }
0x5e: {  	_ =	swait.ge [sflag:s2], $0x2000  }
0x5f: {  	[sflag:s2] =	ssyncset.done $0x0  }
0x60: {  	s12 =	simm.s32 $0x480;
	[sflag:s2] =	ssyncadd.s32 $0xFFFFE000  }
0x61: {  	[tilespmem:s15], [sflag:$0x2] =	stream.indirect.gather [hbm4b:s4+s13], $0x40, s12, s13, $0xb8;
	[tilespmem:$0x1F400] =	vst v63  }
0x62: {  	_ =	swait.ge [sflag:s18], $0x2000  }
0x63: {  	[sflag:s18] =	ssyncset.done $0x0  }
0x64: {  	s25 =	simm.s32 $0x2B00;
	[sflag:s18] =	ssyncadd.s32 $0xFFFFE000  }
0x65: {  	[spmem:s1] =	stream.indirect.scatter.add.f32 [tilespmem:s0], [sflag:$0xF], $0x40, s25, s13, $0xb8;
	[tilespmem:$0x1F400] =	vst v63  }
0x66: {  	_ =	swait.ge [sflag:s21], $0x2000  }
0x67: {  	[sflag:s21] =	ssyncset.done $0x0  }
0x68: {  	s12 =	simm.s32 $0x500;
	[sflag:s21] =	ssyncadd.s32 $0xFFFFE000  }
0x69: {  	[tilespmem:s17], [sflag:$0x3] =	stream.indirect.gather [hbm4b:s4+s13], $0x40, s12, s13, $0xb8;
	[tilespmem:$0x1F400] =	vst v63  }
0x6a: {  	_ =	swait.ge [sflag:s3], $0x2000  }
0x6b: {  	[sflag:s3] =	ssyncset.done $0x0  }
0x6c: {  	s25 =	simm.s32 $0x2B80;
	[sflag:s3] =	ssyncadd.s32 $0xFFFFE000  }
0x6d: {  	[spmem:s1] =	stream.indirect.scatter.add.f32 [tilespmem:s24], [sflag:$0x10], $0x40, s25, s13, $0xb8;
	[tilespmem:$0x1F400] =	vst v63  }
0x6e: {  	_ =	swait.ge [sflag:s5], $0x2000  }
0x6f: {  	[sflag:s5] =	ssyncset.done $0x0  }
0x70: {  	s12 =	simm.s32 $0x580;
	[sflag:s5] =	ssyncadd.s32 $0xFFFFE000  }
0x71: {  	[tilespmem:s19], [sflag:$0x4] =	stream.indirect.gather [hbm4b:s4+s13], $0x40, s12, s13, $0xb8;
	[tilespmem:$0x1F400] =	vst v63  }
0x72: {  	_ =	swait.ge [sflag:s20], $0x2000  }
0x73: {  	[sflag:s20] =	ssyncset.done $0x0  }
0x74: {  	s25 =	simm.s32 $0x2C00;
	[sflag:s20] =	ssyncadd.s32 $0xFFFFE000  }
0x75: {  	[spmem:s1] =	stream.indirect.scatter.add.f32 [tilespmem:s14], [sflag:$0x9], $0x40, s25, s13, $0xb8;
	[tilespmem:$0x1F400] =	vst v63  }
0x76: {  	_ =	swait.ge [sflag:s11], $0x2000  }
0x77: {  	[sflag:s11] =	ssyncset.done $0x0  }
0x78: {  	s12 =	simm.s32 $0x600;
	[sflag:s11] =	ssyncadd.s32 $0xFFFFE000  }
0x79: {  	[tilespmem:s22], [sflag:$0x5] =	stream.indirect.gather [hbm4b:s4+s13], $0x40, s12, s13, $0xb8;
	[tilespmem:$0x1F400] =	vst v63  }
0x7a: {  	_ =	swait.ge [sflag:s23], $0x2000  }
0x7b: {  	[sflag:s23] =	ssyncset.done $0x0  }
0x7c: {  	s25 =	simm.s32 $0x2C80;
	[sflag:s23] =	ssyncadd.s32 $0xFFFFE000  }
0x7d: {  	[spmem:s1] =	stream.indirect.scatter.add.f32 [tilespmem:s15], [sflag:$0xA], $0x40, s25, s13, $0xb8;
	[tilespmem:$0x1F400] =	vst v63  }
0x7e: {  	_ =	swait.ge [sflag:s6], $0x2000  }
0x7f: {  	[sflag:s6] =	ssyncset.done $0x0  }
0x80: {  	s12 =	simm.s32 $0x680;
	[sflag:s6] =	ssyncadd.s32 $0xFFFFE000  }
0x81: {  	[tilespmem:s28], [sflag:$0x6] =	stream.indirect.gather [hbm4b:s4+s13], $0x40, s12, s13, $0xb8;
	[tilespmem:$0x1F400] =	vst v63  }
0x82: {  	_ =	swait.ge [sflag:s29], $0x2000  }
0x83: {  	[sflag:s29] =	ssyncset.done $0x0  }
0x84: {  	s25 =	simm.s32 $0x2D00;
	[sflag:s29] =	ssyncadd.s32 $0xFFFFE000  }
0x85: {  	[spmem:s1] =	stream.indirect.scatter.add.f32 [tilespmem:s17], [sflag:$0xB], $0x40, s25, s13, $0xb8;
	[tilespmem:$0x1F400] =	vst v63  }
0x86: {  	_ =	swait.ge [sflag:s8], $0x2000  }
0x87: {  	[sflag:s8] =	ssyncset.done $0x0  }
0x88: {  	s12 =	simm.s32 $0x700;
	[sflag:s8] =	ssyncadd.s32 $0xFFFFE000  }
0x89: {  	[tilespmem:s0], [sflag:$0x7] =	stream.indirect.gather [hbm4b:s4+s13], $0x40, s12, s13, $0xb8;
	[tilespmem:$0x1F400] =	vst v63  }
0x8a: {  	_ =	swait.ge [sflag:s16], $0x2000  }
0x8b: {  	[sflag:s16] =	ssyncset.done $0x0  }
0x8c: {  	s25 =	simm.s32 $0x2D80;
	[sflag:s16] =	ssyncadd.s32 $0xFFFFE000  }
0x8d: {  	[spmem:s1] =	stream.indirect.scatter.add.f32 [tilespmem:s19], [sflag:$0xC], $0x40, s25, s13, $0xb8;
	[tilespmem:$0x1F400] =	vst v63  }
0x8e: {  	_ =	swait.ge [sflag:s9], $0x2000  }
0x8f: {  	[sflag:s9] =	ssyncset.done $0x0  }
0x90: {  	s12 =	simm.s32 $0x780;
	s25 =	simm.s32 $0x1000;
	[sflag:s9] =	ssyncadd.s32 $0xFFFFE000  }
.LBB2_6:
0x91: {  	[tilespmem:s24], [sflag:$0x8] =	stream.indirect.gather [hbm4b:s4+s13], $0x40, s12, s13, $0xb8;
	[tilespmem:$0x1F400] =	vst v63  }
0x92: {  	s7 =	smov.u32 s25  }
0x93: {  	p0 =	sne.s32 s25, $0x8000;
	s25 =	sadd.s32 $0x1000, s25;
	_ =	swait.ge [sflag:s26], $0x2000  }
0x94: {  	s12 =	sshra.s32 s7, $0x2;
	[sflag:s26] =	ssyncset.done $0x0  }
0x95: {  	s7 =	sadd.s32 $0x2A00, s12;
	[sflag:s26] =	ssyncadd.s32 $0xFFFFE000  }
0x96: {  	[spmem:s1] =	stream.indirect.scatter.add.f32 [tilespmem:s22], [sflag:$0xD], $0x40, s7, s13, $0xb8;
	[tilespmem:$0x1F400] =	vst v63  }
0x97: {  	_ =	swait.ge [sflag:s30], $0x2000  }
0x98: {  	[sflag:s30] =	ssyncset.done $0x0  }
0x99: {  	s7 =	sadd.s32 $0x400, s12;
	[sflag:s30] =	ssyncadd.s32 $0xFFFFE000  }
0x9a: {  	[tilespmem:s14], [sflag:$0x1] =	stream.indirect.gather [hbm4b:s4+s13], $0x40, s7, s13, $0xb8;
	[tilespmem:$0x1F400] =	vst v63  }
0x9b: {  	_ =	swait.ge [sflag:s31], $0x2000  }
0x9c: {  	[sflag:s31] =	ssyncset.done $0x0  }
0x9d: {  	s7 =	sadd.s32 $0x2A80, s12;
	[sflag:s31] =	ssyncadd.s32 $0xFFFFE000  }
0x9e: {  	[spmem:s1] =	stream.indirect.scatter.add.f32 [tilespmem:s28], [sflag:$0xE], $0x40, s7, s13, $0xb8;
	[tilespmem:$0x1F400] =	vst v63  }
0x9f: {  	_ =	swait.ge [sflag:s2], $0x2000  }
0xa0: {  	[sflag:s2] =	ssyncset.done $0x0  }
0xa1: {  	s7 =	sadd.s32 $0x480, s12;
	[sflag:s2] =	ssyncadd.s32 $0xFFFFE000  }
0xa2: {  	[tilespmem:s15], [sflag:$0x2] =	stream.indirect.gather [hbm4b:s4+s13], $0x40, s7, s13, $0xb8;
	[tilespmem:$0x1F400] =	vst v63  }
0xa3: {  	_ =	swait.ge [sflag:s18], $0x2000  }
0xa4: {  	[sflag:s18] =	ssyncset.done $0x0  }
0xa5: {  	s7 =	sadd.s32 $0x2B00, s12;
	[sflag:s18] =	ssyncadd.s32 $0xFFFFE000  }
0xa6: {  	[spmem:s1] =	stream.indirect.scatter.add.f32 [tilespmem:s0], [sflag:$0xF], $0x40, s7, s13, $0xb8;
	[tilespmem:$0x1F400] =	vst v63  }
0xa7: {  	_ =	swait.ge [sflag:s21], $0x2000  }
0xa8: {  	[sflag:s21] =	ssyncset.done $0x0  }
0xa9: {  	s7 =	sadd.s32 $0x500, s12;
	[sflag:s21] =	ssyncadd.s32 $0xFFFFE000  }
0xaa: {  	[tilespmem:s17], [sflag:$0x3] =	stream.indirect.gather [hbm4b:s4+s13], $0x40, s7, s13, $0xb8;
	[tilespmem:$0x1F400] =	vst v63  }
0xab: {  	_ =	swait.ge [sflag:s3], $0x2000  }
0xac: {  	[sflag:s3] =	ssyncset.done $0x0  }
0xad: {  	s7 =	sadd.s32 $0x2B80, s12;
	[sflag:s3] =	ssyncadd.s32 $0xFFFFE000  }
0xae: {  	[spmem:s1] =	stream.indirect.scatter.add.f32 [tilespmem:s24], [sflag:$0x10], $0x40, s7, s13, $0xb8;
	[tilespmem:$0x1F400] =	vst v63  }
0xaf: {  	_ =	swait.ge [sflag:s5], $0x2000  }
0xb0: {  	[sflag:s5] =	ssyncset.done $0x0  }
0xb1: {  	s7 =	sadd.s32 $0x580, s12;
	[sflag:s5] =	ssyncadd.s32 $0xFFFFE000  }
0xb2: {  	[tilespmem:s19], [sflag:$0x4] =	stream.indirect.gather [hbm4b:s4+s13], $0x40, s7, s13, $0xb8;
	[tilespmem:$0x1F400] =	vst v63  }
0xb3: {  	_ =	swait.ge [sflag:s20], $0x2000  }
0xb4: {  	[sflag:s20] =	ssyncset.done $0x0  }
0xb5: {  	s7 =	sadd.s32 $0x2C00, s12;
	[sflag:s20] =	ssyncadd.s32 $0xFFFFE000  }
0xb6: {  	[spmem:s1] =	stream.indirect.scatter.add.f32 [tilespmem:s14], [sflag:$0x9], $0x40, s7, s13, $0xb8;
	[tilespmem:$0x1F400] =	vst v63  }
0xb7: {  	_ =	swait.ge [sflag:s11], $0x2000  }
0xb8: {  	[sflag:s11] =	ssyncset.done $0x0  }
0xb9: {  	s7 =	sadd.s32 $0x600, s12;
	[sflag:s11] =	ssyncadd.s32 $0xFFFFE000  }
0xba: {  	[tilespmem:s22], [sflag:$0x5] =	stream.indirect.gather [hbm4b:s4+s13], $0x40, s7, s13, $0xb8;
	[tilespmem:$0x1F400] =	vst v63  }
0xbb: {  	_ =	swait.ge [sflag:s23], $0x2000  }
0xbc: {  	[sflag:s23] =	ssyncset.done $0x0  }
0xbd: {  	s7 =	sadd.s32 $0x2C80, s12;
	[sflag:s23] =	ssyncadd.s32 $0xFFFFE000  }
0xbe: {  	[spmem:s1] =	stream.indirect.scatter.add.f32 [tilespmem:s15], [sflag:$0xA], $0x40, s7, s13, $0xb8;
	[tilespmem:$0x1F400] =	vst v63  }
0xbf: {  	_ =	swait.ge [sflag:s6], $0x2000  }
0xc0: {  	[sflag:s6] =	ssyncset.done $0x0  }
0xc1: {  	s7 =	sadd.s32 $0x680, s12;
	[sflag:s6] =	ssyncadd.s32 $0xFFFFE000  }
0xc2: {  	[tilespmem:s28], [sflag:$0x6] =	stream.indirect.gather [hbm4b:s4+s13], $0x40, s7, s13, $0xb8;
	[tilespmem:$0x1F400] =	vst v63  }
0xc3: {  	_ =	swait.ge [sflag:s29], $0x2000  }
0xc4: {  	[sflag:s29] =	ssyncset.done $0x0  }
0xc5: {  	s7 =	sadd.s32 $0x2D00, s12;
	[sflag:s29] =	ssyncadd.s32 $0xFFFFE000  }
0xc6: {  	[spmem:s1] =	stream.indirect.scatter.add.f32 [tilespmem:s17], [sflag:$0xB], $0x40, s7, s13, $0xb8;
	[tilespmem:$0x1F400] =	vst v63  }
0xc7: {  	_ =	swait.ge [sflag:s8], $0x2000  }
0xc8: {  	[sflag:s8] =	ssyncset.done $0x0  }
0xc9: {  	s7 =	sadd.s32 $0x700, s12;
	[sflag:s8] =	ssyncadd.s32 $0xFFFFE000  }
0xca: {  	[tilespmem:s0], [sflag:$0x7] =	stream.indirect.gather [hbm4b:s4+s13], $0x40, s7, s13, $0xb8;
	[tilespmem:$0x1F400] =	vst v63  }
0xcb: {  	_ =	swait.ge [sflag:s16], $0x2000  }
0xcc: {  	[sflag:s16] =	ssyncset.done $0x0  }
.Ltmp2:
0xcd: {  	s7 =	sadd.s32 $0x2D80, s12;
	[sflag:s16] =	ssyncadd.s32 $0xFFFFE000;
	(pc) =	sbr.rel @p0 .LBB2_6-.Ltmp2, $4  }
0xce: {  	[spmem:s1] =	stream.indirect.scatter.add.f32 [tilespmem:s19], [sflag:$0xC], $0x40, s7, s13, $0xb8;
	[tilespmem:$0x1F400] =	vst v63  }
0xcf: {  	_ =	swait.ge [sflag:s9], $0x2000  }
0xd0: {  	[sflag:s9] =	ssyncset.done $0x0  }
0xd1: {  	s12 =	sadd.s32 $0x780, s12;
	[sflag:s9] =	ssyncadd.s32 $0xFFFFE000  }
0xd2: {  	[tilespmem:s24], [sflag:$0x8] =	stream.indirect.gather [hbm4b:s4+s13], $0x40, s12, s13, $0xb8;
	[tilespmem:$0x1F400] =	vst v63  }
0xd3: {  	_ =	swait.ge [sflag:s26], $0x2000  }
0xd4: {  	[sflag:s26] =	ssyncset.done $0x0  }
0xd5: {  	s7 =	simm.s32 $0x4E00;
	[sflag:s26] =	ssyncadd.s32 $0xFFFFE000  }
0xd6: {  	[spmem:s1] =	stream.indirect.scatter.add.f32 [tilespmem:s22], [sflag:$0xD], $0x40, s7, s13, $0xb8;
	[tilespmem:$0x1F400] =	vst v63  }
0xd7: {  	_ =	swait.ge [sflag:s30], $0x2000  }
0xd8: {  	[sflag:s30] =	ssyncset.done $0x0  }
0xd9: {  	[sflag:s30] =	ssyncadd.s32 $0xFFFFE000  }
0xda: {  	_ =	swait.ge [sflag:s31], $0x2000  }
0xdb: {  	[sflag:s31] =	ssyncset.done $0x0  }
0xdc: {  	s14 =	simm.s32 $0x4E80;
	[sflag:s31] =	ssyncadd.s32 $0xFFFFE000  }
0xdd: {  	[spmem:s1] =	stream.indirect.scatter.add.f32 [tilespmem:s28], [sflag:$0xE], $0x40, s14, s13, $0xb8;
	[tilespmem:$0x1F400] =	vst v63  }
0xde: {  	_ =	swait.ge [sflag:s2], $0x2000  }
0xdf: {  	[sflag:s2] =	ssyncset.done $0x0  }
0xe0: {  	[sflag:s2] =	ssyncadd.s32 $0xFFFFE000  }
0xe1: {  	_ =	swait.ge [sflag:s18], $0x2000  }
0xe2: {  	[sflag:s18] =	ssyncset.done $0x0  }
0xe3: {  	s25 =	simm.s32 $0x4F00;
	[sflag:s18] =	ssyncadd.s32 $0xFFFFE000  }
0xe4: {  	[spmem:s1] =	stream.indirect.scatter.add.f32 [tilespmem:s0], [sflag:$0xF], $0x40, s25, s13, $0xb8;
	[tilespmem:$0x1F400] =	vst v63  }
0xe5: {  	_ =	swait.ge [sflag:s21], $0x2000  }
0xe6: {  	[sflag:s21] =	ssyncset.done $0x0  }
0xe7: {  	[sflag:s21] =	ssyncadd.s32 $0xFFFFE000  }
0xe8: {  	_ =	swait.ge [sflag:s3], $0x2000  }
0xe9: {  	[sflag:s3] =	ssyncset.done $0x0  }
0xea: {  	s12 =	simm.s32 $0x4F80;
	[sflag:s3] =	ssyncadd.s32 $0xFFFFE000  }
0xeb: {  	[spmem:s1] =	stream.indirect.scatter.add.f32 [tilespmem:s24], [sflag:$0x10], $0x40, s12, s13, $0xb8;
	[tilespmem:$0x1F400] =	vst v63  }
0xec: {  	_ =	swait.ge [sflag:s5], $0x2000  }
0xed: {  	[sflag:s5] =	ssyncset.done $0x0  }
0xee: {  	[sflag:s5] =	ssyncadd.s32 $0xFFFFE000  }
0xef: {  	_ =	swait.ge [sflag:s11], $0x2000  }
0xf0: {  	[sflag:s11] =	ssyncset.done $0x0  }
0xf1: {  	[sflag:s11] =	ssyncadd.s32 $0xFFFFE000  }
0xf2: {  	_ =	swait.ge [sflag:s6], $0x2000  }
0xf3: {  	[sflag:s6] =	ssyncset.done $0x0  }
0xf4: {  	[sflag:s6] =	ssyncadd.s32 $0xFFFFE000  }
0xf5: {  	_ =	swait.ge [sflag:s8], $0x2000  }
0xf6: {  	[sflag:s8] =	ssyncset.done $0x0  }
0xf7: {  	[sflag:s8] =	ssyncadd.s32 $0xFFFFE000  }
0xf8: {  	_ =	swait.ge [sflag:s9], $0x2000  }
0xf9: {  	[sflag:s9] =	ssyncset.done $0x0  }
0xfa: {  	[sflag:s9] =	ssyncadd.s32 $0xFFFFE000  }
0xfb: {  	s14 =	stileid.u32;
	[bflag:$0x0] =	sbarrier.arrive $0xFFFF  }
0xfc: {  	s7 =	sshll.u32 s14, $0x6;
	s25 =	rddreg [dreg:$0x6]  }
0xfd: {  	s7 =	sor.u32 $0x1C11, s7;
	s14 =	rddreg [dreg:$0x8]  }
0xfe: {  	[hbm:s25], [sflag:s7] =	dma.local [spmem:s14], $0x1400  }
0xff: {  	_ =	swait.ge [sflag:s10], $0x1400  }
0x100: {  	s14 =	rddreg [dreg:$0x9]  }
0x101: {  	s25 =	rddreg [dreg:$0x7];
	s12 =	sadd.s32 $0x1, s14  }
0x102: {  	p0 =	sne.s32 s12, s25  }
.Ltmp3:
0x103: {  	_ = 	snop;
	(pc) =	sbr.rel @p0 .LBB2_1-.Ltmp3, $3  }
0x104: {  	_ =	sdelay $0x1  }
0x105: {  	[sflag:s10] =	ssyncset.done $0x0  }
0x106: {  	[sflag:s10] =	ssyncadd.s32 $0xFFFFEC00  }
0x107: {  	_ =	sfence.sel $0x180000  }
0x108: {  	[bflag:$0x0] =	sbarrier.arrive $0xFFFF  }
0x109: {  	_ =	strace $0x9000004A  }
0x10a: {  	s0 =	stileid.u32;
	[bflag:$0x2] =	sbarrier.arrive $0xFFFF  }
0x10b: {  	p0 =	sne.s32 s0, $0x0;
	s0 =	rddreg [dreg:$0x2]  }
0x10c: {  	s0 =	sadd.s32 @!p0 $0x100000, s0  }
0x10d: {  	[sflag:s0] =	ssyncadd.tile.s32 @!p0 $0x1;
	_ =	shalt  }
.Lfunc_end2:
_tile_overlayer_lowered:
.L_overlay_start_2:
0x10e: {  	(tag) =	ssettag $0x2  }
0x10f: {  	s0 =	rddreg [dreg:$0x0];
	s2 =	stileid.u32  }
0x110: {  	s1 =	rddreg [dreg:$0x1];
	p0 =	sne.s32 s2, $0x0  }
0x111: {  	s3 =	rddreg [dreg:$0x2];
	[bflag:$0x3] =	sbarrier.arrive $0xFFFF;
	s2 =	simm.s32 @!p0 $0x1C11  }
0x112: {  	[timem:s3], [sflag:s2] =	dma.local @!p0 [hbm:s0], s1  }
0x113: {  	s0 =	simm.s32 @!p0 $0x11  }
0x114: {  	_ =	swait.ge @!p0 [sflag:s0], s1  }
0x115: {  	s1 =	ssub.s32 @!p0 $0x0, s1;
	[sflag:s0] =	ssyncset.done @!p0 $0x0  }
0x116: {  	[sflag:s0] =	ssyncadd.s32 @!p0 s1  }
0x117: {  	[bflag:$0x3] =	sbarrier.arrive $0xFFFF  }
0x118: {  	_ =	shalt  }

// kernel: kernel.15.cloned.1.call-start
scs
__scs_entry_jumppad:
0x0: {  	(pc) =	sbr.rel $0x88, $3  }
0x1: {  	(tag) =	ssettag $0x0;
	lr =	simm.s32 $0x1  }
0x2: {  	[smem:$0x3F98] =	sst lr;
	_ =	strace $0xD0000000  }
0x3: {  	_ = 	snop  }
0x4: {  	_ = 	snop  }
0x5: {  	_ = 	snop  }
0x6: {  	_ = 	snop  }
0x7: {  	_ = 	snop  }
__scs_overlays_trampoline_lowered:
0x8: {  	[smem:$0x3FA7] =	sst s0  }
0x9: {  	[smem:$0x3FA8] =	sst s1  }
0xa: {  	[smem:$0x3FA9] =	sst s2  }
0xb: {  	[smem:$0x3FAA] =	sst s3  }
0xc: {  	[smem:$0x3FAB] =	sst s4  }
0xd: {  	[smem:$0x3FAC] =	sst s5  }
0xe: {  	[smem:$0x3FAD] =	sst s6  }
0xf: {  	[smem:$0x3FAE] =	sst s7  }
0x10: {  	[smem:$0x3FAF] =	sst s8  }
0x11: {  	[smem:$0x3FB0] =	sst s9;
	s0 =	simm.s32 @!p0 $0x0  }
0x12: {  	s1 =	sld [smem:$0x3F96];
	s0 =	simm.s32 @p0 $0x1  }
0x13: {  	[smem:$0x3FB1] =	sst s0;
	s0 =	simm.s32 @!p1 $0x0  }
0x14: {  	s2 =	sld [smem:$0x3F95];
	s0 =	simm.s32 @p1 $0x1  }
0x15: {  	[smem:$0x3FB2] =	sst s0;
	s0 =	simm.s32 @!p2 $0x0  }
0x16: {  	s3 =	sld [smem:$0x3FDB];
	s0 =	simm.s32 @p2 $0x1  }
0x17: {  	s4 =	simm.s32 $0x1BF5;
	[smem:$0x3FB4] =	sst s0  }
0x18: {  	s0 =	sld [smem:$0x3F97];
	_ =	swait.ge [sflag:s4], $0x0  }
0x19: {  	s7 =	sld [smem:$0x3F98]  }
0x1a: {  	s8 =	sadd.s32 $0xFFFFE003, lr  }
0x1b: {  	s9 =	sadd.s32 $0xFFFFFEF7, lr;
	s5 =	simm.s32 $0xFFFFFFFF;
	p2 =	slt.u32 s8, $0xFFFFF086  }
0x1c: {  	p1 =	slt.u32 s9, $0xF7A;
	s5 =	simm.s32 @!p2 $0x0  }
0x1d: {  	s5 =	simm.s32 @p1 $0x1;
	p0 =	seq.s32 s7, s2  }
0x1e: {  	s7 =	smul.u32 @!p0 $0xF7A, s2;
	p2 =	seq.s32 @!p0 s5, $0x0  }
0x1f: {  	s9 =	smul.u32 $0xF7A, s1;
	s8 =	simm.s32 @!p0 $0x1BF5;
	p2 =	por !p2, p0  }
0x20: {  	[sflag:s8] =	ssyncset.s32 @!p0 $0xFFFFF086;
	s6 =	sadd.s32 @!p0 s3, s7;
	s7 =	simm.s32 @!p0 $0x108  }
0x21: {  	s3 =	sadd.s32 s3, s9;
	s6 =	sadd.s32 @!p0 $0x88, s6;
	s7 =	simm.s32 @p2 $0x1082  }
0x22: {  	[simem:s7], [sflag:s8] =	dma.local @!p0 [hbm:s6], $0xF7A  }
0x23: {  	s9 =	sor.u32 $0xD0000000, s2;
	s6 =	simm.s32 $0x108;
	_ =	swait.ge @!p0 [sflag:s8], $0x0  }
0x24: {  	s3 =	sadd.s32 $0x88, s3;
	s6 =	simm.s32 @!p1 $0x1082;
	[sflag:s4] =	ssyncset.s32 $0xFFFFF086  }
0x25: {  	[simem:s6], [sflag:s4] =	dma.local [hbm:s3], $0xF7A  }
0x26: {  	[smem:$0x3F98] =	sst s1;
	(tag) =	ssettag s2;
	_ =	strace s9  }
0x27: {  	s1 =	sld [smem:$0x3FA8]  }
0x28: {  	s2 =	sld [smem:$0x3FA9]  }
0x29: {  	s4 =	sld [smem:$0x3FAB]  }
0x2a: {  	p0 =	seq.s32 s5, $0x0;
	s5 =	sld [smem:$0x3FAC]  }
0x2b: {  	s6 =	sld [smem:$0x3FAD]  }
0x2c: {  	s7 =	sld [smem:$0x3FAE]  }
0x2d: {  	s3 =	simm.s32 $0x108;
	s8 =	sld [smem:$0x3FAF]  }
0x2e: {  	s3 =	simm.s32 @!p0 $0x1082;
	s9 =	sld [smem:$0x3FB0]  }
0x2f: {  	lr =	sadd.s32 s0, s3;
	s0 =	sld [smem:$0x3FA7]  }
0x30: {  	s3 =	sld [smem:$0x3FAA]  }
0x31: {  	[smem:$0x3FB3] =	sst s10  }
0x32: {  	s10 =	sld [smem:$0x3FB1];
	_ =	sdelay $0x3  }
0x33: {  	p0 =	seq.s32 s10, $0x1;
	s10 =	sld [smem:$0x3FB3];
	_ =	sdelay $0x3  }
0x34: {  	[smem:$0x3FB3] =	sst s10  }
0x35: {  	s10 =	sld [smem:$0x3FB2];
	_ =	sdelay $0x3  }
0x36: {  	p1 =	seq.s32 s10, $0x1;
	s10 =	sld [smem:$0x3FB3];
	_ =	sdelay $0x3  }
0x37: {  	[smem:$0x3FB3] =	sst s10  }
0x38: {  	s10 =	sld [smem:$0x3FB4]  }
0x39: {  	_ = 	snop;
	(pc) =	sbr.ind lr, $3  }
0x3a: {  	_ = 	snop  }
0x3b: {  	_ = 	snop  }
0x3c: {  	p2 =	seq.s32 s10, $0x1;
	s10 =	sld [smem:$0x3FB3]  }
0x3d: {  	_ =	shalt  }
0x3e: {  	_ =	shalt  }
0x3f: {  	_ =	shalt  }
0x40: {  	_ =	shalt  }
0x41: {  	_ =	shalt  }
0x42: {  	_ =	shalt  }
0x43: {  	_ =	shalt  }
0x44: {  	_ =	shalt  }
0x45: {  	_ =	shalt  }
0x46: {  	_ =	shalt  }
0x47: {  	_ =	shalt  }
0x48: {  	_ =	shalt  }
0x49: {  	_ =	shalt  }
0x4a: {  	_ =	shalt  }
0x4b: {  	_ =	shalt  }
0x4c: {  	_ =	shalt  }
0x4d: {  	_ =	shalt  }
0x4e: {  	_ =	shalt  }
0x4f: {  	_ =	shalt  }
0x50: {  	_ =	shalt  }
0x51: {  	_ =	shalt  }
0x52: {  	_ =	shalt  }
0x53: {  	_ =	shalt  }
0x54: {  	_ =	shalt  }
0x55: {  	_ =	shalt  }
0x56: {  	_ =	shalt  }
0x57: {  	_ =	shalt  }
0x58: {  	_ =	shalt  }
0x59: {  	_ =	shalt  }
0x5a: {  	_ =	shalt  }
0x5b: {  	_ =	shalt  }
0x5c: {  	_ =	shalt  }
0x5d: {  	_ =	shalt  }
0x5e: {  	_ =	shalt  }
0x5f: {  	_ =	shalt  }
0x60: {  	_ =	shalt  }
0x61: {  	_ =	shalt  }
0x62: {  	_ =	shalt  }
0x63: {  	_ =	shalt  }
0x64: {  	_ =	shalt  }
0x65: {  	_ =	shalt  }
0x66: {  	_ =	shalt  }
0x67: {  	_ =	shalt  }
0x68: {  	_ =	shalt  }
0x69: {  	_ =	shalt  }
0x6a: {  	_ =	shalt  }
0x6b: {  	_ =	shalt  }
0x6c: {  	_ =	shalt  }
0x6d: {  	_ =	shalt  }
0x6e: {  	_ =	shalt  }
0x6f: {  	_ =	shalt  }
0x70: {  	_ =	shalt  }
0x71: {  	_ =	shalt  }
0x72: {  	_ =	shalt  }
0x73: {  	_ =	shalt  }
0x74: {  	_ =	shalt  }
0x75: {  	_ =	shalt  }
0x76: {  	_ =	shalt  }
0x77: {  	_ =	shalt  }
0x78: {  	_ =	shalt  }
0x79: {  	_ =	shalt  }
0x7a: {  	_ =	shalt  }
0x7b: {  	_ =	shalt  }
0x7c: {  	_ =	shalt  }
0x7d: {  	_ =	shalt  }
0x7e: {  	_ =	shalt  }
0x7f: {  	_ =	shalt  }
0x80: {  	_ =	shalt  }
0x81: {  	_ =	shalt  }
0x82: {  	_ =	shalt  }
0x83: {  	_ =	shalt  }
0x84: {  	_ =	shalt  }
0x85: {  	_ =	shalt  }
0x86: {  	_ =	shalt  }
0x87: {  	_ =	shalt  }
.Lfunc_end0:
.L_simem_size_0:
called_computation.2_lowered:
.L_overlay_start_0:
0x88: {  	s2 =	sld [smem:$0x3FD9]  }
0x89: {  	s3 =	sld [smem:$0x3FFE];
	_ =	sdelay $0x1  }
0x8a: {  	s1 =	srdreg.scid  }
0x8b: {  	s0 =	sand.u32 $0x1, s1  }
0x8c: {  	s16 =	sshll.u32 s0, $0xA;
	s2 =	sadd.s32 s3, s2  }
0x8d: {  	s2 =	sadd.s32 s2, s16  }
0x8e: {  	[smem:$0x3FBF] =	sst s2  }
0x8f: {  	_ = 	snop  }
0x90: {  	(tm) =	ssettm $0x1  }
0x91: {  	s17 =	sld [smem:$0x3FFB];
	_ =	sdelay $0x3  }
0x92: {  	_ =	strace s17  }
0x93: {  	s2 =	sld [smem:$0x3FFC];
	_ =	sdelay $0x3  }
0x94: {  	_ =	strace s2  }
0x95: {  	s2 =	sld [smem:$0x3FFD];
	_ =	sdelay $0x3  }
0x96: {  	_ =	strace s2  }
0x97: {  	_ =	strace $0x8FFFFFFF  }
0x98: {  	s18 =	sld [smem:$0x3FDB];
	_ =	sdelay $0x1  }
0x99: {  	s19 =	simm.s32 $_scs_section_size  }
0x9a: {  	s4 =	simm.s32 $_size__tile_overlayer_lowered;
	s5 =	simm.s32 $_tile_overlayer_lowered  }
0x9b: {  	s22 =	simm.s32 $0x1BFF;
	s21 =	sshll.u32 s5, $0x1;
	s2 =	sadd.s32 s19, s18  }
0x9c: {  	s6 =	simm.s32 $0x0;
	s20 =	sshll.u32 s4, $0x1;
	s4 =	sadd.s32 s21, s2  }
0x9d: {  	[timem:s6], [sflag:s22] =	dma.local [hbm:s4], s20  }
0x9e: {  	_ =	swait.ge [sflag:s22], s20  }
0x9f: {  	s3 =	ssub.s32 $0x0, s20;
	[sflag:s22] =	ssyncset.done $0x0  }
0xa0: {  	[sflag:s22] =	ssyncadd.s32 s3;
	_ =	sdelay $0x1  }
0xa1: {  	s23 =	simm.s32 $0x1B8B  }
0xa2: {  	_ =	swait.ge [sflag:s23], $0x1  }
0xa3: {  	[sflag:s23] =	ssyncset.done $0x0  }
0xa4: {  	s25 =	simm.s32 $0x1B8E;
	s24 =	sld [smem:$0x3FFE];
	[sflag:s23] =	ssyncadd.s32 $0xFFFFFFFF  }
0xa5: {  	s26 =	simm.s32 $execute0_lowered;
	[smem:$0x3FD2] =	sst s25  }
0xa6: {  	s4 =	sshll.u32 s26, $0x1;
	_ =	strace $0x8000004C;
	[dreg:$0x1] =	wrdreg $0xFFFFFFFF  }
0xa7: {  	s28 =	simm.s32 $_size_execute0_lowered;
	s2 =	sadd.s32 s2, s4;
	[dreg:$0x0] =	wrdreg $0x0  }
0xa8: {  	s4 =	sshll.u32 s28, $0x1;
	[dreg:$0x2] =	wrdreg s2  }
0xa9: {  	[dreg:$0x3] =	wrdreg s4  }
0xaa: {  	[dreg:$0x4] =	wrdreg $0xC0  }
0xab: {  	_ =	task [dreg:s6], $0x5FFFF  }
0xac: {  	[dreg:$0x1] =	wrdreg $0xFFFFFFFF  }
0xad: {  	[dreg:$0x0] =	wrdreg $0x60  }
0xae: {  	[dreg:$0x2] =	wrdreg s24  }
0xaf: {  	[dreg:$0x3] =	wrdreg $0x154000  }
0xb0: {  	[dreg:$0x4] =	wrdreg $0x9  }
0xb1: {  	_ =	task.clear_ibuf [dreg:s6], $0x5FFFF;
	_ =	strace $0x9000004C  }
0xb2: {  	s29 =	simm.s32 $0x9;
	_ =	strace $0x8000004E  }
0xb3: {  	_ =	swait.ge [sflag:s29], $0x1  }
0xb4: {  	[sflag:s29] =	ssyncadd.s32 $0xFFFFFFFF  }
0xb5: {  	_ =	strace $0x9000004E  }
0xb6: {  	_ =	sfence  }
0xb7: {  	s30 =	sld [smem:$0x0];
	_ =	sdelay $0x2  }
0xb8: {  	s31 =	sshll.u32 s1, $0xD;
	s1 =	sshrl.u32 s1, $0x2  }
0xb9: {  	s3 =	sand.u32 $0x4000, s31;
	s1 =	sadd.s32 s1, s30  }
0xba: {  	s0 =	sor.u32 s3, s0;
	s1 =	sshll.u32 s1, $0x11  }
0xbb: {  	s0 =	sor.u32 s1, s0  }
0xbc: {  	s0 =	sadd.s32 $0x8F2B, s0  }
0xbd: {  	[sflag:s0] =	ssyncadd.remote.s32 $0x1  }
0xbe: {  	_ =	sfence.sel $0xFFFF  }
0xbf: {  	[dreg:$0x0] =	wrdreg $0xFFFFFFFF;
	(pc) =	sbr.abs _section_cstart, $3  }
0xc0: {  	[dreg:$0x1] =	wrdreg $0xFFFFFFFF  }
0xc1: {  	_ =	task.clear_ibuf [dreg:s6], $0x2FFFF;
	_ =	strace $0x9FFFFFFF  }
0xc2: {  	(tm) =	ssettm $0x7FFFFFFF  }
0xc3: {  	_ =	shalt  }
tec
execute0_lowered:
.L_overlay_start_1:
0x0: {  	(tag) =	ssettag $0x1  }
0x1: {  	s0 =	rddreg [dreg:$0x0]  }
0x2: {  	s1 =	rddreg [dreg:$0x1]  }
0x3: {  	s2 =	srdreg.scid;
	s4 =	simm.s32 $0x0;
	s7 =	stileid.u32  }
0x4: {  	s10 =	simm.s32 $0x11;
	s13 =	simm.s32 $0x80;
	s15 =	simm.s32 $0x7000  }
0x5: {  	s17 =	simm.s32 $0x9000;
	s19 =	simm.s32 $0xB000;
	s20 =	simm.s32 $0x1  }
0x6: {  	s28 =	simm.s32 $0xF000;
	s29 =	simm.s32 $0x3;
	s16 =	simm.s32 $0x4  }
0x7: {  	s30 =	simm.s32 $0x9;
	s31 =	simm.s32 $0x6;
	s18 =	simm.s32 $0x7  }
0x8: {  	s21 =	simm.s32 $0xB;
	s11 =	simm.s32 $0xD;
	s8 =	simm.s32 $0xF  }
0x9: {  	s9 =	simm.s32 $0x10;
	s12 =	simm.s32 $0x0;
	s5 =	smul.u32 $0xA000, s7  }
0xa: {  	s2 =	sand.u32 $0x1, s2;
	s22 =	sshll.u32 s7, $0x1;
	s7 =	smul.u32 $0x28000, s7  }
0xb: {  	[smem:$0x7FF] =	sst s4;
	s4 =	sadd.s32 $0x29E00, s0;
	s3 =	smul.u32 $0xA0000, s2  }
0xc: {  	_ =	strace $0x8000004D;
	s6 =	sor.u32 s2, s22;
	s2 =	ssub.s32 $0x2, s2  }
0xd: {  	s22 =	simm.s32 $0xD000;
	s6 =	smul.u32 $0x500, s6;
	s23 =	sshrl.u32 s2, $0x1  }
0xe: {  	s25 =	sshrl.u32 s7, $0x2;
	s26 =	sadd.s32 s5, s1;
	s2 =	ssub.s32 s2, s23  }
0xf: {  	s3 =	sadd.s32 s5, s3;
	s6 =	sadd.s32 s6, s0;
	s2 =	smax.u32 s2, $0x1  }
0x10: {  	s23 =	simm.s32 $0x2;
	s24 =	sadd.s32 $0x1FE00, s6;
	[dreg:$0x7] =	wrdreg s2  }
0x11: {  	s3 =	sshrl.u32 s3, $0x3;
	s6 =	sadd.s32 $0xBE00, s6;
	[dreg:$0x3] =	wrdreg s24  }
0x12: {  	s0 =	sadd.s32 s3, s0;
	s3 =	sadd.s32 s25, s1;
	[dreg:$0x4] =	wrdreg s6  }
0x13: {  	s5 =	simm.s32 $0xC;
	s2 =	simm.s32 $0xA;
	[dreg:$0x5] =	wrdreg s3  }
0x14: {  	s0 =	sadd.s32 $0x3DE00, s0;
	s24 =	simm.s32 $0x13000;
	s3 =	simm.s32 $0x8  }
0x15: {  	s6 =	simm.s32 $0xE;
	[dreg:$0x6] =	wrdreg s0;
	s0 =	sshrl.u32 s26, $0x3  }
0x16: {  	v0 =	vimm.f32 $0.0e+00;
	s26 =	simm.s32 $0x5;
	[dreg:$0x8] =	wrdreg s0;
	s0 =	simm.s32 $0x11000  }
.LBB2_1:
0x17: {  	[dreg:$0x9] =	wrdreg s12  }
0x18: {  	s7 =	simm.s32 $0x0;
	s25 =	rddreg [dreg:$0x3]  }
0x19: {  	[tilespmem:s7], [sflag:$0x11] =	stream.linear.gather [hbm4b:s25+s7], $0x2800, $0x38;
	[tilespmem:$0x1F400] =	vst v63  }
0x1a: {  	_ =	swait.ge [sflag:s10], $0x2800  }
0x1b: {  	[sflag:s10] =	ssyncset.done $0x0  }
0x1c: {  	s25 =	simm.s32 $0x2800;
	s14 =	rddreg [dreg:$0x4];
	[sflag:s10] =	ssyncadd.s32 $0xFFFFD800  }
0x1d: {  	[tilespmem:s25], [sflag:$0x11] =	stream.linear.gather [hbm4b:s14+s7], $0x2800, $0x38;
	[tilespmem:$0x1F400] =	vst v63  }
0x1e: {  	_ =	swait.ge [sflag:s10], $0x2800  }
0x1f: {  	[sflag:s10] =	ssyncset.done $0x0  }
0x20: {  	s12 =	simm.s32 $0x0;
	s25 =	simm.s32 $0x0;
	[sflag:s10] =	ssyncadd.s32 $0xFFFFD800  }
.LBB2_2:
0x21: {  	p0 =	sne.s32 s25, $0xFC0  }
.Ltmp0:
0x22: {  	_ = 	snop;
	(pc) =	sbr.rel @p0 .LBB2_2-.Ltmp0, $4  }
0x23: {  	s7 =	sand.u32 $0xF00, s25  }
0x24: {  	s14 =	sand.u32 $0x30, s12;
	s7 =	sshrl.u32 s7, $0x2  }
0x25: {  	s7 =	sor.u32 s14, s7  }
0x26: {  	s12 =	sadd.s32 $0x10, s12;
	s25 =	sadd.s32 $0x40, s25;
	[tilespmem:s7+$0x15000] =	vst v0  }
0x27: {  	s25 =	rddreg [dreg:$0x5]  }
0x28: {  	s14 =	simm.s32 $0x15000;
	s7 =	sadd.s32 $0x0, s25  }
0x29: {  	[spmem:s7] =	stream.linear.scatter [tilespmem:s14], [sflag:$0x11], $0x400, $0x38;
	[tilespmem:$0x1F400] =	vst v63  }
0x2a: {  	s12 =	simm.s32 $0x1000;
	_ =	swait.ge [sflag:s10], $0x400  }
.LBB2_4:
0x2b: {  	s7 =	sshra.s32 s12, $0x2;
	[sflag:s10] =	ssyncset.done $0x0;
	p0 =	sne.s32 s12, $0x27000  }
.Ltmp1:
0x2c: {  	s7 =	sadd.s32 s7, s25;
	[sflag:s10] =	ssyncadd.s32 $0xFFFFFC00;
	(pc) =	sbr.rel @p0 .LBB2_4-.Ltmp1, $3  }
0x2d: {  	[spmem:s7] =	stream.linear.scatter [tilespmem:s14], [sflag:$0x11], $0x400, $0x38;
	[tilespmem:$0x1F400] =	vst v63  }
0x2e: {  	s12 =	sadd.s32 $0x1000, s12;
	_ =	sdelay $0x1  }
0x2f: {  	_ =	swait.ge [sflag:s10], $0x400  }
0x30: {  	[sflag:s10] =	ssyncset.done $0x0  }
0x31: {  	[sflag:s10] =	ssyncadd.s32 $0xFFFFFC00  }
0x32: {  	s7 =	simm.s32 $0x0;
	s14 =	simm.s32 $0x5000;
	[bflag:$0x0] =	sbarrier.arrive $0xFFFF  }
0x33: {  	[tilespmem:s14], [sflag:$0x1] =	stream.indirect.gather [hbm4b:s4+s13], $0x40, s7, s13, $0xb8;
	[tilespmem:$0x1F400] =	vst v63  }
0x34: {  	_ = 	snop  }
0x35: {  	[tilespmem:s15], [sflag:$0x2] =	stream.indirect.gather [hbm4b:s4+s13], $0x40, s13, s13, $0xb8;
	[tilespmem:$0x1F400] =	vst v63  }
0x36: {  	s25 =	simm.s32 $0x100  }
0x37: {  	[tilespmem:s17], [sflag:$0x3] =	stream.indirect.gather [hbm4b:s4+s13], $0x40, s25, s13, $0xb8;
	[tilespmem:$0x1F400] =	vst v63  }
0x38: {  	s12 =	simm.s32 $0x180  }
0x39: {  	[tilespmem:s19], [sflag:$0x4] =	stream.indirect.gather [hbm4b:s4+s13], $0x40, s12, s13, $0xb8;
	[tilespmem:$0x1F400] =	vst v63  }
0x3a: {  	_ =	swait.ge [sflag:s20], $0x2000  }
0x3b: {  	[sflag:s20] =	ssyncset.done $0x0  }
0x3c: {  	s25 =	simm.s32 $0x2800;
	[sflag:s20] =	ssyncadd.s32 $0xFFFFE000  }
0x3d: {  	[spmem:s1] =	stream.indirect.scatter.add.f32 [tilespmem:s14], [sflag:$0x9], $0x40, s25, s13, $0xb8;
	[tilespmem:$0x1F400] =	vst v63  }
0x3e: {  	s12 =	simm.s32 $0x200  }
0x3f: {  	[tilespmem:s22], [sflag:$0x5] =	stream.indirect.gather [hbm4b:s4+s13], $0x40, s12, s13, $0xb8;
	[tilespmem:$0x1F400] =	vst v63  }
0x40: {  	_ =	swait.ge [sflag:s23], $0x2000  }
0x41: {  	[sflag:s23] =	ssyncset.done $0x0  }
0x42: {  	s25 =	simm.s32 $0x2880;
	[sflag:s23] =	ssyncadd.s32 $0xFFFFE000  }
0x43: {  	[spmem:s1] =	stream.indirect.scatter.add.f32 [tilespmem:s15], [sflag:$0xA], $0x40, s25, s13, $0xb8;
	[tilespmem:$0x1F400] =	vst v63  }
0x44: {  	s12 =	simm.s32 $0x280  }
0x45: {  	[tilespmem:s28], [sflag:$0x6] =	stream.indirect.gather [hbm4b:s4+s13], $0x40, s12, s13, $0xb8;
	[tilespmem:$0x1F400] =	vst v63  }
0x46: {  	_ =	swait.ge [sflag:s29], $0x2000  }
0x47: {  	[sflag:s29] =	ssyncset.done $0x0  }
0x48: {  	s25 =	simm.s32 $0x2900;
	[sflag:s29] =	ssyncadd.s32 $0xFFFFE000  }
0x49: {  	[spmem:s1] =	stream.indirect.scatter.add.f32 [tilespmem:s17], [sflag:$0xB], $0x40, s25, s13, $0xb8;
	[tilespmem:$0x1F400] =	vst v63  }
0x4a: {  	s12 =	simm.s32 $0x300  }
0x4b: {  	[tilespmem:s0], [sflag:$0x7] =	stream.indirect.gather [hbm4b:s4+s13], $0x40, s12, s13, $0xb8;
	[tilespmem:$0x1F400] =	vst v63  }
0x4c: {  	_ =	swait.ge [sflag:s16], $0x2000  }
0x4d: {  	[sflag:s16] =	ssyncset.done $0x0  }
0x4e: {  	s25 =	simm.s32 $0x2980;
	[sflag:s16] =	ssyncadd.s32 $0xFFFFE000  }
0x4f: {  	[spmem:s1] =	stream.indirect.scatter.add.f32 [tilespmem:s19], [sflag:$0xC], $0x40, s25, s13, $0xb8;
	[tilespmem:$0x1F400] =	vst v63  }
0x50: {  	s12 =	simm.s32 $0x380  }
0x51: {  	[tilespmem:s24], [sflag:$0x8] =	stream.indirect.gather [hbm4b:s4+s13], $0x40, s12, s13, $0xb8;
	[tilespmem:$0x1F400] =	vst v63  }
0x52: {  	_ =	swait.ge [sflag:s26], $0x2000  }
0x53: {  	[sflag:s26] =	ssyncset.done $0x0  }
0x54: {  	s25 =	simm.s32 $0x2A00;
	[sflag:s26] =	ssyncadd.s32 $0xFFFFE000  }
0x55: {  	[spmem:s1] =	stream.indirect.scatter.add.f32 [tilespmem:s22], [sflag:$0xD], $0x40, s25, s13, $0xb8;
	[tilespmem:$0x1F400] =	vst v63  }
0x56: {  	_ =	swait.ge [sflag:s30], $0x2000  }
0x57: {  	[sflag:s30] =	ssyncset.done $0x0  }
0x58: {  	s12 =	simm.s32 $0x400;
	[sflag:s30] =	ssyncadd.s32 $0xFFFFE000  }
0x59: {  	[tilespmem:s14], [sflag:$0x1] =	stream.indirect.gather [hbm4b:s4+s13], $0x40, s12, s13, $0xb8;
	[tilespmem:$0x1F400] =	vst v63  }
0x5a: {  	_ =	swait.ge [sflag:s31], $0x2000  }
0x5b: {  	[sflag:s31] =	ssyncset.done $0x0  }
0x5c: {  	s25 =	simm.s32 $0x2A80;
	[sflag:s31] =	ssyncadd.s32 $0xFFFFE000  }
0x5d: {  	[spmem:s1] =	stream.indirect.scatter.add.f32 [tilespmem:s28], [sflag:$0xE], $0x40, s25, s13, $0xb8;
	[tilespmem:$0x1F400] =	vst v63  }
0x5e: {  	_ =	swait.ge [sflag:s2], $0x2000  }
0x5f: {  	[sflag:s2] =	ssyncset.done $0x0  }
0x60: {  	s12 =	simm.s32 $0x480;
	[sflag:s2] =	ssyncadd.s32 $0xFFFFE000  }
0x61: {  	[tilespmem:s15], [sflag:$0x2] =	stream.indirect.gather [hbm4b:s4+s13], $0x40, s12, s13, $0xb8;
	[tilespmem:$0x1F400] =	vst v63  }
0x62: {  	_ =	swait.ge [sflag:s18], $0x2000  }
0x63: {  	[sflag:s18] =	ssyncset.done $0x0  }
0x64: {  	s25 =	simm.s32 $0x2B00;
	[sflag:s18] =	ssyncadd.s32 $0xFFFFE000  }
0x65: {  	[spmem:s1] =	stream.indirect.scatter.add.f32 [tilespmem:s0], [sflag:$0xF], $0x40, s25, s13, $0xb8;
	[tilespmem:$0x1F400] =	vst v63  }
0x66: {  	_ =	swait.ge [sflag:s21], $0x2000  }
0x67: {  	[sflag:s21] =	ssyncset.done $0x0  }
0x68: {  	s12 =	simm.s32 $0x500;
	[sflag:s21] =	ssyncadd.s32 $0xFFFFE000  }
0x69: {  	[tilespmem:s17], [sflag:$0x3] =	stream.indirect.gather [hbm4b:s4+s13], $0x40, s12, s13, $0xb8;
	[tilespmem:$0x1F400] =	vst v63  }
0x6a: {  	_ =	swait.ge [sflag:s3], $0x2000  }
0x6b: {  	[sflag:s3] =	ssyncset.done $0x0  }
0x6c: {  	s25 =	simm.s32 $0x2B80;
	[sflag:s3] =	ssyncadd.s32 $0xFFFFE000  }
0x6d: {  	[spmem:s1] =	stream.indirect.scatter.add.f32 [tilespmem:s24], [sflag:$0x10], $0x40, s25, s13, $0xb8;
	[tilespmem:$0x1F400] =	vst v63  }
0x6e: {  	_ =	swait.ge [sflag:s5], $0x2000  }
0x6f: {  	[sflag:s5] =	ssyncset.done $0x0  }
0x70: {  	s12 =	simm.s32 $0x580;
	[sflag:s5] =	ssyncadd.s32 $0xFFFFE000  }
0x71: {  	[tilespmem:s19], [sflag:$0x4] =	stream.indirect.gather [hbm4b:s4+s13], $0x40, s12, s13, $0xb8;
	[tilespmem:$0x1F400] =	vst v63  }
0x72: {  	_ =	swait.ge [sflag:s20], $0x2000  }
0x73: {  	[sflag:s20] =	ssyncset.done $0x0  }
0x74: {  	s25 =	simm.s32 $0x2C00;
	[sflag:s20] =	ssyncadd.s32 $0xFFFFE000  }
0x75: {  	[spmem:s1] =	stream.indirect.scatter.add.f32 [tilespmem:s14], [sflag:$0x9], $0x40, s25, s13, $0xb8;
	[tilespmem:$0x1F400] =	vst v63  }
0x76: {  	_ =	swait.ge [sflag:s11], $0x2000  }
0x77: {  	[sflag:s11] =	ssyncset.done $0x0  }
0x78: {  	s12 =	simm.s32 $0x600;
	[sflag:s11] =	ssyncadd.s32 $0xFFFFE000  }
0x79: {  	[tilespmem:s22], [sflag:$0x5] =	stream.indirect.gather [hbm4b:s4+s13], $0x40, s12, s13, $0xb8;
	[tilespmem:$0x1F400] =	vst v63  }
0x7a: {  	_ =	swait.ge [sflag:s23], $0x2000  }
0x7b: {  	[sflag:s23] =	ssyncset.done $0x0  }
0x7c: {  	s25 =	simm.s32 $0x2C80;
	[sflag:s23] =	ssyncadd.s32 $0xFFFFE000  }
0x7d: {  	[spmem:s1] =	stream.indirect.scatter.add.f32 [tilespmem:s15], [sflag:$0xA], $0x40, s25, s13, $0xb8;
	[tilespmem:$0x1F400] =	vst v63  }
0x7e: {  	_ =	swait.ge [sflag:s6], $0x2000  }
0x7f: {  	[sflag:s6] =	ssyncset.done $0x0  }
0x80: {  	s12 =	simm.s32 $0x680;
	[sflag:s6] =	ssyncadd.s32 $0xFFFFE000  }
0x81: {  	[tilespmem:s28], [sflag:$0x6] =	stream.indirect.gather [hbm4b:s4+s13], $0x40, s12, s13, $0xb8;
	[tilespmem:$0x1F400] =	vst v63  }
0x82: {  	_ =	swait.ge [sflag:s29], $0x2000  }
0x83: {  	[sflag:s29] =	ssyncset.done $0x0  }
0x84: {  	s25 =	simm.s32 $0x2D00;
	[sflag:s29] =	ssyncadd.s32 $0xFFFFE000  }
0x85: {  	[spmem:s1] =	stream.indirect.scatter.add.f32 [tilespmem:s17], [sflag:$0xB], $0x40, s25, s13, $0xb8;
	[tilespmem:$0x1F400] =	vst v63  }
0x86: {  	_ =	swait.ge [sflag:s8], $0x2000  }
0x87: {  	[sflag:s8] =	ssyncset.done $0x0  }
0x88: {  	s12 =	simm.s32 $0x700;
	[sflag:s8] =	ssyncadd.s32 $0xFFFFE000  }
0x89: {  	[tilespmem:s0], [sflag:$0x7] =	stream.indirect.gather [hbm4b:s4+s13], $0x40, s12, s13, $0xb8;
	[tilespmem:$0x1F400] =	vst v63  }
0x8a: {  	_ =	swait.ge [sflag:s16], $0x2000  }
0x8b: {  	[sflag:s16] =	ssyncset.done $0x0  }
0x8c: {  	s25 =	simm.s32 $0x2D80;
	[sflag:s16] =	ssyncadd.s32 $0xFFFFE000  }
0x8d: {  	[spmem:s1] =	stream.indirect.scatter.add.f32 [tilespmem:s19], [sflag:$0xC], $0x40, s25, s13, $0xb8;
	[tilespmem:$0x1F400] =	vst v63  }
0x8e: {  	_ =	swait.ge [sflag:s9], $0x2000  }
0x8f: {  	[sflag:s9] =	ssyncset.done $0x0  }
0x90: {  	s12 =	simm.s32 $0x780;
	s25 =	simm.s32 $0x1000;
	[sflag:s9] =	ssyncadd.s32 $0xFFFFE000  }
.LBB2_6:
0x91: {  	[tilespmem:s24], [sflag:$0x8] =	stream.indirect.gather [hbm4b:s4+s13], $0x40, s12, s13, $0xb8;
	[tilespmem:$0x1F400] =	vst v63  }
0x92: {  	s7 =	smov.u32 s25  }
0x93: {  	p0 =	sne.s32 s25, $0x8000;
	s25 =	sadd.s32 $0x1000, s25;
	_ =	swait.ge [sflag:s26], $0x2000  }
0x94: {  	s12 =	sshra.s32 s7, $0x2;
	[sflag:s26] =	ssyncset.done $0x0  }
0x95: {  	s7 =	sadd.s32 $0x2A00, s12;
	[sflag:s26] =	ssyncadd.s32 $0xFFFFE000  }
0x96: {  	[spmem:s1] =	stream.indirect.scatter.add.f32 [tilespmem:s22], [sflag:$0xD], $0x40, s7, s13, $0xb8;
	[tilespmem:$0x1F400] =	vst v63  }
0x97: {  	_ =	swait.ge [sflag:s30], $0x2000  }
0x98: {  	[sflag:s30] =	ssyncset.done $0x0  }
0x99: {  	s7 =	sadd.s32 $0x400, s12;
	[sflag:s30] =	ssyncadd.s32 $0xFFFFE000  }
0x9a: {  	[tilespmem:s14], [sflag:$0x1] =	stream.indirect.gather [hbm4b:s4+s13], $0x40, s7, s13, $0xb8;
	[tilespmem:$0x1F400] =	vst v63  }
0x9b: {  	_ =	swait.ge [sflag:s31], $0x2000  }
0x9c: {  	[sflag:s31] =	ssyncset.done $0x0  }
0x9d: {  	s7 =	sadd.s32 $0x2A80, s12;
	[sflag:s31] =	ssyncadd.s32 $0xFFFFE000  }
0x9e: {  	[spmem:s1] =	stream.indirect.scatter.add.f32 [tilespmem:s28], [sflag:$0xE], $0x40, s7, s13, $0xb8;
	[tilespmem:$0x1F400] =	vst v63  }
0x9f: {  	_ =	swait.ge [sflag:s2], $0x2000  }
0xa0: {  	[sflag:s2] =	ssyncset.done $0x0  }
0xa1: {  	s7 =	sadd.s32 $0x480, s12;
	[sflag:s2] =	ssyncadd.s32 $0xFFFFE000  }
0xa2: {  	[tilespmem:s15], [sflag:$0x2] =	stream.indirect.gather [hbm4b:s4+s13], $0x40, s7, s13, $0xb8;
	[tilespmem:$0x1F400] =	vst v63  }
0xa3: {  	_ =	swait.ge [sflag:s18], $0x2000  }
0xa4: {  	[sflag:s18] =	ssyncset.done $0x0  }
0xa5: {  	s7 =	sadd.s32 $0x2B00, s12;
	[sflag:s18] =	ssyncadd.s32 $0xFFFFE000  }
0xa6: {  	[spmem:s1] =	stream.indirect.scatter.add.f32 [tilespmem:s0], [sflag:$0xF], $0x40, s7, s13, $0xb8;
	[tilespmem:$0x1F400] =	vst v63  }
0xa7: {  	_ =	swait.ge [sflag:s21], $0x2000  }
0xa8: {  	[sflag:s21] =	ssyncset.done $0x0  }
0xa9: {  	s7 =	sadd.s32 $0x500, s12;
	[sflag:s21] =	ssyncadd.s32 $0xFFFFE000  }
0xaa: {  	[tilespmem:s17], [sflag:$0x3] =	stream.indirect.gather [hbm4b:s4+s13], $0x40, s7, s13, $0xb8;
	[tilespmem:$0x1F400] =	vst v63  }
0xab: {  	_ =	swait.ge [sflag:s3], $0x2000  }
0xac: {  	[sflag:s3] =	ssyncset.done $0x0  }
0xad: {  	s7 =	sadd.s32 $0x2B80, s12;
	[sflag:s3] =	ssyncadd.s32 $0xFFFFE000  }
0xae: {  	[spmem:s1] =	stream.indirect.scatter.add.f32 [tilespmem:s24], [sflag:$0x10], $0x40, s7, s13, $0xb8;
	[tilespmem:$0x1F400] =	vst v63  }
0xaf: {  	_ =	swait.ge [sflag:s5], $0x2000  }
0xb0: {  	[sflag:s5] =	ssyncset.done $0x0  }
0xb1: {  	s7 =	sadd.s32 $0x580, s12;
	[sflag:s5] =	ssyncadd.s32 $0xFFFFE000  }
0xb2: {  	[tilespmem:s19], [sflag:$0x4] =	stream.indirect.gather [hbm4b:s4+s13], $0x40, s7, s13, $0xb8;
	[tilespmem:$0x1F400] =	vst v63  }
0xb3: {  	_ =	swait.ge [sflag:s20], $0x2000  }
0xb4: {  	[sflag:s20] =	ssyncset.done $0x0  }
0xb5: {  	s7 =	sadd.s32 $0x2C00, s12;
	[sflag:s20] =	ssyncadd.s32 $0xFFFFE000  }
0xb6: {  	[spmem:s1] =	stream.indirect.scatter.add.f32 [tilespmem:s14], [sflag:$0x9], $0x40, s7, s13, $0xb8;
	[tilespmem:$0x1F400] =	vst v63  }
0xb7: {  	_ =	swait.ge [sflag:s11], $0x2000  }
0xb8: {  	[sflag:s11] =	ssyncset.done $0x0  }
0xb9: {  	s7 =	sadd.s32 $0x600, s12;
	[sflag:s11] =	ssyncadd.s32 $0xFFFFE000  }
0xba: {  	[tilespmem:s22], [sflag:$0x5] =	stream.indirect.gather [hbm4b:s4+s13], $0x40, s7, s13, $0xb8;
	[tilespmem:$0x1F400] =	vst v63  }
0xbb: {  	_ =	swait.ge [sflag:s23], $0x2000  }
0xbc: {  	[sflag:s23] =	ssyncset.done $0x0  }
0xbd: {  	s7 =	sadd.s32 $0x2C80, s12;
	[sflag:s23] =	ssyncadd.s32 $0xFFFFE000  }
0xbe: {  	[spmem:s1] =	stream.indirect.scatter.add.f32 [tilespmem:s15], [sflag:$0xA], $0x40, s7, s13, $0xb8;
	[tilespmem:$0x1F400] =	vst v63  }
0xbf: {  	_ =	swait.ge [sflag:s6], $0x2000  }
0xc0: {  	[sflag:s6] =	ssyncset.done $0x0  }
0xc1: {  	s7 =	sadd.s32 $0x680, s12;
	[sflag:s6] =	ssyncadd.s32 $0xFFFFE000  }
0xc2: {  	[tilespmem:s28], [sflag:$0x6] =	stream.indirect.gather [hbm4b:s4+s13], $0x40, s7, s13, $0xb8;
	[tilespmem:$0x1F400] =	vst v63  }
0xc3: {  	_ =	swait.ge [sflag:s29], $0x2000  }
0xc4: {  	[sflag:s29] =	ssyncset.done $0x0  }
0xc5: {  	s7 =	sadd.s32 $0x2D00, s12;
	[sflag:s29] =	ssyncadd.s32 $0xFFFFE000  }
0xc6: {  	[spmem:s1] =	stream.indirect.scatter.add.f32 [tilespmem:s17], [sflag:$0xB], $0x40, s7, s13, $0xb8;
	[tilespmem:$0x1F400] =	vst v63  }
0xc7: {  	_ =	swait.ge [sflag:s8], $0x2000  }
0xc8: {  	[sflag:s8] =	ssyncset.done $0x0  }
0xc9: {  	s7 =	sadd.s32 $0x700, s12;
	[sflag:s8] =	ssyncadd.s32 $0xFFFFE000  }
0xca: {  	[tilespmem:s0], [sflag:$0x7] =	stream.indirect.gather [hbm4b:s4+s13], $0x40, s7, s13, $0xb8;
	[tilespmem:$0x1F400] =	vst v63  }
0xcb: {  	_ =	swait.ge [sflag:s16], $0x2000  }
0xcc: {  	[sflag:s16] =	ssyncset.done $0x0  }
.Ltmp2:
0xcd: {  	s7 =	sadd.s32 $0x2D80, s12;
	[sflag:s16] =	ssyncadd.s32 $0xFFFFE000;
	(pc) =	sbr.rel @p0 .LBB2_6-.Ltmp2, $4  }
0xce: {  	[spmem:s1] =	stream.indirect.scatter.add.f32 [tilespmem:s19], [sflag:$0xC], $0x40, s7, s13, $0xb8;
	[tilespmem:$0x1F400] =	vst v63  }
0xcf: {  	_ =	swait.ge [sflag:s9], $0x2000  }
0xd0: {  	[sflag:s9] =	ssyncset.done $0x0  }
0xd1: {  	s12 =	sadd.s32 $0x780, s12;
	[sflag:s9] =	ssyncadd.s32 $0xFFFFE000  }
0xd2: {  	[tilespmem:s24], [sflag:$0x8] =	stream.indirect.gather [hbm4b:s4+s13], $0x40, s12, s13, $0xb8;
	[tilespmem:$0x1F400] =	vst v63  }
0xd3: {  	_ =	swait.ge [sflag:s26], $0x2000  }
0xd4: {  	[sflag:s26] =	ssyncset.done $0x0  }
0xd5: {  	s7 =	simm.s32 $0x4E00;
	[sflag:s26] =	ssyncadd.s32 $0xFFFFE000  }
0xd6: {  	[spmem:s1] =	stream.indirect.scatter.add.f32 [tilespmem:s22], [sflag:$0xD], $0x40, s7, s13, $0xb8;
	[tilespmem:$0x1F400] =	vst v63  }
0xd7: {  	_ =	swait.ge [sflag:s30], $0x2000  }
0xd8: {  	[sflag:s30] =	ssyncset.done $0x0  }
0xd9: {  	[sflag:s30] =	ssyncadd.s32 $0xFFFFE000  }
0xda: {  	_ =	swait.ge [sflag:s31], $0x2000  }
0xdb: {  	[sflag:s31] =	ssyncset.done $0x0  }
0xdc: {  	s14 =	simm.s32 $0x4E80;
	[sflag:s31] =	ssyncadd.s32 $0xFFFFE000  }
0xdd: {  	[spmem:s1] =	stream.indirect.scatter.add.f32 [tilespmem:s28], [sflag:$0xE], $0x40, s14, s13, $0xb8;
	[tilespmem:$0x1F400] =	vst v63  }
0xde: {  	_ =	swait.ge [sflag:s2], $0x2000  }
0xdf: {  	[sflag:s2] =	ssyncset.done $0x0  }
0xe0: {  	[sflag:s2] =	ssyncadd.s32 $0xFFFFE000  }
0xe1: {  	_ =	swait.ge [sflag:s18], $0x2000  }
0xe2: {  	[sflag:s18] =	ssyncset.done $0x0  }
0xe3: {  	s25 =	simm.s32 $0x4F00;
	[sflag:s18] =	ssyncadd.s32 $0xFFFFE000  }
0xe4: {  	[spmem:s1] =	stream.indirect.scatter.add.f32 [tilespmem:s0], [sflag:$0xF], $0x40, s25, s13, $0xb8;
	[tilespmem:$0x1F400] =	vst v63  }
0xe5: {  	_ =	swait.ge [sflag:s21], $0x2000  }
0xe6: {  	[sflag:s21] =	ssyncset.done $0x0  }
0xe7: {  	[sflag:s21] =	ssyncadd.s32 $0xFFFFE000  }
0xe8: {  	_ =	swait.ge [sflag:s3], $0x2000  }
0xe9: {  	[sflag:s3] =	ssyncset.done $0x0  }
0xea: {  	s12 =	simm.s32 $0x4F80;
	[sflag:s3] =	ssyncadd.s32 $0xFFFFE000  }
0xeb: {  	[spmem:s1] =	stream.indirect.scatter.add.f32 [tilespmem:s24], [sflag:$0x10], $0x40, s12, s13, $0xb8;
	[tilespmem:$0x1F400] =	vst v63  }
0xec: {  	_ =	swait.ge [sflag:s5], $0x2000  }
0xed: {  	[sflag:s5] =	ssyncset.done $0x0  }
0xee: {  	[sflag:s5] =	ssyncadd.s32 $0xFFFFE000  }
0xef: {  	_ =	swait.ge [sflag:s11], $0x2000  }
0xf0: {  	[sflag:s11] =	ssyncset.done $0x0  }
0xf1: {  	[sflag:s11] =	ssyncadd.s32 $0xFFFFE000  }
0xf2: {  	_ =	swait.ge [sflag:s6], $0x2000  }
0xf3: {  	[sflag:s6] =	ssyncset.done $0x0  }
0xf4: {  	[sflag:s6] =	ssyncadd.s32 $0xFFFFE000  }
0xf5: {  	_ =	swait.ge [sflag:s8], $0x2000  }
0xf6: {  	[sflag:s8] =	ssyncset.done $0x0  }
0xf7: {  	[sflag:s8] =	ssyncadd.s32 $0xFFFFE000  }
0xf8: {  	_ =	swait.ge [sflag:s9], $0x2000  }
0xf9: {  	[sflag:s9] =	ssyncset.done $0x0  }
0xfa: {  	[sflag:s9] =	ssyncadd.s32 $0xFFFFE000  }
0xfb: {  	s14 =	stileid.u32;
	[bflag:$0x0] =	sbarrier.arrive $0xFFFF  }
0xfc: {  	s7 =	sshll.u32 s14, $0x6;
	s25 =	rddreg [dreg:$0x6]  }
0xfd: {  	s7 =	sor.u32 $0x1C11, s7;
	s14 =	rddreg [dreg:$0x8]  }
0xfe: {  	[hbm:s25], [sflag:s7] =	dma.local [spmem:s14], $0x1400  }
0xff: {  	_ =	swait.ge [sflag:s10], $0x1400  }
0x100: {  	s14 =	rddreg [dreg:$0x9]  }
0x101: {  	s25 =	rddreg [dreg:$0x7];
	s12 =	sadd.s32 $0x1, s14  }
0x102: {  	p0 =	sne.s32 s12, s25  }
.Ltmp3:
0x103: {  	_ = 	snop;
	(pc) =	sbr.rel @p0 .LBB2_1-.Ltmp3, $3  }
0x104: {  	_ =	sdelay $0x1  }
0x105: {  	[sflag:s10] =	ssyncset.done $0x0  }
0x106: {  	[sflag:s10] =	ssyncadd.s32 $0xFFFFEC00  }
0x107: {  	_ =	sfence.sel $0x180000  }
0x108: {  	[bflag:$0x0] =	sbarrier.arrive $0xFFFF  }
0x109: {  	_ =	strace $0x9000004D  }
0x10a: {  	s0 =	stileid.u32;
	[bflag:$0x2] =	sbarrier.arrive $0xFFFF  }
0x10b: {  	p0 =	sne.s32 s0, $0x0;
	s0 =	rddreg [dreg:$0x2]  }
0x10c: {  	s0 =	sadd.s32 @!p0 $0x100000, s0  }
0x10d: {  	[sflag:s0] =	ssyncadd.tile.s32 @!p0 $0x1;
	_ =	shalt  }
.Lfunc_end2:
_tile_overlayer_lowered:
.L_overlay_start_2:
0x10e: {  	(tag) =	ssettag $0x2  }
0x10f: {  	s0 =	rddreg [dreg:$0x0];
	s2 =	stileid.u32  }
0x110: {  	s1 =	rddreg [dreg:$0x1];
	p0 =	sne.s32 s2, $0x0  }
0x111: {  	s3 =	rddreg [dreg:$0x2];
	[bflag:$0x3] =	sbarrier.arrive $0xFFFF;
	s2 =	simm.s32 @!p0 $0x1C11  }
0x112: {  	[timem:s3], [sflag:s2] =	dma.local @!p0 [hbm:s0], s1  }
0x113: {  	s0 =	simm.s32 @!p0 $0x11  }
0x114: {  	_ =	swait.ge @!p0 [sflag:s0], s1  }
0x115: {  	s1 =	ssub.s32 @!p0 $0x0, s1;
	[sflag:s0] =	ssyncset.done @!p0 $0x0  }
0x116: {  	[sflag:s0] =	ssyncadd.s32 @!p0 s1  }
0x117: {  	[bflag:$0x3] =	sbarrier.arrive $0xFFFF  }
0x118: {  	_ =	shalt  }

// kernel: kernel.9.cloned.1.call-start
scs
__scs_entry_jumppad:
0x0: {  	(pc) =	sbr.rel $0x88, $3  }
0x1: {  	(tag) =	ssettag $0x0;
	lr =	simm.s32 $0x1  }
0x2: {  	[smem:$0x3F98] =	sst lr;
	_ =	strace $0xD0000000  }
0x3: {  	_ = 	snop  }
0x4: {  	_ = 	snop  }
0x5: {  	_ = 	snop  }
0x6: {  	_ = 	snop  }
0x7: {  	_ = 	snop  }
__scs_overlays_trampoline_lowered:
0x8: {  	[smem:$0x3FA7] =	sst s0  }
0x9: {  	[smem:$0x3FA8] =	sst s1  }
0xa: {  	[smem:$0x3FA9] =	sst s2  }
0xb: {  	[smem:$0x3FAA] =	sst s3  }
0xc: {  	[smem:$0x3FAB] =	sst s4  }
0xd: {  	[smem:$0x3FAC] =	sst s5  }
0xe: {  	[smem:$0x3FAD] =	sst s6  }
0xf: {  	[smem:$0x3FAE] =	sst s7  }
0x10: {  	[smem:$0x3FAF] =	sst s8  }
0x11: {  	[smem:$0x3FB0] =	sst s9;
	s0 =	simm.s32 @!p0 $0x0  }
0x12: {  	s1 =	sld [smem:$0x3F96];
	s0 =	simm.s32 @p0 $0x1  }
0x13: {  	[smem:$0x3FB1] =	sst s0;
	s0 =	simm.s32 @!p1 $0x0  }
0x14: {  	s2 =	sld [smem:$0x3F95];
	s0 =	simm.s32 @p1 $0x1  }
0x15: {  	[smem:$0x3FB2] =	sst s0;
	s0 =	simm.s32 @!p2 $0x0  }
0x16: {  	s3 =	sld [smem:$0x3FDB];
	s0 =	simm.s32 @p2 $0x1  }
0x17: {  	s4 =	simm.s32 $0x1BF5;
	[smem:$0x3FB4] =	sst s0  }
0x18: {  	s0 =	sld [smem:$0x3F97];
	_ =	swait.ge [sflag:s4], $0x0  }
0x19: {  	s7 =	sld [smem:$0x3F98]  }
0x1a: {  	s8 =	sadd.s32 $0xFFFFE003, lr  }
0x1b: {  	s9 =	sadd.s32 $0xFFFFFEF7, lr;
	s5 =	simm.s32 $0xFFFFFFFF;
	p2 =	slt.u32 s8, $0xFFFFF086  }
0x1c: {  	p1 =	slt.u32 s9, $0xF7A;
	s5 =	simm.s32 @!p2 $0x0  }
0x1d: {  	s5 =	simm.s32 @p1 $0x1;
	p0 =	seq.s32 s7, s2  }
0x1e: {  	s7 =	smul.u32 @!p0 $0xF7A, s2;
	p2 =	seq.s32 @!p0 s5, $0x0  }
0x1f: {  	s9 =	smul.u32 $0xF7A, s1;
	s8 =	simm.s32 @!p0 $0x1BF5;
	p2 =	por !p2, p0  }
0x20: {  	[sflag:s8] =	ssyncset.s32 @!p0 $0xFFFFF086;
	s6 =	sadd.s32 @!p0 s3, s7;
	s7 =	simm.s32 @!p0 $0x108  }
0x21: {  	s3 =	sadd.s32 s3, s9;
	s6 =	sadd.s32 @!p0 $0x88, s6;
	s7 =	simm.s32 @p2 $0x1082  }
0x22: {  	[simem:s7], [sflag:s8] =	dma.local @!p0 [hbm:s6], $0xF7A  }
0x23: {  	s9 =	sor.u32 $0xD0000000, s2;
	s6 =	simm.s32 $0x108;
	_ =	swait.ge @!p0 [sflag:s8], $0x0  }
0x24: {  	s3 =	sadd.s32 $0x88, s3;
	s6 =	simm.s32 @!p1 $0x1082;
	[sflag:s4] =	ssyncset.s32 $0xFFFFF086  }
0x25: {  	[simem:s6], [sflag:s4] =	dma.local [hbm:s3], $0xF7A  }
0x26: {  	[smem:$0x3F98] =	sst s1;
	(tag) =	ssettag s2;
	_ =	strace s9  }
0x27: {  	s1 =	sld [smem:$0x3FA8]  }
0x28: {  	s2 =	sld [smem:$0x3FA9]  }
0x29: {  	s4 =	sld [smem:$0x3FAB]  }
0x2a: {  	p0 =	seq.s32 s5, $0x0;
	s5 =	sld [smem:$0x3FAC]  }
0x2b: {  	s6 =	sld [smem:$0x3FAD]  }
0x2c: {  	s7 =	sld [smem:$0x3FAE]  }
0x2d: {  	s3 =	simm.s32 $0x108;
	s8 =	sld [smem:$0x3FAF]  }
0x2e: {  	s3 =	simm.s32 @!p0 $0x1082;
	s9 =	sld [smem:$0x3FB0]  }
0x2f: {  	lr =	sadd.s32 s0, s3;
	s0 =	sld [smem:$0x3FA7]  }
0x30: {  	s3 =	sld [smem:$0x3FAA]  }
0x31: {  	[smem:$0x3FB3] =	sst s10  }
0x32: {  	s10 =	sld [smem:$0x3FB1];
	_ =	sdelay $0x3  }
0x33: {  	p0 =	seq.s32 s10, $0x1;
	s10 =	sld [smem:$0x3FB3];
	_ =	sdelay $0x3  }
0x34: {  	[smem:$0x3FB3] =	sst s10  }
0x35: {  	s10 =	sld [smem:$0x3FB2];
	_ =	sdelay $0x3  }
0x36: {  	p1 =	seq.s32 s10, $0x1;
	s10 =	sld [smem:$0x3FB3];
	_ =	sdelay $0x3  }
0x37: {  	[smem:$0x3FB3] =	sst s10  }
0x38: {  	s10 =	sld [smem:$0x3FB4]  }
0x39: {  	_ = 	snop;
	(pc) =	sbr.ind lr, $3  }
0x3a: {  	_ = 	snop  }
0x3b: {  	_ = 	snop  }
0x3c: {  	p2 =	seq.s32 s10, $0x1;
	s10 =	sld [smem:$0x3FB3]  }
0x3d: {  	_ =	shalt  }
0x3e: {  	_ =	shalt  }
0x3f: {  	_ =	shalt  }
0x40: {  	_ =	shalt  }
0x41: {  	_ =	shalt  }
0x42: {  	_ =	shalt  }
0x43: {  	_ =	shalt  }
0x44: {  	_ =	shalt  }
0x45: {  	_ =	shalt  }
0x46: {  	_ =	shalt  }
0x47: {  	_ =	shalt  }
0x48: {  	_ =	shalt  }
0x49: {  	_ =	shalt  }
0x4a: {  	_ =	shalt  }
0x4b: {  	_ =	shalt  }
0x4c: {  	_ =	shalt  }
0x4d: {  	_ =	shalt  }
0x4e: {  	_ =	shalt  }
0x4f: {  	_ =	shalt  }
0x50: {  	_ =	shalt  }
0x51: {  	_ =	shalt  }
0x52: {  	_ =	shalt  }
0x53: {  	_ =	shalt  }
0x54: {  	_ =	shalt  }
0x55: {  	_ =	shalt  }
0x56: {  	_ =	shalt  }
0x57: {  	_ =	shalt  }
0x58: {  	_ =	shalt  }
0x59: {  	_ =	shalt  }
0x5a: {  	_ =	shalt  }
0x5b: {  	_ =	shalt  }
0x5c: {  	_ =	shalt  }
0x5d: {  	_ =	shalt  }
0x5e: {  	_ =	shalt  }
0x5f: {  	_ =	shalt  }
0x60: {  	_ =	shalt  }
0x61: {  	_ =	shalt  }
0x62: {  	_ =	shalt  }
0x63: {  	_ =	shalt  }
0x64: {  	_ =	shalt  }
0x65: {  	_ =	shalt  }
0x66: {  	_ =	shalt  }
0x67: {  	_ =	shalt  }
0x68: {  	_ =	shalt  }
0x69: {  	_ =	shalt  }
0x6a: {  	_ =	shalt  }
0x6b: {  	_ =	shalt  }
0x6c: {  	_ =	shalt  }
0x6d: {  	_ =	shalt  }
0x6e: {  	_ =	shalt  }
0x6f: {  	_ =	shalt  }
0x70: {  	_ =	shalt  }
0x71: {  	_ =	shalt  }
0x72: {  	_ =	shalt  }
0x73: {  	_ =	shalt  }
0x74: {  	_ =	shalt  }
0x75: {  	_ =	shalt  }
0x76: {  	_ =	shalt  }
0x77: {  	_ =	shalt  }
0x78: {  	_ =	shalt  }
0x79: {  	_ =	shalt  }
0x7a: {  	_ =	shalt  }
0x7b: {  	_ =	shalt  }
0x7c: {  	_ =	shalt  }
0x7d: {  	_ =	shalt  }
0x7e: {  	_ =	shalt  }
0x7f: {  	_ =	shalt  }
0x80: {  	_ =	shalt  }
0x81: {  	_ =	shalt  }
0x82: {  	_ =	shalt  }
0x83: {  	_ =	shalt  }
0x84: {  	_ =	shalt  }
0x85: {  	_ =	shalt  }
0x86: {  	_ =	shalt  }
0x87: {  	_ =	shalt  }
.Lfunc_end0:
.L_simem_size_0:
called_computation_lowered:
.L_overlay_start_0:
0x88: {  	s2 =	sld [smem:$0x3FD9]  }
0x89: {  	s3 =	sld [smem:$0x3FFE];
	_ =	sdelay $0x1  }
0x8a: {  	s1 =	srdreg.scid  }
0x8b: {  	s0 =	sand.u32 $0x1, s1  }
0x8c: {  	s16 =	sshll.u32 s0, $0xA;
	s2 =	sadd.s32 s3, s2  }
0x8d: {  	s2 =	sadd.s32 s2, s16  }
0x8e: {  	[smem:$0x3FBF] =	sst s2  }
0x8f: {  	_ = 	snop  }
0x90: {  	(tm) =	ssettm $0x1  }
0x91: {  	s17 =	sld [smem:$0x3FFB];
	_ =	sdelay $0x3  }
0x92: {  	_ =	strace s17  }
0x93: {  	s2 =	sld [smem:$0x3FFC];
	_ =	sdelay $0x3  }
0x94: {  	_ =	strace s2  }
0x95: {  	s2 =	sld [smem:$0x3FFD];
	_ =	sdelay $0x3  }
0x96: {  	_ =	strace s2  }
0x97: {  	_ =	strace $0x8FFFFFFF  }
0x98: {  	s18 =	sld [smem:$0x3FDB];
	_ =	sdelay $0x1  }
0x99: {  	s19 =	simm.s32 $_scs_section_size  }
0x9a: {  	s4 =	simm.s32 $_size__tile_overlayer_lowered;
	s5 =	simm.s32 $_tile_overlayer_lowered  }
0x9b: {  	s22 =	simm.s32 $0x1BFF;
	s21 =	sshll.u32 s5, $0x1;
	s2 =	sadd.s32 s19, s18  }
0x9c: {  	s6 =	simm.s32 $0x0;
	s20 =	sshll.u32 s4, $0x1;
	s4 =	sadd.s32 s21, s2  }
0x9d: {  	[timem:s6], [sflag:s22] =	dma.local [hbm:s4], s20  }
0x9e: {  	_ =	swait.ge [sflag:s22], s20  }
0x9f: {  	s3 =	ssub.s32 $0x0, s20;
	[sflag:s22] =	ssyncset.done $0x0  }
0xa0: {  	[sflag:s22] =	ssyncadd.s32 s3;
	_ =	sdelay $0x1  }
0xa1: {  	s23 =	simm.s32 $0x1B8B  }
0xa2: {  	_ =	swait.ge [sflag:s23], $0x1  }
0xa3: {  	[sflag:s23] =	ssyncset.done $0x0  }
0xa4: {  	s25 =	simm.s32 $0x1B8E;
	s24 =	sld [smem:$0x3FFE];
	[sflag:s23] =	ssyncadd.s32 $0xFFFFFFFF  }
0xa5: {  	s26 =	simm.s32 $execute0_lowered;
	[smem:$0x3FD2] =	sst s25  }
0xa6: {  	s4 =	sshll.u32 s26, $0x1;
	_ =	strace $0x80000046;
	[dreg:$0x1] =	wrdreg $0xFFFFFFFF  }
0xa7: {  	s28 =	simm.s32 $_size_execute0_lowered;
	s2 =	sadd.s32 s2, s4;
	[dreg:$0x0] =	wrdreg $0x0  }
0xa8: {  	s4 =	sshll.u32 s28, $0x1;
	[dreg:$0x2] =	wrdreg s2  }
0xa9: {  	[dreg:$0x3] =	wrdreg s4  }
0xaa: {  	[dreg:$0x4] =	wrdreg $0xC0  }
0xab: {  	_ =	task [dreg:s6], $0x5FFFF  }
0xac: {  	[dreg:$0x1] =	wrdreg $0xFFFFFFFF  }
0xad: {  	[dreg:$0x0] =	wrdreg $0x60  }
0xae: {  	[dreg:$0x2] =	wrdreg s24  }
0xaf: {  	[dreg:$0x3] =	wrdreg $0x9  }
0xb0: {  	_ =	task.clear_ibuf [dreg:s6], $0x4FFFF;
	_ =	strace $0x90000046  }
0xb1: {  	s29 =	simm.s32 $0x9;
	_ =	strace $0x80000048  }
0xb2: {  	_ =	swait.ge [sflag:s29], $0x1  }
0xb3: {  	[sflag:s29] =	ssyncadd.s32 $0xFFFFFFFF  }
0xb4: {  	_ =	strace $0x90000048  }
0xb5: {  	_ =	sfence  }
0xb6: {  	s30 =	sld [smem:$0x0];
	_ =	sdelay $0x2  }
0xb7: {  	s31 =	sshll.u32 s1, $0xD;
	s1 =	sshrl.u32 s1, $0x2  }
0xb8: {  	s3 =	sand.u32 $0x4000, s31;
	s1 =	sadd.s32 s1, s30  }
0xb9: {  	s0 =	sor.u32 s3, s0;
	s1 =	sshll.u32 s1, $0x11  }
0xba: {  	s0 =	sor.u32 s1, s0  }
0xbb: {  	s0 =	sadd.s32 $0x8F2B, s0  }
0xbc: {  	[sflag:s0] =	ssyncadd.remote.s32 $0x1  }
0xbd: {  	_ =	sfence.sel $0xFFFF  }
0xbe: {  	[dreg:$0x0] =	wrdreg $0xFFFFFFFF;
	(pc) =	sbr.abs _section_cstart, $3  }
0xbf: {  	[dreg:$0x1] =	wrdreg $0xFFFFFFFF  }
0xc0: {  	_ =	task.clear_ibuf [dreg:s6], $0x2FFFF;
	_ =	strace $0x9FFFFFFF  }
0xc1: {  	(tm) =	ssettm $0x7FFFFFFF  }
tec
execute0_lowered:
.L_overlay_start_1:
0x0: {  	(tag) =	ssettag $0x1  }
0x1: {  	s1 =	srdreg.scid  }
0x2: {  	s0 =	stileid.u32;
	s5 =	rddreg [dreg:$0x0]  }
0x3: {  	s2 =	simm.s32 $0x0;
	s8 =	simm.s32 $0x80;
	s9 =	simm.s32 $0x400  }
0x4: {  	s10 =	simm.s32 $0x0;
	s3 =	sand.u32 $0x1, s1;
	s29 =	sshll.u32 s0, $0x1  }
0x5: {  	s30 =	sshrl.u32 s0, $0x2;
	s1 =	rddreg [dreg:$0x1];
	s4 =	sor.u32 s3, s29  }
0x6: {  	[smem:$0x7FF] =	sst s2;
	s6 =	smul.u32 $0x14000, s30;
	s7 =	sshll.u32 s4, $0x7  }
0x7: {  	s3 =	ssub.s32 $0x2, s3;
	s4 =	smul.u32 $0x500, s4;
	s7 =	sand.u32 $0x380, s7  }
0x8: {  	_ =	strace $0x80000047;
	s31 =	sshrl.u32 s3, $0x1;
	s6 =	sor.u32 s6, s7  }
0x9: {  	s4 =	sadd.s32 s4, s5;
	s7 =	simm.s32 $0x2800;
	s6 =	sshrl.u32 s6, $0x3  }
0xa: {  	s5 =	sadd.s32 s6, s5;
	s6 =	ssub.s32 s3, s31;
	s3 =	sadd.s32 $0x1E00, s4  }
0xb: {  	v0 =	vimm.f32 $0.0e+00;
	v1 =	vimm.f32 $1.000000000e+00;
	s4 =	sadd.s32 $0x15E00, s5;
	s5 =	smax.u32 s6, $0x1;
	s6 =	simm.s32 $0x1  }
.LBB2_1:
0xc: {  	[tilespmem:s2], [sflag:$0x1] =	stream.linear.gather [hbm4b:s3+s2], $0x2800, $0x38;
	[tilespmem:$0x5000] =	vst v63  }
0xd: {  	_ =	swait.ge [sflag:s6], $0x2800  }
0xe: {  	[sflag:s6] =	ssyncset.done $0x0  }
0xf: {  	s11 =	simm.s32 $0x0;
	[sflag:s6] =	ssyncadd.s32 $0xFFFFD800  }
.LBB2_2:
0x10: {  	p0 =	sne.s32 s11, $0x9FC0  }
.Ltmp0:
0x11: {  	_ = 	snop;
	(pc) =	sbr.rel @p0 .LBB2_2-.Ltmp0, $3  }
0x12: {  	_ =	sdelay $0x1  }
0x13: {  	s12 =	sshra.s32 s11, $0x2  }
0x14: {  	s11 =	sadd.s32 $0x40, s11;
	[tilespmem:s12+$0x2800] =	vst v0  }
0x15: {  	s11 =	simm.s32 $0x0  }
0x16: {  	s12 =	sand.u32 $0xFE00, s11  }
0x17: {  	s11 =	sand.u32 $0x70, s11;
	s12 =	sshrl.u32 s12, $0x2  }
0x18: {  	s11 =	sor.u32 s11, s12  }
0x19: {  	v2 =	vld [tilespmem:s11+$0x0];
	_ =	sdelay $0x4  }
0x1a: {  	s13 =	simm.s32 $0x40  }
0x1b: {  	s13 =	sand.u32 $0xFE00, s13;
	s12 =	simm.s32 $0x80;
	s11 =	simm.s32 $0x10  }
.LBB2_4:
0x1c: {  	p0 =	sne.s32 s12, $0x9FC0;
	s14 =	sand.u32 $0x70, s11;
	s13 =	sshrl.u32 s13, $0x2  }
0x1d: {  	s13 =	sor.u32 s14, s13;
	[tilespmem:v2+s7+$0x0] =	vst.idx.add.f32.msk $0xffff, v1  }
0x1e: {  	v2 =	vld [tilespmem:s13+$0x0];
	_ =	sdelay $0x1  }
.Ltmp1:
0x1f: {  	(pc) =	sbr.rel @p0 .LBB2_4-.Ltmp1, $2  }
0x20: {  	_ =	sdelay $0x2  }
0x21: {  	s11 =	sadd.s32 $0x10, s11;
	s13 =	sand.u32 $0xFE00, s12;
	s12 =	sadd.s32 $0x40, s12  }
0x22: {  	_ =	sdelay $0x2  }
0x23: {  	s11 =	sand.u32 $0x70, s11;
	s12 =	sshrl.u32 s13, $0x2  }
0x24: {  	[tilespmem:v2+s7+$0x0] =	vst.idx.add.f32.msk $0xffff, v1;
	s11 =	sor.u32 s11, s12  }
0x25: {  	v2 =	vld [tilespmem:s11+$0x0];
	_ =	sdelay $0x5  }
0x26: {  	s10 =	sadd.s32 $0x1, s10  }
0x27: {  	p0 =	sne.s32 s10, s5  }
.Ltmp2:
0x28: {  	[tilespmem:v2+s7+$0x0] =	vst.idx.add.f32.msk $0xffff, v1;
	(pc) =	sbr.rel @p0 .LBB2_1-.Ltmp2, $4  }
0x29: {  	[hbm4b:s4+s8] =	stream.strided.scatter [tilespmem:s7], [sflag:$0x1], $0x2800, s9, s8, $0x38;
	[tilespmem:$0x5000] =	vst v63  }
0x2a: {  	_ =	swait.ge [sflag:s6], $0x2800  }
0x2b: {  	[sflag:s6] =	ssyncset.done $0x0  }
0x2c: {  	[sflag:s6] =	ssyncadd.s32 $0xFFFFD800  }
0x2d: {  	_ =	sfence.sel $0x180000  }
0x2e: {  	[bflag:$0x0] =	sbarrier.arrive $0xFFFF  }
0x2f: {  	p0 =	sne.s32 s0, $0x0;
	_ =	strace $0x90000047  }
0x30: {  	s0 =	sadd.s32 @!p0 $0x100000, s1;
	[bflag:$0x2] =	sbarrier.arrive $0xFFFF  }
0x31: {  	[sflag:s0] =	ssyncadd.tile.s32 @!p0 $0x1;
	_ =	shalt  }
.Lfunc_end2:
_tile_overlayer_lowered:
.L_overlay_start_2:
0x32: {  	(tag) =	ssettag $0x2  }
0x33: {  	s0 =	rddreg [dreg:$0x0];
	s2 =	stileid.u32  }
0x34: {  	s1 =	rddreg [dreg:$0x1];
	p0 =	sne.s32 s2, $0x0  }
0x35: {  	s3 =	rddreg [dreg:$0x2];
	[bflag:$0x3] =	sbarrier.arrive $0xFFFF;
	s2 =	simm.s32 @!p0 $0x1C01  }
0x36: {  	[timem:s3], [sflag:s2] =	dma.local @!p0 [hbm:s0], s1  }
0x37: {  	s0 =	simm.s32 @!p0 $0x1  }
0x38: {  	_ =	swait.ge @!p0 [sflag:s0], s1  }
0x39: {  	s1 =	ssub.s32 @!p0 $0x0, s1;
	[sflag:s0] =	ssyncset.done @!p0 $0x0  }
0x3a: {  	[sflag:s0] =	ssyncadd.s32 @!p0 s1  }
0x3b: {  	[bflag:$0x3] =	sbarrier.arrive $0xFFFF  }
0x3c: {  	_ =	shalt  }

</sc_bundles>
